<compile_context>
chip_gen: v7x
topology: tpu7x:2x2x1
jax: 0.10.2.dev20260603
libtpu: 0.0.44.dev20260713+nightly
codegen_flags: <defaults>
</compile_context>

<pallas_src>
import functools

import jax
import jax.numpy as jnp
from jax import lax
from jax.experimental import pallas as pl
from jax.experimental.pallas import tpu as pltpu
from jax.experimental.pallas import tpu_sc as plsc

N = 10000
D = 128
T = 200
BATCH = 1024
NC, NS, L = 2, 16, 16
EH = 160000
K = 128
NCHUNK = 80
SEGC = 16
NSEG = NCHUNK // SEGC
EPT = NCHUNK * K
EP = EPT * NS
PADN = EP - EH
SROWS = 10240
CROWS = N + 16
CFLAT = CROWS * T
CPT = CFLAT // NS
NT = N * T
CO = NT // NS
BPT = BATCH // (NC * NS)

_mesh = plsc.VectorSubcoreMesh(
    core_axis_name="c", subcore_axis_name="s", num_cores=NC, num_subcores=NS)

_f32 = jnp.float32



NDEG = SROWS


@functools.partial(
    pl.kernel,
    out_type=jax.ShapeDtypeStruct((NC * NDEG,), _f32),
    mesh=_mesh,
    scratch_types=[
        pltpu.VMEM((NCHUNK, K), jnp.int32),
        pltpu.VMEM((K,), _f32),
        pltpu.VMEM((NDEG // NS,), _f32),
        pltpu.VMEM_SHARED((NDEG,), _f32),
    ],
)
def _sc_degree(row_hbm, out_hbm, row_v, ones_v, zb_v, acc_sh):
    c = lax.axis_index("c")
    s = lax.axis_index("s")
    pltpu.sync_copy(row_hbm.at[c, s], row_v)
    zeros = jnp.zeros((L,), _f32)
    ones = jnp.ones((L,), _f32)
    def zb(i, carry):
        zb_v[pl.ds(i * L, L)] = zeros
        return carry
    lax.fori_loop(0, NDEG // NS // L, zb, 0)
    def ob(i, carry):
        ones_v[pl.ds(i * L, L)] = ones
        return carry
    lax.fori_loop(0, K // L, ob, 0)
    pltpu.sync_copy(zb_v, acc_sh.at[pl.ds(s * (NDEG // NS), NDEG // NS)])
    plsc.subcore_barrier()
    def body(j, carry):
        pltpu.sync_copy(ones_v, acc_sh.at[row_v.at[j]], add=True)
        return carry
    lax.fori_loop(0, NCHUNK, body, 0)
    plsc.subcore_barrier()
    pltpu.sync_copy(acc_sh.at[pl.ds(s * (NDEG // NS), NDEG // NS)], zb_v)
    pltpu.sync_copy(zb_v,
                    out_hbm.at[pl.ds(c * NDEG + s * (NDEG // NS), NDEG // NS)])


NPASS = 2
PROWS = N // NPASS
CDUMP = PROWS * T
CFH = CDUMP + 1600
CTILE = CFH // NS
CCH = 2504
SCAP = 15


@functools.partial(
    pl.kernel,
    out_type=jax.ShapeDtypeStruct((NC * NPASS * CFH,), _f32),
    mesh=_mesh,
    scratch_types=[
        pltpu.VMEM((SEGC, K), jnp.int32),
        pltpu.VMEM((SEGC, K), jnp.int32),
        pltpu.VMEM((SEGC, K), jnp.int32),
        pltpu.VMEM((SEGC, K), _f32),
        pltpu.VMEM((2512,), _f32),
        pltpu.VMEM((2512,), _f32),
        pltpu.VMEM_SHARED((CFH,), _f32),
        pltpu.SemaphoreType.DMA,
        pltpu.SemaphoreType.DMA,
    ],
)
def _sc_buildc(fidx_hbm, col_hbm, dinv_hbm, out_hbm,
               col_sv, fidx_sv, idxp_sv, val_sv, zb_v, cb_v, acc_sh,
               sem, sem2):
    c = lax.axis_index("c")
    s = lax.axis_index("s")
    zeros = jnp.zeros((L,), _f32)
    def zf(i, carry):
        zb_v[pl.ds(i * L, L)] = zeros
        return carry
    lax.fori_loop(0, 2512 // L, zf, 0)
    dinv = dinv_hbm.at[pl.ds(c * N, N)]
    G = K // L
    for p in range(NPASS):
        def zc(i, carry):
            pltpu.sync_copy(zb_v.at[pl.ds(0, CCH)],
                            acc_sh.at[pl.ds(s * CTILE + i * CCH, CCH)])
            return carry
        lax.fori_loop(0, CTILE // CCH, zc, 0)
        plsc.subcore_barrier()
        lo = p * CDUMP
        def seg(g, carry):
            pltpu.sync_copy(col_hbm.at[c, s, pl.ds(g * SEGC, SEGC)], col_sv)
            pltpu.sync_copy(fidx_hbm.at[c, s, pl.ds(g * SEGC, SEGC)], fidx_sv)
            def gat(j, carry2):
                pltpu.async_copy(dinv.at[col_sv.at[j]], val_sv.at[j], sem)
                return carry2
            lax.fori_loop(0, SEGC, gat, 0)
            def clamp(i, carry2):
                j = i // G
                o = (i % G) * L
                fi = fidx_sv[j, pl.ds(o, L)]
                inr = (fi >= lo) & (fi < lo + CDUMP)
                dump = CDUMP + lax.rem(fi, 1536)
                idxp_sv[j, pl.ds(o, L)] = jnp.where(inr, fi - lo, dump)
                return carry2
            lax.fori_loop(0, SEGC * G, clamp, 0)
            def gatw(j, carry2):
                pltpu.make_async_copy(dinv.at[col_sv.at[j]], val_sv.at[j],
                                      sem).wait()
                return carry2
            lax.fori_loop(0, SEGC, gatw, 0)
            def scat(j, carry2):
                pltpu.async_copy(val_sv.at[j], acc_sh.at[idxp_sv.at[j]], sem2,
                                 add=True)
                return carry2
            lax.fori_loop(0, SEGC, scat, 0)
            def scatw(j, carry2):
                pltpu.make_async_copy(val_sv.at[j], acc_sh.at[idxp_sv.at[j]],
                                      sem2).wait()
                return carry2
            lax.fori_loop(0, SEGC, scatw, 0)
            return carry
        lax.fori_loop(0, NSEG, seg, 0)
        plsc.subcore_barrier()
        obase = c * (NPASS * CFH) + p * CFH + s * CTILE
        def co(i, carry):
            bounce = cb_v.at[pl.ds(0, CCH)]
            pltpu.sync_copy(acc_sh.at[pl.ds(s * CTILE + i * CCH, CCH)], bounce)
            pltpu.sync_copy(bounce, out_hbm.at[pl.ds(obase + i * CCH, CCH)])
            return carry
        lax.fori_loop(0, CTILE // CCH, co, 0)
        plsc.subcore_barrier()


@functools.partial(
    pl.kernel,
    out_type=jax.ShapeDtypeStruct((NC, SROWS, D), _f32),
    mesh=_mesh,
    scratch_types=[
        pltpu.VMEM((NCHUNK, K), jnp.int32),
        pltpu.VMEM((NCHUNK, K), jnp.int32),
        pltpu.VMEM((K, D), _f32),
        pltpu.VMEM_SHARED((SROWS, D), _f32),
        pltpu.SemaphoreType.DMA,
    ],
)
def _sc_spmm(zeros_hbm, xs_hbm, col_hbm, row_hbm, out_hbm,
             col_v, row_v, gb_v, acc_sh, sem):
    c = lax.axis_index("c")
    s = lax.axis_index("s")
    pltpu.sync_copy(col_hbm.at[c, s], col_v)
    pltpu.sync_copy(row_hbm.at[c, s], row_v)
    RL = D // L
    RPT = SROWS // NS
    zeros = jnp.zeros((L,), _f32)
    def zb(i, carry):
        gb_v[i // RL, pl.ds((i % RL) * L, L)] = zeros
        return carry
    lax.fori_loop(0, K * RL, zb, 0)
    def zc(i, carry):
        pltpu.sync_copy(gb_v, acc_sh.at[pl.ds(s * RPT + i * K, K)])
        return carry
    lax.fori_loop(0, RPT // K, zc, 0)
    plsc.subcore_barrier()
    xs = xs_hbm.at[c]
    def body(j, carry):
        pltpu.async_copy(xs.at[col_v.at[j]], gb_v, sem).wait()
        pltpu.sync_copy(gb_v, acc_sh.at[row_v.at[j]], add=True)
        return carry
    lax.fori_loop(0, NCHUNK, body, 0)
    plsc.subcore_barrier()
    def co(i, carry):
        pltpu.sync_copy(acc_sh.at[pl.ds(s * RPT + i * K, K)], gb_v)
        pltpu.sync_copy(gb_v, out_hbm.at[c, pl.ds(s * RPT + i * K, K)])
        return carry
    lax.fori_loop(0, RPT // K, co, 0)


@functools.partial(
    pl.kernel,
    out_type=(jax.ShapeDtypeStruct((BATCH, D), _f32),
              jax.ShapeDtypeStruct((BATCH, D), _f32)),
    mesh=_mesh,
    scratch_types=[
        pltpu.VMEM((BPT,), jnp.int32),
        pltpu.VMEM((BPT, D), _f32),
        pltpu.SemaphoreType.DMA,
    ],
)
def _sc_gather(x_hbm, r_hbm, sub_hbm, rel_hbm, sube_hbm, rele_hbm,
               idx_v, buf_v, sem):
    c = lax.axis_index("c")
    s = lax.axis_index("s")
    base = (s * NC + c) * BPT
    pltpu.sync_copy(sub_hbm.at[pl.ds(base, BPT)], idx_v)
    pltpu.async_copy(x_hbm.at[idx_v], buf_v, sem).wait()
    pltpu.sync_copy(buf_v, sube_hbm.at[pl.ds(base, BPT)])
    pltpu.sync_copy(rel_hbm.at[pl.ds(base, BPT)], idx_v)
    pltpu.async_copy(r_hbm.at[idx_v], buf_v, sem).wait()
    pltpu.sync_copy(buf_v, rele_hbm.at[pl.ds(base, BPT)])



def _tc_pre_body(degp_ref, x_ref, dinv_ref, xs_ref):
    deg = degp_ref[:, :N]
    dinv = jnp.where(deg > 0, lax.rsqrt(jnp.maximum(deg, 1e-12)), 0.0)
    dinv_ref[...] = dinv
    xs_ref[...] = dinv[:, :, None] * x_ref[...][None, :, :]


def _tc_pre(degp, x):
    return pl.pallas_call(
        _tc_pre_body,
        out_shape=(jax.ShapeDtypeStruct((NC, N), _f32),
                   jax.ShapeDtypeStruct((NC, N, D), _f32)),
    )(degp, x)


def _tc_scale_body(dinv_ref, x_ref, xs_ref):
    xs_ref[...] = dinv_ref[...][:, :, None] * x_ref[...][None, :, :]


def _tc_scale(dinv, x):
    return pl.pallas_call(
        _tc_scale_body,
        out_shape=jax.ShapeDtypeStruct((NC, N, D), _f32),
    )(dinv, x)


RB = 2000


def _tc_aggmm_body(x_ref, S_ref, C_ref, dinv_ref, relf_ref,
                   wl_ref, wi_ref, wo_ref, b_ref, pre_ref):
    x = x_ref[...]
    relf = relf_ref[...]
    rel200 = relf[:T, :]
    dinv = dinv_ref[0]
    res = jnp.zeros((RB, D), _f32)
    for h, w_ref in ((0, wi_ref), (1, wo_ref)):
        Rh = jnp.dot(C_ref[h], rel200, preferred_element_type=_f32)
        agg = dinv[h][:, None] * (S_ref[h] - Rh)
        res = res + jnp.dot(agg, w_ref[...], preferred_element_type=_f32)
    loop_res = jnp.dot(x - relf[T, :][None, :], wl_ref[...],
                       preferred_element_type=_f32)
    pre_ref[...] = (res + loop_res) * (1.0 / 3.0) + b_ref[...][None, :]


def _tc_bn_body(pre_ref, relf_ref, wr_ref, g_ref, be_ref, out_ref, nrel_ref):
    out = pre_ref[...]
    mean = jnp.mean(out, axis=0)
    var = jnp.mean((out - mean[None, :]) ** 2, axis=0)
    out = (out - mean[None, :]) * lax.rsqrt(var + 1e-5)[None, :] * \
        g_ref[...][None, :] + be_ref[...][None, :]
    out_ref[...] = jnp.tanh(out)
    nrel_ref[...] = jnp.dot(relf_ref[...], wr_ref[...],
                            preferred_element_type=_f32)[:T, :]


def _tc_layer(x, S, C, dinv, relf, wl, wi, wo, wr, b, g, be, want_xsn):
    del want_xsn
    full = lambda *shape: pl.BlockSpec(shape, lambda i: (0,) * len(shape))
    pre = pl.pallas_call(
        _tc_aggmm_body,
        grid=(N // RB,),
        in_specs=[
            pl.BlockSpec((RB, D), lambda i: (i, 0)),
            pl.BlockSpec((NC, RB, D), lambda i: (0, i, 0)),
            pl.BlockSpec((NC, RB, T), lambda i: (0, i, 0)),
            pl.BlockSpec((1, NC, RB), lambda i: (i, 0, 0)),
            full(T + 1, D),
            full(D, D),
            full(D, D),
            full(D, D),
            full(D),
        ],
        out_specs=pl.BlockSpec((RB, D), lambda i: (i, 0)),
        out_shape=jax.ShapeDtypeStruct((N, D), _f32),
    )(x, S, C, dinv.reshape(NC, N // RB, RB).transpose(1, 0, 2),
      relf, wl, wi, wo, b)
    return pl.pallas_call(
        _tc_bn_body,
        out_shape=(jax.ShapeDtypeStruct((N, D), _f32),
                   jax.ShapeDtypeStruct((T, D), _f32)),
    )(pre, relf, wr, g, be)



def kernel(sub, rel, edge_index, edge_type, init_embed, init_rel,
           w_loop1, w_in1, w_out1, w_rel1, loop_rel1, bias1, gamma1, beta1,
           w_loop2, w_in2, w_out2, w_rel2, loop_rel2, bias2, gamma2, beta2):
    ei = edge_index.astype(jnp.int32)
    ety = edge_type.astype(jnp.int32)
    pad_row = N + (jnp.arange(PADN, dtype=jnp.int32) % (SROWS - N))
    pad_zero = jnp.zeros((PADN,), jnp.int32)
    row_p4 = jnp.stack([jnp.concatenate([ei[0, :EH], pad_row]),
                        jnp.concatenate([ei[0, EH:], pad_row])]
                       ).reshape(NC, NS, NCHUNK, K)
    col_p4 = jnp.stack([jnp.concatenate([ei[1, :EH], pad_zero]),
                        jnp.concatenate([ei[1, EH:], pad_zero])]
                       ).reshape(NC, NS, NCHUNK, K)
    et_p4 = jnp.stack([jnp.concatenate([ety[:EH], pad_zero]),
                       jnp.concatenate([ety[EH:], pad_zero])]
                      ).reshape(NC, NS, NCHUNK, K)
    fidx_p4 = row_p4 * T + et_p4

    degp = _sc_degree(row_p4).reshape(NC, NDEG)
    dinv, xs1 = _tc_pre(degp, init_embed)
    Craw = _sc_buildc(fidx_p4, col_p4, dinv.reshape(-1))
    C = Craw.reshape(NC, NPASS, CFH)[:, :, :CDUMP].reshape(NC, N, T)

    zrows = jnp.zeros((SROWS // NS, D), _f32)
    S1 = _sc_spmm(zrows, xs1, col_p4, row_p4)[:, :N, :]
    relf1 = jnp.concatenate([init_rel, loop_rel1], axis=0)
    x1, r1 = _tc_layer(init_embed, S1, C, dinv, relf1,
                       w_loop1, w_in1, w_out1, w_rel1,
                       bias1, gamma1, beta1, False)
    xs2 = _tc_scale(dinv, x1)

    S2 = _sc_spmm(zrows, xs2, col_p4, row_p4)[:, :N, :]
    relf2 = jnp.concatenate([r1, loop_rel2], axis=0)
    x2, r2 = _tc_layer(x1, S2, C, dinv, relf2,
                       w_loop2, w_in2, w_out2, w_rel2,
                       bias2, gamma2, beta2, False)

    sub_emb, rel_emb = _sc_gather(x2, r2, sub.astype(jnp.int32),
                                  rel.astype(jnp.int32))
    return sub_emb, rel_emb, x2

# --- scband reference (transcript-rebuilt; emitter-appended) ---
"""Pipeline reference for scband-comp-gcnbase-82978768159421 (READ-ONLY COPY).

The authoritative reference and input builder live on the scoring server;
editing this copy changes nothing except your own understanding.
"""

import jax, jax.numpy as jnp
import numpy as np

NUM_ENT = 10000
NUM_REL = 100
INIT_DIM = 128
GCN_DIM = 128
EMBED_DIM = 128
N_EDGES = 320000
BATCH = 1024

def _xavier(k, shape):
    bound = float(np.sqrt(6.0 / (shape[0] + shape[1])))
    return jax.random.uniform(k, shape, minval=-bound, maxval=bound, dtype=jnp.float32)

def setup_inputs(seed: int = 0):
    key = jax.random.key(seed)
    ks = jax.random.split(key, 24)
    inp = {}
    inp["sub"] = jax.random.randint(ks[0], (BATCH,), 0, NUM_ENT)
    inp["rel"] = jax.random.randint(ks[1], (BATCH,), 0, 2 * NUM_REL)
    inp["edge_index"] = jax.random.randint(ks[2], (2, N_EDGES), 0, NUM_ENT)
    inp["edge_type"] = jax.random.randint(ks[3], (N_EDGES,), 0, 2 * NUM_REL)
    inp["init_embed"] = _xavier(ks[4], (NUM_ENT, INIT_DIM))
    inp["init_rel"] = _xavier(ks[5], (2 * NUM_REL, INIT_DIM))
    inp["w_loop1"] = _xavier(ks[6], (INIT_DIM, GCN_DIM))
    inp["w_in1"] = _xavier(ks[7], (INIT_DIM, GCN_DIM))
    inp["w_out1"] = _xavier(ks[8], (INIT_DIM, GCN_DIM))
    inp["w_rel1"] = _xavier(ks[9], (INIT_DIM, GCN_DIM))
    inp["loop_rel1"] = _xavier(ks[10], (1, INIT_DIM))
    inp["bias1"] = jnp.zeros((GCN_DIM,), jnp.float32)
    inp["gamma1"] = jnp.ones((GCN_DIM,), jnp.float32)
    inp["beta1"] = jnp.zeros((GCN_DIM,), jnp.float32)
    inp["w_loop2"] = _xavier(ks[11], (GCN_DIM, EMBED_DIM))
    inp["w_in2"] = _xavier(ks[12], (GCN_DIM, EMBED_DIM))
    inp["w_out2"] = _xavier(ks[13], (GCN_DIM, EMBED_DIM))
    inp["w_rel2"] = _xavier(ks[14], (GCN_DIM, EMBED_DIM))
    inp["loop_rel2"] = _xavier(ks[15], (1, GCN_DIM))
    inp["bias2"] = jnp.zeros((EMBED_DIM,), jnp.float32)
    inp["gamma2"] = jnp.ones((EMBED_DIM,), jnp.float32)
    inp["beta2"] = jnp.zeros((EMBED_DIM,), jnp.float32)
    return inp

def _compute_norm(edge_index, num_ent):
    row, col = edge_index[0], edge_index[1]
    ones = jnp.ones(row.shape, jnp.float32)
    deg = jnp.zeros((num_ent,), jnp.float32).at[row].add(ones)
    deg_inv = jnp.where(deg > 0, jax.lax.rsqrt(jnp.maximum(deg, 1e-12)), 0.0)
    return deg_inv[row] * ones * deg_inv[col]

def _compgcn_conv(x, edge_index, edge_type, rel_embed, w_loop, w_in, w_out, w_rel, loop_rel, bias, gamma, beta):
    num_ent = x.shape[0]
    rel_full = jnp.concatenate([rel_embed, loop_rel], axis=0)
    ne = edge_index.shape[1] // 2
    in_index, out_index = edge_index[:, :ne], edge_index[:, ne:]
    in_type, out_type = edge_type[:ne], edge_type[ne:]

    def propagate(ei, et, w, norm):
        x_j = jnp.take(x, ei[1], axis=0)
        r_e = jnp.take(rel_full, et, axis=0)
        msg = (x_j - r_e) @ w  # opn='sub' composition, then linear transform
        msg = msg * norm[:, None]
        return jnp.zeros((num_ent, w.shape[1]), jnp.float32).at[ei[0]].add(msg)

    in_res = propagate(in_index, in_type, w_in, _compute_norm(in_index, num_ent))
    out_res = propagate(out_index, out_type, w_out, _compute_norm(out_index, num_ent))
    loop_res = (x - rel_full[-1][None, :]) @ w_loop
    out = (in_res + out_res + loop_res) * (1.0 / 3.0)
    out = out + bias
    mean = jnp.mean(out, axis=0)
    var = jnp.var(out, axis=0)
    out = (out - mean) * jax.lax.rsqrt(var + 1e-5) * gamma + beta  # BatchNorm1d (batch stats)
    out = jnp.tanh(out)
    new_rel = (rel_full @ w_rel)[:-1]
    return out, new_rel

def reference(sub, rel, edge_index, edge_type, init_embed, init_rel,
              w_loop1, w_in1, w_out1, w_rel1, loop_rel1, bias1, gamma1, beta1,
              w_loop2, w_in2, w_out2, w_rel2, loop_rel2, bias2, gamma2, beta2):
    # forward_base with drop1/drop2 = identity (eval-mode dropout)
    r = init_rel  # score_func != 'transe' -> use (2*num_rel, init_dim) table directly
    x, r = _compgcn_conv(init_embed, edge_index, edge_type, r, w_loop1, w_in1, w_out1, w_rel1, loop_rel1, bias1, gamma1, beta1)
    x, r = _compgcn_conv(x, edge_index, edge_type, r, w_loop2, w_in2, w_out2, w_rel2, loop_rel2, bias2, gamma2, beta2)
    sub_emb = jnp.take(x, sub, axis=0)
    rel_emb = jnp.take(r, rel, axis=0)
    return sub_emb, rel_emb, x

if __name__ == "__main__":
    import jax
    _d = setup_inputs()
    print(jax.jit(kernel)(*tuple(_d.values())))

</pallas_src>

<mosaic_0001>
#map = affine_map<(d0, d1) -> (0, 0, 0, 0)>
#map1 = affine_map<(d0, d1) -> (0)>
module attributes {stable_mosaic.version = 14 : i64} {
  func.func @_sc_degree(%arg0: i32, %arg1: i32, %arg2: memref<2x16x80x128xi32, #tpu.memory_space<hbm>>, %arg3: memref<20480xf32, #tpu.memory_space<hbm>>, %arg4: memref<80x128xi32, #tpu.memory_space<vmem>>, %arg5: memref<128xf32, #tpu.memory_space<vmem>>, %arg6: memref<640xf32, #tpu.memory_space<vmem>>, %arg7: memref<10240xf32, #tpu.memory_space<vmem_shared>>) attributes {dimension_semantics = [#tpu.dimension_semantics<core_parallel>, #tpu.dimension_semantics<subcore_parallel>], iteration_bounds = array<i64: 2, 16>, scalar_prefetch = 0 : i64, scratch_operands = 4 : i64, tpu.core_type = #tpu.core_type<sc_vector_subcore>, window_params = [{transform_indices = #map}, {transform_indices = #map1}]} {
    "tpu.region"() ({
      %run_scoped3A = tpu.sem_alloc : memref<!tpu.dma_semaphore, #tpu.memory_space<semaphore_mem>>
      %dma_start3A = arith.constant 0 : i32
      %dma_start3A_28 = arith.constant 0 : i32
      %dma_start3A_29 = tpu.memref_slice %arg2[%arg0, %arg1, %dma_start3A, %dma_start3A_28] : memref<2x16x80x128xi32, #tpu.memory_space<hbm>> -> memref<1x1x80x128xi32, #tpu.memory_space<hbm>>
      %dma_start3A_30 = tpu.memref_squeeze %dma_start3A_29 : memref<1x1x80x128xi32, #tpu.memory_space<hbm>> -> memref<80x128xi32, #tpu.memory_space<hbm>>
      %dma_start3A_31 = arith.constant 0 : i32
      %dma_start3A_32 = arith.constant 0 : i32
      %dma_start3A_33 = tpu.memref_slice %arg2[%arg0, %arg1, %dma_start3A_31, %dma_start3A_32] : memref<2x16x80x128xi32, #tpu.memory_space<hbm>> -> memref<1x1x80x128xi32, #tpu.memory_space<hbm>>
      %dma_start3A_34 = tpu.memref_squeeze %dma_start3A_33 : memref<1x1x80x128xi32, #tpu.memory_space<hbm>> -> memref<80x128xi32, #tpu.memory_space<hbm>>
      tpu.enqueue_dma source(%dma_start3A_34 : memref<80x128xi32, #tpu.memory_space<hbm>>) target(%arg4 : memref<80x128xi32, #tpu.memory_space<vmem>>) target_semaphore(%run_scoped3A : memref<!tpu.dma_semaphore, #tpu.memory_space<semaphore_mem>>)
      %dma_wait3A = arith.constant 0 : i32
      %dma_wait3A_35 = arith.constant 0 : i32
      %dma_wait3A_36 = tpu.memref_slice %arg2[%arg0, %arg1, %dma_wait3A, %dma_wait3A_35] : memref<2x16x80x128xi32, #tpu.memory_space<hbm>> -> memref<1x1x80x128xi32, #tpu.memory_space<hbm>>
      %dma_wait3A_37 = tpu.memref_squeeze %dma_wait3A_36 : memref<1x1x80x128xi32, #tpu.memory_space<hbm>> -> memref<80x128xi32, #tpu.memory_space<hbm>>
      %dma_wait3A_38 = arith.constant 0 : i32
      %dma_wait3A_39 = arith.constant 0 : i32
      %dma_wait3A_40 = tpu.memref_slice %arg2[%arg0, %arg1, %dma_wait3A_38, %dma_wait3A_39] : memref<2x16x80x128xi32, #tpu.memory_space<hbm>> -> memref<1x1x80x128xi32, #tpu.memory_space<hbm>>
      %dma_wait3A_41 = tpu.memref_squeeze %dma_wait3A_40 : memref<1x1x80x128xi32, #tpu.memory_space<hbm>> -> memref<80x128xi32, #tpu.memory_space<hbm>>
      tpu.wait_dma2 semaphore(%run_scoped3A : memref<!tpu.dma_semaphore, #tpu.memory_space<semaphore_mem>>) src(%dma_wait3A_41 : memref<80x128xi32, #tpu.memory_space<hbm>>) dst(%arg4 : memref<80x128xi32, #tpu.memory_space<vmem>>)
      tpu.yield
    }) : () -> ()
    %broadcast_in_dim3A = arith.constant 0.000000e+00 : f32
    %broadcast_in_dim3A_0 = vector.broadcast %broadcast_in_dim3A : f32 to vector<16xf32>
    %broadcast_in_dim3A_1 = arith.constant 1.000000e+00 : f32
    %broadcast_in_dim3A_2 = vector.broadcast %broadcast_in_dim3A_1 : f32 to vector<16xf32>
    %scan3A = arith.constant 0 : i32
    %scan3A_3 = arith.constant 0 : i32
    %scan3A_4 = arith.constant 40 : i32
    %scan3A_5 = arith.addi %scan3A_3, %scan3A_4 : i32
    %scan3A_6 = arith.constant 1 : i32
    scf.for %scan3A_28 = %scan3A_3 to %scan3A_5 step %scan3A_6  : i32 {
      %mul3A_29 = arith.constant 16 : i32
      %mul3A_30 = arith.muli %scan3A_28, %mul3A_29 : i32
      %swap3A = arith.index_cast %mul3A_30 : i32 to index
      %swap3A_31 = tpu.vector_load %arg6[%swap3A] {strides = array<i32>} : memref<640xf32, #tpu.memory_space<vmem>>, vector<16xf32>,
      %swap3A_32 = vector.shape_cast %swap3A_31 : vector<16xf32> to vector<16xf32>
      %swap3A_33 = vector.shape_cast %broadcast_in_dim3A_0 : vector<16xf32> to vector<16xf32>
      tpu.vector_store %arg6[%swap3A], %swap3A_33 {strides = array<i32>} : memref<640xf32, #tpu.memory_space<vmem>>, vector<16xf32>,
    }
    %scan3A_7 = arith.constant 40 : i32
    %scan3A_8 = arith.constant 0 : i32
    %scan3A_9 = arith.constant 0 : i32
    %scan3A_10 = arith.constant 8 : i32
    %scan3A_11 = arith.addi %scan3A_9, %scan3A_10 : i32
    %scan3A_12 = arith.constant 1 : i32
    scf.for %scan3A_28 = %scan3A_9 to %scan3A_11 step %scan3A_12  : i32 {
      %mul3A_29 = arith.constant 16 : i32
      %mul3A_30 = arith.muli %scan3A_28, %mul3A_29 : i32
      %swap3A = arith.index_cast %mul3A_30 : i32 to index
      %swap3A_31 = tpu.vector_load %arg5[%swap3A] {strides = array<i32>} : memref<128xf32, #tpu.memory_space<vmem>>, vector<16xf32>,
      %swap3A_32 = vector.shape_cast %swap3A_31 : vector<16xf32> to vector<16xf32>
      %swap3A_33 = vector.shape_cast %broadcast_in_dim3A_2 : vector<16xf32> to vector<16xf32>
      tpu.vector_store %arg5[%swap3A], %swap3A_33 {strides = array<i32>} : memref<128xf32, #tpu.memory_space<vmem>>, vector<16xf32>,
    }
    %scan3A_13 = arith.constant 8 : i32
    %mul3A = arith.constant 640 : i32
    %mul3A_14 = arith.muli %arg1, %mul3A : i32
    "tpu.region"() ({
      %run_scoped3A = tpu.sem_alloc : memref<!tpu.dma_semaphore, #tpu.memory_space<semaphore_mem>>
      %dma_start3A = tpu.memref_slice %arg7[%mul3A_14] : memref<10240xf32, #tpu.memory_space<vmem_shared>> -> memref<640xf32, #tpu.memory_space<vmem_shared>>
      %dma_start3A_28 = tpu.memref_slice %arg7[%mul3A_14] : memref<10240xf32, #tpu.memory_space<vmem_shared>> -> memref<640xf32, #tpu.memory_space<vmem_shared>>
      tpu.enqueue_dma source(%arg6 : memref<640xf32, #tpu.memory_space<vmem>>) target(%dma_start3A_28 : memref<640xf32, #tpu.memory_space<vmem_shared>>) target_semaphore(%run_scoped3A : memref<!tpu.dma_semaphore, #tpu.memory_space<semaphore_mem>>)
      %dma_wait3A = tpu.memref_slice %arg7[%mul3A_14] : memref<10240xf32, #tpu.memory_space<vmem_shared>> -> memref<640xf32, #tpu.memory_space<vmem_shared>>
      %dma_wait3A_29 = tpu.memref_slice %arg7[%mul3A_14] : memref<10240xf32, #tpu.memory_space<vmem_shared>> -> memref<640xf32, #tpu.memory_space<vmem_shared>>
      tpu.wait_dma2 semaphore(%run_scoped3A : memref<!tpu.dma_semaphore, #tpu.memory_space<semaphore_mem>>) src(%arg6 : memref<640xf32, #tpu.memory_space<vmem>>) dst(%dma_wait3A_29 : memref<640xf32, #tpu.memory_space<vmem_shared>>)
      tpu.yield
    }) : () -> ()
    %barrier3A = arith.constant 0 : index
    tpu.barrier barrier_id(%barrier3A)
    %scan3A_15 = arith.constant 0 : i32
    %scan3A_16 = arith.constant 0 : i32
    %scan3A_17 = arith.constant 80 : i32
    %scan3A_18 = arith.addi %scan3A_16, %scan3A_17 : i32
    %scan3A_19 = arith.constant 1 : i32
    scf.for %scan3A_28 = %scan3A_16 to %scan3A_18 step %scan3A_19  : i32 {
      "tpu.region"() ({
        %run_scoped3A = tpu.sem_alloc : memref<!tpu.dma_semaphore, #tpu.memory_space<semaphore_mem>>
        %dma_start3A = arith.constant 0 : i32
        %dma_start3A_29 = tpu.memref_slice %arg4[%scan3A_28, %dma_start3A] : memref<80x128xi32, #tpu.memory_space<vmem>> -> memref<1x128xi32, #tpu.memory_space<vmem>>
        %dma_start3A_30 = tpu.memref_squeeze %dma_start3A_29 : memref<1x128xi32, #tpu.memory_space<vmem>> -> memref<128xi32, #tpu.memory_space<vmem>>
        %dma_start3A_31 = arith.constant 0 : i32
        %dma_start3A_32 = tpu.memref_slice %arg7[%dma_start3A_31] : memref<10240xf32, #tpu.memory_space<vmem_shared>> -> memref<10240xf32, #tpu.memory_space<vmem_shared>>
        tpu.enqueue_indirect_dma source(%arg5 : memref<128xf32, #tpu.memory_space<vmem>>) target(%dma_start3A_32 : memref<10240xf32, #tpu.memory_space<vmem_shared>>) offsets(%dma_start3A_30 : memref<128xi32, #tpu.memory_space<vmem>>) semaphore(%run_scoped3A : memref<!tpu.dma_semaphore, #tpu.memory_space<semaphore_mem>>) {add = true}
        %dma_wait3A = arith.constant 0 : i32
        %dma_wait3A_33 = tpu.memref_slice %arg4[%scan3A_28, %dma_wait3A] : memref<80x128xi32, #tpu.memory_space<vmem>> -> memref<1x128xi32, #tpu.memory_space<vmem>>
        %dma_wait3A_34 = tpu.memref_squeeze %dma_wait3A_33 : memref<1x128xi32, #tpu.memory_space<vmem>> -> memref<128xi32, #tpu.memory_space<vmem>>
        %dma_wait3A_35 = arith.constant 0 : i32
        %dma_wait3A_36 = tpu.memref_slice %arg7[%dma_wait3A_35] : memref<10240xf32, #tpu.memory_space<vmem_shared>> -> memref<10240xf32, #tpu.memory_space<vmem_shared>>
        tpu.wait_indirect_dma semaphore(%run_scoped3A : memref<!tpu.dma_semaphore, #tpu.memory_space<semaphore_mem>>) src(%arg5 : memref<128xf32, #tpu.memory_space<vmem>>) dst(%dma_wait3A_36 : memref<10240xf32, #tpu.memory_space<vmem_shared>>)
        tpu.yield
      }) : () -> ()
    }
    %scan3A_20 = arith.constant 80 : i32
    %barrier3A_21 = arith.constant 0 : index
    tpu.barrier barrier_id(%barrier3A_21)
    %mul3A_22 = arith.constant 640 : i32
    %mul3A_23 = arith.muli %arg1, %mul3A_22 : i32
    "tpu.region"() ({
      %run_scoped3A = tpu.sem_alloc : memref<!tpu.dma_semaphore, #tpu.memory_space<semaphore_mem>>
      %dma_start3A = tpu.memref_slice %arg7[%mul3A_23] : memref<10240xf32, #tpu.memory_space<vmem_shared>> -> memref<640xf32, #tpu.memory_space<vmem_shared>>
      %dma_start3A_28 = tpu.memref_slice %arg7[%mul3A_23] : memref<10240xf32, #tpu.memory_space<vmem_shared>> -> memref<640xf32, #tpu.memory_space<vmem_shared>>
      tpu.enqueue_dma source(%dma_start3A_28 : memref<640xf32, #tpu.memory_space<vmem_shared>>) target(%arg6 : memref<640xf32, #tpu.memory_space<vmem>>) target_semaphore(%run_scoped3A : memref<!tpu.dma_semaphore, #tpu.memory_space<semaphore_mem>>)
      %dma_wait3A = tpu.memref_slice %arg7[%mul3A_23] : memref<10240xf32, #tpu.memory_space<vmem_shared>> -> memref<640xf32, #tpu.memory_space<vmem_shared>>
      %dma_wait3A_29 = tpu.memref_slice %arg7[%mul3A_23] : memref<10240xf32, #tpu.memory_space<vmem_shared>> -> memref<640xf32, #tpu.memory_space<vmem_shared>>
      tpu.wait_dma2 semaphore(%run_scoped3A : memref<!tpu.dma_semaphore, #tpu.memory_space<semaphore_mem>>) src(%dma_wait3A_29 : memref<640xf32, #tpu.memory_space<vmem_shared>>) dst(%arg6 : memref<640xf32, #tpu.memory_space<vmem>>)
      tpu.yield
    }) : () -> ()
    %mul3A_24 = arith.constant 10240 : i32
    %mul3A_25 = arith.muli %arg0, %mul3A_24 : i32
    %mul3A_26 = arith.constant 640 : i32
    %mul3A_27 = arith.muli %arg1, %mul3A_26 : i32
    %add3A = arith.addi %mul3A_25, %mul3A_27 : i32
    "tpu.region"() ({
      %run_scoped3A = tpu.sem_alloc : memref<!tpu.dma_semaphore, #tpu.memory_space<semaphore_mem>>
      %dma_start3A = tpu.memref_slice %arg3[%add3A] : memref<20480xf32, #tpu.memory_space<hbm>> -> memref<640xf32, #tpu.memory_space<hbm>>
      %dma_start3A_28 = tpu.memref_slice %arg3[%add3A] : memref<20480xf32, #tpu.memory_space<hbm>> -> memref<640xf32, #tpu.memory_space<hbm>>
      tpu.enqueue_dma source(%arg6 : memref<640xf32, #tpu.memory_space<vmem>>) target(%dma_start3A_28 : memref<640xf32, #tpu.memory_space<hbm>>) target_semaphore(%run_scoped3A : memref<!tpu.dma_semaphore, #tpu.memory_space<semaphore_mem>>)
      %dma_wait3A = tpu.memref_slice %arg3[%add3A] : memref<20480xf32, #tpu.memory_space<hbm>> -> memref<640xf32, #tpu.memory_space<hbm>>
      %dma_wait3A_29 = tpu.memref_slice %arg3[%add3A] : memref<20480xf32, #tpu.memory_space<hbm>> -> memref<640xf32, #tpu.memory_space<hbm>>
      tpu.wait_dma2 semaphore(%run_scoped3A : memref<!tpu.dma_semaphore, #tpu.memory_space<semaphore_mem>>) src(%arg6 : memref<640xf32, #tpu.memory_space<vmem>>) dst(%dma_wait3A_29 : memref<640xf32, #tpu.memory_space<hbm>>)
      tpu.yield
    }) : () -> ()
    return
  }
}

#map = affine_map<(d0, d1) -> (0, 0)>
#map1 = affine_map<(d0, d1) -> (0, 0, 0)>
#map2 = affine_map<(d0, d1) -> (0, 0, 0, 0)>
module attributes {stable_mosaic.version = 14 : i64} {
  func.func @_sc_spmm(%arg0: i32, %arg1: i32, %arg2: memref<640x128xf32, #tpu.memory_space<hbm>>, %arg3: memref<2x10000x128xf32, #tpu.memory_space<hbm>>, %arg4: memref<2x16x80x128xi32, #tpu.memory_space<hbm>>, %arg5: memref<2x16x80x128xi32, #tpu.memory_space<hbm>>, %arg6: memref<2x10240x128xf32, #tpu.memory_space<hbm>>, %arg7: memref<80x128xi32, #tpu.memory_space<vmem>>, %arg8: memref<80x128xi32, #tpu.memory_space<vmem>>, %arg9: memref<128x128xf32, #tpu.memory_space<vmem>>, %arg10: memref<10240x128xf32, #tpu.memory_space<vmem_shared>>, %arg11: memref<!tpu.dma_semaphore, #tpu.memory_space<semaphore_mem>>) attributes {dimension_semantics = [#tpu.dimension_semantics<core_parallel>, #tpu.dimension_semantics<subcore_parallel>], iteration_bounds = array<i64: 2, 16>, scalar_prefetch = 0 : i64, scratch_operands = 5 : i64, tpu.core_type = #tpu.core_type<sc_vector_subcore>, window_params = [{transform_indices = #map}, {transform_indices = #map1}, {transform_indices = #map2}, {transform_indices = #map2}, {transform_indices = #map1}]} {
    "tpu.region"() ({
      %run_scoped3A = tpu.sem_alloc : memref<!tpu.dma_semaphore, #tpu.memory_space<semaphore_mem>>
      %dma_start3A = arith.constant 0 : i32
      %dma_start3A_25 = arith.constant 0 : i32
      %dma_start3A_26 = tpu.memref_slice %arg4[%arg0, %arg1, %dma_start3A, %dma_start3A_25] : memref<2x16x80x128xi32, #tpu.memory_space<hbm>> -> memref<1x1x80x128xi32, #tpu.memory_space<hbm>>
      %dma_start3A_27 = tpu.memref_squeeze %dma_start3A_26 : memref<1x1x80x128xi32, #tpu.memory_space<hbm>> -> memref<80x128xi32, #tpu.memory_space<hbm>>
      %dma_start3A_28 = arith.constant 0 : i32
      %dma_start3A_29 = arith.constant 0 : i32
      %dma_start3A_30 = tpu.memref_slice %arg4[%arg0, %arg1, %dma_start3A_28, %dma_start3A_29] : memref<2x16x80x128xi32, #tpu.memory_space<hbm>> -> memref<1x1x80x128xi32, #tpu.memory_space<hbm>>
      %dma_start3A_31 = tpu.memref_squeeze %dma_start3A_30 : memref<1x1x80x128xi32, #tpu.memory_space<hbm>> -> memref<80x128xi32, #tpu.memory_space<hbm>>
      tpu.enqueue_dma source(%dma_start3A_31 : memref<80x128xi32, #tpu.memory_space<hbm>>) target(%arg7 : memref<80x128xi32, #tpu.memory_space<vmem>>) target_semaphore(%run_scoped3A : memref<!tpu.dma_semaphore, #tpu.memory_space<semaphore_mem>>)
      %dma_wait3A = arith.constant 0 : i32
      %dma_wait3A_32 = arith.constant 0 : i32
      %dma_wait3A_33 = tpu.memref_slice %arg4[%arg0, %arg1, %dma_wait3A, %dma_wait3A_32] : memref<2x16x80x128xi32, #tpu.memory_space<hbm>> -> memref<1x1x80x128xi32, #tpu.memory_space<hbm>>
      %dma_wait3A_34 = tpu.memref_squeeze %dma_wait3A_33 : memref<1x1x80x128xi32, #tpu.memory_space<hbm>> -> memref<80x128xi32, #tpu.memory_space<hbm>>
      %dma_wait3A_35 = arith.constant 0 : i32
      %dma_wait3A_36 = arith.constant 0 : i32
      %dma_wait3A_37 = tpu.memref_slice %arg4[%arg0, %arg1, %dma_wait3A_35, %dma_wait3A_36] : memref<2x16x80x128xi32, #tpu.memory_space<hbm>> -> memref<1x1x80x128xi32, #tpu.memory_space<hbm>>
      %dma_wait3A_38 = tpu.memref_squeeze %dma_wait3A_37 : memref<1x1x80x128xi32, #tpu.memory_space<hbm>> -> memref<80x128xi32, #tpu.memory_space<hbm>>
      tpu.wait_dma2 semaphore(%run_scoped3A : memref<!tpu.dma_semaphore, #tpu.memory_space<semaphore_mem>>) src(%dma_wait3A_38 : memref<80x128xi32, #tpu.memory_space<hbm>>) dst(%arg7 : memref<80x128xi32, #tpu.memory_space<vmem>>)
      tpu.yield
    }) : () -> ()
    "tpu.region"() ({
      %run_scoped3A = tpu.sem_alloc : memref<!tpu.dma_semaphore, #tpu.memory_space<semaphore_mem>>
      %dma_start3A = arith.constant 0 : i32
      %dma_start3A_25 = arith.constant 0 : i32
      %dma_start3A_26 = tpu.memref_slice %arg5[%arg0, %arg1, %dma_start3A, %dma_start3A_25] : memref<2x16x80x128xi32, #tpu.memory_space<hbm>> -> memref<1x1x80x128xi32, #tpu.memory_space<hbm>>
      %dma_start3A_27 = tpu.memref_squeeze %dma_start3A_26 : memref<1x1x80x128xi32, #tpu.memory_space<hbm>> -> memref<80x128xi32, #tpu.memory_space<hbm>>
      %dma_start3A_28 = arith.constant 0 : i32
      %dma_start3A_29 = arith.constant 0 : i32
      %dma_start3A_30 = tpu.memref_slice %arg5[%arg0, %arg1, %dma_start3A_28, %dma_start3A_29] : memref<2x16x80x128xi32, #tpu.memory_space<hbm>> -> memref<1x1x80x128xi32, #tpu.memory_space<hbm>>
      %dma_start3A_31 = tpu.memref_squeeze %dma_start3A_30 : memref<1x1x80x128xi32, #tpu.memory_space<hbm>> -> memref<80x128xi32, #tpu.memory_space<hbm>>
      tpu.enqueue_dma source(%dma_start3A_31 : memref<80x128xi32, #tpu.memory_space<hbm>>) target(%arg8 : memref<80x128xi32, #tpu.memory_space<vmem>>) target_semaphore(%run_scoped3A : memref<!tpu.dma_semaphore, #tpu.memory_space<semaphore_mem>>)
      %dma_wait3A = arith.constant 0 : i32
      %dma_wait3A_32 = arith.constant 0 : i32
      %dma_wait3A_33 = tpu.memref_slice %arg5[%arg0, %arg1, %dma_wait3A, %dma_wait3A_32] : memref<2x16x80x128xi32, #tpu.memory_space<hbm>> -> memref<1x1x80x128xi32, #tpu.memory_space<hbm>>
      %dma_wait3A_34 = tpu.memref_squeeze %dma_wait3A_33 : memref<1x1x80x128xi32, #tpu.memory_space<hbm>> -> memref<80x128xi32, #tpu.memory_space<hbm>>
      %dma_wait3A_35 = arith.constant 0 : i32
      %dma_wait3A_36 = arith.constant 0 : i32
      %dma_wait3A_37 = tpu.memref_slice %arg5[%arg0, %arg1, %dma_wait3A_35, %dma_wait3A_36] : memref<2x16x80x128xi32, #tpu.memory_space<hbm>> -> memref<1x1x80x128xi32, #tpu.memory_space<hbm>>
      %dma_wait3A_38 = tpu.memref_squeeze %dma_wait3A_37 : memref<1x1x80x128xi32, #tpu.memory_space<hbm>> -> memref<80x128xi32, #tpu.memory_space<hbm>>
      tpu.wait_dma2 semaphore(%run_scoped3A : memref<!tpu.dma_semaphore, #tpu.memory_space<semaphore_mem>>) src(%dma_wait3A_38 : memref<80x128xi32, #tpu.memory_space<hbm>>) dst(%arg8 : memref<80x128xi32, #tpu.memory_space<vmem>>)
      tpu.yield
    }) : () -> ()
    %broadcast_in_dim3A = arith.constant 0.000000e+00 : f32
    %broadcast_in_dim3A_0 = vector.broadcast %broadcast_in_dim3A : f32 to vector<16xf32>
    %scan3A = arith.constant 0 : i32
    %scan3A_1 = arith.constant 0 : i32
    %scan3A_2 = arith.constant 1024 : i32
    %scan3A_3 = arith.addi %scan3A_1, %scan3A_2 : i32
    %scan3A_4 = arith.constant 1 : i32
    scf.for %scan3A_25 = %scan3A_1 to %scan3A_3 step %scan3A_4  : i32 {
      %jit3A = arith.constant 8 : i32
      %div3A = arith.divsi %scan3A_25, %jit3A : i32
      %sign3A = arith.constant 0 : i32
      %sign3A_26 = arith.cmpi sgt, %scan3A_25, %sign3A : i32
      %sign3A_27 = arith.extui %sign3A_26 : i1 to i32
      %sign3A_28 = arith.constant 0 : i32
      %sign3A_29 = arith.cmpi slt, %scan3A_25, %sign3A_28 : i32
      %sign3A_30 = arith.extui %sign3A_29 : i1 to i32
      %sign3A_31 = arith.subi %sign3A_27, %sign3A_30 : i32
      %sign3A_32 = arith.constant 0 : i32
      %sign3A_33 = arith.cmpi sgt, %jit3A, %sign3A_32 : i32
      %sign3A_34 = arith.extui %sign3A_33 : i1 to i32
      %sign3A_35 = arith.constant 0 : i32
      %sign3A_36 = arith.cmpi slt, %jit3A, %sign3A_35 : i32
      %sign3A_37 = arith.extui %sign3A_36 : i1 to i32
      %sign3A_38 = arith.subi %sign3A_34, %sign3A_37 : i32
      %ne3A = arith.cmpi ne, %sign3A_31, %sign3A_38 : i32
      %rem3A = arith.remsi %scan3A_25, %jit3A : i32
      %ne3A_39 = arith.constant 0 : i32
      %ne3A_40 = arith.cmpi ne, %rem3A, %ne3A_39 : i32
      %and3A = arith.andi %ne3A, %ne3A_40 : i1
      %sub3A = arith.constant 1 : i32
      %sub3A_41 = arith.subi %div3A, %sub3A : i32
      %select_n3A = arith.select %and3A, %sub3A_41, %div3A : i32
      %jit3A_42 = arith.constant 8 : i32
      %eq3A = arith.constant 0 : i32
      %eq3A_43 = arith.cmpi eq, %jit3A_42, %eq3A : i32
      %jit3A_44 = arith.constant 1 : i32
      %select_n3A_45 = arith.select %eq3A_43, %jit3A_44, %jit3A_42 : i32
      %rem3A_46 = arith.remsi %scan3A_25, %select_n3A_45 : i32
      %ne3A_47 = arith.constant 0 : i32
      %ne3A_48 = arith.cmpi ne, %rem3A_46, %ne3A_47 : i32
      %lt3A = arith.constant 0 : i32
      %lt3A_49 = arith.cmpi slt, %rem3A_46, %lt3A : i32
      %lt3A_50 = arith.constant 0 : i32
      %lt3A_51 = arith.cmpi slt, %select_n3A_45, %lt3A_50 : i32
      %ne3A_52 = arith.xori %lt3A_49, %lt3A_51 : i1
      %and3A_53 = arith.andi %ne3A_52, %ne3A_48 : i1
      %add3A = arith.addi %rem3A_46, %select_n3A_45 : i32
      %select_n3A_54 = arith.select %and3A_53, %add3A, %rem3A_46 : i32
      %mul3A = arith.constant 16 : i32
      %mul3A_55 = arith.muli %select_n3A_54, %mul3A : i32
      %swap3A = arith.index_cast %select_n3A : i32 to index
      %swap3A_56 = arith.index_cast %mul3A_55 : i32 to index
      %swap3A_57 = tpu.vector_load %arg9[%swap3A, %swap3A_56] {strides = array<i32>} : memref<128x128xf32, #tpu.memory_space<vmem>>, vector<1x16xf32>,
      %swap3A_58 = vector.shape_cast %swap3A_57 : vector<1x16xf32> to vector<16xf32>
      %swap3A_59 = vector.shape_cast %broadcast_in_dim3A_0 : vector<16xf32> to vector<1x16xf32>
      tpu.vector_store %arg9[%swap3A, %swap3A_56], %swap3A_59 {strides = array<i32>} : memref<128x128xf32, #tpu.memory_space<vmem>>, vector<1x16xf32>,
    }
    %scan3A_5 = arith.constant 1024 : i32
    %scan3A_6 = arith.constant 0 : i32
    %scan3A_7 = arith.constant 0 : i32
    %scan3A_8 = arith.constant 5 : i32
    %scan3A_9 = arith.addi %scan3A_7, %scan3A_8 : i32
    %scan3A_10 = arith.constant 1 : i32
    scf.for %scan3A_25 = %scan3A_7 to %scan3A_9 step %scan3A_10  : i32 {
      %mul3A = arith.constant 640 : i32
      %mul3A_26 = arith.muli %arg1, %mul3A : i32
      %mul3A_27 = arith.constant 128 : i32
      %mul3A_28 = arith.muli %scan3A_25, %mul3A_27 : i32
      %add3A = arith.addi %mul3A_26, %mul3A_28 : i32
      "tpu.region"() ({
        %run_scoped3A = tpu.sem_alloc : memref<!tpu.dma_semaphore, #tpu.memory_space<semaphore_mem>>
        %dma_start3A = arith.constant 0 : i32
        %dma_start3A_29 = tpu.memref_slice %arg10[%add3A, %dma_start3A] : memref<10240x128xf32, #tpu.memory_space<vmem_shared>> -> memref<128x128xf32, #tpu.memory_space<vmem_shared>>
        %dma_start3A_30 = arith.constant 0 : i32
        %dma_start3A_31 = tpu.memref_slice %arg10[%add3A, %dma_start3A_30] : memref<10240x128xf32, #tpu.memory_space<vmem_shared>> -> memref<128x128xf32, #tpu.memory_space<vmem_shared>>
        tpu.enqueue_dma source(%arg9 : memref<128x128xf32, #tpu.memory_space<vmem>>) target(%dma_start3A_31 : memref<128x128xf32, #tpu.memory_space<vmem_shared>>) target_semaphore(%run_scoped3A : memref<!tpu.dma_semaphore, #tpu.memory_space<semaphore_mem>>)
        %dma_wait3A = arith.constant 0 : i32
        %dma_wait3A_32 = tpu.memref_slice %arg10[%add3A, %dma_wait3A] : memref<10240x128xf32, #tpu.memory_space<vmem_shared>> -> memref<128x128xf32, #tpu.memory_space<vmem_shared>>
        %dma_wait3A_33 = arith.constant 0 : i32
        %dma_wait3A_34 = tpu.memref_slice %arg10[%add3A, %dma_wait3A_33] : memref<10240x128xf32, #tpu.memory_space<vmem_shared>> -> memref<128x128xf32, #tpu.memory_space<vmem_shared>>
        tpu.wait_dma2 semaphore(%run_scoped3A : memref<!tpu.dma_semaphore, #tpu.memory_space<semaphore_mem>>) src(%arg9 : memref<128x128xf32, #tpu.memory_space<vmem>>) dst(%dma_wait3A_34 : memref<128x128xf32, #tpu.memory_space<vmem_shared>>)
        tpu.yield
      }) : () -> ()
    }
    %scan3A_11 = arith.constant 5 : i32
    %barrier3A = arith.constant 0 : index
    tpu.barrier barrier_id(%barrier3A)
    %scan3A_12 = arith.constant 0 : i32
    %scan3A_13 = arith.constant 0 : i32
    %scan3A_14 = arith.constant 80 : i32
    %scan3A_15 = arith.addi %scan3A_13, %scan3A_14 : i32
    %scan3A_16 = arith.constant 1 : i32
    scf.for %scan3A_25 = %scan3A_13 to %scan3A_15 step %scan3A_16  : i32 {
      %dma_start3A = arith.constant 0 : i32
      %dma_start3A_26 = tpu.memref_slice %arg7[%scan3A_25, %dma_start3A] : memref<80x128xi32, #tpu.memory_space<vmem>> -> memref<1x128xi32, #tpu.memory_space<vmem>>
      %dma_start3A_27 = tpu.memref_squeeze %dma_start3A_26 : memref<1x128xi32, #tpu.memory_space<vmem>> -> memref<128xi32, #tpu.memory_space<vmem>>
      %dma_start3A_28 = arith.constant 0 : i32
      %dma_start3A_29 = arith.constant 0 : i32
      %dma_start3A_30 = tpu.memref_slice %arg3[%arg0, %dma_start3A_28, %dma_start3A_29] : memref<2x10000x128xf32, #tpu.memory_space<hbm>> -> memref<1x10000x128xf32, #tpu.memory_space<hbm>>
      %dma_start3A_31 = tpu.memref_squeeze %dma_start3A_30 : memref<1x10000x128xf32, #tpu.memory_space<hbm>> -> memref<10000x128xf32, #tpu.memory_space<hbm>>
      %dma_start3A_32 = arith.constant 0 : i32
      %dma_start3A_33 = arith.constant 0 : i32
      %dma_start3A_34 = tpu.memref_slice %dma_start3A_31[%dma_start3A_32, %dma_start3A_33] : memref<10000x128xf32, #tpu.memory_space<hbm>> -> memref<10000x128xf32, #tpu.memory_space<hbm>>
      tpu.enqueue_indirect_dma source(%dma_start3A_34 : memref<10000x128xf32, #tpu.memory_space<hbm>>) target(%arg9 : memref<128x128xf32, #tpu.memory_space<vmem>>) offsets(%dma_start3A_27 : memref<128xi32, #tpu.memory_space<vmem>>) semaphore(%arg11 : memref<!tpu.dma_semaphore, #tpu.memory_space<semaphore_mem>>)
      %dma_wait3A = arith.constant 0 : i32
      %dma_wait3A_35 = tpu.memref_slice %arg7[%scan3A_25, %dma_wait3A] : memref<80x128xi32, #tpu.memory_space<vmem>> -> memref<1x128xi32, #tpu.memory_space<vmem>>
      %dma_wait3A_36 = tpu.memref_squeeze %dma_wait3A_35 : memref<1x128xi32, #tpu.memory_space<vmem>> -> memref<128xi32, #tpu.memory_space<vmem>>
      %dma_wait3A_37 = arith.constant 0 : i32
      %dma_wait3A_38 = arith.constant 0 : i32
      %dma_wait3A_39 = tpu.memref_slice %arg3[%arg0, %dma_wait3A_37, %dma_wait3A_38] : memref<2x10000x128xf32, #tpu.memory_space<hbm>> -> memref<1x10000x128xf32, #tpu.memory_space<hbm>>
      %dma_wait3A_40 = tpu.memref_squeeze %dma_wait3A_39 : memref<1x10000x128xf32, #tpu.memory_space<hbm>> -> memref<10000x128xf32, #tpu.memory_space<hbm>>
      %dma_wait3A_41 = arith.constant 0 : i32
      %dma_wait3A_42 = arith.constant 0 : i32
      %dma_wait3A_43 = tpu.memref_slice %dma_wait3A_40[%dma_wait3A_41, %dma_wait3A_42] : memref<10000x128xf32, #tpu.memory_space<hbm>> -> memref<10000x128xf32, #tpu.memory_space<hbm>>
      tpu.wait_indirect_dma semaphore(%arg11 : memref<!tpu.dma_semaphore, #tpu.memory_space<semaphore_mem>>) src(%dma_wait3A_43 : memref<10000x128xf32, #tpu.memory_space<hbm>>) dst(%arg9 : memref<128x128xf32, #tpu.memory_space<vmem>>)
      "tpu.region"() ({
        %run_scoped3A = tpu.sem_alloc : memref<!tpu.dma_semaphore, #tpu.memory_space<semaphore_mem>>
        %dma_start3A_44 = arith.constant 0 : i32
        %dma_start3A_45 = tpu.memref_slice %arg8[%scan3A_25, %dma_start3A_44] : memref<80x128xi32, #tpu.memory_space<vmem>> -> memref<1x128xi32, #tpu.memory_space<vmem>>
        %dma_start3A_46 = tpu.memref_squeeze %dma_start3A_45 : memref<1x128xi32, #tpu.memory_space<vmem>> -> memref<128xi32, #tpu.memory_space<vmem>>
        %dma_start3A_47 = arith.constant 0 : i32
        %dma_start3A_48 = arith.constant 0 : i32
        %dma_start3A_49 = tpu.memref_slice %arg10[%dma_start3A_47, %dma_start3A_48] : memref<10240x128xf32, #tpu.memory_space<vmem_shared>> -> memref<10240x128xf32, #tpu.memory_space<vmem_shared>>
        tpu.enqueue_indirect_dma source(%arg9 : memref<128x128xf32, #tpu.memory_space<vmem>>) target(%dma_start3A_49 : memref<10240x128xf32, #tpu.memory_space<vmem_shared>>) offsets(%dma_start3A_46 : memref<128xi32, #tpu.memory_space<vmem>>) semaphore(%run_scoped3A : memref<!tpu.dma_semaphore, #tpu.memory_space<semaphore_mem>>) {add = true}
        %dma_wait3A_50 = arith.constant 0 : i32
        %dma_wait3A_51 = tpu.memref_slice %arg8[%scan3A_25, %dma_wait3A_50] : memref<80x128xi32, #tpu.memory_space<vmem>> -> memref<1x128xi32, #tpu.memory_space<vmem>>
        %dma_wait3A_52 = tpu.memref_squeeze %dma_wait3A_51 : memref<1x128xi32, #tpu.memory_space<vmem>> -> memref<128xi32, #tpu.memory_space<vmem>>
        %dma_wait3A_53 = arith.constant 0 : i32
        %dma_wait3A_54 = arith.constant 0 : i32
        %dma_wait3A_55 = tpu.memref_slice %arg10[%dma_wait3A_53, %dma_wait3A_54] : memref<10240x128xf32, #tpu.memory_space<vmem_shared>> -> memref<10240x128xf32, #tpu.memory_space<vmem_shared>>
        tpu.wait_indirect_dma semaphore(%run_scoped3A : memref<!tpu.dma_semaphore, #tpu.memory_space<semaphore_mem>>) src(%arg9 : memref<128x128xf32, #tpu.memory_space<vmem>>) dst(%dma_wait3A_55 : memref<10240x128xf32, #tpu.memory_space<vmem_shared>>)
        tpu.yield
      }) : () -> ()
    }
    %scan3A_17 = arith.constant 80 : i32
    %barrier3A_18 = arith.constant 0 : index
    tpu.barrier barrier_id(%barrier3A_18)
    %scan3A_19 = arith.constant 0 : i32
    %scan3A_20 = arith.constant 0 : i32
    %scan3A_21 = arith.constant 5 : i32
    %scan3A_22 = arith.addi %scan3A_20, %scan3A_21 : i32
    %scan3A_23 = arith.constant 1 : i32
    scf.for %scan3A_25 = %scan3A_20 to %scan3A_22 step %scan3A_23  : i32 {
      %mul3A = arith.constant 640 : i32
      %mul3A_26 = arith.muli %arg1, %mul3A : i32
      %mul3A_27 = arith.constant 128 : i32
      %mul3A_28 = arith.muli %scan3A_25, %mul3A_27 : i32
      %add3A = arith.addi %mul3A_26, %mul3A_28 : i32
      "tpu.region"() ({
        %run_scoped3A = tpu.sem_alloc : memref<!tpu.dma_semaphore, #tpu.memory_space<semaphore_mem>>
        %dma_start3A = arith.constant 0 : i32
        %dma_start3A_34 = tpu.memref_slice %arg10[%add3A, %dma_start3A] : memref<10240x128xf32, #tpu.memory_space<vmem_shared>> -> memref<128x128xf32, #tpu.memory_space<vmem_shared>>
        %dma_start3A_35 = arith.constant 0 : i32
        %dma_start3A_36 = tpu.memref_slice %arg10[%add3A, %dma_start3A_35] : memref<10240x128xf32, #tpu.memory_space<vmem_shared>> -> memref<128x128xf32, #tpu.memory_space<vmem_shared>>
        tpu.enqueue_dma source(%dma_start3A_36 : memref<128x128xf32, #tpu.memory_space<vmem_shared>>) target(%arg9 : memref<128x128xf32, #tpu.memory_space<vmem>>) target_semaphore(%run_scoped3A : memref<!tpu.dma_semaphore, #tpu.memory_space<semaphore_mem>>)
        %dma_wait3A = arith.constant 0 : i32
        %dma_wait3A_37 = tpu.memref_slice %arg10[%add3A, %dma_wait3A] : memref<10240x128xf32, #tpu.memory_space<vmem_shared>> -> memref<128x128xf32, #tpu.memory_space<vmem_shared>>
        %dma_wait3A_38 = arith.constant 0 : i32
        %dma_wait3A_39 = tpu.memref_slice %arg10[%add3A, %dma_wait3A_38] : memref<10240x128xf32, #tpu.memory_space<vmem_shared>> -> memref<128x128xf32, #tpu.memory_space<vmem_shared>>
        tpu.wait_dma2 semaphore(%run_scoped3A : memref<!tpu.dma_semaphore, #tpu.memory_space<semaphore_mem>>) src(%dma_wait3A_39 : memref<128x128xf32, #tpu.memory_space<vmem_shared>>) dst(%arg9 : memref<128x128xf32, #tpu.memory_space<vmem>>)
        tpu.yield
      }) : () -> ()
      %mul3A_29 = arith.constant 640 : i32
      %mul3A_30 = arith.muli %arg1, %mul3A_29 : i32
      %mul3A_31 = arith.constant 128 : i32
      %mul3A_32 = arith.muli %scan3A_25, %mul3A_31 : i32
      %add3A_33 = arith.addi %mul3A_30, %mul3A_32 : i32
      "tpu.region"() ({
        %run_scoped3A = tpu.sem_alloc : memref<!tpu.dma_semaphore, #tpu.memory_space<semaphore_mem>>
        %dma_start3A = arith.constant 0 : i32
        %dma_start3A_34 = tpu.memref_slice %arg6[%arg0, %add3A_33, %dma_start3A] : memref<2x10240x128xf32, #tpu.memory_space<hbm>> -> memref<1x128x128xf32, #tpu.memory_space<hbm>>
        %dma_start3A_35 = tpu.memref_squeeze %dma_start3A_34 : memref<1x128x128xf32, #tpu.memory_space<hbm>> -> memref<128x128xf32, #tpu.memory_space<hbm>>
        %dma_start3A_36 = arith.constant 0 : i32
        %dma_start3A_37 = tpu.memref_slice %arg6[%arg0, %add3A_33, %dma_start3A_36] : memref<2x10240x128xf32, #tpu.memory_space<hbm>> -> memref<1x128x128xf32, #tpu.memory_space<hbm>>
        %dma_start3A_38 = tpu.memref_squeeze %dma_start3A_37 : memref<1x128x128xf32, #tpu.memory_space<hbm>> -> memref<128x128xf32, #tpu.memory_space<hbm>>
        tpu.enqueue_dma source(%arg9 : memref<128x128xf32, #tpu.memory_space<vmem>>) target(%dma_start3A_38 : memref<128x128xf32, #tpu.memory_space<hbm>>) target_semaphore(%run_scoped3A : memref<!tpu.dma_semaphore, #tpu.memory_space<semaphore_mem>>)
        %dma_wait3A = arith.constant 0 : i32
        %dma_wait3A_39 = tpu.memref_slice %arg6[%arg0, %add3A_33, %dma_wait3A] : memref<2x10240x128xf32, #tpu.memory_space<hbm>> -> memref<1x128x128xf32, #tpu.memory_space<hbm>>
        %dma_wait3A_40 = tpu.memref_squeeze %dma_wait3A_39 : memref<1x128x128xf32, #tpu.memory_space<hbm>> -> memref<128x128xf32, #tpu.memory_space<hbm>>
        %dma_wait3A_41 = arith.constant 0 : i32
        %dma_wait3A_42 = tpu.memref_slice %arg6[%arg0, %add3A_33, %dma_wait3A_41] : memref<2x10240x128xf32, #tpu.memory_space<hbm>> -> memref<1x128x128xf32, #tpu.memory_space<hbm>>
        %dma_wait3A_43 = tpu.memref_squeeze %dma_wait3A_42 : memref<1x128x128xf32, #tpu.memory_space<hbm>> -> memref<128x128xf32, #tpu.memory_space<hbm>>
        tpu.wait_dma2 semaphore(%run_scoped3A : memref<!tpu.dma_semaphore, #tpu.memory_space<semaphore_mem>>) src(%arg9 : memref<128x128xf32, #tpu.memory_space<vmem>>) dst(%dma_wait3A_43 : memref<128x128xf32, #tpu.memory_space<hbm>>)
        tpu.yield
      }) : () -> ()
    }
    %scan3A_24 = arith.constant 5 : i32
    return
  }
}

#map = affine_map<(d0, d1) -> (0, 0)>
#map1 = affine_map<(d0, d1) -> (0, 0, 0)>
#map2 = affine_map<(d0, d1) -> (0, 0, 0, 0)>
module attributes {stable_mosaic.version = 14 : i64} {
  func.func @_sc_spmm(%arg0: i32, %arg1: i32, %arg2: memref<640x128xf32, #tpu.memory_space<hbm>>, %arg3: memref<2x10000x128xf32, #tpu.memory_space<hbm>>, %arg4: memref<2x16x80x128xi32, #tpu.memory_space<hbm>>, %arg5: memref<2x16x80x128xi32, #tpu.memory_space<hbm>>, %arg6: memref<2x10240x128xf32, #tpu.memory_space<hbm>>, %arg7: memref<80x128xi32, #tpu.memory_space<vmem>>, %arg8: memref<80x128xi32, #tpu.memory_space<vmem>>, %arg9: memref<128x128xf32, #tpu.memory_space<vmem>>, %arg10: memref<10240x128xf32, #tpu.memory_space<vmem_shared>>, %arg11: memref<!tpu.dma_semaphore, #tpu.memory_space<semaphore_mem>>) attributes {dimension_semantics = [#tpu.dimension_semantics<core_parallel>, #tpu.dimension_semantics<subcore_parallel>], iteration_bounds = array<i64: 2, 16>, scalar_prefetch = 0 : i64, scratch_operands = 5 : i64, tpu.core_type = #tpu.core_type<sc_vector_subcore>, window_params = [{transform_indices = #map}, {transform_indices = #map1}, {transform_indices = #map2}, {transform_indices = #map2}, {transform_indices = #map1}]} {
    "tpu.region"() ({
      %run_scoped3A = tpu.sem_alloc : memref<!tpu.dma_semaphore, #tpu.memory_space<semaphore_mem>>
      %dma_start3A = arith.constant 0 : i32
      %dma_start3A_25 = arith.constant 0 : i32
      %dma_start3A_26 = tpu.memref_slice %arg4[%arg0, %arg1, %dma_start3A, %dma_start3A_25] : memref<2x16x80x128xi32, #tpu.memory_space<hbm>> -> memref<1x1x80x128xi32, #tpu.memory_space<hbm>>
      %dma_start3A_27 = tpu.memref_squeeze %dma_start3A_26 : memref<1x1x80x128xi32, #tpu.memory_space<hbm>> -> memref<80x128xi32, #tpu.memory_space<hbm>>
      %dma_start3A_28 = arith.constant 0 : i32
      %dma_start3A_29 = arith.constant 0 : i32
      %dma_start3A_30 = tpu.memref_slice %arg4[%arg0, %arg1, %dma_start3A_28, %dma_start3A_29] : memref<2x16x80x128xi32, #tpu.memory_space<hbm>> -> memref<1x1x80x128xi32, #tpu.memory_space<hbm>>
      %dma_start3A_31 = tpu.memref_squeeze %dma_start3A_30 : memref<1x1x80x128xi32, #tpu.memory_space<hbm>> -> memref<80x128xi32, #tpu.memory_space<hbm>>
      tpu.enqueue_dma source(%dma_start3A_31 : memref<80x128xi32, #tpu.memory_space<hbm>>) target(%arg7 : memref<80x128xi32, #tpu.memory_space<vmem>>) target_semaphore(%run_scoped3A : memref<!tpu.dma_semaphore, #tpu.memory_space<semaphore_mem>>)
      %dma_wait3A = arith.constant 0 : i32
      %dma_wait3A_32 = arith.constant 0 : i32
      %dma_wait3A_33 = tpu.memref_slice %arg4[%arg0, %arg1, %dma_wait3A, %dma_wait3A_32] : memref<2x16x80x128xi32, #tpu.memory_space<hbm>> -> memref<1x1x80x128xi32, #tpu.memory_space<hbm>>
      %dma_wait3A_34 = tpu.memref_squeeze %dma_wait3A_33 : memref<1x1x80x128xi32, #tpu.memory_space<hbm>> -> memref<80x128xi32, #tpu.memory_space<hbm>>
      %dma_wait3A_35 = arith.constant 0 : i32
      %dma_wait3A_36 = arith.constant 0 : i32
      %dma_wait3A_37 = tpu.memref_slice %arg4[%arg0, %arg1, %dma_wait3A_35, %dma_wait3A_36] : memref<2x16x80x128xi32, #tpu.memory_space<hbm>> -> memref<1x1x80x128xi32, #tpu.memory_space<hbm>>
      %dma_wait3A_38 = tpu.memref_squeeze %dma_wait3A_37 : memref<1x1x80x128xi32, #tpu.memory_space<hbm>> -> memref<80x128xi32, #tpu.memory_space<hbm>>
      tpu.wait_dma2 semaphore(%run_scoped3A : memref<!tpu.dma_semaphore, #tpu.memory_space<semaphore_mem>>) src(%dma_wait3A_38 : memref<80x128xi32, #tpu.memory_space<hbm>>) dst(%arg7 : memref<80x128xi32, #tpu.memory_space<vmem>>)
      tpu.yield
    }) : () -> ()
    "tpu.region"() ({
      %run_scoped3A = tpu.sem_alloc : memref<!tpu.dma_semaphore, #tpu.memory_space<semaphore_mem>>
      %dma_start3A = arith.constant 0 : i32
      %dma_start3A_25 = arith.constant 0 : i32
      %dma_start3A_26 = tpu.memref_slice %arg5[%arg0, %arg1, %dma_start3A, %dma_start3A_25] : memref<2x16x80x128xi32, #tpu.memory_space<hbm>> -> memref<1x1x80x128xi32, #tpu.memory_space<hbm>>
      %dma_start3A_27 = tpu.memref_squeeze %dma_start3A_26 : memref<1x1x80x128xi32, #tpu.memory_space<hbm>> -> memref<80x128xi32, #tpu.memory_space<hbm>>
      %dma_start3A_28 = arith.constant 0 : i32
      %dma_start3A_29 = arith.constant 0 : i32
      %dma_start3A_30 = tpu.memref_slice %arg5[%arg0, %arg1, %dma_start3A_28, %dma_start3A_29] : memref<2x16x80x128xi32, #tpu.memory_space<hbm>> -> memref<1x1x80x128xi32, #tpu.memory_space<hbm>>
      %dma_start3A_31 = tpu.memref_squeeze %dma_start3A_30 : memref<1x1x80x128xi32, #tpu.memory_space<hbm>> -> memref<80x128xi32, #tpu.memory_space<hbm>>
      tpu.enqueue_dma source(%dma_start3A_31 : memref<80x128xi32, #tpu.memory_space<hbm>>) target(%arg8 : memref<80x128xi32, #tpu.memory_space<vmem>>) target_semaphore(%run_scoped3A : memref<!tpu.dma_semaphore, #tpu.memory_space<semaphore_mem>>)
      %dma_wait3A = arith.constant 0 : i32
      %dma_wait3A_32 = arith.constant 0 : i32
      %dma_wait3A_33 = tpu.memref_slice %arg5[%arg0, %arg1, %dma_wait3A, %dma_wait3A_32] : memref<2x16x80x128xi32, #tpu.memory_space<hbm>> -> memref<1x1x80x128xi32, #tpu.memory_space<hbm>>
      %dma_wait3A_34 = tpu.memref_squeeze %dma_wait3A_33 : memref<1x1x80x128xi32, #tpu.memory_space<hbm>> -> memref<80x128xi32, #tpu.memory_space<hbm>>
      %dma_wait3A_35 = arith.constant 0 : i32
      %dma_wait3A_36 = arith.constant 0 : i32
      %dma_wait3A_37 = tpu.memref_slice %arg5[%arg0, %arg1, %dma_wait3A_35, %dma_wait3A_36] : memref<2x16x80x128xi32, #tpu.memory_space<hbm>> -> memref<1x1x80x128xi32, #tpu.memory_space<hbm>>
      %dma_wait3A_38 = tpu.memref_squeeze %dma_wait3A_37 : memref<1x1x80x128xi32, #tpu.memory_space<hbm>> -> memref<80x128xi32, #tpu.memory_space<hbm>>
      tpu.wait_dma2 semaphore(%run_scoped3A : memref<!tpu.dma_semaphore, #tpu.memory_space<semaphore_mem>>) src(%dma_wait3A_38 : memref<80x128xi32, #tpu.memory_space<hbm>>) dst(%arg8 : memref<80x128xi32, #tpu.memory_space<vmem>>)
      tpu.yield
    }) : () -> ()
    %broadcast_in_dim3A = arith.constant 0.000000e+00 : f32
    %broadcast_in_dim3A_0 = vector.broadcast %broadcast_in_dim3A : f32 to vector<16xf32>
    %scan3A = arith.constant 0 : i32
    %scan3A_1 = arith.constant 0 : i32
    %scan3A_2 = arith.constant 1024 : i32
    %scan3A_3 = arith.addi %scan3A_1, %scan3A_2 : i32
    %scan3A_4 = arith.constant 1 : i32
    scf.for %scan3A_25 = %scan3A_1 to %scan3A_3 step %scan3A_4  : i32 {
      %jit3A = arith.constant 8 : i32
      %div3A = arith.divsi %scan3A_25, %jit3A : i32
      %sign3A = arith.constant 0 : i32
      %sign3A_26 = arith.cmpi sgt, %scan3A_25, %sign3A : i32
      %sign3A_27 = arith.extui %sign3A_26 : i1 to i32
      %sign3A_28 = arith.constant 0 : i32
      %sign3A_29 = arith.cmpi slt, %scan3A_25, %sign3A_28 : i32
      %sign3A_30 = arith.extui %sign3A_29 : i1 to i32
      %sign3A_31 = arith.subi %sign3A_27, %sign3A_30 : i32
      %sign3A_32 = arith.constant 0 : i32
      %sign3A_33 = arith.cmpi sgt, %jit3A, %sign3A_32 : i32
      %sign3A_34 = arith.extui %sign3A_33 : i1 to i32
      %sign3A_35 = arith.constant 0 : i32
      %sign3A_36 = arith.cmpi slt, %jit3A, %sign3A_35 : i32
      %sign3A_37 = arith.extui %sign3A_36 : i1 to i32
      %sign3A_38 = arith.subi %sign3A_34, %sign3A_37 : i32
      %ne3A = arith.cmpi ne, %sign3A_31, %sign3A_38 : i32
      %rem3A = arith.remsi %scan3A_25, %jit3A : i32
      %ne3A_39 = arith.constant 0 : i32
      %ne3A_40 = arith.cmpi ne, %rem3A, %ne3A_39 : i32
      %and3A = arith.andi %ne3A, %ne3A_40 : i1
      %sub3A = arith.constant 1 : i32
      %sub3A_41 = arith.subi %div3A, %sub3A : i32
      %select_n3A = arith.select %and3A, %sub3A_41, %div3A : i32
      %jit3A_42 = arith.constant 8 : i32
      %eq3A = arith.constant 0 : i32
      %eq3A_43 = arith.cmpi eq, %jit3A_42, %eq3A : i32
      %jit3A_44 = arith.constant 1 : i32
      %select_n3A_45 = arith.select %eq3A_43, %jit3A_44, %jit3A_42 : i32
      %rem3A_46 = arith.remsi %scan3A_25, %select_n3A_45 : i32
      %ne3A_47 = arith.constant 0 : i32
      %ne3A_48 = arith.cmpi ne, %rem3A_46, %ne3A_47 : i32
      %lt3A = arith.constant 0 : i32
      %lt3A_49 = arith.cmpi slt, %rem3A_46, %lt3A : i32
      %lt3A_50 = arith.constant 0 : i32
      %lt3A_51 = arith.cmpi slt, %select_n3A_45, %lt3A_50 : i32
      %ne3A_52 = arith.xori %lt3A_49, %lt3A_51 : i1
      %and3A_53 = arith.andi %ne3A_52, %ne3A_48 : i1
      %add3A = arith.addi %rem3A_46, %select_n3A_45 : i32
      %select_n3A_54 = arith.select %and3A_53, %add3A, %rem3A_46 : i32
      %mul3A = arith.constant 16 : i32
      %mul3A_55 = arith.muli %select_n3A_54, %mul3A : i32
      %swap3A = arith.index_cast %select_n3A : i32 to index
      %swap3A_56 = arith.index_cast %mul3A_55 : i32 to index
      %swap3A_57 = tpu.vector_load %arg9[%swap3A, %swap3A_56] {strides = array<i32>} : memref<128x128xf32, #tpu.memory_space<vmem>>, vector<1x16xf32>,
      %swap3A_58 = vector.shape_cast %swap3A_57 : vector<1x16xf32> to vector<16xf32>
      %swap3A_59 = vector.shape_cast %broadcast_in_dim3A_0 : vector<16xf32> to vector<1x16xf32>
      tpu.vector_store %arg9[%swap3A, %swap3A_56], %swap3A_59 {strides = array<i32>} : memref<128x128xf32, #tpu.memory_space<vmem>>, vector<1x16xf32>,
    }
    %scan3A_5 = arith.constant 1024 : i32
    %scan3A_6 = arith.constant 0 : i32
    %scan3A_7 = arith.constant 0 : i32
    %scan3A_8 = arith.constant 5 : i32
    %scan3A_9 = arith.addi %scan3A_7, %scan3A_8 : i32
    %scan3A_10 = arith.constant 1 : i32
    scf.for %scan3A_25 = %scan3A_7 to %scan3A_9 step %scan3A_10  : i32 {
      %mul3A = arith.constant 640 : i32
      %mul3A_26 = arith.muli %arg1, %mul3A : i32
      %mul3A_27 = arith.constant 128 : i32
      %mul3A_28 = arith.muli %scan3A_25, %mul3A_27 : i32
      %add3A = arith.addi %mul3A_26, %mul3A_28 : i32
      "tpu.region"() ({
        %run_scoped3A = tpu.sem_alloc : memref<!tpu.dma_semaphore, #tpu.memory_space<semaphore_mem>>
        %dma_start3A = arith.constant 0 : i32
        %dma_start3A_29 = tpu.memref_slice %arg10[%add3A, %dma_start3A] : memref<10240x128xf32, #tpu.memory_space<vmem_shared>> -> memref<128x128xf32, #tpu.memory_space<vmem_shared>>
        %dma_start3A_30 = arith.constant 0 : i32
        %dma_start3A_31 = tpu.memref_slice %arg10[%add3A, %dma_start3A_30] : memref<10240x128xf32, #tpu.memory_space<vmem_shared>> -> memref<128x128xf32, #tpu.memory_space<vmem_shared>>
        tpu.enqueue_dma source(%arg9 : memref<128x128xf32, #tpu.memory_space<vmem>>) target(%dma_start3A_31 : memref<128x128xf32, #tpu.memory_space<vmem_shared>>) target_semaphore(%run_scoped3A : memref<!tpu.dma_semaphore, #tpu.memory_space<semaphore_mem>>)
        %dma_wait3A = arith.constant 0 : i32
        %dma_wait3A_32 = tpu.memref_slice %arg10[%add3A, %dma_wait3A] : memref<10240x128xf32, #tpu.memory_space<vmem_shared>> -> memref<128x128xf32, #tpu.memory_space<vmem_shared>>
        %dma_wait3A_33 = arith.constant 0 : i32
        %dma_wait3A_34 = tpu.memref_slice %arg10[%add3A, %dma_wait3A_33] : memref<10240x128xf32, #tpu.memory_space<vmem_shared>> -> memref<128x128xf32, #tpu.memory_space<vmem_shared>>
        tpu.wait_dma2 semaphore(%run_scoped3A : memref<!tpu.dma_semaphore, #tpu.memory_space<semaphore_mem>>) src(%arg9 : memref<128x128xf32, #tpu.memory_space<vmem>>) dst(%dma_wait3A_34 : memref<128x128xf32, #tpu.memory_space<vmem_shared>>)
        tpu.yield
      }) : () -> ()
    }
    %scan3A_11 = arith.constant 5 : i32
    %barrier3A = arith.constant 0 : index
    tpu.barrier barrier_id(%barrier3A)
    %scan3A_12 = arith.constant 0 : i32
    %scan3A_13 = arith.constant 0 : i32
    %scan3A_14 = arith.constant 80 : i32
    %scan3A_15 = arith.addi %scan3A_13, %scan3A_14 : i32
    %scan3A_16 = arith.constant 1 : i32
    scf.for %scan3A_25 = %scan3A_13 to %scan3A_15 step %scan3A_16  : i32 {
      %dma_start3A = arith.constant 0 : i32
      %dma_start3A_26 = tpu.memref_slice %arg7[%scan3A_25, %dma_start3A] : memref<80x128xi32, #tpu.memory_space<vmem>> -> memref<1x128xi32, #tpu.memory_space<vmem>>
      %dma_start3A_27 = tpu.memref_squeeze %dma_start3A_26 : memref<1x128xi32, #tpu.memory_space<vmem>> -> memref<128xi32, #tpu.memory_space<vmem>>
      %dma_start3A_28 = arith.constant 0 : i32
      %dma_start3A_29 = arith.constant 0 : i32
      %dma_start3A_30 = tpu.memref_slice %arg3[%arg0, %dma_start3A_28, %dma_start3A_29] : memref<2x10000x128xf32, #tpu.memory_space<hbm>> -> memref<1x10000x128xf32, #tpu.memory_space<hbm>>
      %dma_start3A_31 = tpu.memref_squeeze %dma_start3A_30 : memref<1x10000x128xf32, #tpu.memory_space<hbm>> -> memref<10000x128xf32, #tpu.memory_space<hbm>>
      %dma_start3A_32 = arith.constant 0 : i32
      %dma_start3A_33 = arith.constant 0 : i32
      %dma_start3A_34 = tpu.memref_slice %dma_start3A_31[%dma_start3A_32, %dma_start3A_33] : memref<10000x128xf32, #tpu.memory_space<hbm>> -> memref<10000x128xf32, #tpu.memory_space<hbm>>
      tpu.enqueue_indirect_dma source(%dma_start3A_34 : memref<10000x128xf32, #tpu.memory_space<hbm>>) target(%arg9 : memref<128x128xf32, #tpu.memory_space<vmem>>) offsets(%dma_start3A_27 : memref<128xi32, #tpu.memory_space<vmem>>) semaphore(%arg11 : memref<!tpu.dma_semaphore, #tpu.memory_space<semaphore_mem>>)
      %dma_wait3A = arith.constant 0 : i32
      %dma_wait3A_35 = tpu.memref_slice %arg7[%scan3A_25, %dma_wait3A] : memref<80x128xi32, #tpu.memory_space<vmem>> -> memref<1x128xi32, #tpu.memory_space<vmem>>
      %dma_wait3A_36 = tpu.memref_squeeze %dma_wait3A_35 : memref<1x128xi32, #tpu.memory_space<vmem>> -> memref<128xi32, #tpu.memory_space<vmem>>
      %dma_wait3A_37 = arith.constant 0 : i32
      %dma_wait3A_38 = arith.constant 0 : i32
      %dma_wait3A_39 = tpu.memref_slice %arg3[%arg0, %dma_wait3A_37, %dma_wait3A_38] : memref<2x10000x128xf32, #tpu.memory_space<hbm>> -> memref<1x10000x128xf32, #tpu.memory_space<hbm>>
      %dma_wait3A_40 = tpu.memref_squeeze %dma_wait3A_39 : memref<1x10000x128xf32, #tpu.memory_space<hbm>> -> memref<10000x128xf32, #tpu.memory_space<hbm>>
      %dma_wait3A_41 = arith.constant 0 : i32
      %dma_wait3A_42 = arith.constant 0 : i32
      %dma_wait3A_43 = tpu.memref_slice %dma_wait3A_40[%dma_wait3A_41, %dma_wait3A_42] : memref<10000x128xf32, #tpu.memory_space<hbm>> -> memref<10000x128xf32, #tpu.memory_space<hbm>>
      tpu.wait_indirect_dma semaphore(%arg11 : memref<!tpu.dma_semaphore, #tpu.memory_space<semaphore_mem>>) src(%dma_wait3A_43 : memref<10000x128xf32, #tpu.memory_space<hbm>>) dst(%arg9 : memref<128x128xf32, #tpu.memory_space<vmem>>)
      "tpu.region"() ({
        %run_scoped3A = tpu.sem_alloc : memref<!tpu.dma_semaphore, #tpu.memory_space<semaphore_mem>>
        %dma_start3A_44 = arith.constant 0 : i32
        %dma_start3A_45 = tpu.memref_slice %arg8[%scan3A_25, %dma_start3A_44] : memref<80x128xi32, #tpu.memory_space<vmem>> -> memref<1x128xi32, #tpu.memory_space<vmem>>
        %dma_start3A_46 = tpu.memref_squeeze %dma_start3A_45 : memref<1x128xi32, #tpu.memory_space<vmem>> -> memref<128xi32, #tpu.memory_space<vmem>>
        %dma_start3A_47 = arith.constant 0 : i32
        %dma_start3A_48 = arith.constant 0 : i32
        %dma_start3A_49 = tpu.memref_slice %arg10[%dma_start3A_47, %dma_start3A_48] : memref<10240x128xf32, #tpu.memory_space<vmem_shared>> -> memref<10240x128xf32, #tpu.memory_space<vmem_shared>>
        tpu.enqueue_indirect_dma source(%arg9 : memref<128x128xf32, #tpu.memory_space<vmem>>) target(%dma_start3A_49 : memref<10240x128xf32, #tpu.memory_space<vmem_shared>>) offsets(%dma_start3A_46 : memref<128xi32, #tpu.memory_space<vmem>>) semaphore(%run_scoped3A : memref<!tpu.dma_semaphore, #tpu.memory_space<semaphore_mem>>) {add = true}
        %dma_wait3A_50 = arith.constant 0 : i32
        %dma_wait3A_51 = tpu.memref_slice %arg8[%scan3A_25, %dma_wait3A_50] : memref<80x128xi32, #tpu.memory_space<vmem>> -> memref<1x128xi32, #tpu.memory_space<vmem>>
        %dma_wait3A_52 = tpu.memref_squeeze %dma_wait3A_51 : memref<1x128xi32, #tpu.memory_space<vmem>> -> memref<128xi32, #tpu.memory_space<vmem>>
        %dma_wait3A_53 = arith.constant 0 : i32
        %dma_wait3A_54 = arith.constant 0 : i32
        %dma_wait3A_55 = tpu.memref_slice %arg10[%dma_wait3A_53, %dma_wait3A_54] : memref<10240x128xf32, #tpu.memory_space<vmem_shared>> -> memref<10240x128xf32, #tpu.memory_space<vmem_shared>>
        tpu.wait_indirect_dma semaphore(%run_scoped3A : memref<!tpu.dma_semaphore, #tpu.memory_space<semaphore_mem>>) src(%arg9 : memref<128x128xf32, #tpu.memory_space<vmem>>) dst(%dma_wait3A_55 : memref<10240x128xf32, #tpu.memory_space<vmem_shared>>)
        tpu.yield
      }) : () -> ()
    }
    %scan3A_17 = arith.constant 80 : i32
    %barrier3A_18 = arith.constant 0 : index
    tpu.barrier barrier_id(%barrier3A_18)
    %scan3A_19 = arith.constant 0 : i32
    %scan3A_20 = arith.constant 0 : i32
    %scan3A_21 = arith.constant 5 : i32
    %scan3A_22 = arith.addi %scan3A_20, %scan3A_21 : i32
    %scan3A_23 = arith.constant 1 : i32
    scf.for %scan3A_25 = %scan3A_20 to %scan3A_22 step %scan3A_23  : i32 {
      %mul3A = arith.constant 640 : i32
      %mul3A_26 = arith.muli %arg1, %mul3A : i32
      %mul3A_27 = arith.constant 128 : i32
      %mul3A_28 = arith.muli %scan3A_25, %mul3A_27 : i32
      %add3A = arith.addi %mul3A_26, %mul3A_28 : i32
      "tpu.region"() ({
        %run_scoped3A = tpu.sem_alloc : memref<!tpu.dma_semaphore, #tpu.memory_space<semaphore_mem>>
        %dma_start3A = arith.constant 0 : i32
        %dma_start3A_34 = tpu.memref_slice %arg10[%add3A, %dma_start3A] : memref<10240x128xf32, #tpu.memory_space<vmem_shared>> -> memref<128x128xf32, #tpu.memory_space<vmem_shared>>
        %dma_start3A_35 = arith.constant 0 : i32
        %dma_start3A_36 = tpu.memref_slice %arg10[%add3A, %dma_start3A_35] : memref<10240x128xf32, #tpu.memory_space<vmem_shared>> -> memref<128x128xf32, #tpu.memory_space<vmem_shared>>
        tpu.enqueue_dma source(%dma_start3A_36 : memref<128x128xf32, #tpu.memory_space<vmem_shared>>) target(%arg9 : memref<128x128xf32, #tpu.memory_space<vmem>>) target_semaphore(%run_scoped3A : memref<!tpu.dma_semaphore, #tpu.memory_space<semaphore_mem>>)
        %dma_wait3A = arith.constant 0 : i32
        %dma_wait3A_37 = tpu.memref_slice %arg10[%add3A, %dma_wait3A] : memref<10240x128xf32, #tpu.memory_space<vmem_shared>> -> memref<128x128xf32, #tpu.memory_space<vmem_shared>>
        %dma_wait3A_38 = arith.constant 0 : i32
        %dma_wait3A_39 = tpu.memref_slice %arg10[%add3A, %dma_wait3A_38] : memref<10240x128xf32, #tpu.memory_space<vmem_shared>> -> memref<128x128xf32, #tpu.memory_space<vmem_shared>>
        tpu.wait_dma2 semaphore(%run_scoped3A : memref<!tpu.dma_semaphore, #tpu.memory_space<semaphore_mem>>) src(%dma_wait3A_39 : memref<128x128xf32, #tpu.memory_space<vmem_shared>>) dst(%arg9 : memref<128x128xf32, #tpu.memory_space<vmem>>)
        tpu.yield
      }) : () -> ()
      %mul3A_29 = arith.constant 640 : i32
      %mul3A_30 = arith.muli %arg1, %mul3A_29 : i32
      %mul3A_31 = arith.constant 128 : i32
      %mul3A_32 = arith.muli %scan3A_25, %mul3A_31 : i32
      %add3A_33 = arith.addi %mul3A_30, %mul3A_32 : i32
      "tpu.region"() ({
        %run_scoped3A = tpu.sem_alloc : memref<!tpu.dma_semaphore, #tpu.memory_space<semaphore_mem>>
        %dma_start3A = arith.constant 0 : i32
        %dma_start3A_34 = tpu.memref_slice %arg6[%arg0, %add3A_33, %dma_start3A] : memref<2x10240x128xf32, #tpu.memory_space<hbm>> -> memref<1x128x128xf32, #tpu.memory_space<hbm>>
        %dma_start3A_35 = tpu.memref_squeeze %dma_start3A_34 : memref<1x128x128xf32, #tpu.memory_space<hbm>> -> memref<128x128xf32, #tpu.memory_space<hbm>>
        %dma_start3A_36 = arith.constant 0 : i32
        %dma_start3A_37 = tpu.memref_slice %arg6[%arg0, %add3A_33, %dma_start3A_36] : memref<2x10240x128xf32, #tpu.memory_space<hbm>> -> memref<1x128x128xf32, #tpu.memory_space<hbm>>
        %dma_start3A_38 = tpu.memref_squeeze %dma_start3A_37 : memref<1x128x128xf32, #tpu.memory_space<hbm>> -> memref<128x128xf32, #tpu.memory_space<hbm>>
        tpu.enqueue_dma source(%arg9 : memref<128x128xf32, #tpu.memory_space<vmem>>) target(%dma_start3A_38 : memref<128x128xf32, #tpu.memory_space<hbm>>) target_semaphore(%run_scoped3A : memref<!tpu.dma_semaphore, #tpu.memory_space<semaphore_mem>>)
        %dma_wait3A = arith.constant 0 : i32
        %dma_wait3A_39 = tpu.memref_slice %arg6[%arg0, %add3A_33, %dma_wait3A] : memref<2x10240x128xf32, #tpu.memory_space<hbm>> -> memref<1x128x128xf32, #tpu.memory_space<hbm>>
        %dma_wait3A_40 = tpu.memref_squeeze %dma_wait3A_39 : memref<1x128x128xf32, #tpu.memory_space<hbm>> -> memref<128x128xf32, #tpu.memory_space<hbm>>
        %dma_wait3A_41 = arith.constant 0 : i32
        %dma_wait3A_42 = tpu.memref_slice %arg6[%arg0, %add3A_33, %dma_wait3A_41] : memref<2x10240x128xf32, #tpu.memory_space<hbm>> -> memref<1x128x128xf32, #tpu.memory_space<hbm>>
        %dma_wait3A_43 = tpu.memref_squeeze %dma_wait3A_42 : memref<1x128x128xf32, #tpu.memory_space<hbm>> -> memref<128x128xf32, #tpu.memory_space<hbm>>
        tpu.wait_dma2 semaphore(%run_scoped3A : memref<!tpu.dma_semaphore, #tpu.memory_space<semaphore_mem>>) src(%arg9 : memref<128x128xf32, #tpu.memory_space<vmem>>) dst(%dma_wait3A_43 : memref<128x128xf32, #tpu.memory_space<hbm>>)
        tpu.yield
      }) : () -> ()
    }
    %scan3A_24 = arith.constant 5 : i32
    return
  }
}

#map = affine_map<(d0, d1) -> (0, 0, 0, 0)>
#map1 = affine_map<(d0, d1) -> (0)>
module attributes {stable_mosaic.version = 14 : i64} {
  func.func @_sc_buildc(%arg0: i32, %arg1: i32, %arg2: memref<2x16x80x128xi32, #tpu.memory_space<hbm>>, %arg3: memref<2x16x80x128xi32, #tpu.memory_space<hbm>>, %arg4: memref<20000xf32, #tpu.memory_space<hbm>>, %arg5: memref<4006400xf32, #tpu.memory_space<hbm>>, %arg6: memref<16x128xi32, #tpu.memory_space<vmem>>, %arg7: memref<16x128xi32, #tpu.memory_space<vmem>>, %arg8: memref<16x128xi32, #tpu.memory_space<vmem>>, %arg9: memref<16x128xf32, #tpu.memory_space<vmem>>, %arg10: memref<2512xf32, #tpu.memory_space<vmem>>, %arg11: memref<2512xf32, #tpu.memory_space<vmem>>, %arg12: memref<1001600xf32, #tpu.memory_space<vmem_shared>>, %arg13: memref<!tpu.dma_semaphore, #tpu.memory_space<semaphore_mem>>, %arg14: memref<!tpu.dma_semaphore, #tpu.memory_space<semaphore_mem>>) attributes {dimension_semantics = [#tpu.dimension_semantics<core_parallel>, #tpu.dimension_semantics<subcore_parallel>], iteration_bounds = array<i64: 2, 16>, scalar_prefetch = 0 : i64, scratch_operands = 9 : i64, tpu.core_type = #tpu.core_type<sc_vector_subcore>, window_params = [{transform_indices = #map}, {transform_indices = #map}, {transform_indices = #map1}, {transform_indices = #map1}]} {
    %broadcast_in_dim3A = arith.constant 0.000000e+00 : f32
    %broadcast_in_dim3A_0 = vector.broadcast %broadcast_in_dim3A : f32 to vector<16xf32>
    %scan3A = arith.constant 0 : i32
    %scan3A_1 = arith.constant 0 : i32
    %scan3A_2 = arith.constant 157 : i32
    %scan3A_3 = arith.addi %scan3A_1, %scan3A_2 : i32
    %scan3A_4 = arith.constant 1 : i32
    scf.for %scan3A_61 = %scan3A_1 to %scan3A_3 step %scan3A_4  : i32 {
      %mul3A_62 = arith.constant 16 : i32
      %mul3A_63 = arith.muli %scan3A_61, %mul3A_62 : i32
      %swap3A = arith.index_cast %mul3A_63 : i32 to index
      %swap3A_64 = tpu.vector_load %arg10[%swap3A] {strides = array<i32>} : memref<2512xf32, #tpu.memory_space<vmem>>, vector<16xf32>,
      %swap3A_65 = vector.shape_cast %swap3A_64 : vector<16xf32> to vector<16xf32>
      %swap3A_66 = vector.shape_cast %broadcast_in_dim3A_0 : vector<16xf32> to vector<16xf32>
      tpu.vector_store %arg10[%swap3A], %swap3A_66 {strides = array<i32>} : memref<2512xf32, #tpu.memory_space<vmem>>, vector<16xf32>,
    }
    %scan3A_5 = arith.constant 157 : i32
    %mul3A = arith.constant 10000 : i32
    %mul3A_6 = arith.muli %arg0, %mul3A : i32
    %scan3A_7 = arith.constant 0 : i32
    %scan3A_8 = arith.constant 0 : i32
    %scan3A_9 = arith.constant 25 : i32
    %scan3A_10 = arith.addi %scan3A_8, %scan3A_9 : i32
    %scan3A_11 = arith.constant 1 : i32
    scf.for %scan3A_61 = %scan3A_8 to %scan3A_10 step %scan3A_11  : i32 {
      %mul3A_62 = arith.constant 62600 : i32
      %mul3A_63 = arith.muli %arg1, %mul3A_62 : i32
      %mul3A_64 = arith.constant 2504 : i32
      %mul3A_65 = arith.muli %scan3A_61, %mul3A_64 : i32
      %add3A_66 = arith.addi %mul3A_63, %mul3A_65 : i32
      "tpu.region"() ({
        %run_scoped3A = tpu.sem_alloc : memref<!tpu.dma_semaphore, #tpu.memory_space<semaphore_mem>>
        %dma_start3A = arith.constant 0 : i32
        %dma_start3A_67 = tpu.memref_slice %arg10[%dma_start3A] : memref<2512xf32, #tpu.memory_space<vmem>> -> memref<2504xf32, #tpu.memory_space<vmem>>
        %dma_start3A_68 = tpu.memref_slice %arg12[%add3A_66] : memref<1001600xf32, #tpu.memory_space<vmem_shared>> -> memref<2504xf32, #tpu.memory_space<vmem_shared>>
        %dma_start3A_69 = tpu.memref_slice %arg12[%add3A_66] : memref<1001600xf32, #tpu.memory_space<vmem_shared>> -> memref<2504xf32, #tpu.memory_space<vmem_shared>>
        %dma_start3A_70 = arith.constant 0 : i32
        %dma_start3A_71 = tpu.memref_slice %arg10[%dma_start3A_70] : memref<2512xf32, #tpu.memory_space<vmem>> -> memref<2504xf32, #tpu.memory_space<vmem>>
        tpu.enqueue_dma source(%dma_start3A_71 : memref<2504xf32, #tpu.memory_space<vmem>>) target(%dma_start3A_69 : memref<2504xf32, #tpu.memory_space<vmem_shared>>) target_semaphore(%run_scoped3A : memref<!tpu.dma_semaphore, #tpu.memory_space<semaphore_mem>>)
        %dma_wait3A = arith.constant 0 : i32
        %dma_wait3A_72 = tpu.memref_slice %arg10[%dma_wait3A] : memref<2512xf32, #tpu.memory_space<vmem>> -> memref<2504xf32, #tpu.memory_space<vmem>>
        %dma_wait3A_73 = tpu.memref_slice %arg12[%add3A_66] : memref<1001600xf32, #tpu.memory_space<vmem_shared>> -> memref<2504xf32, #tpu.memory_space<vmem_shared>>
        %dma_wait3A_74 = tpu.memref_slice %arg12[%add3A_66] : memref<1001600xf32, #tpu.memory_space<vmem_shared>> -> memref<2504xf32, #tpu.memory_space<vmem_shared>>
        %dma_wait3A_75 = arith.constant 0 : i32
        %dma_wait3A_76 = tpu.memref_slice %arg10[%dma_wait3A_75] : memref<2512xf32, #tpu.memory_space<vmem>> -> memref<2504xf32, #tpu.memory_space<vmem>>
        tpu.wait_dma2 semaphore(%run_scoped3A : memref<!tpu.dma_semaphore, #tpu.memory_space<semaphore_mem>>) src(%dma_wait3A_76 : memref<2504xf32, #tpu.memory_space<vmem>>) dst(%dma_wait3A_74 : memref<2504xf32, #tpu.memory_space<vmem_shared>>)
        tpu.yield
      }) : () -> ()
    }
    %scan3A_12 = arith.constant 25 : i32
    %barrier3A = arith.constant 0 : index
    tpu.barrier barrier_id(%barrier3A)
    %scan3A_13 = arith.constant 0 : i32
    %scan3A_14 = arith.constant 0 : i32
    %scan3A_15 = arith.constant 5 : i32
    %scan3A_16 = arith.addi %scan3A_14, %scan3A_15 : i32
    %scan3A_17 = arith.constant 1 : i32
    scf.for %scan3A_61 = %scan3A_14 to %scan3A_16 step %scan3A_17  : i32 {
      %mul3A_62 = arith.constant 16 : i32
      %mul3A_63 = arith.muli %scan3A_61, %mul3A_62 : i32
      "tpu.region"() ({
        %run_scoped3A = tpu.sem_alloc : memref<!tpu.dma_semaphore, #tpu.memory_space<semaphore_mem>>
        %dma_start3A = arith.constant 0 : i32
        %dma_start3A_96 = tpu.memref_slice %arg3[%arg0, %arg1, %mul3A_63, %dma_start3A] : memref<2x16x80x128xi32, #tpu.memory_space<hbm>> -> memref<1x1x16x128xi32, #tpu.memory_space<hbm>>
        %dma_start3A_97 = tpu.memref_squeeze %dma_start3A_96 : memref<1x1x16x128xi32, #tpu.memory_space<hbm>> -> memref<16x128xi32, #tpu.memory_space<hbm>>
        %dma_start3A_98 = arith.constant 0 : i32
        %dma_start3A_99 = tpu.memref_slice %arg3[%arg0, %arg1, %mul3A_63, %dma_start3A_98] : memref<2x16x80x128xi32, #tpu.memory_space<hbm>> -> memref<1x1x16x128xi32, #tpu.memory_space<hbm>>
        %dma_start3A_100 = tpu.memref_squeeze %dma_start3A_99 : memref<1x1x16x128xi32, #tpu.memory_space<hbm>> -> memref<16x128xi32, #tpu.memory_space<hbm>>
        tpu.enqueue_dma source(%dma_start3A_100 : memref<16x128xi32, #tpu.memory_space<hbm>>) target(%arg6 : memref<16x128xi32, #tpu.memory_space<vmem>>) target_semaphore(%run_scoped3A : memref<!tpu.dma_semaphore, #tpu.memory_space<semaphore_mem>>)
        %dma_wait3A = arith.constant 0 : i32
        %dma_wait3A_101 = tpu.memref_slice %arg3[%arg0, %arg1, %mul3A_63, %dma_wait3A] : memref<2x16x80x128xi32, #tpu.memory_space<hbm>> -> memref<1x1x16x128xi32, #tpu.memory_space<hbm>>
        %dma_wait3A_102 = tpu.memref_squeeze %dma_wait3A_101 : memref<1x1x16x128xi32, #tpu.memory_space<hbm>> -> memref<16x128xi32, #tpu.memory_space<hbm>>
        %dma_wait3A_103 = arith.constant 0 : i32
        %dma_wait3A_104 = tpu.memref_slice %arg3[%arg0, %arg1, %mul3A_63, %dma_wait3A_103] : memref<2x16x80x128xi32, #tpu.memory_space<hbm>> -> memref<1x1x16x128xi32, #tpu.memory_space<hbm>>
        %dma_wait3A_105 = tpu.memref_squeeze %dma_wait3A_104 : memref<1x1x16x128xi32, #tpu.memory_space<hbm>> -> memref<16x128xi32, #tpu.memory_space<hbm>>
        tpu.wait_dma2 semaphore(%run_scoped3A : memref<!tpu.dma_semaphore, #tpu.memory_space<semaphore_mem>>) src(%dma_wait3A_105 : memref<16x128xi32, #tpu.memory_space<hbm>>) dst(%arg6 : memref<16x128xi32, #tpu.memory_space<vmem>>)
        tpu.yield
      }) : () -> ()
      %mul3A_64 = arith.constant 16 : i32
      %mul3A_65 = arith.muli %scan3A_61, %mul3A_64 : i32
      "tpu.region"() ({
        %run_scoped3A = tpu.sem_alloc : memref<!tpu.dma_semaphore, #tpu.memory_space<semaphore_mem>>
        %dma_start3A = arith.constant 0 : i32
        %dma_start3A_96 = tpu.memref_slice %arg2[%arg0, %arg1, %mul3A_65, %dma_start3A] : memref<2x16x80x128xi32, #tpu.memory_space<hbm>> -> memref<1x1x16x128xi32, #tpu.memory_space<hbm>>
        %dma_start3A_97 = tpu.memref_squeeze %dma_start3A_96 : memref<1x1x16x128xi32, #tpu.memory_space<hbm>> -> memref<16x128xi32, #tpu.memory_space<hbm>>
        %dma_start3A_98 = arith.constant 0 : i32
        %dma_start3A_99 = tpu.memref_slice %arg2[%arg0, %arg1, %mul3A_65, %dma_start3A_98] : memref<2x16x80x128xi32, #tpu.memory_space<hbm>> -> memref<1x1x16x128xi32, #tpu.memory_space<hbm>>
        %dma_start3A_100 = tpu.memref_squeeze %dma_start3A_99 : memref<1x1x16x128xi32, #tpu.memory_space<hbm>> -> memref<16x128xi32, #tpu.memory_space<hbm>>
        tpu.enqueue_dma source(%dma_start3A_100 : memref<16x128xi32, #tpu.memory_space<hbm>>) target(%arg7 : memref<16x128xi32, #tpu.memory_space<vmem>>) target_semaphore(%run_scoped3A : memref<!tpu.dma_semaphore, #tpu.memory_space<semaphore_mem>>)
        %dma_wait3A = arith.constant 0 : i32
        %dma_wait3A_101 = tpu.memref_slice %arg2[%arg0, %arg1, %mul3A_65, %dma_wait3A] : memref<2x16x80x128xi32, #tpu.memory_space<hbm>> -> memref<1x1x16x128xi32, #tpu.memory_space<hbm>>
        %dma_wait3A_102 = tpu.memref_squeeze %dma_wait3A_101 : memref<1x1x16x128xi32, #tpu.memory_space<hbm>> -> memref<16x128xi32, #tpu.memory_space<hbm>>
        %dma_wait3A_103 = arith.constant 0 : i32
        %dma_wait3A_104 = tpu.memref_slice %arg2[%arg0, %arg1, %mul3A_65, %dma_wait3A_103] : memref<2x16x80x128xi32, #tpu.memory_space<hbm>> -> memref<1x1x16x128xi32, #tpu.memory_space<hbm>>
        %dma_wait3A_105 = tpu.memref_squeeze %dma_wait3A_104 : memref<1x1x16x128xi32, #tpu.memory_space<hbm>> -> memref<16x128xi32, #tpu.memory_space<hbm>>
        tpu.wait_dma2 semaphore(%run_scoped3A : memref<!tpu.dma_semaphore, #tpu.memory_space<semaphore_mem>>) src(%dma_wait3A_105 : memref<16x128xi32, #tpu.memory_space<hbm>>) dst(%arg7 : memref<16x128xi32, #tpu.memory_space<vmem>>)
        tpu.yield
      }) : () -> ()
      %scan3A_66 = arith.constant 0 : i32
      %scan3A_67 = arith.constant 0 : i32
      %scan3A_68 = arith.constant 16 : i32
      %scan3A_69 = arith.addi %scan3A_67, %scan3A_68 : i32
      %scan3A_70 = arith.constant 1 : i32
      scf.for %scan3A_96 = %scan3A_67 to %scan3A_69 step %scan3A_70  : i32 {
        %dma_start3A = arith.constant 0 : i32
        %dma_start3A_97 = tpu.memref_slice %arg9[%scan3A_96, %dma_start3A] : memref<16x128xf32, #tpu.memory_space<vmem>> -> memref<1x128xf32, #tpu.memory_space<vmem>>
        %dma_start3A_98 = tpu.memref_squeeze %dma_start3A_97 : memref<1x128xf32, #tpu.memory_space<vmem>> -> memref<128xf32, #tpu.memory_space<vmem>>
        %dma_start3A_99 = arith.constant 0 : i32
        %dma_start3A_100 = tpu.memref_slice %arg6[%scan3A_96, %dma_start3A_99] : memref<16x128xi32, #tpu.memory_space<vmem>> -> memref<1x128xi32, #tpu.memory_space<vmem>>
        %dma_start3A_101 = tpu.memref_squeeze %dma_start3A_100 : memref<1x128xi32, #tpu.memory_space<vmem>> -> memref<128xi32, #tpu.memory_space<vmem>>
        %dma_start3A_102 = tpu.memref_slice %arg4[%mul3A_6] : memref<20000xf32, #tpu.memory_space<hbm>> -> memref<10000xf32, #tpu.memory_space<hbm>>
        %dma_start3A_103 = arith.constant 0 : i32
        %dma_start3A_104 = tpu.memref_slice %dma_start3A_102[%dma_start3A_103] : memref<10000xf32, #tpu.memory_space<hbm>> -> memref<10000xf32, #tpu.memory_space<hbm>>
        tpu.enqueue_indirect_dma source(%dma_start3A_104 : memref<10000xf32, #tpu.memory_space<hbm>>) target(%dma_start3A_98 : memref<128xf32, #tpu.memory_space<vmem>>) offsets(%dma_start3A_101 : memref<128xi32, #tpu.memory_space<vmem>>) semaphore(%arg13 : memref<!tpu.dma_semaphore, #tpu.memory_space<semaphore_mem>>)
      }
      %scan3A_71 = arith.constant 16 : i32
      %scan3A_72 = arith.constant 0 : i32
      %scan3A_73 = arith.constant 0 : i32
      %scan3A_74 = arith.constant 128 : i32
      %scan3A_75 = arith.addi %scan3A_73, %scan3A_74 : i32
      %scan3A_76 = arith.constant 1 : i32
      scf.for %scan3A_96 = %scan3A_73 to %scan3A_75 step %scan3A_76  : i32 {
        %jit3A = arith.constant 8 : i32
        %div3A = arith.divsi %scan3A_96, %jit3A : i32
        %sign3A = arith.constant 0 : i32
        %sign3A_97 = arith.cmpi sgt, %scan3A_96, %sign3A : i32
        %sign3A_98 = arith.extui %sign3A_97 : i1 to i32
        %sign3A_99 = arith.constant 0 : i32
        %sign3A_100 = arith.cmpi slt, %scan3A_96, %sign3A_99 : i32
        %sign3A_101 = arith.extui %sign3A_100 : i1 to i32
        %sign3A_102 = arith.subi %sign3A_98, %sign3A_101 : i32
        %sign3A_103 = arith.constant 0 : i32
        %sign3A_104 = arith.cmpi sgt, %jit3A, %sign3A_103 : i32
        %sign3A_105 = arith.extui %sign3A_104 : i1 to i32
        %sign3A_106 = arith.constant 0 : i32
        %sign3A_107 = arith.cmpi slt, %jit3A, %sign3A_106 : i32
        %sign3A_108 = arith.extui %sign3A_107 : i1 to i32
        %sign3A_109 = arith.subi %sign3A_105, %sign3A_108 : i32
        %ne3A = arith.cmpi ne, %sign3A_102, %sign3A_109 : i32
        %rem3A = arith.remsi %scan3A_96, %jit3A : i32
        %ne3A_110 = arith.constant 0 : i32
        %ne3A_111 = arith.cmpi ne, %rem3A, %ne3A_110 : i32
        %and3A = arith.andi %ne3A, %ne3A_111 : i1
        %sub3A = arith.constant 1 : i32
        %sub3A_112 = arith.subi %div3A, %sub3A : i32
        %select_n3A = arith.select %and3A, %sub3A_112, %div3A : i32
        %jit3A_113 = arith.constant 8 : i32
        %eq3A = arith.constant 0 : i32
        %eq3A_114 = arith.cmpi eq, %jit3A_113, %eq3A : i32
        %jit3A_115 = arith.constant 1 : i32
        %select_n3A_116 = arith.select %eq3A_114, %jit3A_115, %jit3A_113 : i32
        %rem3A_117 = arith.remsi %scan3A_96, %select_n3A_116 : i32
        %ne3A_118 = arith.constant 0 : i32
        %ne3A_119 = arith.cmpi ne, %rem3A_117, %ne3A_118 : i32
        %lt3A = arith.constant 0 : i32
        %lt3A_120 = arith.cmpi slt, %rem3A_117, %lt3A : i32
        %lt3A_121 = arith.constant 0 : i32
        %lt3A_122 = arith.cmpi slt, %select_n3A_116, %lt3A_121 : i32
        %ne3A_123 = arith.xori %lt3A_120, %lt3A_122 : i1
        %and3A_124 = arith.andi %ne3A_123, %ne3A_119 : i1
        %add3A_125 = arith.addi %rem3A_117, %select_n3A_116 : i32
        %select_n3A_126 = arith.select %and3A_124, %add3A_125, %rem3A_117 : i32
        %mul3A_127 = arith.constant 16 : i32
        %mul3A_128 = arith.muli %select_n3A_126, %mul3A_127 : i32
        %get3A = arith.index_cast %select_n3A : i32 to index
        %get3A_129 = arith.index_cast %mul3A_128 : i32 to index
        %get3A_130 = tpu.vector_load %arg7[%get3A, %get3A_129] {strides = array<i32>} : memref<16x128xi32, #tpu.memory_space<vmem>>, vector<1x16xi32>,
        %get3A_131 = vector.shape_cast %get3A_130 : vector<1x16xi32> to vector<16xi32>
        %ge3A = arith.constant 0 : i32
        %ge3A_132 = vector.broadcast %ge3A : i32 to vector<16xi32>
        %ge3A_133 = arith.cmpi sge, %get3A_131, %ge3A_132 : vector<16xi32>
        %lt3A_134 = arith.constant 1000000 : i32
        %lt3A_135 = vector.broadcast %lt3A_134 : i32 to vector<16xi32>
        %lt3A_136 = arith.cmpi slt, %get3A_131, %lt3A_135 : vector<16xi32>
        %and3A_137 = arith.andi %ge3A_133, %lt3A_136 : vector<16xi1>
        %rem3A_138 = arith.constant 1536 : i32
        %rem3A_139 = vector.broadcast %rem3A_138 : i32 to vector<16xi32>
        %rem3A_140 = arith.remsi %get3A_131, %rem3A_139 : vector<16xi32>
        %add3A_141 = arith.constant 1000000 : i32
        %add3A_142 = vector.broadcast %add3A_141 : i32 to vector<16xi32>
        %add3A_143 = arith.addi %add3A_142, %rem3A_140 : vector<16xi32>
        %sub3A_144 = arith.constant 0 : i32
        %sub3A_145 = vector.broadcast %sub3A_144 : i32 to vector<16xi32>
        %sub3A_146 = arith.subi %get3A_131, %sub3A_145 : vector<16xi32>
        %select_n3A_147 = arith.select %and3A_137, %sub3A_146, %add3A_143 : vector<16xi1>, vector<16xi32>
        %swap3A = arith.index_cast %select_n3A : i32 to index
        %swap3A_148 = arith.index_cast %mul3A_128 : i32 to index
        %swap3A_149 = tpu.vector_load %arg8[%swap3A, %swap3A_148] {strides = array<i32>} : memref<16x128xi32, #tpu.memory_space<vmem>>, vector<1x16xi32>,
        %swap3A_150 = vector.shape_cast %swap3A_149 : vector<1x16xi32> to vector<16xi32>
        %swap3A_151 = vector.shape_cast %select_n3A_147 : vector<16xi32> to vector<1x16xi32>
        tpu.vector_store %arg8[%swap3A, %swap3A_148], %swap3A_151 {strides = array<i32>} : memref<16x128xi32, #tpu.memory_space<vmem>>, vector<1x16xi32>,
      }
      %scan3A_77 = arith.constant 128 : i32
      %scan3A_78 = arith.constant 0 : i32
      %scan3A_79 = arith.constant 0 : i32
      %scan3A_80 = arith.constant 16 : i32
      %scan3A_81 = arith.addi %scan3A_79, %scan3A_80 : i32
      %scan3A_82 = arith.constant 1 : i32
      scf.for %scan3A_96 = %scan3A_79 to %scan3A_81 step %scan3A_82  : i32 {
        %dma_wait3A = arith.constant 0 : i32
        %dma_wait3A_97 = tpu.memref_slice %arg9[%scan3A_96, %dma_wait3A] : memref<16x128xf32, #tpu.memory_space<vmem>> -> memref<1x128xf32, #tpu.memory_space<vmem>>
        %dma_wait3A_98 = tpu.memref_squeeze %dma_wait3A_97 : memref<1x128xf32, #tpu.memory_space<vmem>> -> memref<128xf32, #tpu.memory_space<vmem>>
        %dma_wait3A_99 = arith.constant 0 : i32
        %dma_wait3A_100 = tpu.memref_slice %arg6[%scan3A_96, %dma_wait3A_99] : memref<16x128xi32, #tpu.memory_space<vmem>> -> memref<1x128xi32, #tpu.memory_space<vmem>>
        %dma_wait3A_101 = tpu.memref_squeeze %dma_wait3A_100 : memref<1x128xi32, #tpu.memory_space<vmem>> -> memref<128xi32, #tpu.memory_space<vmem>>
        %dma_wait3A_102 = tpu.memref_slice %arg4[%mul3A_6] : memref<20000xf32, #tpu.memory_space<hbm>> -> memref<10000xf32, #tpu.memory_space<hbm>>
        %dma_wait3A_103 = arith.constant 0 : i32
        %dma_wait3A_104 = tpu.memref_slice %dma_wait3A_102[%dma_wait3A_103] : memref<10000xf32, #tpu.memory_space<hbm>> -> memref<10000xf32, #tpu.memory_space<hbm>>
        tpu.wait_indirect_dma semaphore(%arg13 : memref<!tpu.dma_semaphore, #tpu.memory_space<semaphore_mem>>) src(%dma_wait3A_104 : memref<10000xf32, #tpu.memory_space<hbm>>) dst(%dma_wait3A_98 : memref<128xf32, #tpu.memory_space<vmem>>)
      }
      %scan3A_83 = arith.constant 16 : i32
      %scan3A_84 = arith.constant 0 : i32
      %scan3A_85 = arith.constant 0 : i32
      %scan3A_86 = arith.constant 16 : i32
      %scan3A_87 = arith.addi %scan3A_85, %scan3A_86 : i32
      %scan3A_88 = arith.constant 1 : i32
      scf.for %scan3A_96 = %scan3A_85 to %scan3A_87 step %scan3A_88  : i32 {
        %dma_start3A = arith.constant 0 : i32
        %dma_start3A_97 = tpu.memref_slice %arg9[%scan3A_96, %dma_start3A] : memref<16x128xf32, #tpu.memory_space<vmem>> -> memref<1x128xf32, #tpu.memory_space<vmem>>
        %dma_start3A_98 = tpu.memref_squeeze %dma_start3A_97 : memref<1x128xf32, #tpu.memory_space<vmem>> -> memref<128xf32, #tpu.memory_space<vmem>>
        %dma_start3A_99 = arith.constant 0 : i32
        %dma_start3A_100 = tpu.memref_slice %arg8[%scan3A_96, %dma_start3A_99] : memref<16x128xi32, #tpu.memory_space<vmem>> -> memref<1x128xi32, #tpu.memory_space<vmem>>
        %dma_start3A_101 = tpu.memref_squeeze %dma_start3A_100 : memref<1x128xi32, #tpu.memory_space<vmem>> -> memref<128xi32, #tpu.memory_space<vmem>>
        %dma_start3A_102 = arith.constant 0 : i32
        %dma_start3A_103 = tpu.memref_slice %arg12[%dma_start3A_102] : memref<1001600xf32, #tpu.memory_space<vmem_shared>> -> memref<1001600xf32, #tpu.memory_space<vmem_shared>>
        tpu.enqueue_indirect_dma source(%dma_start3A_98 : memref<128xf32, #tpu.memory_space<vmem>>) target(%dma_start3A_103 : memref<1001600xf32, #tpu.memory_space<vmem_shared>>) offsets(%dma_start3A_101 : memref<128xi32, #tpu.memory_space<vmem>>) semaphore(%arg14 : memref<!tpu.dma_semaphore, #tpu.memory_space<semaphore_mem>>) {add = true}
      }
      %scan3A_89 = arith.constant 16 : i32
      %scan3A_90 = arith.constant 0 : i32
      %scan3A_91 = arith.constant 0 : i32
      %scan3A_92 = arith.constant 16 : i32
      %scan3A_93 = arith.addi %scan3A_91, %scan3A_92 : i32
      %scan3A_94 = arith.constant 1 : i32
      scf.for %scan3A_96 = %scan3A_91 to %scan3A_93 step %scan3A_94  : i32 {
        %dma_wait3A = arith.constant 0 : i32
        %dma_wait3A_97 = tpu.memref_slice %arg9[%scan3A_96, %dma_wait3A] : memref<16x128xf32, #tpu.memory_space<vmem>> -> memref<1x128xf32, #tpu.memory_space<vmem>>
        %dma_wait3A_98 = tpu.memref_squeeze %dma_wait3A_97 : memref<1x128xf32, #tpu.memory_space<vmem>> -> memref<128xf32, #tpu.memory_space<vmem>>
        %dma_wait3A_99 = arith.constant 0 : i32
        %dma_wait3A_100 = tpu.memref_slice %arg8[%scan3A_96, %dma_wait3A_99] : memref<16x128xi32, #tpu.memory_space<vmem>> -> memref<1x128xi32, #tpu.memory_space<vmem>>
        %dma_wait3A_101 = tpu.memref_squeeze %dma_wait3A_100 : memref<1x128xi32, #tpu.memory_space<vmem>> -> memref<128xi32, #tpu.memory_space<vmem>>
        %dma_wait3A_102 = arith.constant 0 : i32
        %dma_wait3A_103 = tpu.memref_slice %arg12[%dma_wait3A_102] : memref<1001600xf32, #tpu.memory_space<vmem_shared>> -> memref<1001600xf32, #tpu.memory_space<vmem_shared>>
        tpu.wait_indirect_dma semaphore(%arg14 : memref<!tpu.dma_semaphore, #tpu.memory_space<semaphore_mem>>) src(%dma_wait3A_98 : memref<128xf32, #tpu.memory_space<vmem>>) dst(%dma_wait3A_103 : memref<1001600xf32, #tpu.memory_space<vmem_shared>>)
      }
      %scan3A_95 = arith.constant 16 : i32
    }
    %scan3A_18 = arith.constant 5 : i32
    %barrier3A_19 = arith.constant 0 : index
    tpu.barrier barrier_id(%barrier3A_19)
    %mul3A_20 = arith.constant 2003200 : i32
    %mul3A_21 = arith.muli %arg0, %mul3A_20 : i32
    %add3A = arith.constant 0 : i32
    %add3A_22 = arith.addi %mul3A_21, %add3A : i32
    %mul3A_23 = arith.constant 62600 : i32
    %mul3A_24 = arith.muli %arg1, %mul3A_23 : i32
    %add3A_25 = arith.addi %add3A_22, %mul3A_24 : i32
    %scan3A_26 = arith.constant 0 : i32
    %scan3A_27 = arith.constant 0 : i32
    %scan3A_28 = arith.constant 25 : i32
    %scan3A_29 = arith.addi %scan3A_27, %scan3A_28 : i32
    %scan3A_30 = arith.constant 1 : i32
    scf.for %scan3A_61 = %scan3A_27 to %scan3A_29 step %scan3A_30  : i32 {
      %mul3A_62 = arith.constant 62600 : i32
      %mul3A_63 = arith.muli %arg1, %mul3A_62 : i32
      %mul3A_64 = arith.constant 2504 : i32
      %mul3A_65 = arith.muli %scan3A_61, %mul3A_64 : i32
      %add3A_66 = arith.addi %mul3A_63, %mul3A_65 : i32
      "tpu.region"() ({
        %run_scoped3A = tpu.sem_alloc : memref<!tpu.dma_semaphore, #tpu.memory_space<semaphore_mem>>
        %dma_start3A = arith.constant 0 : i32
        %dma_start3A_70 = tpu.memref_slice %arg11[%dma_start3A] : memref<2512xf32, #tpu.memory_space<vmem>> -> memref<2504xf32, #tpu.memory_space<vmem>>
        %dma_start3A_71 = tpu.memref_slice %arg12[%add3A_66] : memref<1001600xf32, #tpu.memory_space<vmem_shared>> -> memref<2504xf32, #tpu.memory_space<vmem_shared>>
        %dma_start3A_72 = arith.constant 0 : i32
        %dma_start3A_73 = tpu.memref_slice %arg11[%dma_start3A_72] : memref<2512xf32, #tpu.memory_space<vmem>> -> memref<2504xf32, #tpu.memory_space<vmem>>
        %dma_start3A_74 = tpu.memref_slice %arg12[%add3A_66] : memref<1001600xf32, #tpu.memory_space<vmem_shared>> -> memref<2504xf32, #tpu.memory_space<vmem_shared>>
        tpu.enqueue_dma source(%dma_start3A_74 : memref<2504xf32, #tpu.memory_space<vmem_shared>>) target(%dma_start3A_73 : memref<2504xf32, #tpu.memory_space<vmem>>) target_semaphore(%run_scoped3A : memref<!tpu.dma_semaphore, #tpu.memory_space<semaphore_mem>>)
        %dma_wait3A = arith.constant 0 : i32
        %dma_wait3A_75 = tpu.memref_slice %arg11[%dma_wait3A] : memref<2512xf32, #tpu.memory_space<vmem>> -> memref<2504xf32, #tpu.memory_space<vmem>>
        %dma_wait3A_76 = tpu.memref_slice %arg12[%add3A_66] : memref<1001600xf32, #tpu.memory_space<vmem_shared>> -> memref<2504xf32, #tpu.memory_space<vmem_shared>>
        %dma_wait3A_77 = arith.constant 0 : i32
        %dma_wait3A_78 = tpu.memref_slice %arg11[%dma_wait3A_77] : memref<2512xf32, #tpu.memory_space<vmem>> -> memref<2504xf32, #tpu.memory_space<vmem>>
        %dma_wait3A_79 = tpu.memref_slice %arg12[%add3A_66] : memref<1001600xf32, #tpu.memory_space<vmem_shared>> -> memref<2504xf32, #tpu.memory_space<vmem_shared>>
        tpu.wait_dma2 semaphore(%run_scoped3A : memref<!tpu.dma_semaphore, #tpu.memory_space<semaphore_mem>>) src(%dma_wait3A_79 : memref<2504xf32, #tpu.memory_space<vmem_shared>>) dst(%dma_wait3A_78 : memref<2504xf32, #tpu.memory_space<vmem>>)
        tpu.yield
      }) : () -> ()
      %mul3A_67 = arith.constant 2504 : i32
      %mul3A_68 = arith.muli %scan3A_61, %mul3A_67 : i32
      %add3A_69 = arith.addi %add3A_25, %mul3A_68 : i32
      "tpu.region"() ({
        %run_scoped3A = tpu.sem_alloc : memref<!tpu.dma_semaphore, #tpu.memory_space<semaphore_mem>>
        %dma_start3A = arith.constant 0 : i32
        %dma_start3A_70 = tpu.memref_slice %arg11[%dma_start3A] : memref<2512xf32, #tpu.memory_space<vmem>> -> memref<2504xf32, #tpu.memory_space<vmem>>
        %dma_start3A_71 = tpu.memref_slice %arg5[%add3A_69] : memref<4006400xf32, #tpu.memory_space<hbm>> -> memref<2504xf32, #tpu.memory_space<hbm>>
        %dma_start3A_72 = tpu.memref_slice %arg5[%add3A_69] : memref<4006400xf32, #tpu.memory_space<hbm>> -> memref<2504xf32, #tpu.memory_space<hbm>>
        %dma_start3A_73 = arith.constant 0 : i32
        %dma_start3A_74 = tpu.memref_slice %arg11[%dma_start3A_73] : memref<2512xf32, #tpu.memory_space<vmem>> -> memref<2504xf32, #tpu.memory_space<vmem>>
        tpu.enqueue_dma source(%dma_start3A_74 : memref<2504xf32, #tpu.memory_space<vmem>>) target(%dma_start3A_72 : memref<2504xf32, #tpu.memory_space<hbm>>) target_semaphore(%run_scoped3A : memref<!tpu.dma_semaphore, #tpu.memory_space<semaphore_mem>>)
        %dma_wait3A = arith.constant 0 : i32
        %dma_wait3A_75 = tpu.memref_slice %arg11[%dma_wait3A] : memref<2512xf32, #tpu.memory_space<vmem>> -> memref<2504xf32, #tpu.memory_space<vmem>>
        %dma_wait3A_76 = tpu.memref_slice %arg5[%add3A_69] : memref<4006400xf32, #tpu.memory_space<hbm>> -> memref<2504xf32, #tpu.memory_space<hbm>>
        %dma_wait3A_77 = tpu.memref_slice %arg5[%add3A_69] : memref<4006400xf32, #tpu.memory_space<hbm>> -> memref<2504xf32, #tpu.memory_space<hbm>>
        %dma_wait3A_78 = arith.constant 0 : i32
        %dma_wait3A_79 = tpu.memref_slice %arg11[%dma_wait3A_78] : memref<2512xf32, #tpu.memory_space<vmem>> -> memref<2504xf32, #tpu.memory_space<vmem>>
        tpu.wait_dma2 semaphore(%run_scoped3A : memref<!tpu.dma_semaphore, #tpu.memory_space<semaphore_mem>>) src(%dma_wait3A_79 : memref<2504xf32, #tpu.memory_space<vmem>>) dst(%dma_wait3A_77 : memref<2504xf32, #tpu.memory_space<hbm>>)
        tpu.yield
      }) : () -> ()
    }
    %scan3A_31 = arith.constant 25 : i32
    %barrier3A_32 = arith.constant 0 : index
    tpu.barrier barrier_id(%barrier3A_32)
    %scan3A_33 = arith.constant 0 : i32
    %scan3A_34 = arith.constant 0 : i32
    %scan3A_35 = arith.constant 25 : i32
    %scan3A_36 = arith.addi %scan3A_34, %scan3A_35 : i32
    %scan3A_37 = arith.constant 1 : i32
    scf.for %scan3A_61 = %scan3A_34 to %scan3A_36 step %scan3A_37  : i32 {
      %mul3A_62 = arith.constant 62600 : i32
      %mul3A_63 = arith.muli %arg1, %mul3A_62 : i32
      %mul3A_64 = arith.constant 2504 : i32
      %mul3A_65 = arith.muli %scan3A_61, %mul3A_64 : i32
      %add3A_66 = arith.addi %mul3A_63, %mul3A_65 : i32
      "tpu.region"() ({
        %run_scoped3A = tpu.sem_alloc : memref<!tpu.dma_semaphore, #tpu.memory_space<semaphore_mem>>
        %dma_start3A = arith.constant 0 : i32
        %dma_start3A_67 = tpu.memref_slice %arg10[%dma_start3A] : memref<2512xf32, #tpu.memory_space<vmem>> -> memref<2504xf32, #tpu.memory_space<vmem>>
        %dma_start3A_68 = tpu.memref_slice %arg12[%add3A_66] : memref<1001600xf32, #tpu.memory_space<vmem_shared>> -> memref<2504xf32, #tpu.memory_space<vmem_shared>>
        %dma_start3A_69 = tpu.memref_slice %arg12[%add3A_66] : memref<1001600xf32, #tpu.memory_space<vmem_shared>> -> memref<2504xf32, #tpu.memory_space<vmem_shared>>
        %dma_start3A_70 = arith.constant 0 : i32
        %dma_start3A_71 = tpu.memref_slice %arg10[%dma_start3A_70] : memref<2512xf32, #tpu.memory_space<vmem>> -> memref<2504xf32, #tpu.memory_space<vmem>>
        tpu.enqueue_dma source(%dma_start3A_71 : memref<2504xf32, #tpu.memory_space<vmem>>) target(%dma_start3A_69 : memref<2504xf32, #tpu.memory_space<vmem_shared>>) target_semaphore(%run_scoped3A : memref<!tpu.dma_semaphore, #tpu.memory_space<semaphore_mem>>)
        %dma_wait3A = arith.constant 0 : i32
        %dma_wait3A_72 = tpu.memref_slice %arg10[%dma_wait3A] : memref<2512xf32, #tpu.memory_space<vmem>> -> memref<2504xf32, #tpu.memory_space<vmem>>
        %dma_wait3A_73 = tpu.memref_slice %arg12[%add3A_66] : memref<1001600xf32, #tpu.memory_space<vmem_shared>> -> memref<2504xf32, #tpu.memory_space<vmem_shared>>
        %dma_wait3A_74 = tpu.memref_slice %arg12[%add3A_66] : memref<1001600xf32, #tpu.memory_space<vmem_shared>> -> memref<2504xf32, #tpu.memory_space<vmem_shared>>
        %dma_wait3A_75 = arith.constant 0 : i32
        %dma_wait3A_76 = tpu.memref_slice %arg10[%dma_wait3A_75] : memref<2512xf32, #tpu.memory_space<vmem>> -> memref<2504xf32, #tpu.memory_space<vmem>>
        tpu.wait_dma2 semaphore(%run_scoped3A : memref<!tpu.dma_semaphore, #tpu.memory_space<semaphore_mem>>) src(%dma_wait3A_76 : memref<2504xf32, #tpu.memory_space<vmem>>) dst(%dma_wait3A_74 : memref<2504xf32, #tpu.memory_space<vmem_shared>>)
        tpu.yield
      }) : () -> ()
    }
    %scan3A_38 = arith.constant 25 : i32
    %barrier3A_39 = arith.constant 0 : index
    tpu.barrier barrier_id(%barrier3A_39)
    %scan3A_40 = arith.constant 0 : i32
    %scan3A_41 = arith.constant 0 : i32
    %scan3A_42 = arith.constant 5 : i32
    %scan3A_43 = arith.addi %scan3A_41, %scan3A_42 : i32
    %scan3A_44 = arith.constant 1 : i32
    scf.for %scan3A_61 = %scan3A_41 to %scan3A_43 step %scan3A_44  : i32 {
      %mul3A_62 = arith.constant 16 : i32
      %mul3A_63 = arith.muli %scan3A_61, %mul3A_62 : i32
      "tpu.region"() ({
        %run_scoped3A = tpu.sem_alloc : memref<!tpu.dma_semaphore, #tpu.memory_space<semaphore_mem>>
        %dma_start3A = arith.constant 0 : i32
        %dma_start3A_96 = tpu.memref_slice %arg3[%arg0, %arg1, %mul3A_63, %dma_start3A] : memref<2x16x80x128xi32, #tpu.memory_space<hbm>> -> memref<1x1x16x128xi32, #tpu.memory_space<hbm>>
        %dma_start3A_97 = tpu.memref_squeeze %dma_start3A_96 : memref<1x1x16x128xi32, #tpu.memory_space<hbm>> -> memref<16x128xi32, #tpu.memory_space<hbm>>
        %dma_start3A_98 = arith.constant 0 : i32
        %dma_start3A_99 = tpu.memref_slice %arg3[%arg0, %arg1, %mul3A_63, %dma_start3A_98] : memref<2x16x80x128xi32, #tpu.memory_space<hbm>> -> memref<1x1x16x128xi32, #tpu.memory_space<hbm>>
        %dma_start3A_100 = tpu.memref_squeeze %dma_start3A_99 : memref<1x1x16x128xi32, #tpu.memory_space<hbm>> -> memref<16x128xi32, #tpu.memory_space<hbm>>
        tpu.enqueue_dma source(%dma_start3A_100 : memref<16x128xi32, #tpu.memory_space<hbm>>) target(%arg6 : memref<16x128xi32, #tpu.memory_space<vmem>>) target_semaphore(%run_scoped3A : memref<!tpu.dma_semaphore, #tpu.memory_space<semaphore_mem>>)
        %dma_wait3A = arith.constant 0 : i32
        %dma_wait3A_101 = tpu.memref_slice %arg3[%arg0, %arg1, %mul3A_63, %dma_wait3A] : memref<2x16x80x128xi32, #tpu.memory_space<hbm>> -> memref<1x1x16x128xi32, #tpu.memory_space<hbm>>
        %dma_wait3A_102 = tpu.memref_squeeze %dma_wait3A_101 : memref<1x1x16x128xi32, #tpu.memory_space<hbm>> -> memref<16x128xi32, #tpu.memory_space<hbm>>
        %dma_wait3A_103 = arith.constant 0 : i32
        %dma_wait3A_104 = tpu.memref_slice %arg3[%arg0, %arg1, %mul3A_63, %dma_wait3A_103] : memref<2x16x80x128xi32, #tpu.memory_space<hbm>> -> memref<1x1x16x128xi32, #tpu.memory_space<hbm>>
        %dma_wait3A_105 = tpu.memref_squeeze %dma_wait3A_104 : memref<1x1x16x128xi32, #tpu.memory_space<hbm>> -> memref<16x128xi32, #tpu.memory_space<hbm>>
        tpu.wait_dma2 semaphore(%run_scoped3A : memref<!tpu.dma_semaphore, #tpu.memory_space<semaphore_mem>>) src(%dma_wait3A_105 : memref<16x128xi32, #tpu.memory_space<hbm>>) dst(%arg6 : memref<16x128xi32, #tpu.memory_space<vmem>>)
        tpu.yield
      }) : () -> ()
      %mul3A_64 = arith.constant 16 : i32
      %mul3A_65 = arith.muli %scan3A_61, %mul3A_64 : i32
      "tpu.region"() ({
        %run_scoped3A = tpu.sem_alloc : memref<!tpu.dma_semaphore, #tpu.memory_space<semaphore_mem>>
        %dma_start3A = arith.constant 0 : i32
        %dma_start3A_96 = tpu.memref_slice %arg2[%arg0, %arg1, %mul3A_65, %dma_start3A] : memref<2x16x80x128xi32, #tpu.memory_space<hbm>> -> memref<1x1x16x128xi32, #tpu.memory_space<hbm>>
        %dma_start3A_97 = tpu.memref_squeeze %dma_start3A_96 : memref<1x1x16x128xi32, #tpu.memory_space<hbm>> -> memref<16x128xi32, #tpu.memory_space<hbm>>
        %dma_start3A_98 = arith.constant 0 : i32
        %dma_start3A_99 = tpu.memref_slice %arg2[%arg0, %arg1, %mul3A_65, %dma_start3A_98] : memref<2x16x80x128xi32, #tpu.memory_space<hbm>> -> memref<1x1x16x128xi32, #tpu.memory_space<hbm>>
        %dma_start3A_100 = tpu.memref_squeeze %dma_start3A_99 : memref<1x1x16x128xi32, #tpu.memory_space<hbm>> -> memref<16x128xi32, #tpu.memory_space<hbm>>
        tpu.enqueue_dma source(%dma_start3A_100 : memref<16x128xi32, #tpu.memory_space<hbm>>) target(%arg7 : memref<16x128xi32, #tpu.memory_space<vmem>>) target_semaphore(%run_scoped3A : memref<!tpu.dma_semaphore, #tpu.memory_space<semaphore_mem>>)
        %dma_wait3A = arith.constant 0 : i32
        %dma_wait3A_101 = tpu.memref_slice %arg2[%arg0, %arg1, %mul3A_65, %dma_wait3A] : memref<2x16x80x128xi32, #tpu.memory_space<hbm>> -> memref<1x1x16x128xi32, #tpu.memory_space<hbm>>
        %dma_wait3A_102 = tpu.memref_squeeze %dma_wait3A_101 : memref<1x1x16x128xi32, #tpu.memory_space<hbm>> -> memref<16x128xi32, #tpu.memory_space<hbm>>
        %dma_wait3A_103 = arith.constant 0 : i32
        %dma_wait3A_104 = tpu.memref_slice %arg2[%arg0, %arg1, %mul3A_65, %dma_wait3A_103] : memref<2x16x80x128xi32, #tpu.memory_space<hbm>> -> memref<1x1x16x128xi32, #tpu.memory_space<hbm>>
        %dma_wait3A_105 = tpu.memref_squeeze %dma_wait3A_104 : memref<1x1x16x128xi32, #tpu.memory_space<hbm>> -> memref<16x128xi32, #tpu.memory_space<hbm>>
        tpu.wait_dma2 semaphore(%run_scoped3A : memref<!tpu.dma_semaphore, #tpu.memory_space<semaphore_mem>>) src(%dma_wait3A_105 : memref<16x128xi32, #tpu.memory_space<hbm>>) dst(%arg7 : memref<16x128xi32, #tpu.memory_space<vmem>>)
        tpu.yield
      }) : () -> ()
      %scan3A_66 = arith.constant 0 : i32
      %scan3A_67 = arith.constant 0 : i32
      %scan3A_68 = arith.constant 16 : i32
      %scan3A_69 = arith.addi %scan3A_67, %scan3A_68 : i32
      %scan3A_70 = arith.constant 1 : i32
      scf.for %scan3A_96 = %scan3A_67 to %scan3A_69 step %scan3A_70  : i32 {
        %dma_start3A = arith.constant 0 : i32
        %dma_start3A_97 = tpu.memref_slice %arg9[%scan3A_96, %dma_start3A] : memref<16x128xf32, #tpu.memory_space<vmem>> -> memref<1x128xf32, #tpu.memory_space<vmem>>
        %dma_start3A_98 = tpu.memref_squeeze %dma_start3A_97 : memref<1x128xf32, #tpu.memory_space<vmem>> -> memref<128xf32, #tpu.memory_space<vmem>>
        %dma_start3A_99 = arith.constant 0 : i32
        %dma_start3A_100 = tpu.memref_slice %arg6[%scan3A_96, %dma_start3A_99] : memref<16x128xi32, #tpu.memory_space<vmem>> -> memref<1x128xi32, #tpu.memory_space<vmem>>
        %dma_start3A_101 = tpu.memref_squeeze %dma_start3A_100 : memref<1x128xi32, #tpu.memory_space<vmem>> -> memref<128xi32, #tpu.memory_space<vmem>>
        %dma_start3A_102 = tpu.memref_slice %arg4[%mul3A_6] : memref<20000xf32, #tpu.memory_space<hbm>> -> memref<10000xf32, #tpu.memory_space<hbm>>
        %dma_start3A_103 = arith.constant 0 : i32
        %dma_start3A_104 = tpu.memref_slice %dma_start3A_102[%dma_start3A_103] : memref<10000xf32, #tpu.memory_space<hbm>> -> memref<10000xf32, #tpu.memory_space<hbm>>
        tpu.enqueue_indirect_dma source(%dma_start3A_104 : memref<10000xf32, #tpu.memory_space<hbm>>) target(%dma_start3A_98 : memref<128xf32, #tpu.memory_space<vmem>>) offsets(%dma_start3A_101 : memref<128xi32, #tpu.memory_space<vmem>>) semaphore(%arg13 : memref<!tpu.dma_semaphore, #tpu.memory_space<semaphore_mem>>)
      }
      %scan3A_71 = arith.constant 16 : i32
      %scan3A_72 = arith.constant 0 : i32
      %scan3A_73 = arith.constant 0 : i32
      %scan3A_74 = arith.constant 128 : i32
      %scan3A_75 = arith.addi %scan3A_73, %scan3A_74 : i32
      %scan3A_76 = arith.constant 1 : i32
      scf.for %scan3A_96 = %scan3A_73 to %scan3A_75 step %scan3A_76  : i32 {
        %jit3A = arith.constant 8 : i32
        %div3A = arith.divsi %scan3A_96, %jit3A : i32
        %sign3A = arith.constant 0 : i32
        %sign3A_97 = arith.cmpi sgt, %scan3A_96, %sign3A : i32
        %sign3A_98 = arith.extui %sign3A_97 : i1 to i32
        %sign3A_99 = arith.constant 0 : i32
        %sign3A_100 = arith.cmpi slt, %scan3A_96, %sign3A_99 : i32
        %sign3A_101 = arith.extui %sign3A_100 : i1 to i32
        %sign3A_102 = arith.subi %sign3A_98, %sign3A_101 : i32
        %sign3A_103 = arith.constant 0 : i32
        %sign3A_104 = arith.cmpi sgt, %jit3A, %sign3A_103 : i32
        %sign3A_105 = arith.extui %sign3A_104 : i1 to i32
        %sign3A_106 = arith.constant 0 : i32
        %sign3A_107 = arith.cmpi slt, %jit3A, %sign3A_106 : i32
        %sign3A_108 = arith.extui %sign3A_107 : i1 to i32
        %sign3A_109 = arith.subi %sign3A_105, %sign3A_108 : i32
        %ne3A = arith.cmpi ne, %sign3A_102, %sign3A_109 : i32
        %rem3A = arith.remsi %scan3A_96, %jit3A : i32
        %ne3A_110 = arith.constant 0 : i32
        %ne3A_111 = arith.cmpi ne, %rem3A, %ne3A_110 : i32
        %and3A = arith.andi %ne3A, %ne3A_111 : i1
        %sub3A = arith.constant 1 : i32
        %sub3A_112 = arith.subi %div3A, %sub3A : i32
        %select_n3A = arith.select %and3A, %sub3A_112, %div3A : i32
        %jit3A_113 = arith.constant 8 : i32
        %eq3A = arith.constant 0 : i32
        %eq3A_114 = arith.cmpi eq, %jit3A_113, %eq3A : i32
        %jit3A_115 = arith.constant 1 : i32
        %select_n3A_116 = arith.select %eq3A_114, %jit3A_115, %jit3A_113 : i32
        %rem3A_117 = arith.remsi %scan3A_96, %select_n3A_116 : i32
        %ne3A_118 = arith.constant 0 : i32
        %ne3A_119 = arith.cmpi ne, %rem3A_117, %ne3A_118 : i32
        %lt3A = arith.constant 0 : i32
        %lt3A_120 = arith.cmpi slt, %rem3A_117, %lt3A : i32
        %lt3A_121 = arith.constant 0 : i32
        %lt3A_122 = arith.cmpi slt, %select_n3A_116, %lt3A_121 : i32
        %ne3A_123 = arith.xori %lt3A_120, %lt3A_122 : i1
        %and3A_124 = arith.andi %ne3A_123, %ne3A_119 : i1
        %add3A_125 = arith.addi %rem3A_117, %select_n3A_116 : i32
        %select_n3A_126 = arith.select %and3A_124, %add3A_125, %rem3A_117 : i32
        %mul3A_127 = arith.constant 16 : i32
        %mul3A_128 = arith.muli %select_n3A_126, %mul3A_127 : i32
        %get3A = arith.index_cast %select_n3A : i32 to index
        %get3A_129 = arith.index_cast %mul3A_128 : i32 to index
        %get3A_130 = tpu.vector_load %arg7[%get3A, %get3A_129] {strides = array<i32>} : memref<16x128xi32, #tpu.memory_space<vmem>>, vector<1x16xi32>,
        %get3A_131 = vector.shape_cast %get3A_130 : vector<1x16xi32> to vector<16xi32>
        %ge3A = arith.constant 1000000 : i32
        %ge3A_132 = vector.broadcast %ge3A : i32 to vector<16xi32>
        %ge3A_133 = arith.cmpi sge, %get3A_131, %ge3A_132 : vector<16xi32>
        %lt3A_134 = arith.constant 2000000 : i32
        %lt3A_135 = vector.broadcast %lt3A_134 : i32 to vector<16xi32>
        %lt3A_136 = arith.cmpi slt, %get3A_131, %lt3A_135 : vector<16xi32>
        %and3A_137 = arith.andi %ge3A_133, %lt3A_136 : vector<16xi1>
        %rem3A_138 = arith.constant 1536 : i32
        %rem3A_139 = vector.broadcast %rem3A_138 : i32 to vector<16xi32>
        %rem3A_140 = arith.remsi %get3A_131, %rem3A_139 : vector<16xi32>
        %add3A_141 = arith.constant 1000000 : i32
        %add3A_142 = vector.broadcast %add3A_141 : i32 to vector<16xi32>
        %add3A_143 = arith.addi %add3A_142, %rem3A_140 : vector<16xi32>
        %sub3A_144 = arith.constant 1000000 : i32
        %sub3A_145 = vector.broadcast %sub3A_144 : i32 to vector<16xi32>
        %sub3A_146 = arith.subi %get3A_131, %sub3A_145 : vector<16xi32>
        %select_n3A_147 = arith.select %and3A_137, %sub3A_146, %add3A_143 : vector<16xi1>, vector<16xi32>
        %swap3A = arith.index_cast %select_n3A : i32 to index
        %swap3A_148 = arith.index_cast %mul3A_128 : i32 to index
        %swap3A_149 = tpu.vector_load %arg8[%swap3A, %swap3A_148] {strides = array<i32>} : memref<16x128xi32, #tpu.memory_space<vmem>>, vector<1x16xi32>,
        %swap3A_150 = vector.shape_cast %swap3A_149 : vector<1x16xi32> to vector<16xi32>
        %swap3A_151 = vector.shape_cast %select_n3A_147 : vector<16xi32> to vector<1x16xi32>
        tpu.vector_store %arg8[%swap3A, %swap3A_148], %swap3A_151 {strides = array<i32>} : memref<16x128xi32, #tpu.memory_space<vmem>>, vector<1x16xi32>,
      }
      %scan3A_77 = arith.constant 128 : i32
      %scan3A_78 = arith.constant 0 : i32
      %scan3A_79 = arith.constant 0 : i32
      %scan3A_80 = arith.constant 16 : i32
      %scan3A_81 = arith.addi %scan3A_79, %scan3A_80 : i32
      %scan3A_82 = arith.constant 1 : i32
      scf.for %scan3A_96 = %scan3A_79 to %scan3A_81 step %scan3A_82  : i32 {
        %dma_wait3A = arith.constant 0 : i32
        %dma_wait3A_97 = tpu.memref_slice %arg9[%scan3A_96, %dma_wait3A] : memref<16x128xf32, #tpu.memory_space<vmem>> -> memref<1x128xf32, #tpu.memory_space<vmem>>
        %dma_wait3A_98 = tpu.memref_squeeze %dma_wait3A_97 : memref<1x128xf32, #tpu.memory_space<vmem>> -> memref<128xf32, #tpu.memory_space<vmem>>
        %dma_wait3A_99 = arith.constant 0 : i32
        %dma_wait3A_100 = tpu.memref_slice %arg6[%scan3A_96, %dma_wait3A_99] : memref<16x128xi32, #tpu.memory_space<vmem>> -> memref<1x128xi32, #tpu.memory_space<vmem>>
        %dma_wait3A_101 = tpu.memref_squeeze %dma_wait3A_100 : memref<1x128xi32, #tpu.memory_space<vmem>> -> memref<128xi32, #tpu.memory_space<vmem>>
        %dma_wait3A_102 = tpu.memref_slice %arg4[%mul3A_6] : memref<20000xf32, #tpu.memory_space<hbm>> -> memref<10000xf32, #tpu.memory_space<hbm>>
        %dma_wait3A_103 = arith.constant 0 : i32
        %dma_wait3A_104 = tpu.memref_slice %dma_wait3A_102[%dma_wait3A_103] : memref<10000xf32, #tpu.memory_space<hbm>> -> memref<10000xf32, #tpu.memory_space<hbm>>
        tpu.wait_indirect_dma semaphore(%arg13 : memref<!tpu.dma_semaphore, #tpu.memory_space<semaphore_mem>>) src(%dma_wait3A_104 : memref<10000xf32, #tpu.memory_space<hbm>>) dst(%dma_wait3A_98 : memref<128xf32, #tpu.memory_space<vmem>>)
      }
      %scan3A_83 = arith.constant 16 : i32
      %scan3A_84 = arith.constant 0 : i32
      %scan3A_85 = arith.constant 0 : i32
      %scan3A_86 = arith.constant 16 : i32
      %scan3A_87 = arith.addi %scan3A_85, %scan3A_86 : i32
      %scan3A_88 = arith.constant 1 : i32
      scf.for %scan3A_96 = %scan3A_85 to %scan3A_87 step %scan3A_88  : i32 {
        %dma_start3A = arith.constant 0 : i32
        %dma_start3A_97 = tpu.memref_slice %arg9[%scan3A_96, %dma_start3A] : memref<16x128xf32, #tpu.memory_space<vmem>> -> memref<1x128xf32, #tpu.memory_space<vmem>>
        %dma_start3A_98 = tpu.memref_squeeze %dma_start3A_97 : memref<1x128xf32, #tpu.memory_space<vmem>> -> memref<128xf32, #tpu.memory_space<vmem>>
        %dma_start3A_99 = arith.constant 0 : i32
        %dma_start3A_100 = tpu.memref_slice %arg8[%scan3A_96, %dma_start3A_99] : memref<16x128xi32, #tpu.memory_space<vmem>> -> memref<1x128xi32, #tpu.memory_space<vmem>>
        %dma_start3A_101 = tpu.memref_squeeze %dma_start3A_100 : memref<1x128xi32, #tpu.memory_space<vmem>> -> memref<128xi32, #tpu.memory_space<vmem>>
        %dma_start3A_102 = arith.constant 0 : i32
        %dma_start3A_103 = tpu.memref_slice %arg12[%dma_start3A_102] : memref<1001600xf32, #tpu.memory_space<vmem_shared>> -> memref<1001600xf32, #tpu.memory_space<vmem_shared>>
        tpu.enqueue_indirect_dma source(%dma_start3A_98 : memref<128xf32, #tpu.memory_space<vmem>>) target(%dma_start3A_103 : memref<1001600xf32, #tpu.memory_space<vmem_shared>>) offsets(%dma_start3A_101 : memref<128xi32, #tpu.memory_space<vmem>>) semaphore(%arg14 : memref<!tpu.dma_semaphore, #tpu.memory_space<semaphore_mem>>) {add = true}
      }
      %scan3A_89 = arith.constant 16 : i32
      %scan3A_90 = arith.constant 0 : i32
      %scan3A_91 = arith.constant 0 : i32
      %scan3A_92 = arith.constant 16 : i32
      %scan3A_93 = arith.addi %scan3A_91, %scan3A_92 : i32
      %scan3A_94 = arith.constant 1 : i32
      scf.for %scan3A_96 = %scan3A_91 to %scan3A_93 step %scan3A_94  : i32 {
        %dma_wait3A = arith.constant 0 : i32
        %dma_wait3A_97 = tpu.memref_slice %arg9[%scan3A_96, %dma_wait3A] : memref<16x128xf32, #tpu.memory_space<vmem>> -> memref<1x128xf32, #tpu.memory_space<vmem>>
        %dma_wait3A_98 = tpu.memref_squeeze %dma_wait3A_97 : memref<1x128xf32, #tpu.memory_space<vmem>> -> memref<128xf32, #tpu.memory_space<vmem>>
        %dma_wait3A_99 = arith.constant 0 : i32
        %dma_wait3A_100 = tpu.memref_slice %arg8[%scan3A_96, %dma_wait3A_99] : memref<16x128xi32, #tpu.memory_space<vmem>> -> memref<1x128xi32, #tpu.memory_space<vmem>>
        %dma_wait3A_101 = tpu.memref_squeeze %dma_wait3A_100 : memref<1x128xi32, #tpu.memory_space<vmem>> -> memref<128xi32, #tpu.memory_space<vmem>>
        %dma_wait3A_102 = arith.constant 0 : i32
        %dma_wait3A_103 = tpu.memref_slice %arg12[%dma_wait3A_102] : memref<1001600xf32, #tpu.memory_space<vmem_shared>> -> memref<1001600xf32, #tpu.memory_space<vmem_shared>>
        tpu.wait_indirect_dma semaphore(%arg14 : memref<!tpu.dma_semaphore, #tpu.memory_space<semaphore_mem>>) src(%dma_wait3A_98 : memref<128xf32, #tpu.memory_space<vmem>>) dst(%dma_wait3A_103 : memref<1001600xf32, #tpu.memory_space<vmem_shared>>)
      }
      %scan3A_95 = arith.constant 16 : i32
    }
    %scan3A_45 = arith.constant 5 : i32
    %barrier3A_46 = arith.constant 0 : index
    tpu.barrier barrier_id(%barrier3A_46)
    %mul3A_47 = arith.constant 2003200 : i32
    %mul3A_48 = arith.muli %arg0, %mul3A_47 : i32
    %add3A_49 = arith.constant 1001600 : i32
    %add3A_50 = arith.addi %mul3A_48, %add3A_49 : i32
    %mul3A_51 = arith.constant 62600 : i32
    %mul3A_52 = arith.muli %arg1, %mul3A_51 : i32
    %add3A_53 = arith.addi %add3A_50, %mul3A_52 : i32
    %scan3A_54 = arith.constant 0 : i32
    %scan3A_55 = arith.constant 0 : i32
    %scan3A_56 = arith.constant 25 : i32
    %scan3A_57 = arith.addi %scan3A_55, %scan3A_56 : i32
    %scan3A_58 = arith.constant 1 : i32
    scf.for %scan3A_61 = %scan3A_55 to %scan3A_57 step %scan3A_58  : i32 {
      %mul3A_62 = arith.constant 62600 : i32
      %mul3A_63 = arith.muli %arg1, %mul3A_62 : i32
      %mul3A_64 = arith.constant 2504 : i32
      %mul3A_65 = arith.muli %scan3A_61, %mul3A_64 : i32
      %add3A_66 = arith.addi %mul3A_63, %mul3A_65 : i32
      "tpu.region"() ({
        %run_scoped3A = tpu.sem_alloc : memref<!tpu.dma_semaphore, #tpu.memory_space<semaphore_mem>>
        %dma_start3A = arith.constant 0 : i32
        %dma_start3A_70 = tpu.memref_slice %arg11[%dma_start3A] : memref<2512xf32, #tpu.memory_space<vmem>> -> memref<2504xf32, #tpu.memory_space<vmem>>
        %dma_start3A_71 = tpu.memref_slice %arg12[%add3A_66] : memref<1001600xf32, #tpu.memory_space<vmem_shared>> -> memref<2504xf32, #tpu.memory_space<vmem_shared>>
        %dma_start3A_72 = arith.constant 0 : i32
        %dma_start3A_73 = tpu.memref_slice %arg11[%dma_start3A_72] : memref<2512xf32, #tpu.memory_space<vmem>> -> memref<2504xf32, #tpu.memory_space<vmem>>
        %dma_start3A_74 = tpu.memref_slice %arg12[%add3A_66] : memref<1001600xf32, #tpu.memory_space<vmem_shared>> -> memref<2504xf32, #tpu.memory_space<vmem_shared>>
        tpu.enqueue_dma source(%dma_start3A_74 : memref<2504xf32, #tpu.memory_space<vmem_shared>>) target(%dma_start3A_73 : memref<2504xf32, #tpu.memory_space<vmem>>) target_semaphore(%run_scoped3A : memref<!tpu.dma_semaphore, #tpu.memory_space<semaphore_mem>>)
        %dma_wait3A = arith.constant 0 : i32
        %dma_wait3A_75 = tpu.memref_slice %arg11[%dma_wait3A] : memref<2512xf32, #tpu.memory_space<vmem>> -> memref<2504xf32, #tpu.memory_space<vmem>>
        %dma_wait3A_76 = tpu.memref_slice %arg12[%add3A_66] : memref<1001600xf32, #tpu.memory_space<vmem_shared>> -> memref<2504xf32, #tpu.memory_space<vmem_shared>>
        %dma_wait3A_77 = arith.constant 0 : i32
        %dma_wait3A_78 = tpu.memref_slice %arg11[%dma_wait3A_77] : memref<2512xf32, #tpu.memory_space<vmem>> -> memref<2504xf32, #tpu.memory_space<vmem>>
        %dma_wait3A_79 = tpu.memref_slice %arg12[%add3A_66] : memref<1001600xf32, #tpu.memory_space<vmem_shared>> -> memref<2504xf32, #tpu.memory_space<vmem_shared>>
        tpu.wait_dma2 semaphore(%run_scoped3A : memref<!tpu.dma_semaphore, #tpu.memory_space<semaphore_mem>>) src(%dma_wait3A_79 : memref<2504xf32, #tpu.memory_space<vmem_shared>>) dst(%dma_wait3A_78 : memref<2504xf32, #tpu.memory_space<vmem>>)
        tpu.yield
      }) : () -> ()
      %mul3A_67 = arith.constant 2504 : i32
      %mul3A_68 = arith.muli %scan3A_61, %mul3A_67 : i32
      %add3A_69 = arith.addi %add3A_53, %mul3A_68 : i32
      "tpu.region"() ({
        %run_scoped3A = tpu.sem_alloc : memref<!tpu.dma_semaphore, #tpu.memory_space<semaphore_mem>>
        %dma_start3A = arith.constant 0 : i32
        %dma_start3A_70 = tpu.memref_slice %arg11[%dma_start3A] : memref<2512xf32, #tpu.memory_space<vmem>> -> memref<2504xf32, #tpu.memory_space<vmem>>
        %dma_start3A_71 = tpu.memref_slice %arg5[%add3A_69] : memref<4006400xf32, #tpu.memory_space<hbm>> -> memref<2504xf32, #tpu.memory_space<hbm>>
        %dma_start3A_72 = tpu.memref_slice %arg5[%add3A_69] : memref<4006400xf32, #tpu.memory_space<hbm>> -> memref<2504xf32, #tpu.memory_space<hbm>>
        %dma_start3A_73 = arith.constant 0 : i32
        %dma_start3A_74 = tpu.memref_slice %arg11[%dma_start3A_73] : memref<2512xf32, #tpu.memory_space<vmem>> -> memref<2504xf32, #tpu.memory_space<vmem>>
        tpu.enqueue_dma source(%dma_start3A_74 : memref<2504xf32, #tpu.memory_space<vmem>>) target(%dma_start3A_72 : memref<2504xf32, #tpu.memory_space<hbm>>) target_semaphore(%run_scoped3A : memref<!tpu.dma_semaphore, #tpu.memory_space<semaphore_mem>>)
        %dma_wait3A = arith.constant 0 : i32
        %dma_wait3A_75 = tpu.memref_slice %arg11[%dma_wait3A] : memref<2512xf32, #tpu.memory_space<vmem>> -> memref<2504xf32, #tpu.memory_space<vmem>>
        %dma_wait3A_76 = tpu.memref_slice %arg5[%add3A_69] : memref<4006400xf32, #tpu.memory_space<hbm>> -> memref<2504xf32, #tpu.memory_space<hbm>>
        %dma_wait3A_77 = tpu.memref_slice %arg5[%add3A_69] : memref<4006400xf32, #tpu.memory_space<hbm>> -> memref<2504xf32, #tpu.memory_space<hbm>>
        %dma_wait3A_78 = arith.constant 0 : i32
        %dma_wait3A_79 = tpu.memref_slice %arg11[%dma_wait3A_78] : memref<2512xf32, #tpu.memory_space<vmem>> -> memref<2504xf32, #tpu.memory_space<vmem>>
        tpu.wait_dma2 semaphore(%run_scoped3A : memref<!tpu.dma_semaphore, #tpu.memory_space<semaphore_mem>>) src(%dma_wait3A_79 : memref<2504xf32, #tpu.memory_space<vmem>>) dst(%dma_wait3A_77 : memref<2504xf32, #tpu.memory_space<hbm>>)
        tpu.yield
      }) : () -> ()
    }
    %scan3A_59 = arith.constant 25 : i32
    %barrier3A_60 = arith.constant 0 : index
    tpu.barrier barrier_id(%barrier3A_60)
    return
  }
}

#map = affine_map<(d0, d1) -> (0, 0)>
#map1 = affine_map<(d0, d1) -> (0)>
module attributes {stable_mosaic.version = 14 : i64} {
  func.func @_sc_gather(%arg0: i32, %arg1: i32, %arg2: memref<10000x128xf32, #tpu.memory_space<hbm>>, %arg3: memref<200x128xf32, #tpu.memory_space<hbm>>, %arg4: memref<1024xi32, #tpu.memory_space<hbm>>, %arg5: memref<1024xi32, #tpu.memory_space<hbm>>, %arg6: memref<1024x128xf32, #tpu.memory_space<hbm>>, %arg7: memref<1024x128xf32, #tpu.memory_space<hbm>>, %arg8: memref<32xi32, #tpu.memory_space<vmem>>, %arg9: memref<32x128xf32, #tpu.memory_space<vmem>>, %arg10: memref<!tpu.dma_semaphore, #tpu.memory_space<semaphore_mem>>) attributes {dimension_semantics = [#tpu.dimension_semantics<core_parallel>, #tpu.dimension_semantics<subcore_parallel>], iteration_bounds = array<i64: 2, 16>, scalar_prefetch = 0 : i64, scratch_operands = 3 : i64, tpu.core_type = #tpu.core_type<sc_vector_subcore>, window_params = [{transform_indices = #map}, {transform_indices = #map}, {transform_indices = #map1}, {transform_indices = #map1}, {transform_indices = #map}, {transform_indices = #map}]} {
    %mul3A = arith.constant 2 : i32
    %mul3A_0 = arith.muli %arg1, %mul3A : i32
    %add3A = arith.addi %mul3A_0, %arg0 : i32
    %mul3A_1 = arith.constant 32 : i32
    %mul3A_2 = arith.muli %add3A, %mul3A_1 : i32
    "tpu.region"() ({
      %run_scoped3A = tpu.sem_alloc : memref<!tpu.dma_semaphore, #tpu.memory_space<semaphore_mem>>
      %dma_start3A_13 = tpu.memref_slice %arg4[%mul3A_2] : memref<1024xi32, #tpu.memory_space<hbm>> -> memref<32xi32, #tpu.memory_space<hbm>>
      %dma_start3A_14 = tpu.memref_slice %arg4[%mul3A_2] : memref<1024xi32, #tpu.memory_space<hbm>> -> memref<32xi32, #tpu.memory_space<hbm>>
      tpu.enqueue_dma source(%dma_start3A_14 : memref<32xi32, #tpu.memory_space<hbm>>) target(%arg8 : memref<32xi32, #tpu.memory_space<vmem>>) target_semaphore(%run_scoped3A : memref<!tpu.dma_semaphore, #tpu.memory_space<semaphore_mem>>)
      %dma_wait3A_15 = tpu.memref_slice %arg4[%mul3A_2] : memref<1024xi32, #tpu.memory_space<hbm>> -> memref<32xi32, #tpu.memory_space<hbm>>
      %dma_wait3A_16 = tpu.memref_slice %arg4[%mul3A_2] : memref<1024xi32, #tpu.memory_space<hbm>> -> memref<32xi32, #tpu.memory_space<hbm>>
      tpu.wait_dma2 semaphore(%run_scoped3A : memref<!tpu.dma_semaphore, #tpu.memory_space<semaphore_mem>>) src(%dma_wait3A_16 : memref<32xi32, #tpu.memory_space<hbm>>) dst(%arg8 : memref<32xi32, #tpu.memory_space<vmem>>)
      tpu.yield
    }) : () -> ()
    %dma_start3A = arith.constant 0 : i32
    %dma_start3A_3 = arith.constant 0 : i32
    %dma_start3A_4 = tpu.memref_slice %arg2[%dma_start3A, %dma_start3A_3] : memref<10000x128xf32, #tpu.memory_space<hbm>> -> memref<10000x128xf32, #tpu.memory_space<hbm>>
    tpu.enqueue_indirect_dma source(%dma_start3A_4 : memref<10000x128xf32, #tpu.memory_space<hbm>>) target(%arg9 : memref<32x128xf32, #tpu.memory_space<vmem>>) offsets(%arg8 : memref<32xi32, #tpu.memory_space<vmem>>) semaphore(%arg10 : memref<!tpu.dma_semaphore, #tpu.memory_space<semaphore_mem>>)
    %dma_wait3A = arith.constant 0 : i32
    %dma_wait3A_5 = arith.constant 0 : i32
    %dma_wait3A_6 = tpu.memref_slice %arg2[%dma_wait3A, %dma_wait3A_5] : memref<10000x128xf32, #tpu.memory_space<hbm>> -> memref<10000x128xf32, #tpu.memory_space<hbm>>
    tpu.wait_indirect_dma semaphore(%arg10 : memref<!tpu.dma_semaphore, #tpu.memory_space<semaphore_mem>>) src(%dma_wait3A_6 : memref<10000x128xf32, #tpu.memory_space<hbm>>) dst(%arg9 : memref<32x128xf32, #tpu.memory_space<vmem>>)
    "tpu.region"() ({
      %run_scoped3A = tpu.sem_alloc : memref<!tpu.dma_semaphore, #tpu.memory_space<semaphore_mem>>
      %dma_start3A_13 = arith.constant 0 : i32
      %dma_start3A_14 = tpu.memref_slice %arg6[%mul3A_2, %dma_start3A_13] : memref<1024x128xf32, #tpu.memory_space<hbm>> -> memref<32x128xf32, #tpu.memory_space<hbm>>
      %dma_start3A_15 = arith.constant 0 : i32
      %dma_start3A_16 = tpu.memref_slice %arg6[%mul3A_2, %dma_start3A_15] : memref<1024x128xf32, #tpu.memory_space<hbm>> -> memref<32x128xf32, #tpu.memory_space<hbm>>
      tpu.enqueue_dma source(%arg9 : memref<32x128xf32, #tpu.memory_space<vmem>>) target(%dma_start3A_16 : memref<32x128xf32, #tpu.memory_space<hbm>>) target_semaphore(%run_scoped3A : memref<!tpu.dma_semaphore, #tpu.memory_space<semaphore_mem>>)
      %dma_wait3A_17 = arith.constant 0 : i32
      %dma_wait3A_18 = tpu.memref_slice %arg6[%mul3A_2, %dma_wait3A_17] : memref<1024x128xf32, #tpu.memory_space<hbm>> -> memref<32x128xf32, #tpu.memory_space<hbm>>
      %dma_wait3A_19 = arith.constant 0 : i32
      %dma_wait3A_20 = tpu.memref_slice %arg6[%mul3A_2, %dma_wait3A_19] : memref<1024x128xf32, #tpu.memory_space<hbm>> -> memref<32x128xf32, #tpu.memory_space<hbm>>
      tpu.wait_dma2 semaphore(%run_scoped3A : memref<!tpu.dma_semaphore, #tpu.memory_space<semaphore_mem>>) src(%arg9 : memref<32x128xf32, #tpu.memory_space<vmem>>) dst(%dma_wait3A_20 : memref<32x128xf32, #tpu.memory_space<hbm>>)
      tpu.yield
    }) : () -> ()
    "tpu.region"() ({
      %run_scoped3A = tpu.sem_alloc : memref<!tpu.dma_semaphore, #tpu.memory_space<semaphore_mem>>
      %dma_start3A_13 = tpu.memref_slice %arg5[%mul3A_2] : memref<1024xi32, #tpu.memory_space<hbm>> -> memref<32xi32, #tpu.memory_space<hbm>>
      %dma_start3A_14 = tpu.memref_slice %arg5[%mul3A_2] : memref<1024xi32, #tpu.memory_space<hbm>> -> memref<32xi32, #tpu.memory_space<hbm>>
      tpu.enqueue_dma source(%dma_start3A_14 : memref<32xi32, #tpu.memory_space<hbm>>) target(%arg8 : memref<32xi32, #tpu.memory_space<vmem>>) target_semaphore(%run_scoped3A : memref<!tpu.dma_semaphore, #tpu.memory_space<semaphore_mem>>)
      %dma_wait3A_15 = tpu.memref_slice %arg5[%mul3A_2] : memref<1024xi32, #tpu.memory_space<hbm>> -> memref<32xi32, #tpu.memory_space<hbm>>
      %dma_wait3A_16 = tpu.memref_slice %arg5[%mul3A_2] : memref<1024xi32, #tpu.memory_space<hbm>> -> memref<32xi32, #tpu.memory_space<hbm>>
      tpu.wait_dma2 semaphore(%run_scoped3A : memref<!tpu.dma_semaphore, #tpu.memory_space<semaphore_mem>>) src(%dma_wait3A_16 : memref<32xi32, #tpu.memory_space<hbm>>) dst(%arg8 : memref<32xi32, #tpu.memory_space<vmem>>)
      tpu.yield
    }) : () -> ()
    %dma_start3A_7 = arith.constant 0 : i32
    %dma_start3A_8 = arith.constant 0 : i32
    %dma_start3A_9 = tpu.memref_slice %arg3[%dma_start3A_7, %dma_start3A_8] : memref<200x128xf32, #tpu.memory_space<hbm>> -> memref<200x128xf32, #tpu.memory_space<hbm>>
    tpu.enqueue_indirect_dma source(%dma_start3A_9 : memref<200x128xf32, #tpu.memory_space<hbm>>) target(%arg9 : memref<32x128xf32, #tpu.memory_space<vmem>>) offsets(%arg8 : memref<32xi32, #tpu.memory_space<vmem>>) semaphore(%arg10 : memref<!tpu.dma_semaphore, #tpu.memory_space<semaphore_mem>>)
    %dma_wait3A_10 = arith.constant 0 : i32
    %dma_wait3A_11 = arith.constant 0 : i32
    %dma_wait3A_12 = tpu.memref_slice %arg3[%dma_wait3A_10, %dma_wait3A_11] : memref<200x128xf32, #tpu.memory_space<hbm>> -> memref<200x128xf32, #tpu.memory_space<hbm>>
    tpu.wait_indirect_dma semaphore(%arg10 : memref<!tpu.dma_semaphore, #tpu.memory_space<semaphore_mem>>) src(%dma_wait3A_12 : memref<200x128xf32, #tpu.memory_space<hbm>>) dst(%arg9 : memref<32x128xf32, #tpu.memory_space<vmem>>)
    "tpu.region"() ({
      %run_scoped3A = tpu.sem_alloc : memref<!tpu.dma_semaphore, #tpu.memory_space<semaphore_mem>>
      %dma_start3A_13 = arith.constant 0 : i32
      %dma_start3A_14 = tpu.memref_slice %arg7[%mul3A_2, %dma_start3A_13] : memref<1024x128xf32, #tpu.memory_space<hbm>> -> memref<32x128xf32, #tpu.memory_space<hbm>>
      %dma_start3A_15 = arith.constant 0 : i32
      %dma_start3A_16 = tpu.memref_slice %arg7[%mul3A_2, %dma_start3A_15] : memref<1024x128xf32, #tpu.memory_space<hbm>> -> memref<32x128xf32, #tpu.memory_space<hbm>>
      tpu.enqueue_dma source(%arg9 : memref<32x128xf32, #tpu.memory_space<vmem>>) target(%dma_start3A_16 : memref<32x128xf32, #tpu.memory_space<hbm>>) target_semaphore(%run_scoped3A : memref<!tpu.dma_semaphore, #tpu.memory_space<semaphore_mem>>)
      %dma_wait3A_17 = arith.constant 0 : i32
      %dma_wait3A_18 = tpu.memref_slice %arg7[%mul3A_2, %dma_wait3A_17] : memref<1024x128xf32, #tpu.memory_space<hbm>> -> memref<32x128xf32, #tpu.memory_space<hbm>>
      %dma_wait3A_19 = arith.constant 0 : i32
      %dma_wait3A_20 = tpu.memref_slice %arg7[%mul3A_2, %dma_wait3A_19] : memref<1024x128xf32, #tpu.memory_space<hbm>> -> memref<32x128xf32, #tpu.memory_space<hbm>>
      tpu.wait_dma2 semaphore(%run_scoped3A : memref<!tpu.dma_semaphore, #tpu.memory_space<semaphore_mem>>) src(%arg9 : memref<32x128xf32, #tpu.memory_space<vmem>>) dst(%dma_wait3A_20 : memref<32x128xf32, #tpu.memory_space<hbm>>)
      tpu.yield
    }) : () -> ()
    return
  }
}

module attributes {stable_mosaic.version = 14 : i64} {
  func.func @_tc_pre_body(%arg0: memref<2x10240xf32, #tpu.memory_space<vmem>>, %arg1: memref<10000x128xf32, #tpu.memory_space<vmem>>, %arg2: memref<2x10000xf32, #tpu.memory_space<vmem>>, %arg3: memref<2x10000x128xf32, #tpu.memory_space<vmem>>) attributes {dimension_semantics = [], scalar_prefetch = 0 : i64, scratch_operands = 0 : i64, tpu.core_type = #tpu.core_type<tc>} {
    %get3A = arith.constant 0 : index
    %get3A_0 = arith.constant 0 : index
    %get3A_1 = vector.load %arg0[%get3A, %get3A_0] : memref<2x10240xf32, #tpu.memory_space<vmem>>, vector<2x10000xf32>
    %gt3A = arith.constant 0.000000e+00 : f32
    %gt3A_2 = vector.broadcast %gt3A : f32 to vector<2x10000xf32>
    %gt3A_3 = arith.cmpf ogt, %get3A_1, %gt3A_2 : vector<2x10000xf32>
    %max3A = arith.constant 9.99999996E-13 : f32
    %max3A_4 = vector.broadcast %max3A : f32 to vector<2x10000xf32>
    %max3A_5 = arith.maximumf %get3A_1, %max3A_4 : vector<2x10000xf32>
    %rsqrt3A = math.rsqrt %max3A_5 : vector<2x10000xf32>
    %jit3A = arith.constant 0.000000e+00 : f32
    %broadcast_in_dim3A = vector.broadcast %jit3A : f32 to vector<2x10000xf32>
    %select_n3A = arith.select %gt3A_3, %rsqrt3A, %broadcast_in_dim3A : vector<2x10000xi1>, vector<2x10000xf32>
    %swap3A = arith.constant 0 : index
    %swap3A_6 = arith.constant 0 : index
    %swap3A_7 = vector.load %arg2[%swap3A, %swap3A_6] : memref<2x10000xf32, #tpu.memory_space<vmem>>, vector<2x10000xf32>
    tpu.vector_store %arg2[%swap3A, %swap3A_6], %select_n3A {strides = array<i32>} : memref<2x10000xf32, #tpu.memory_space<vmem>>, vector<2x10000xf32>,
    %broadcast_in_dim3A_8 = vector.shape_cast %select_n3A : vector<2x10000xf32> to vector<2x10000x1xf32>
    %get3A_9 = arith.constant 0 : index
    %get3A_10 = arith.constant 0 : index
    %get3A_11 = vector.load %arg1[%get3A_9, %get3A_10] : memref<10000x128xf32, #tpu.memory_space<vmem>>, vector<10000x128xf32>
    %broadcast_in_dim3A_12 = vector.shape_cast %get3A_11 : vector<10000x128xf32> to vector<1x10000x128xf32>
    %mul3A = vector.broadcast %broadcast_in_dim3A_8 : vector<2x10000x1xf32> to vector<2x10000x128xf32>
    %mul3A_13 = vector.broadcast %broadcast_in_dim3A_12 : vector<1x10000x128xf32> to vector<2x10000x128xf32>
    %mul3A_14 = arith.mulf %mul3A, %mul3A_13 : vector<2x10000x128xf32>
    %swap3A_15 = arith.constant 0 : index
    %swap3A_16 = arith.constant 0 : index
    %swap3A_17 = arith.constant 0 : index
    %swap3A_18 = vector.load %arg3[%swap3A_15, %swap3A_16, %swap3A_17] : memref<2x10000x128xf32, #tpu.memory_space<vmem>>, vector<2x10000x128xf32>
    tpu.vector_store %arg3[%swap3A_15, %swap3A_16, %swap3A_17], %mul3A_14 {strides = array<i32>} : memref<2x10000x128xf32, #tpu.memory_space<vmem>>, vector<2x10000x128xf32>,
    return
  }
}

module attributes {stable_mosaic.version = 14 : i64} {
  func.func @_tc_aggmm_body(%arg0: i32, %arg1: memref<2000x128xf32, #tpu.memory_space<vmem>>, %arg2: memref<2x2000x128xf32, #tpu.memory_space<vmem>>, %arg3: memref<2x2000x200xf32, #tpu.memory_space<vmem>>, %arg4: memref<1x2x2000xf32, #tpu.memory_space<vmem>>, %arg5: memref<201x128xf32, #tpu.memory_space<vmem>>, %arg6: memref<128x128xf32, #tpu.memory_space<vmem>>, %arg7: memref<128x128xf32, #tpu.memory_space<vmem>>, %arg8: memref<128x128xf32, #tpu.memory_space<vmem>>, %arg9: memref<128xf32, #tpu.memory_space<vmem>>, %arg10: memref<2000x128xf32, #tpu.memory_space<vmem>>) attributes {dimension_semantics = [#tpu.dimension_semantics<arbitrary>], iteration_bounds = array<i64: 5>, scalar_prefetch = 0 : i64, scratch_operands = 0 : i64, tpu.core_type = #tpu.core_type<tc>, window_params = [{transform_indices = @transform_0, window_bounds = array<i64: 2000, 128>}, {transform_indices = @transform_1, window_bounds = array<i64: 2, 2000, 128>}, {transform_indices = @transform_2, window_bounds = array<i64: 2, 2000, 200>}, {transform_indices = @transform_3, window_bounds = array<i64: 1, 2, 2000>}, {pipeline_mode = #tpu.pipeline_mode<synchronous>, transform_indices = @transform_4, window_bounds = array<i64: 201, 128>}, {pipeline_mode = #tpu.pipeline_mode<synchronous>, transform_indices = @transform_5, window_bounds = array<i64: 128, 128>}, {pipeline_mode = #tpu.pipeline_mode<synchronous>, transform_indices = @transform_6, window_bounds = array<i64: 128, 128>}, {pipeline_mode = #tpu.pipeline_mode<synchronous>, transform_indices = @transform_7, window_bounds = array<i64: 128, 128>}, {pipeline_mode = #tpu.pipeline_mode<synchronous>, transform_indices = @transform_8, window_bounds = array<i64: 128>}, {transform_indices = @transform_9, window_bounds = array<i64: 2000, 128>}]} {
    %get3A = arith.constant 0 : index
    %get3A_0 = arith.constant 0 : index
    %get3A_1 = vector.load %arg1[%get3A, %get3A_0] : memref<2000x128xf32, #tpu.memory_space<vmem>>, vector<2000x128xf32>
    %get3A_2 = arith.constant 0 : index
    %get3A_3 = arith.constant 0 : index
    %get3A_4 = vector.load %arg5[%get3A_2, %get3A_3] : memref<201x128xf32, #tpu.memory_space<vmem>>, vector<201x128xf32>
    %slice3A = vector.extract_strided_slice %get3A_4 {offsets = [0, 0], sizes = [200, 128], strides = [1, 1]} : vector<201x128xf32> to vector<200x128xf32>
    %get3A_5 = arith.constant 0 : index
    %get3A_6 = arith.constant 0 : index
    %get3A_7 = arith.constant 0 : index
    %get3A_8 = vector.load %arg4[%get3A_5, %get3A_6, %get3A_7] : memref<1x2x2000xf32, #tpu.memory_space<vmem>>, vector<1x2x2000xf32>
    %get3A_9 = vector.shape_cast %get3A_8 : vector<1x2x2000xf32> to vector<2x2000xf32>
    %broadcast_in_dim3A = arith.constant 0.000000e+00 : f32
    %broadcast_in_dim3A_10 = vector.broadcast %broadcast_in_dim3A : f32 to vector<2000x128xf32>
    %get3A_11 = arith.constant 0 : index
    %get3A_12 = arith.constant 0 : index
    %get3A_13 = arith.constant 0 : index
    %get3A_14 = vector.load %arg3[%get3A_11, %get3A_12, %get3A_13] : memref<2x2000x200xf32, #tpu.memory_space<vmem>>, vector<1x2000x200xf32>
    %get3A_15 = vector.shape_cast %get3A_14 : vector<1x2000x200xf32> to vector<2000x200xf32>
    %dot_general3A = arith.constant dense<0.000000e+00> : vector<2000x128xf32>
    %dot_general3A_16 = tpu.matmul %get3A_15, %slice3A, %dot_general3A {dimension_numbers = #tpu.dot_dimension_numbers<[1], [0], [0], [1], [0, 0, 1, 1], [], []>, transpose_lhs_hint = false} : vector<2000x200xf32>, vector<200x128xf32>, vector<2000x128xf32> -> vector<2000x128xf32>
    %slice3A_17 = vector.extract_strided_slice %get3A_9 {offsets = [0, 0], sizes = [1, 2000], strides = [1, 1]} : vector<2x2000xf32> to vector<1x2000xf32>
    %squeeze3A = vector.shape_cast %slice3A_17 : vector<1x2000xf32> to vector<2000xf32>
    %broadcast_in_dim3A_18 = vector.shape_cast %squeeze3A : vector<2000xf32> to vector<2000x1xf32>
    %get3A_19 = arith.constant 0 : index
    %get3A_20 = arith.constant 0 : index
    %get3A_21 = arith.constant 0 : index
    %get3A_22 = vector.load %arg2[%get3A_19, %get3A_20, %get3A_21] : memref<2x2000x128xf32, #tpu.memory_space<vmem>>, vector<1x2000x128xf32>
    %get3A_23 = vector.shape_cast %get3A_22 : vector<1x2000x128xf32> to vector<2000x128xf32>
    %sub3A = arith.subf %get3A_23, %dot_general3A_16 : vector<2000x128xf32>
    %mul3A = vector.broadcast %broadcast_in_dim3A_18 : vector<2000x1xf32> to vector<2000x128xf32>
    %mul3A_24 = arith.mulf %mul3A, %sub3A : vector<2000x128xf32>
    %get3A_25 = arith.constant 0 : index
    %get3A_26 = arith.constant 0 : index
    %get3A_27 = vector.load %arg7[%get3A_25, %get3A_26] : memref<128x128xf32, #tpu.memory_space<vmem>>, vector<128x128xf32>
    %dot_general3A_28 = arith.constant dense<0.000000e+00> : vector<2000x128xf32>
    %dot_general3A_29 = tpu.matmul %mul3A_24, %get3A_27, %dot_general3A_28 {dimension_numbers = #tpu.dot_dimension_numbers<[1], [0], [0], [1], [0, 0, 1, 1], [], []>, transpose_lhs_hint = false} : vector<2000x128xf32>, vector<128x128xf32>, vector<2000x128xf32> -> vector<2000x128xf32>
    %add3A = arith.addf %broadcast_in_dim3A_10, %dot_general3A_29 : vector<2000x128xf32>
    %get3A_30 = arith.constant 1 : index
    %get3A_31 = arith.constant 0 : index
    %get3A_32 = arith.constant 0 : index
    %get3A_33 = vector.load %arg3[%get3A_30, %get3A_31, %get3A_32] : memref<2x2000x200xf32, #tpu.memory_space<vmem>>, vector<1x2000x200xf32>
    %get3A_34 = vector.shape_cast %get3A_33 : vector<1x2000x200xf32> to vector<2000x200xf32>
    %dot_general3A_35 = arith.constant dense<0.000000e+00> : vector<2000x128xf32>
    %dot_general3A_36 = tpu.matmul %get3A_34, %slice3A, %dot_general3A_35 {dimension_numbers = #tpu.dot_dimension_numbers<[1], [0], [0], [1], [0, 0, 1, 1], [], []>, transpose_lhs_hint = false} : vector<2000x200xf32>, vector<200x128xf32>, vector<2000x128xf32> -> vector<2000x128xf32>
    %slice3A_37 = vector.extract_strided_slice %get3A_9 {offsets = [1, 0], sizes = [1, 2000], strides = [1, 1]} : vector<2x2000xf32> to vector<1x2000xf32>
    %squeeze3A_38 = vector.shape_cast %slice3A_37 : vector<1x2000xf32> to vector<2000xf32>
    %broadcast_in_dim3A_39 = vector.shape_cast %squeeze3A_38 : vector<2000xf32> to vector<2000x1xf32>
    %get3A_40 = arith.constant 1 : index
    %get3A_41 = arith.constant 0 : index
    %get3A_42 = arith.constant 0 : index
    %get3A_43 = vector.load %arg2[%get3A_40, %get3A_41, %get3A_42] : memref<2x2000x128xf32, #tpu.memory_space<vmem>>, vector<1x2000x128xf32>
    %get3A_44 = vector.shape_cast %get3A_43 : vector<1x2000x128xf32> to vector<2000x128xf32>
    %sub3A_45 = arith.subf %get3A_44, %dot_general3A_36 : vector<2000x128xf32>
    %mul3A_46 = vector.broadcast %broadcast_in_dim3A_39 : vector<2000x1xf32> to vector<2000x128xf32>
    %mul3A_47 = arith.mulf %mul3A_46, %sub3A_45 : vector<2000x128xf32>
    %get3A_48 = arith.constant 0 : index
    %get3A_49 = arith.constant 0 : index
    %get3A_50 = vector.load %arg8[%get3A_48, %get3A_49] : memref<128x128xf32, #tpu.memory_space<vmem>>, vector<128x128xf32>
    %dot_general3A_51 = arith.constant dense<0.000000e+00> : vector<2000x128xf32>
    %dot_general3A_52 = tpu.matmul %mul3A_47, %get3A_50, %dot_general3A_51 {dimension_numbers = #tpu.dot_dimension_numbers<[1], [0], [0], [1], [0, 0, 1, 1], [], []>, transpose_lhs_hint = false} : vector<2000x128xf32>, vector<128x128xf32>, vector<2000x128xf32> -> vector<2000x128xf32>
    %add3A_53 = arith.addf %add3A, %dot_general3A_52 : vector<2000x128xf32>
    %slice3A_54 = vector.extract_strided_slice %get3A_4 {offsets = [200, 0], sizes = [1, 128], strides = [1, 1]} : vector<201x128xf32> to vector<1x128xf32>
    %squeeze3A_55 = vector.shape_cast %slice3A_54 : vector<1x128xf32> to vector<128xf32>
    %broadcast_in_dim3A_56 = vector.shape_cast %squeeze3A_55 : vector<128xf32> to vector<1x128xf32>
    %sub3A_57 = vector.broadcast %broadcast_in_dim3A_56 : vector<1x128xf32> to vector<2000x128xf32>
    %sub3A_58 = arith.subf %get3A_1, %sub3A_57 : vector<2000x128xf32>
    %get3A_59 = arith.constant 0 : index
    %get3A_60 = arith.constant 0 : index
    %get3A_61 = vector.load %arg6[%get3A_59, %get3A_60] : memref<128x128xf32, #tpu.memory_space<vmem>>, vector<128x128xf32>
    %dot_general3A_62 = arith.constant dense<0.000000e+00> : vector<2000x128xf32>
    %dot_general3A_63 = tpu.matmul %sub3A_58, %get3A_61, %dot_general3A_62 {dimension_numbers = #tpu.dot_dimension_numbers<[1], [0], [0], [1], [0, 0, 1, 1], [], []>, transpose_lhs_hint = false} : vector<2000x128xf32>, vector<128x128xf32>, vector<2000x128xf32> -> vector<2000x128xf32>
    %add3A_64 = arith.addf %add3A_53, %dot_general3A_63 : vector<2000x128xf32>
    %mul3A_65 = arith.constant 0.333333343 : f32
    %mul3A_66 = vector.broadcast %mul3A_65 : f32 to vector<2000x128xf32>
    %mul3A_67 = arith.mulf %add3A_64, %mul3A_66 : vector<2000x128xf32>
    %get3A_68 = arith.constant 0 : index
    %get3A_69 = vector.load %arg9[%get3A_68] : memref<128xf32, #tpu.memory_space<vmem>>, vector<128xf32>
    %broadcast_in_dim3A_70 = vector.shape_cast %get3A_69 : vector<128xf32> to vector<1x128xf32>
    %add3A_71 = vector.broadcast %broadcast_in_dim3A_70 : vector<1x128xf32> to vector<2000x128xf32>
    %add3A_72 = arith.addf %mul3A_67, %add3A_71 : vector<2000x128xf32>
    %swap3A = arith.constant 0 : index
    %swap3A_73 = arith.constant 0 : index
    %swap3A_74 = vector.load %arg10[%swap3A, %swap3A_73] : memref<2000x128xf32, #tpu.memory_space<vmem>>, vector<2000x128xf32>
    tpu.vector_store %arg10[%swap3A, %swap3A_73], %add3A_72 {strides = array<i32>} : memref<2000x128xf32, #tpu.memory_space<vmem>>, vector<2000x128xf32>,
    return
  }
  func.func @transform_0(%arg0: i32) -> (i32, i32) {
    %c0_i32 = arith.constant 0 : i32
    %c0_i32_0 = arith.constant 0 : i32
    return %arg0, %c0_i32 : i32, i32
  }
  func.func @transform_1(%arg0: i32) -> (i32, i32, i32) {
    %c0_i32 = arith.constant 0 : i32
    %c0_i32_0 = arith.constant 0 : i32
    %c0_i32_1 = arith.constant 0 : i32
    return %c0_i32, %arg0, %c0_i32_0 : i32, i32, i32
  }
  func.func @transform_2(%arg0: i32) -> (i32, i32, i32) {
    %c0_i32 = arith.constant 0 : i32
    %c0_i32_0 = arith.constant 0 : i32
    %c0_i32_1 = arith.constant 0 : i32
    return %c0_i32, %arg0, %c0_i32_0 : i32, i32, i32
  }
  func.func @transform_3(%arg0: i32) -> (i32, i32, i32) {
    %c0_i32 = arith.constant 0 : i32
    %c0_i32_0 = arith.constant 0 : i32
    %c0_i32_1 = arith.constant 0 : i32
    return %arg0, %c0_i32, %c0_i32_0 : i32, i32, i32
  }
  func.func @transform_4(%arg0: i32) -> (i32, i32) {
    %c0_i32 = arith.constant 0 : i32
    %c0_i32_0 = arith.constant 0 : i32
    %c0_i32_1 = arith.constant 0 : i32
    return %c0_i32, %c0_i32_0 : i32, i32
  }
  func.func @transform_5(%arg0: i32) -> (i32, i32) {
    %c0_i32 = arith.constant 0 : i32
    %c0_i32_0 = arith.constant 0 : i32
    %c0_i32_1 = arith.constant 0 : i32
    return %c0_i32, %c0_i32_0 : i32, i32
  }
  func.func @transform_6(%arg0: i32) -> (i32, i32) {
    %c0_i32 = arith.constant 0 : i32
    %c0_i32_0 = arith.constant 0 : i32
    %c0_i32_1 = arith.constant 0 : i32
    return %c0_i32, %c0_i32_0 : i32, i32
  }
  func.func @transform_7(%arg0: i32) -> (i32, i32) {
    %c0_i32 = arith.constant 0 : i32
    %c0_i32_0 = arith.constant 0 : i32
    %c0_i32_1 = arith.constant 0 : i32
    return %c0_i32, %c0_i32_0 : i32, i32
  }
  func.func @transform_8(%arg0: i32) -> i32 {
    %c0_i32 = arith.constant 0 : i32
    %c0_i32_0 = arith.constant 0 : i32
    return %c0_i32 : i32
  }
  func.func @transform_9(%arg0: i32) -> (i32, i32) {
    %c0_i32 = arith.constant 0 : i32
    %c0_i32_0 = arith.constant 0 : i32
    return %arg0, %c0_i32 : i32, i32
  }
}

module attributes {stable_mosaic.version = 14 : i64} {
  func.func @_tc_bn_body(%arg0: memref<10000x128xf32, #tpu.memory_space<vmem>>, %arg1: memref<201x128xf32, #tpu.memory_space<vmem>>, %arg2: memref<128x128xf32, #tpu.memory_space<vmem>>, %arg3: memref<128xf32, #tpu.memory_space<vmem>>, %arg4: memref<128xf32, #tpu.memory_space<vmem>>, %arg5: memref<10000x128xf32, #tpu.memory_space<vmem>>, %arg6: memref<200x128xf32, #tpu.memory_space<vmem>>) attributes {dimension_semantics = [], scalar_prefetch = 0 : i64, scratch_operands = 0 : i64, tpu.core_type = #tpu.core_type<tc>} {
    %get3A = arith.constant 0 : index
    %get3A_0 = arith.constant 0 : index
    %get3A_1 = vector.load %arg0[%get3A, %get3A_0] : memref<10000x128xf32, #tpu.memory_space<vmem>>, vector<10000x128xf32>
    %reduce_sum3A = arith.constant dense<0.000000e+00> : vector<128xf32>
    %reduce_sum3A_2 = vector.multi_reduction <add>, %get3A_1, %reduce_sum3A [0] : vector<10000x128xf32> to vector<128xf32>
    %div3A = arith.constant 1.000000e+04 : f32
    %div3A_3 = vector.broadcast %div3A : f32 to vector<128xf32>
    %div3A_4 = arith.divf %reduce_sum3A_2, %div3A_3 : vector<128xf32>
    %broadcast_in_dim3A = vector.shape_cast %div3A_4 : vector<128xf32> to vector<1x128xf32>
    %sub3A = vector.broadcast %broadcast_in_dim3A : vector<1x128xf32> to vector<10000x128xf32>
    %sub3A_5 = arith.subf %get3A_1, %sub3A : vector<10000x128xf32>
    %integer_pow3A = arith.mulf %sub3A_5, %sub3A_5 : vector<10000x128xf32>
    %reduce_sum3A_6 = arith.constant dense<0.000000e+00> : vector<128xf32>
    %reduce_sum3A_7 = vector.multi_reduction <add>, %integer_pow3A, %reduce_sum3A_6 [0] : vector<10000x128xf32> to vector<128xf32>
    %div3A_8 = arith.constant 1.000000e+04 : f32
    %div3A_9 = vector.broadcast %div3A_8 : f32 to vector<128xf32>
    %div3A_10 = arith.divf %reduce_sum3A_7, %div3A_9 : vector<128xf32>
    %broadcast_in_dim3A_11 = vector.shape_cast %div3A_4 : vector<128xf32> to vector<1x128xf32>
    %sub3A_12 = vector.broadcast %broadcast_in_dim3A_11 : vector<1x128xf32> to vector<10000x128xf32>
    %sub3A_13 = arith.subf %get3A_1, %sub3A_12 : vector<10000x128xf32>
    %add3A = arith.constant 9.99999974E-6 : f32
    %add3A_14 = vector.broadcast %add3A : f32 to vector<128xf32>
    %add3A_15 = arith.addf %div3A_10, %add3A_14 : vector<128xf32>
    %rsqrt3A = math.rsqrt %add3A_15 : vector<128xf32>
    %broadcast_in_dim3A_16 = vector.shape_cast %rsqrt3A : vector<128xf32> to vector<1x128xf32>
    %mul3A = vector.broadcast %broadcast_in_dim3A_16 : vector<1x128xf32> to vector<10000x128xf32>
    %mul3A_17 = arith.mulf %sub3A_13, %mul3A : vector<10000x128xf32>
    %get3A_18 = arith.constant 0 : index
    %get3A_19 = vector.load %arg3[%get3A_18] : memref<128xf32, #tpu.memory_space<vmem>>, vector<128xf32>
    %broadcast_in_dim3A_20 = vector.shape_cast %get3A_19 : vector<128xf32> to vector<1x128xf32>
    %mul3A_21 = vector.broadcast %broadcast_in_dim3A_20 : vector<1x128xf32> to vector<10000x128xf32>
    %mul3A_22 = arith.mulf %mul3A_17, %mul3A_21 : vector<10000x128xf32>
    %get3A_23 = arith.constant 0 : index
    %get3A_24 = vector.load %arg4[%get3A_23] : memref<128xf32, #tpu.memory_space<vmem>>, vector<128xf32>
    %broadcast_in_dim3A_25 = vector.shape_cast %get3A_24 : vector<128xf32> to vector<1x128xf32>
    %add3A_26 = vector.broadcast %broadcast_in_dim3A_25 : vector<1x128xf32> to vector<10000x128xf32>
    %add3A_27 = arith.addf %mul3A_22, %add3A_26 : vector<10000x128xf32>
    %tanh3A = math.tanh %add3A_27 : vector<10000x128xf32>
    %swap3A = arith.constant 0 : index
    %swap3A_28 = arith.constant 0 : index
    %swap3A_29 = vector.load %arg5[%swap3A, %swap3A_28] : memref<10000x128xf32, #tpu.memory_space<vmem>>, vector<10000x128xf32>
    tpu.vector_store %arg5[%swap3A, %swap3A_28], %tanh3A {strides = array<i32>} : memref<10000x128xf32, #tpu.memory_space<vmem>>, vector<10000x128xf32>,
    %get3A_30 = arith.constant 0 : index
    %get3A_31 = arith.constant 0 : index
    %get3A_32 = vector.load %arg1[%get3A_30, %get3A_31] : memref<201x128xf32, #tpu.memory_space<vmem>>, vector<201x128xf32>
    %get3A_33 = arith.constant 0 : index
    %get3A_34 = arith.constant 0 : index
    %get3A_35 = vector.load %arg2[%get3A_33, %get3A_34] : memref<128x128xf32, #tpu.memory_space<vmem>>, vector<128x128xf32>
    %dot_general3A = arith.constant dense<0.000000e+00> : vector<201x128xf32>
    %dot_general3A_36 = tpu.matmul %get3A_32, %get3A_35, %dot_general3A {dimension_numbers = #tpu.dot_dimension_numbers<[1], [0], [0], [1], [0, 0, 1, 1], [], []>, transpose_lhs_hint = false} : vector<201x128xf32>, vector<128x128xf32>, vector<201x128xf32> -> vector<201x128xf32>
    %slice3A = vector.extract_strided_slice %dot_general3A_36 {offsets = [0, 0], sizes = [200, 128], strides = [1, 1]} : vector<201x128xf32> to vector<200x128xf32>
    %swap3A_37 = arith.constant 0 : index
    %swap3A_38 = arith.constant 0 : index
    %swap3A_39 = vector.load %arg6[%swap3A_37, %swap3A_38] : memref<200x128xf32, #tpu.memory_space<vmem>>, vector<200x128xf32>
    tpu.vector_store %arg6[%swap3A_37, %swap3A_38], %slice3A {strides = array<i32>} : memref<200x128xf32, #tpu.memory_space<vmem>>, vector<200x128xf32>,
    return
  }
}

module attributes {stable_mosaic.version = 14 : i64} {
  func.func @_tc_scale_body(%arg0: memref<2x10000xf32, #tpu.memory_space<vmem>>, %arg1: memref<10000x128xf32, #tpu.memory_space<vmem>>, %arg2: memref<2x10000x128xf32, #tpu.memory_space<vmem>>) attributes {dimension_semantics = [], scalar_prefetch = 0 : i64, scratch_operands = 0 : i64, tpu.core_type = #tpu.core_type<tc>} {
    %get3A = arith.constant 0 : index
    %get3A_0 = arith.constant 0 : index
    %get3A_1 = vector.load %arg0[%get3A, %get3A_0] : memref<2x10000xf32, #tpu.memory_space<vmem>>, vector<2x10000xf32>
    %broadcast_in_dim3A = vector.shape_cast %get3A_1 : vector<2x10000xf32> to vector<2x10000x1xf32>
    %get3A_2 = arith.constant 0 : index
    %get3A_3 = arith.constant 0 : index
    %get3A_4 = vector.load %arg1[%get3A_2, %get3A_3] : memref<10000x128xf32, #tpu.memory_space<vmem>>, vector<10000x128xf32>
    %broadcast_in_dim3A_5 = vector.shape_cast %get3A_4 : vector<10000x128xf32> to vector<1x10000x128xf32>
    %mul3A = vector.broadcast %broadcast_in_dim3A : vector<2x10000x1xf32> to vector<2x10000x128xf32>
    %mul3A_6 = vector.broadcast %broadcast_in_dim3A_5 : vector<1x10000x128xf32> to vector<2x10000x128xf32>
    %mul3A_7 = arith.mulf %mul3A, %mul3A_6 : vector<2x10000x128xf32>
    %swap3A = arith.constant 0 : index
    %swap3A_8 = arith.constant 0 : index
    %swap3A_9 = arith.constant 0 : index
    %swap3A_10 = vector.load %arg2[%swap3A, %swap3A_8, %swap3A_9] : memref<2x10000x128xf32, #tpu.memory_space<vmem>>, vector<2x10000x128xf32>
    tpu.vector_store %arg2[%swap3A, %swap3A_8, %swap3A_9], %mul3A_7 {strides = array<i32>} : memref<2x10000x128xf32, #tpu.memory_space<vmem>>, vector<2x10000x128xf32>,
    return
  }
}

module attributes {stable_mosaic.version = 14 : i64} {
  func.func @_tc_bn_body(%arg0: memref<10000x128xf32, #tpu.memory_space<vmem>>, %arg1: memref<201x128xf32, #tpu.memory_space<vmem>>, %arg2: memref<128x128xf32, #tpu.memory_space<vmem>>, %arg3: memref<128xf32, #tpu.memory_space<vmem>>, %arg4: memref<128xf32, #tpu.memory_space<vmem>>, %arg5: memref<10000x128xf32, #tpu.memory_space<vmem>>, %arg6: memref<200x128xf32, #tpu.memory_space<vmem>>) attributes {dimension_semantics = [], scalar_prefetch = 0 : i64, scratch_operands = 0 : i64, tpu.core_type = #tpu.core_type<tc>} {
    %get3A = arith.constant 0 : index
    %get3A_0 = arith.constant 0 : index
    %get3A_1 = vector.load %arg0[%get3A, %get3A_0] : memref<10000x128xf32, #tpu.memory_space<vmem>>, vector<10000x128xf32>
    %reduce_sum3A = arith.constant dense<0.000000e+00> : vector<128xf32>
    %reduce_sum3A_2 = vector.multi_reduction <add>, %get3A_1, %reduce_sum3A [0] : vector<10000x128xf32> to vector<128xf32>
    %div3A = arith.constant 1.000000e+04 : f32
    %div3A_3 = vector.broadcast %div3A : f32 to vector<128xf32>
    %div3A_4 = arith.divf %reduce_sum3A_2, %div3A_3 : vector<128xf32>
    %broadcast_in_dim3A = vector.shape_cast %div3A_4 : vector<128xf32> to vector<1x128xf32>
    %sub3A = vector.broadcast %broadcast_in_dim3A : vector<1x128xf32> to vector<10000x128xf32>
    %sub3A_5 = arith.subf %get3A_1, %sub3A : vector<10000x128xf32>
    %integer_pow3A = arith.mulf %sub3A_5, %sub3A_5 : vector<10000x128xf32>
    %reduce_sum3A_6 = arith.constant dense<0.000000e+00> : vector<128xf32>
    %reduce_sum3A_7 = vector.multi_reduction <add>, %integer_pow3A, %reduce_sum3A_6 [0] : vector<10000x128xf32> to vector<128xf32>
    %div3A_8 = arith.constant 1.000000e+04 : f32
    %div3A_9 = vector.broadcast %div3A_8 : f32 to vector<128xf32>
    %div3A_10 = arith.divf %reduce_sum3A_7, %div3A_9 : vector<128xf32>
    %broadcast_in_dim3A_11 = vector.shape_cast %div3A_4 : vector<128xf32> to vector<1x128xf32>
    %sub3A_12 = vector.broadcast %broadcast_in_dim3A_11 : vector<1x128xf32> to vector<10000x128xf32>
    %sub3A_13 = arith.subf %get3A_1, %sub3A_12 : vector<10000x128xf32>
    %add3A = arith.constant 9.99999974E-6 : f32
    %add3A_14 = vector.broadcast %add3A : f32 to vector<128xf32>
    %add3A_15 = arith.addf %div3A_10, %add3A_14 : vector<128xf32>
    %rsqrt3A = math.rsqrt %add3A_15 : vector<128xf32>
    %broadcast_in_dim3A_16 = vector.shape_cast %rsqrt3A : vector<128xf32> to vector<1x128xf32>
    %mul3A = vector.broadcast %broadcast_in_dim3A_16 : vector<1x128xf32> to vector<10000x128xf32>
    %mul3A_17 = arith.mulf %sub3A_13, %mul3A : vector<10000x128xf32>
    %get3A_18 = arith.constant 0 : index
    %get3A_19 = vector.load %arg3[%get3A_18] : memref<128xf32, #tpu.memory_space<vmem>>, vector<128xf32>
    %broadcast_in_dim3A_20 = vector.shape_cast %get3A_19 : vector<128xf32> to vector<1x128xf32>
    %mul3A_21 = vector.broadcast %broadcast_in_dim3A_20 : vector<1x128xf32> to vector<10000x128xf32>
    %mul3A_22 = arith.mulf %mul3A_17, %mul3A_21 : vector<10000x128xf32>
    %get3A_23 = arith.constant 0 : index
    %get3A_24 = vector.load %arg4[%get3A_23] : memref<128xf32, #tpu.memory_space<vmem>>, vector<128xf32>
    %broadcast_in_dim3A_25 = vector.shape_cast %get3A_24 : vector<128xf32> to vector<1x128xf32>
    %add3A_26 = vector.broadcast %broadcast_in_dim3A_25 : vector<1x128xf32> to vector<10000x128xf32>
    %add3A_27 = arith.addf %mul3A_22, %add3A_26 : vector<10000x128xf32>
    %tanh3A = math.tanh %add3A_27 : vector<10000x128xf32>
    %swap3A = arith.constant 0 : index
    %swap3A_28 = arith.constant 0 : index
    %swap3A_29 = vector.load %arg5[%swap3A, %swap3A_28] : memref<10000x128xf32, #tpu.memory_space<vmem>>, vector<10000x128xf32>
    tpu.vector_store %arg5[%swap3A, %swap3A_28], %tanh3A {strides = array<i32>} : memref<10000x128xf32, #tpu.memory_space<vmem>>, vector<10000x128xf32>,
    %get3A_30 = arith.constant 0 : index
    %get3A_31 = arith.constant 0 : index
    %get3A_32 = vector.load %arg1[%get3A_30, %get3A_31] : memref<201x128xf32, #tpu.memory_space<vmem>>, vector<201x128xf32>
    %get3A_33 = arith.constant 0 : index
    %get3A_34 = arith.constant 0 : index
    %get3A_35 = vector.load %arg2[%get3A_33, %get3A_34] : memref<128x128xf32, #tpu.memory_space<vmem>>, vector<128x128xf32>
    %dot_general3A = arith.constant dense<0.000000e+00> : vector<201x128xf32>
    %dot_general3A_36 = tpu.matmul %get3A_32, %get3A_35, %dot_general3A {dimension_numbers = #tpu.dot_dimension_numbers<[1], [0], [0], [1], [0, 0, 1, 1], [], []>, transpose_lhs_hint = false} : vector<201x128xf32>, vector<128x128xf32>, vector<201x128xf32> -> vector<201x128xf32>
    %slice3A = vector.extract_strided_slice %dot_general3A_36 {offsets = [0, 0], sizes = [200, 128], strides = [1, 1]} : vector<201x128xf32> to vector<200x128xf32>
    %swap3A_37 = arith.constant 0 : index
    %swap3A_38 = arith.constant 0 : index
    %swap3A_39 = vector.load %arg6[%swap3A_37, %swap3A_38] : memref<200x128xf32, #tpu.memory_space<vmem>>, vector<200x128xf32>
    tpu.vector_store %arg6[%swap3A_37, %swap3A_38], %slice3A {strides = array<i32>} : memref<200x128xf32, #tpu.memory_space<vmem>>, vector<200x128xf32>,
    return
  }
}

</mosaic_0001>

<sc_bundles>
// kernel: kernel.13.cloned.1.call-start
scs
__scs_entry_jumppad:
0x0: {  	(pc) =	sbr.rel $0x88, $3  }
0x1: {  	(tag) =	ssettag $0x0;
	lr =	simm.s32 $0x1  }
0x2: {  	[smem:$0x3F8B] =	sst lr;
	_ =	strace $0xD0000000  }
0x3: {  	_ = 	snop  }
0x4: {  	_ = 	snop  }
0x5: {  	_ = 	snop  }
0x6: {  	_ = 	snop  }
0x7: {  	_ = 	snop  }
__scs_overlays_trampoline_lowered:
0x8: {  	[smem:$0x3F9A] =	sst s0  }
0x9: {  	[smem:$0x3F9B] =	sst s1  }
0xa: {  	[smem:$0x3F9C] =	sst s2  }
0xb: {  	[smem:$0x3F9D] =	sst s3  }
0xc: {  	[smem:$0x3F9E] =	sst s4  }
0xd: {  	[smem:$0x3F9F] =	sst s5  }
0xe: {  	[smem:$0x3FA0] =	sst s6  }
0xf: {  	[smem:$0x3FA1] =	sst s7  }
0x10: {  	[smem:$0x3FA2] =	sst s8  }
0x11: {  	[smem:$0x3FA3] =	sst s9;
	s0 =	simm.s32 @!p0 $0x0  }
0x12: {  	s1 =	sld [smem:$0x3F89];
	s0 =	simm.s32 @p0 $0x1  }
0x13: {  	[smem:$0x3FA4] =	sst s0;
	s0 =	simm.s32 @!p1 $0x0  }
0x14: {  	s2 =	sld [smem:$0x3F88];
	s0 =	simm.s32 @p1 $0x1  }
0x15: {  	[smem:$0x3FA5] =	sst s0;
	s0 =	simm.s32 @!p2 $0x0  }
0x16: {  	s3 =	sld [smem:$0x3FDB];
	s0 =	simm.s32 @p2 $0x1  }
0x17: {  	s4 =	simm.s32 $0x1BF5;
	[smem:$0x3FA7] =	sst s0  }
0x18: {  	s0 =	sld [smem:$0x3F8A];
	_ =	swait.ge [sflag:s4], $0x0  }
0x19: {  	s7 =	sld [smem:$0x3F8B]  }
0x1a: {  	s8 =	sadd.s32 $0xFFFFE003, lr  }
0x1b: {  	s9 =	sadd.s32 $0xFFFFFEF7, lr;
	s5 =	simm.s32 $0xFFFFFFFF;
	p2 =	slt.u32 s8, $0xFFFFF086  }
0x1c: {  	p1 =	slt.u32 s9, $0xF7A;
	s5 =	simm.s32 @!p2 $0x0  }
0x1d: {  	s5 =	simm.s32 @p1 $0x1;
	p0 =	seq.s32 s7, s2  }
0x1e: {  	s7 =	smul.u32 @!p0 $0xF7A, s2;
	p2 =	seq.s32 @!p0 s5, $0x0  }
0x1f: {  	s9 =	smul.u32 $0xF7A, s1;
	s8 =	simm.s32 @!p0 $0x1BF5;
	p2 =	por !p2, p0  }
0x20: {  	[sflag:s8] =	ssyncset.s32 @!p0 $0xFFFFF086;
	s6 =	sadd.s32 @!p0 s3, s7;
	s7 =	simm.s32 @!p0 $0x108  }
0x21: {  	s3 =	sadd.s32 s3, s9;
	s6 =	sadd.s32 @!p0 $0x88, s6;
	s7 =	simm.s32 @p2 $0x1082  }
0x22: {  	[simem:s7], [sflag:s8] =	dma.local @!p0 [hbm:s6], $0xF7A  }
0x23: {  	s9 =	sor.u32 $0xD0000000, s2;
	s6 =	simm.s32 $0x108;
	_ =	swait.ge @!p0 [sflag:s8], $0x0  }
0x24: {  	s3 =	sadd.s32 $0x88, s3;
	s6 =	simm.s32 @!p1 $0x1082;
	[sflag:s4] =	ssyncset.s32 $0xFFFFF086  }
0x25: {  	[simem:s6], [sflag:s4] =	dma.local [hbm:s3], $0xF7A  }
0x26: {  	[smem:$0x3F8B] =	sst s1;
	(tag) =	ssettag s2;
	_ =	strace s9  }
0x27: {  	s1 =	sld [smem:$0x3F9B]  }
0x28: {  	s2 =	sld [smem:$0x3F9C]  }
0x29: {  	s4 =	sld [smem:$0x3F9E]  }
0x2a: {  	p0 =	seq.s32 s5, $0x0;
	s5 =	sld [smem:$0x3F9F]  }
0x2b: {  	s6 =	sld [smem:$0x3FA0]  }
0x2c: {  	s7 =	sld [smem:$0x3FA1]  }
0x2d: {  	s3 =	simm.s32 $0x108;
	s8 =	sld [smem:$0x3FA2]  }
0x2e: {  	s3 =	simm.s32 @!p0 $0x1082;
	s9 =	sld [smem:$0x3FA3]  }
0x2f: {  	lr =	sadd.s32 s0, s3;
	s0 =	sld [smem:$0x3F9A]  }
0x30: {  	s3 =	sld [smem:$0x3F9D]  }
0x31: {  	[smem:$0x3FA6] =	sst s10  }
0x32: {  	s10 =	sld [smem:$0x3FA4];
	_ =	sdelay $0x3  }
0x33: {  	p0 =	seq.s32 s10, $0x1;
	s10 =	sld [smem:$0x3FA6];
	_ =	sdelay $0x3  }
0x34: {  	[smem:$0x3FA6] =	sst s10  }
0x35: {  	s10 =	sld [smem:$0x3FA5];
	_ =	sdelay $0x3  }
0x36: {  	p1 =	seq.s32 s10, $0x1;
	s10 =	sld [smem:$0x3FA6];
	_ =	sdelay $0x3  }
0x37: {  	[smem:$0x3FA6] =	sst s10  }
0x38: {  	s10 =	sld [smem:$0x3FA7]  }
0x39: {  	_ = 	snop;
	(pc) =	sbr.ind lr, $3  }
0x3a: {  	_ = 	snop  }
0x3b: {  	_ = 	snop  }
0x3c: {  	p2 =	seq.s32 s10, $0x1;
	s10 =	sld [smem:$0x3FA6]  }
0x3d: {  	_ =	shalt  }
0x3e: {  	_ =	shalt  }
0x3f: {  	_ =	shalt  }
0x40: {  	_ =	shalt  }
0x41: {  	_ =	shalt  }
0x42: {  	_ =	shalt  }
0x43: {  	_ =	shalt  }
0x44: {  	_ =	shalt  }
0x45: {  	_ =	shalt  }
0x46: {  	_ =	shalt  }
0x47: {  	_ =	shalt  }
0x48: {  	_ =	shalt  }
0x49: {  	_ =	shalt  }
0x4a: {  	_ =	shalt  }
0x4b: {  	_ =	shalt  }
0x4c: {  	_ =	shalt  }
0x4d: {  	_ =	shalt  }
0x4e: {  	_ =	shalt  }
0x4f: {  	_ =	shalt  }
0x50: {  	_ =	shalt  }
0x51: {  	_ =	shalt  }
0x52: {  	_ =	shalt  }
0x53: {  	_ =	shalt  }
0x54: {  	_ =	shalt  }
0x55: {  	_ =	shalt  }
0x56: {  	_ =	shalt  }
0x57: {  	_ =	shalt  }
0x58: {  	_ =	shalt  }
0x59: {  	_ =	shalt  }
0x5a: {  	_ =	shalt  }
0x5b: {  	_ =	shalt  }
0x5c: {  	_ =	shalt  }
0x5d: {  	_ =	shalt  }
0x5e: {  	_ =	shalt  }
0x5f: {  	_ =	shalt  }
0x60: {  	_ =	shalt  }
0x61: {  	_ =	shalt  }
0x62: {  	_ =	shalt  }
0x63: {  	_ =	shalt  }
0x64: {  	_ =	shalt  }
0x65: {  	_ =	shalt  }
0x66: {  	_ =	shalt  }
0x67: {  	_ =	shalt  }
0x68: {  	_ =	shalt  }
0x69: {  	_ =	shalt  }
0x6a: {  	_ =	shalt  }
0x6b: {  	_ =	shalt  }
0x6c: {  	_ =	shalt  }
0x6d: {  	_ =	shalt  }
0x6e: {  	_ =	shalt  }
0x6f: {  	_ =	shalt  }
0x70: {  	_ =	shalt  }
0x71: {  	_ =	shalt  }
0x72: {  	_ =	shalt  }
0x73: {  	_ =	shalt  }
0x74: {  	_ =	shalt  }
0x75: {  	_ =	shalt  }
0x76: {  	_ =	shalt  }
0x77: {  	_ =	shalt  }
0x78: {  	_ =	shalt  }
0x79: {  	_ =	shalt  }
0x7a: {  	_ =	shalt  }
0x7b: {  	_ =	shalt  }
0x7c: {  	_ =	shalt  }
0x7d: {  	_ =	shalt  }
0x7e: {  	_ =	shalt  }
0x7f: {  	_ =	shalt  }
0x80: {  	_ =	shalt  }
0x81: {  	_ =	shalt  }
0x82: {  	_ =	shalt  }
0x83: {  	_ =	shalt  }
0x84: {  	_ =	shalt  }
0x85: {  	_ =	shalt  }
0x86: {  	_ =	shalt  }
0x87: {  	_ =	shalt  }
.Lfunc_end0:
.L_simem_size_0:
called_computation_lowered:
.L_overlay_start_0:
0x88: {  	s2 =	sld [smem:$0x3FD9]  }
0x89: {  	s3 =	sld [smem:$0x3FFE];
	_ =	sdelay $0x1  }
0x8a: {  	s1 =	srdreg.scid  }
0x8b: {  	s0 =	sand.u32 $0x1, s1  }
0x8c: {  	s14 =	sshll.u32 s0, $0xA;
	s2 =	sadd.s32 s3, s2  }
0x8d: {  	s2 =	sadd.s32 s2, s14  }
0x8e: {  	[smem:$0x3FB2] =	sst s2  }
0x8f: {  	_ = 	snop  }
0x90: {  	s2 =	sld [smem:$0x3FD0];
	_ =	sdelay $0x2  }
0x91: {  	s15 =	simm.s32 $0xB;
	s4 =	simm.s32 $0x10  }
0x92: {  	[smem:s4], [sflag:s15] =	dma.local [hbm:s2], $0x1  }
0x93: {  	_ =	swait.eq [sflag:s15], $0x1  }
0x94: {  	[sflag:s15] =	ssyncset.done $0x0  }
0x95: {  	[sflag:s15] =	ssyncadd.s32 $0xFFFFFFFF  }
0x96: {  	s16 =	sld [smem:$0x11];
	(tm) =	ssettm $0x1  }
0x97: {  	s17 =	sld [smem:$0x3FFB];
	_ =	sdelay $0x3  }
0x98: {  	_ =	strace s17  }
0x99: {  	s3 =	sld [smem:$0x3FFC];
	_ =	sdelay $0x3  }
0x9a: {  	_ =	strace s3  }
0x9b: {  	s3 =	sld [smem:$0x3FFD];
	_ =	sdelay $0x3  }
0x9c: {  	_ =	strace s3  }
0x9d: {  	_ =	strace $0x8FFFFFFF  }
0x9e: {  	s18 =	sld [smem:$0x3FDB];
	_ =	sdelay $0x1  }
0x9f: {  	s19 =	simm.s32 $_scs_section_size  }
0xa0: {  	s5 =	simm.s32 $_size__tile_overlayer_lowered;
	s6 =	simm.s32 $_tile_overlayer_lowered  }
0xa1: {  	s22 =	simm.s32 $0x1BFF;
	s21 =	sshll.u32 s6, $0x1;
	s3 =	sadd.s32 s19, s18  }
0xa2: {  	s7 =	simm.s32 $0x0;
	s20 =	sshll.u32 s5, $0x1;
	s5 =	sadd.s32 s21, s3  }
0xa3: {  	[timem:s7], [sflag:s22] =	dma.local [hbm:s5], s20  }
0xa4: {  	_ =	swait.ge [sflag:s22], s20  }
0xa5: {  	s4 =	ssub.s32 $0x0, s20;
	[sflag:s22] =	ssyncset.done $0x0  }
0xa6: {  	[sflag:s22] =	ssyncadd.s32 s4;
	_ =	sdelay $0x1  }
0xa7: {  	s23 =	simm.s32 $0x1B8B  }
0xa8: {  	_ =	swait.ge [sflag:s23], $0x1  }
0xa9: {  	[sflag:s23] =	ssyncset.done $0x0  }
0xaa: {  	s25 =	simm.s32 $0x1B8E;
	s24 =	sld [smem:$0x3FFE];
	[sflag:s23] =	ssyncadd.s32 $0xFFFFFFFF  }
0xab: {  	s26 =	simm.s32 $execute0_lowered;
	[smem:$0x3FD2] =	sst s25  }
0xac: {  	s5 =	sshll.u32 s26, $0x1;
	_ =	strace $0x80000046;
	[dreg:$0x1] =	wrdreg $0xFFFFFFFF  }
0xad: {  	s28 =	simm.s32 $_size_execute0_lowered;
	s3 =	sadd.s32 s3, s5;
	[dreg:$0x0] =	wrdreg $0x0  }
0xae: {  	s5 =	sshll.u32 s28, $0x1;
	[dreg:$0x2] =	wrdreg s3  }
0xaf: {  	[dreg:$0x3] =	wrdreg s5  }
0xb0: {  	[dreg:$0x4] =	wrdreg $0xC0  }
0xb1: {  	_ =	task [dreg:s7], $0x5FFFF  }
0xb2: {  	[dreg:$0x1] =	wrdreg $0xFFFFFFFF  }
0xb3: {  	[dreg:$0x0] =	wrdreg $0x60  }
0xb4: {  	[dreg:$0x2] =	wrdreg s24  }
0xb5: {  	[dreg:$0x3] =	wrdreg s16  }
0xb6: {  	[dreg:$0x4] =	wrdreg $0x2B000  }
0xb7: {  	[dreg:$0x5] =	wrdreg $0x9  }
0xb8: {  	_ =	task.clear_ibuf [dreg:s7], $0x6FFFF;
	_ =	strace $0x90000046  }
0xb9: {  	s29 =	simm.s32 $0x9;
	_ =	strace $0x80000048  }
0xba: {  	_ =	swait.ge [sflag:s29], $0x1  }
0xbb: {  	[sflag:s29] =	ssyncadd.s32 $0xFFFFFFFF  }
0xbc: {  	_ =	strace $0x90000048  }
0xbd: {  	_ =	sfence  }
0xbe: {  	s30 =	sld [smem:$0x0];
	_ =	sdelay $0x2  }
0xbf: {  	s31 =	sshll.u32 s1, $0xD;
	s1 =	sshrl.u32 s1, $0x2  }
0xc0: {  	s3 =	sand.u32 $0x4000, s31;
	s1 =	sadd.s32 s1, s30  }
0xc1: {  	s0 =	sor.u32 s3, s0;
	s1 =	sshll.u32 s1, $0x11  }
0xc2: {  	s0 =	sor.u32 s1, s0  }
0xc3: {  	s0 =	sadd.s32 $0x8F2B, s0  }
0xc4: {  	[sflag:s0] =	ssyncadd.remote.s32 $0x1  }
0xc5: {  	_ =	sfence.sel $0xFFFF  }
0xc6: {  	[dreg:$0x0] =	wrdreg $0xFFFFFFFF;
	(pc) =	sbr.abs _section_cstart, $3  }
0xc7: {  	[dreg:$0x1] =	wrdreg $0xFFFFFFFF  }
0xc8: {  	_ =	task.clear_ibuf [dreg:s7], $0x2FFFF;
	_ =	strace $0x9FFFFFFF  }
0xc9: {  	(tm) =	ssettm $0x7FFFFFFF  }
tec
execute0_lowered:
.L_overlay_start_1:
0x0: {  	(tag) =	ssettag $0x1  }
0x1: {  	s4 =	rddreg [dreg:$0x0]  }
0x2: {  	s0 =	srdreg.scid;
	s6 =	rddreg [dreg:$0x1]  }
0x3: {  	s2 =	rddreg [dreg:$0x2];
	s5 =	sand.u32 $0x1, s0  }
0x4: {  	s0 =	stileid.u32;
	s7 =	smul.u32 $0x28000, s5  }
0x5: {  	s1 =	rddreg [dreg:$0x3];
	s3 =	simm.s32 $0x0;
	s8 =	smul.u32 $0x2800, s0  }
0x6: {  	s11 =	simm.s32 $0x2800;
	s12 =	simm.s32 $0x0;
	s9 =	smul.u32 $0x280, s0  }
0x7: {  	[smem:$0x7FF] =	sst s3;
	s10 =	smul.u32 $0x2800, s5;
	s5 =	ssub.s32 $0x2, s5  }
0x8: {  	_ =	strace $0x80000047;
	s29 =	sshrl.u32 s5, $0x1;
	s7 =	sadd.s32 s8, s7  }
0x9: {  	s10 =	sadd.s32 s9, s10;
	s30 =	ssub.s32 s5, s29;
	s5 =	sadd.s32 s9, s2  }
0xa: {  	s8 =	simm.s32 $0x1;
	s9 =	simm.s32 $0x2880;
	s7 =	sshrl.u32 s7, $0x3  }
0xb: {  	s31 =	sshrl.u32 s10, $0x3;
	s10 =	simm.s32 $0x80;
	s4 =	sadd.s32 s7, s4  }
0xc: {  	v0 =	vimm.f32 $0.0e+00;
	v1 =	vimm.f32 $1.000000000e+00;
	s6 =	sadd.s32 s6, s31;
	s7 =	smax.u32 s30, $0x1;
	s4 =	sadd.s32 $0x4200, s4  }
.LBB2_1:
0xd: {  	[tilespmem:s3], [sflag:$0x1] =	stream.linear.gather [hbm4b:s4+s3], $0x2800, $0x38;
	[tilespmem:$0x2D80] =	vst v63  }
0xe: {  	_ =	swait.ge [sflag:s8], $0x2800  }
0xf: {  	[sflag:s8] =	ssyncset.done $0x0  }
0x10: {  	[sflag:s8] =	ssyncadd.s32 $0xFFFFD800  }
0x11: {  	[tilespmem:$0x2880] =	vst v0  }
0x12: {  	[tilespmem:$0x2890] =	vst v0  }
0x13: {  	[tilespmem:$0x28A0] =	vst v0  }
0x14: {  	[tilespmem:$0x28B0] =	vst v0  }
0x15: {  	[tilespmem:$0x28C0] =	vst v0  }
0x16: {  	[tilespmem:$0x28D0] =	vst v0  }
0x17: {  	[tilespmem:$0x28E0] =	vst v0  }
0x18: {  	[tilespmem:$0x28F0] =	vst v0  }
0x19: {  	[tilespmem:$0x2900] =	vst v0  }
0x1a: {  	[tilespmem:$0x2910] =	vst v0  }
0x1b: {  	[tilespmem:$0x2920] =	vst v0  }
0x1c: {  	[tilespmem:$0x2930] =	vst v0  }
0x1d: {  	[tilespmem:$0x2940] =	vst v0  }
0x1e: {  	[tilespmem:$0x2950] =	vst v0  }
0x1f: {  	[tilespmem:$0x2960] =	vst v0  }
0x20: {  	[tilespmem:$0x2970] =	vst v0  }
0x21: {  	[tilespmem:$0x2980] =	vst v0  }
0x22: {  	[tilespmem:$0x2990] =	vst v0  }
0x23: {  	[tilespmem:$0x29A0] =	vst v0  }
0x24: {  	[tilespmem:$0x29B0] =	vst v0  }
0x25: {  	[tilespmem:$0x29C0] =	vst v0  }
0x26: {  	[tilespmem:$0x29D0] =	vst v0  }
0x27: {  	[tilespmem:$0x29E0] =	vst v0  }
0x28: {  	[tilespmem:$0x29F0] =	vst v0  }
0x29: {  	[tilespmem:$0x2A00] =	vst v0  }
0x2a: {  	[tilespmem:$0x2A10] =	vst v0  }
0x2b: {  	[tilespmem:$0x2A20] =	vst v0  }
0x2c: {  	[tilespmem:$0x2A30] =	vst v0  }
0x2d: {  	[tilespmem:$0x2A40] =	vst v0  }
0x2e: {  	[tilespmem:$0x2A50] =	vst v0  }
0x2f: {  	[tilespmem:$0x2A60] =	vst v0  }
0x30: {  	[tilespmem:$0x2A70] =	vst v0  }
0x31: {  	[tilespmem:$0x2A80] =	vst v0  }
0x32: {  	[tilespmem:$0x2A90] =	vst v0  }
0x33: {  	[tilespmem:$0x2AA0] =	vst v0  }
0x34: {  	[tilespmem:$0x2AB0] =	vst v0  }
0x35: {  	[tilespmem:$0x2AC0] =	vst v0  }
0x36: {  	[tilespmem:$0x2AD0] =	vst v0  }
0x37: {  	[tilespmem:$0x2AE0] =	vst v0  }
0x38: {  	[tilespmem:$0x2AF0] =	vst v0  }
0x39: {  	[tilespmem:$0x2800] =	vst v1  }
0x3a: {  	[tilespmem:$0x2810] =	vst v1  }
0x3b: {  	[tilespmem:$0x2820] =	vst v1  }
0x3c: {  	[tilespmem:$0x2830] =	vst v1  }
0x3d: {  	[tilespmem:$0x2840] =	vst v1  }
0x3e: {  	[tilespmem:$0x2850] =	vst v1  }
0x3f: {  	[tilespmem:$0x2860] =	vst v1  }
0x40: {  	[tilespmem:$0x2870] =	vst v1  }
0x41: {  	[spmem:s5] =	stream.linear.scatter [tilespmem:s9], [sflag:$0x1], $0x280, $0x38;
	[tilespmem:$0x2D80] =	vst v63  }
0x42: {  	_ =	swait.ge [sflag:s8], $0x280  }
0x43: {  	[sflag:s8] =	ssyncset.done $0x0  }
0x44: {  	[sflag:s8] =	ssyncadd.s32 $0xFFFFFD80  }
0x45: {  	s13 =	simm.s32 $0x0;
	[bflag:$0x0] =	sbarrier.arrive $0xFFFF  }
0x46: {  	[spmem:s2] =	stream.indirect.scatter.add.f32 [tilespmem:s11], [sflag:$0x1], $0x1, s13, s10, $0xb8;
	[tilespmem:$0x2D80] =	vst v63  }
0x47: {  	_ =	swait.ge [sflag:s8], $0x80  }
0x48: {  	s13 =	simm.s32 $0x200;
	[sflag:s8] =	ssyncset.done $0x0  }
.LBB2_2:
0x49: {  	s14 =	sshra.s32 s13, $0x2;
	[sflag:s8] =	ssyncadd.s32 $0xFFFFFF80;
	p0 =	sne.s32 s13, $0x9E00  }
0x4a: {  	[spmem:s2] =	stream.indirect.scatter.add.f32 [tilespmem:s11], [sflag:$0x1], $0x1, s14, s10, $0xb8;
	[tilespmem:$0x2D80] =	vst v63  }
.Ltmp0:
0x4b: {  	_ = 	snop;
	(pc) =	sbr.rel @p0 .LBB2_2-.Ltmp0, $4  }
0x4c: {  	_ = 	snop  }
0x4d: {  	s13 =	sadd.s32 $0x200, s13  }
0x4e: {  	_ =	swait.ge [sflag:s8], $0x80  }
0x4f: {  	[sflag:s8] =	ssyncset.done $0x0  }
0x50: {  	[sflag:s8] =	ssyncadd.s32 $0xFFFFFF80  }
0x51: {  	[bflag:$0x0] =	sbarrier.arrive $0xFFFF  }
0x52: {  	[tilespmem:s9], [sflag:$0x1] =	stream.linear.gather [spmem:s5], $0x280, $0x38;
	[tilespmem:$0x2D80] =	vst v63  }
0x53: {  	s12 =	sadd.s32 $0x1, s12;
	_ =	swait.ge [sflag:s8], $0x280  }
0x54: {  	p0 =	sne.s32 s12, s7;
	[sflag:s8] =	ssyncset.done $0x0  }
.Ltmp1:
0x55: {  	[sflag:s8] =	ssyncadd.s32 $0xFFFFFD80;
	(pc) =	sbr.rel @p0 .LBB2_1-.Ltmp1, $4  }
0x56: {  	[hbm4b:s6+s3] =	stream.linear.scatter [tilespmem:s9], [sflag:$0x1], $0x280, $0x38;
	[tilespmem:$0x2D80] =	vst v63  }
0x57: {  	_ =	swait.ge [sflag:s8], $0x280  }
0x58: {  	[sflag:s8] =	ssyncset.done $0x0  }
0x59: {  	[sflag:s8] =	ssyncadd.s32 $0xFFFFFD80  }
0x5a: {  	_ =	sfence.sel $0x180000  }
0x5b: {  	[bflag:$0x0] =	sbarrier.arrive $0xFFFF  }
0x5c: {  	p0 =	sne.s32 s0, $0x0;
	_ =	strace $0x90000047  }
0x5d: {  	s0 =	sadd.s32 @!p0 $0x100000, s1;
	[bflag:$0x2] =	sbarrier.arrive $0xFFFF  }
0x5e: {  	[sflag:s0] =	ssyncadd.tile.s32 @!p0 $0x1;
	_ =	shalt  }
.Lfunc_end2:
_tile_overlayer_lowered:
.L_overlay_start_2:
0x5f: {  	(tag) =	ssettag $0x2  }
0x60: {  	s0 =	rddreg [dreg:$0x0];
	s2 =	stileid.u32  }
0x61: {  	s1 =	rddreg [dreg:$0x1];
	p0 =	sne.s32 s2, $0x0  }
0x62: {  	s3 =	rddreg [dreg:$0x2];
	[bflag:$0x3] =	sbarrier.arrive $0xFFFF;
	s2 =	simm.s32 @!p0 $0x1C01  }
0x63: {  	[timem:s3], [sflag:s2] =	dma.local @!p0 [hbm:s0], s1  }
0x64: {  	s0 =	simm.s32 @!p0 $0x1  }
0x65: {  	_ =	swait.ge @!p0 [sflag:s0], s1  }
0x66: {  	s1 =	ssub.s32 @!p0 $0x0, s1;
	[sflag:s0] =	ssyncset.done @!p0 $0x0  }
0x67: {  	[sflag:s0] =	ssyncadd.s32 @!p0 s1  }
0x68: {  	[bflag:$0x3] =	sbarrier.arrive $0xFFFF  }
0x69: {  	_ =	shalt  }

// kernel: kernel.16.cloned.1.call-start
scs
__scs_entry_jumppad:
0x0: {  	(pc) =	sbr.rel $0x88, $3  }
0x1: {  	(tag) =	ssettag $0x0;
	lr =	simm.s32 $0x1  }
0x2: {  	[smem:$0x3F8B] =	sst lr;
	_ =	strace $0xD0000000  }
0x3: {  	_ = 	snop  }
0x4: {  	_ = 	snop  }
0x5: {  	_ = 	snop  }
0x6: {  	_ = 	snop  }
0x7: {  	_ = 	snop  }
__scs_overlays_trampoline_lowered:
0x8: {  	[smem:$0x3F9A] =	sst s0  }
0x9: {  	[smem:$0x3F9B] =	sst s1  }
0xa: {  	[smem:$0x3F9C] =	sst s2  }
0xb: {  	[smem:$0x3F9D] =	sst s3  }
0xc: {  	[smem:$0x3F9E] =	sst s4  }
0xd: {  	[smem:$0x3F9F] =	sst s5  }
0xe: {  	[smem:$0x3FA0] =	sst s6  }
0xf: {  	[smem:$0x3FA1] =	sst s7  }
0x10: {  	[smem:$0x3FA2] =	sst s8  }
0x11: {  	[smem:$0x3FA3] =	sst s9;
	s0 =	simm.s32 @!p0 $0x0  }
0x12: {  	s1 =	sld [smem:$0x3F89];
	s0 =	simm.s32 @p0 $0x1  }
0x13: {  	[smem:$0x3FA4] =	sst s0;
	s0 =	simm.s32 @!p1 $0x0  }
0x14: {  	s2 =	sld [smem:$0x3F88];
	s0 =	simm.s32 @p1 $0x1  }
0x15: {  	[smem:$0x3FA5] =	sst s0;
	s0 =	simm.s32 @!p2 $0x0  }
0x16: {  	s3 =	sld [smem:$0x3FDB];
	s0 =	simm.s32 @p2 $0x1  }
0x17: {  	s4 =	simm.s32 $0x1BF5;
	[smem:$0x3FA7] =	sst s0  }
0x18: {  	s0 =	sld [smem:$0x3F8A];
	_ =	swait.ge [sflag:s4], $0x0  }
0x19: {  	s7 =	sld [smem:$0x3F8B]  }
0x1a: {  	s8 =	sadd.s32 $0xFFFFE003, lr  }
0x1b: {  	s9 =	sadd.s32 $0xFFFFFEF7, lr;
	s5 =	simm.s32 $0xFFFFFFFF;
	p2 =	slt.u32 s8, $0xFFFFF086  }
0x1c: {  	p1 =	slt.u32 s9, $0xF7A;
	s5 =	simm.s32 @!p2 $0x0  }
0x1d: {  	s5 =	simm.s32 @p1 $0x1;
	p0 =	seq.s32 s7, s2  }
0x1e: {  	s7 =	smul.u32 @!p0 $0xF7A, s2;
	p2 =	seq.s32 @!p0 s5, $0x0  }
0x1f: {  	s9 =	smul.u32 $0xF7A, s1;
	s8 =	simm.s32 @!p0 $0x1BF5;
	p2 =	por !p2, p0  }
0x20: {  	[sflag:s8] =	ssyncset.s32 @!p0 $0xFFFFF086;
	s6 =	sadd.s32 @!p0 s3, s7;
	s7 =	simm.s32 @!p0 $0x108  }
0x21: {  	s3 =	sadd.s32 s3, s9;
	s6 =	sadd.s32 @!p0 $0x88, s6;
	s7 =	simm.s32 @p2 $0x1082  }
0x22: {  	[simem:s7], [sflag:s8] =	dma.local @!p0 [hbm:s6], $0xF7A  }
0x23: {  	s9 =	sor.u32 $0xD0000000, s2;
	s6 =	simm.s32 $0x108;
	_ =	swait.ge @!p0 [sflag:s8], $0x0  }
0x24: {  	s3 =	sadd.s32 $0x88, s3;
	s6 =	simm.s32 @!p1 $0x1082;
	[sflag:s4] =	ssyncset.s32 $0xFFFFF086  }
0x25: {  	[simem:s6], [sflag:s4] =	dma.local [hbm:s3], $0xF7A  }
0x26: {  	[smem:$0x3F8B] =	sst s1;
	(tag) =	ssettag s2;
	_ =	strace s9  }
0x27: {  	s1 =	sld [smem:$0x3F9B]  }
0x28: {  	s2 =	sld [smem:$0x3F9C]  }
0x29: {  	s4 =	sld [smem:$0x3F9E]  }
0x2a: {  	p0 =	seq.s32 s5, $0x0;
	s5 =	sld [smem:$0x3F9F]  }
0x2b: {  	s6 =	sld [smem:$0x3FA0]  }
0x2c: {  	s7 =	sld [smem:$0x3FA1]  }
0x2d: {  	s3 =	simm.s32 $0x108;
	s8 =	sld [smem:$0x3FA2]  }
0x2e: {  	s3 =	simm.s32 @!p0 $0x1082;
	s9 =	sld [smem:$0x3FA3]  }
0x2f: {  	lr =	sadd.s32 s0, s3;
	s0 =	sld [smem:$0x3F9A]  }
0x30: {  	s3 =	sld [smem:$0x3F9D]  }
0x31: {  	[smem:$0x3FA6] =	sst s10  }
0x32: {  	s10 =	sld [smem:$0x3FA4];
	_ =	sdelay $0x3  }
0x33: {  	p0 =	seq.s32 s10, $0x1;
	s10 =	sld [smem:$0x3FA6];
	_ =	sdelay $0x3  }
0x34: {  	[smem:$0x3FA6] =	sst s10  }
0x35: {  	s10 =	sld [smem:$0x3FA5];
	_ =	sdelay $0x3  }
0x36: {  	p1 =	seq.s32 s10, $0x1;
	s10 =	sld [smem:$0x3FA6];
	_ =	sdelay $0x3  }
0x37: {  	[smem:$0x3FA6] =	sst s10  }
0x38: {  	s10 =	sld [smem:$0x3FA7]  }
0x39: {  	_ = 	snop;
	(pc) =	sbr.ind lr, $3  }
0x3a: {  	_ = 	snop  }
0x3b: {  	_ = 	snop  }
0x3c: {  	p2 =	seq.s32 s10, $0x1;
	s10 =	sld [smem:$0x3FA6]  }
0x3d: {  	_ =	shalt  }
0x3e: {  	_ =	shalt  }
0x3f: {  	_ =	shalt  }
0x40: {  	_ =	shalt  }
0x41: {  	_ =	shalt  }
0x42: {  	_ =	shalt  }
0x43: {  	_ =	shalt  }
0x44: {  	_ =	shalt  }
0x45: {  	_ =	shalt  }
0x46: {  	_ =	shalt  }
0x47: {  	_ =	shalt  }
0x48: {  	_ =	shalt  }
0x49: {  	_ =	shalt  }
0x4a: {  	_ =	shalt  }
0x4b: {  	_ =	shalt  }
0x4c: {  	_ =	shalt  }
0x4d: {  	_ =	shalt  }
0x4e: {  	_ =	shalt  }
0x4f: {  	_ =	shalt  }
0x50: {  	_ =	shalt  }
0x51: {  	_ =	shalt  }
0x52: {  	_ =	shalt  }
0x53: {  	_ =	shalt  }
0x54: {  	_ =	shalt  }
0x55: {  	_ =	shalt  }
0x56: {  	_ =	shalt  }
0x57: {  	_ =	shalt  }
0x58: {  	_ =	shalt  }
0x59: {  	_ =	shalt  }
0x5a: {  	_ =	shalt  }
0x5b: {  	_ =	shalt  }
0x5c: {  	_ =	shalt  }
0x5d: {  	_ =	shalt  }
0x5e: {  	_ =	shalt  }
0x5f: {  	_ =	shalt  }
0x60: {  	_ =	shalt  }
0x61: {  	_ =	shalt  }
0x62: {  	_ =	shalt  }
0x63: {  	_ =	shalt  }
0x64: {  	_ =	shalt  }
0x65: {  	_ =	shalt  }
0x66: {  	_ =	shalt  }
0x67: {  	_ =	shalt  }
0x68: {  	_ =	shalt  }
0x69: {  	_ =	shalt  }
0x6a: {  	_ =	shalt  }
0x6b: {  	_ =	shalt  }
0x6c: {  	_ =	shalt  }
0x6d: {  	_ =	shalt  }
0x6e: {  	_ =	shalt  }
0x6f: {  	_ =	shalt  }
0x70: {  	_ =	shalt  }
0x71: {  	_ =	shalt  }
0x72: {  	_ =	shalt  }
0x73: {  	_ =	shalt  }
0x74: {  	_ =	shalt  }
0x75: {  	_ =	shalt  }
0x76: {  	_ =	shalt  }
0x77: {  	_ =	shalt  }
0x78: {  	_ =	shalt  }
0x79: {  	_ =	shalt  }
0x7a: {  	_ =	shalt  }
0x7b: {  	_ =	shalt  }
0x7c: {  	_ =	shalt  }
0x7d: {  	_ =	shalt  }
0x7e: {  	_ =	shalt  }
0x7f: {  	_ =	shalt  }
0x80: {  	_ =	shalt  }
0x81: {  	_ =	shalt  }
0x82: {  	_ =	shalt  }
0x83: {  	_ =	shalt  }
0x84: {  	_ =	shalt  }
0x85: {  	_ =	shalt  }
0x86: {  	_ =	shalt  }
0x87: {  	_ =	shalt  }
.Lfunc_end0:
.L_simem_size_0:
called_computation.1_lowered:
.L_overlay_start_0:
0x88: {  	s2 =	sld [smem:$0x3FD9]  }
0x89: {  	s3 =	sld [smem:$0x3FFE];
	_ =	sdelay $0x1  }
0x8a: {  	s1 =	srdreg.scid  }
0x8b: {  	s0 =	sand.u32 $0x1, s1  }
0x8c: {  	s14 =	sshll.u32 s0, $0xA;
	s2 =	sadd.s32 s3, s2  }
0x8d: {  	s2 =	sadd.s32 s2, s14  }
0x8e: {  	[smem:$0x3FB2] =	sst s2  }
0x8f: {  	_ = 	snop  }
0x90: {  	s2 =	sld [smem:$0x3FD0];
	_ =	sdelay $0x2  }
0x91: {  	s15 =	simm.s32 $0xB;
	s4 =	simm.s32 $0x10  }
0x92: {  	[smem:s4], [sflag:s15] =	dma.local [hbm:s2], $0x1  }
0x93: {  	_ =	swait.eq [sflag:s15], $0x1  }
0x94: {  	[sflag:s15] =	ssyncset.done $0x0  }
0x95: {  	s16 =	sld [smem:$0x10];
	[sflag:s15] =	ssyncadd.s32 $0xFFFFFFFF  }
0x96: {  	s17 =	sld [smem:$0x12];
	(tm) =	ssettm $0x1  }
0x97: {  	s18 =	sld [smem:$0x3FFB];
	_ =	sdelay $0x3  }
0x98: {  	_ =	strace s18  }
0x99: {  	s4 =	sld [smem:$0x3FFC];
	_ =	sdelay $0x3  }
0x9a: {  	_ =	strace s4  }
0x9b: {  	s4 =	sld [smem:$0x3FFD];
	_ =	sdelay $0x3  }
0x9c: {  	_ =	strace s4  }
0x9d: {  	_ =	strace $0x8FFFFFFF  }
0x9e: {  	s19 =	sld [smem:$0x3FDB];
	_ =	sdelay $0x1  }
0x9f: {  	s5 =	simm.s32 $_scs_section_size  }
0xa0: {  	s6 =	simm.s32 $_size__tile_overlayer_lowered;
	s7 =	simm.s32 $_tile_overlayer_lowered  }
0xa1: {  	s22 =	simm.s32 $0x1BFF;
	s21 =	sshll.u32 s7, $0x1;
	s4 =	sadd.s32 s5, s19  }
0xa2: {  	s8 =	simm.s32 $0x0;
	s20 =	sshll.u32 s6, $0x1;
	s6 =	sadd.s32 s21, s4  }
0xa3: {  	[timem:s8], [sflag:s22] =	dma.local [hbm:s6], s20  }
0xa4: {  	_ =	swait.ge [sflag:s22], s20  }
0xa5: {  	s5 =	ssub.s32 $0x0, s20;
	[sflag:s22] =	ssyncset.done $0x0  }
0xa6: {  	[sflag:s22] =	ssyncadd.s32 s5;
	_ =	sdelay $0x1  }
0xa7: {  	s23 =	simm.s32 $0x1B8B  }
0xa8: {  	_ =	swait.ge [sflag:s23], $0x1  }
0xa9: {  	[sflag:s23] =	ssyncset.done $0x0  }
0xaa: {  	s25 =	simm.s32 $0x1B8E;
	s24 =	sld [smem:$0x3FFE];
	[sflag:s23] =	ssyncadd.s32 $0xFFFFFFFF  }
0xab: {  	s26 =	simm.s32 $execute0_lowered;
	[smem:$0x3FD2] =	sst s25  }
0xac: {  	s6 =	sshll.u32 s26, $0x1;
	_ =	strace $0x80000049;
	[dreg:$0x1] =	wrdreg $0xFFFFFFFF  }
0xad: {  	s28 =	simm.s32 $_size_execute0_lowered;
	s4 =	sadd.s32 s4, s6;
	[dreg:$0x0] =	wrdreg $0x0  }
0xae: {  	s6 =	sshll.u32 s28, $0x1;
	[dreg:$0x2] =	wrdreg s4  }
0xaf: {  	[dreg:$0x3] =	wrdreg s6  }
0xb0: {  	[dreg:$0x4] =	wrdreg $0xC0  }
0xb1: {  	_ =	task [dreg:s8], $0x5FFFF  }
0xb2: {  	[dreg:$0x1] =	wrdreg $0xFFFFFFFF  }
0xb3: {  	[dreg:$0x0] =	wrdreg $0x60  }
0xb4: {  	[dreg:$0x2] =	wrdreg s17  }
0xb5: {  	[dreg:$0x3] =	wrdreg s24  }
0xb6: {  	[dreg:$0x4] =	wrdreg s16  }
0xb7: {  	[dreg:$0x5] =	wrdreg $0x34000  }
0xb8: {  	[dreg:$0x6] =	wrdreg $0x9  }
0xb9: {  	_ =	task.clear_ibuf [dreg:s8], $0x7FFFF;
	_ =	strace $0x90000049  }
0xba: {  	s29 =	simm.s32 $0x9;
	_ =	strace $0x8000004B  }
0xbb: {  	_ =	swait.ge [sflag:s29], $0x1  }
0xbc: {  	[sflag:s29] =	ssyncadd.s32 $0xFFFFFFFF  }
0xbd: {  	_ =	strace $0x9000004B  }
0xbe: {  	_ =	sfence  }
0xbf: {  	s30 =	sld [smem:$0x0];
	_ =	sdelay $0x2  }
0xc0: {  	s31 =	sshll.u32 s1, $0xD;
	s1 =	sshrl.u32 s1, $0x2  }
0xc1: {  	s3 =	sand.u32 $0x4000, s31;
	s1 =	sadd.s32 s1, s30  }
0xc2: {  	s0 =	sor.u32 s3, s0;
	s1 =	sshll.u32 s1, $0x11  }
0xc3: {  	s0 =	sor.u32 s1, s0  }
0xc4: {  	s0 =	sadd.s32 $0x8F2B, s0  }
0xc5: {  	[sflag:s0] =	ssyncadd.remote.s32 $0x1  }
0xc6: {  	_ =	sfence.sel $0xFFFF  }
0xc7: {  	[dreg:$0x0] =	wrdreg $0xFFFFFFFF;
	(pc) =	sbr.abs _section_cstart, $3  }
0xc8: {  	[dreg:$0x1] =	wrdreg $0xFFFFFFFF  }
0xc9: {  	_ =	task.clear_ibuf [dreg:s8], $0x2FFFF;
	_ =	strace $0x9FFFFFFF  }
0xca: {  	(tm) =	ssettm $0x7FFFFFFF  }
0xcb: {  	_ =	shalt  }
tec
execute0_lowered:
.L_overlay_start_1:
0x0: {  	(tag) =	ssettag $0x1  }
0x1: {  	s0 =	rddreg [dreg:$0x1]  }
0x2: {  	s1 =	rddreg [dreg:$0x2]  }
0x3: {  	s2 =	srdreg.scid;
	s9 =	stileid.u32  }
0x4: {  	s4 =	simm.s32 $0x0;
	s11 =	simm.s32 $0x1900;
	s12 =	simm.s32 $0x1980  }
0x5: {  	s13 =	simm.s32 $0x1A00;
	s14 =	simm.s32 $0x1A80;
	s15 =	simm.s32 $0x1B00  }
0x6: {  	s16 =	simm.s32 $0x1B80;
	s17 =	simm.s32 $0x1C00;
	s18 =	simm.s32 $0x1C80  }
0x7: {  	s19 =	simm.s32 $0x1D00;
	s20 =	simm.s32 $0x1D80;
	s3 =	smul.u32 $0x3D220, s9  }
0x8: {  	s21 =	simm.s32 $0x1E00;
	s2 =	sand.u32 $0x1, s2;
	s8 =	smul.u32 $0xF488, s9  }
0x9: {  	[smem:$0x7FF] =	sst s4;
	s7 =	sadd.s32 $0xE200, s0;
	s24 =	smul.u32 $0x2800, s9  }
0xa: {  	s0 =	sadd.s32 $0x66400, s0;
	s9 =	simm.s32 $0x1800;
	s22 =	smul.u32 $0x28000, s2  }
0xb: {  	s10 =	rddreg [dreg:$0x3];
	_ =	strace $0x8000004A;
	s6 =	smul.u32 $0x1E9100, s2  }
0xc: {  	s5 =	ssub.s32 $0x2, s2;
	[dreg:$0x6] =	wrdreg s7;
	s2 =	smul.u32 $0x4E2, s2  }
0xd: {  	s7 =	simm.s32 $0x80;
	s23 =	sshrl.u32 s5, $0x1;
	s3 =	sshrl.u32 s3, $0x2  }
0xe: {  	s5 =	ssub.s32 s5, s23;
	s6 =	sadd.s32 s8, s6;
	s8 =	sadd.s32 s3, s10  }
0xf: {  	s25 =	sadd.s32 s24, s22;
	s1 =	sadd.s32 s1, s2;
	s10 =	simm.s32 $0x1880  }
0x10: {  	s22 =	simm.s32 $0x1E80;
	s23 =	simm.s32 $0x1F00;
	[dreg:$0x8] =	wrdreg s25  }
0x11: {  	v1 =	vimm.s32 $0xECA86420;
	v0 =	vimm.f32 $0.0e+00;
	vm0 =	vcmask $0xB08;
	s24 =	simm.s32 $0x1F80;
	s26 =	sadd.s32 $0xF4880, s6;
	[dreg:$0x9] =	wrdreg s1  }
0x12: {  	vm1 =	vcmask $0x1310;
	vm2 =	vcmask $0x1B18;
	vm3 =	vcmask $0x300;
	s28 =	sshrl.u32 s6, $0x3;
	s30 =	smax.u32 s5, $0x1;
	[dreg:$0x7] =	wrdreg s8  }
0x13: {  	vm4 =	vcmask $0x2320;
	vm5 =	vcmask $0x2B28;
	v1 =	vunpack.c.l.s4.s8 v1;
	s29 =	sshrl.u32 s26, $0x3;
	[dreg:$0xa] =	wrdreg s30;
	s1 =	sadd.s32 s28, s0  }
0x14: {  	vm6 =	vcmask $0x3330;
	v2 =	vlaneseq.u32;
	vm7 =	vcmask $0x3B38;
	s2 =	simm.s32 $0x0;
	[dreg:$0xb] =	wrdreg s1;
	s31 =	sadd.s32 s29, s0  }
0x15: {  	vm8 =	vmmov $0xff;
	v2 =	vmul.u32 $0x2, v2;
	v1 =	vunpack.c.0.s8.s32 v1;
	s6 =	simm.s32 $0x3;
	s1 =	simm.s32 $0x2000;
	[dreg:$0xc] =	wrdreg s31  }
.LBB2_1:
0x16: {  	[dreg:$0xd] =	wrdreg s2;
	s0 =	simm.s32 $0x0  }
.LBB2_2:
0x17: {  	p0 =	sne.s32 s0, $0x2700  }
.Ltmp0:
0x18: {  	_ = 	snop;
	(pc) =	sbr.rel @p0 .LBB2_2-.Ltmp0, $3  }
0x19: {  	_ =	sdelay $0x1  }
0x1a: {  	s2 =	sshra.s32 s0, $0x2  }
0x1b: {  	s0 =	sadd.s32 $0x40, s0;
	[tilespmem:s2+$0x2000] =	vst v0  }
0x1c: {  	s0 =	sadd.s32 $0x0, s8  }
0x1d: {  	[spmem:s0] =	stream.linear.scatter [tilespmem:s1], [sflag:$0x3], $0x9C8, $0x38;
	[tilespmem:$0x12888] =	vst v63  }
0x1e: {  	s0 =	simm.s32 $0x2720;
	_ =	swait.ge [sflag:s6], $0x9C8  }
.LBB2_4:
0x1f: {  	s2 =	sshra.s32 s0, $0x2;
	[sflag:s6] =	ssyncset.done $0x0;
	p0 =	sne.s32 s0, $0x3AB00  }
.Ltmp1:
0x20: {  	s2 =	sadd.s32 s2, s8;
	[sflag:s6] =	ssyncadd.s32 $0xFFFFF638;
	(pc) =	sbr.rel @p0 .LBB2_4-.Ltmp1, $3  }
0x21: {  	[spmem:s2] =	stream.linear.scatter [tilespmem:s1], [sflag:$0x3], $0x9C8, $0x38;
	[tilespmem:$0x12888] =	vst v63  }
0x22: {  	s0 =	sadd.s32 $0x2720, s0;
	_ =	sdelay $0x1  }
0x23: {  	_ =	swait.ge [sflag:s6], $0x9C8  }
0x24: {  	[sflag:s6] =	ssyncset.done $0x0  }
0x25: {  	[sflag:s6] =	ssyncadd.s32 $0xFFFFF638  }
0x26: {  	s1 =	simm.s32 $0x0;
	[bflag:$0x0] =	sbarrier.arrive $0xFFFF  }
.LBB2_6:
0x27: {  	s0 =	sshll.u32 s1, $0xB;
	s8 =	rddreg [dreg:$0x8]  }
0x28: {  	s0 =	sadd.s32 s0, s8  }
0x29: {  	s25 =	rddreg [dreg:$0x6];
	s0 =	sshrl.u32 s0, $0x3  }
0x2a: {  	[dreg:$0xf] =	wrdreg s1;
	s3 =	simm.s32 $0x0;
	s2 =	sadd.s32 s25, s0  }
0x2b: {  	[tilespmem:s3], [sflag:$0x3] =	stream.linear.gather [hbm4b:s2+s3], $0x800, $0x38;
	[tilespmem:$0x12888] =	vst v63  }
0x2c: {  	_ =	swait.ge [sflag:s6], $0x800  }
0x2d: {  	[sflag:s6] =	ssyncset.done $0x0  }
0x2e: {  	[sflag:s6] =	ssyncadd.s32 $0xFFFFF800  }
0x2f: {  	s26 =	rddreg [dreg:$0x0]  }
0x30: {  	s31 =	simm.s32 $0x800;
	s0 =	sadd.s32 s26, s0  }
0x31: {  	[tilespmem:s31], [sflag:$0x3] =	stream.linear.gather [hbm4b:s0+s3], $0x800, $0x38;
	[tilespmem:$0x12888] =	vst v63  }
0x32: {  	_ =	swait.ge [sflag:s6], $0x800  }
0x33: {  	[sflag:s6] =	ssyncset.done $0x0  }
0x34: {  	s2 =	rddreg [dreg:$0x9];
	[sflag:s6] =	ssyncadd.s32 $0xFFFFF800  }
0x35: {  	[tilespmem:s9], [sflag:$0x1] =	stream.indirect.gather [hbm4b:s2+s7], $0x1, s3, s7, $0xb8;
	[tilespmem:$0x12888] =	vst v63  }
0x36: {  	_ = 	snop  }
0x37: {  	[tilespmem:s10], [sflag:$0x1] =	stream.indirect.gather [hbm4b:s2+s7], $0x1, s7, s7, $0xb8;
	[tilespmem:$0x12888] =	vst v63  }
0x38: {  	s3 =	simm.s32 $0x100  }
0x39: {  	[tilespmem:s11], [sflag:$0x1] =	stream.indirect.gather [hbm4b:s2+s7], $0x1, s3, s7, $0xb8;
	[tilespmem:$0x12888] =	vst v63  }
0x3a: {  	s4 =	simm.s32 $0x180  }
0x3b: {  	[tilespmem:s12], [sflag:$0x1] =	stream.indirect.gather [hbm4b:s2+s7], $0x1, s4, s7, $0xb8;
	[tilespmem:$0x12888] =	vst v63  }
0x3c: {  	s5 =	simm.s32 $0x200  }
0x3d: {  	[tilespmem:s13], [sflag:$0x1] =	stream.indirect.gather [hbm4b:s2+s7], $0x1, s5, s7, $0xb8;
	[tilespmem:$0x12888] =	vst v63  }
0x3e: {  	s6 =	simm.s32 $0x280  }
0x3f: {  	[tilespmem:s14], [sflag:$0x1] =	stream.indirect.gather [hbm4b:s2+s7], $0x1, s6, s7, $0xb8;
	[tilespmem:$0x12888] =	vst v63  }
0x40: {  	s8 =	simm.s32 $0x300  }
0x41: {  	[tilespmem:s15], [sflag:$0x1] =	stream.indirect.gather [hbm4b:s2+s7], $0x1, s8, s7, $0xb8;
	[tilespmem:$0x12888] =	vst v63  }
0x42: {  	s9 =	simm.s32 $0x380  }
0x43: {  	[tilespmem:s16], [sflag:$0x1] =	stream.indirect.gather [hbm4b:s2+s7], $0x1, s9, s7, $0xb8;
	[tilespmem:$0x12888] =	vst v63  }
0x44: {  	s10 =	simm.s32 $0x400  }
0x45: {  	[tilespmem:s17], [sflag:$0x1] =	stream.indirect.gather [hbm4b:s2+s7], $0x1, s10, s7, $0xb8;
	[tilespmem:$0x12888] =	vst v63  }
0x46: {  	s11 =	simm.s32 $0x480  }
0x47: {  	[tilespmem:s18], [sflag:$0x1] =	stream.indirect.gather [hbm4b:s2+s7], $0x1, s11, s7, $0xb8;
	[tilespmem:$0x12888] =	vst v63  }
0x48: {  	s12 =	simm.s32 $0x500  }
0x49: {  	[tilespmem:s19], [sflag:$0x1] =	stream.indirect.gather [hbm4b:s2+s7], $0x1, s12, s7, $0xb8;
	[tilespmem:$0x12888] =	vst v63  }
0x4a: {  	s13 =	simm.s32 $0x580  }
0x4b: {  	[tilespmem:s20], [sflag:$0x1] =	stream.indirect.gather [hbm4b:s2+s7], $0x1, s13, s7, $0xb8;
	[tilespmem:$0x12888] =	vst v63  }
0x4c: {  	s14 =	simm.s32 $0x600  }
0x4d: {  	[tilespmem:s21], [sflag:$0x1] =	stream.indirect.gather [hbm4b:s2+s7], $0x1, s14, s7, $0xb8;
	[tilespmem:$0x12888] =	vst v63  }
0x4e: {  	s15 =	simm.s32 $0x680  }
0x4f: {  	[tilespmem:s22], [sflag:$0x1] =	stream.indirect.gather [hbm4b:s2+s7], $0x1, s15, s7, $0xb8;
	[tilespmem:$0x12888] =	vst v63  }
0x50: {  	s16 =	simm.s32 $0x700  }
0x51: {  	[tilespmem:s23], [sflag:$0x1] =	stream.indirect.gather [hbm4b:s2+s7], $0x1, s16, s7, $0xb8;
	[tilespmem:$0x12888] =	vst v63  }
0x52: {  	s17 =	simm.s32 $0x780;
	s18 =	simm.s32 $0x0  }
0x53: {  	[tilespmem:s24], [sflag:$0x1] =	stream.indirect.gather [hbm4b:s2+s7], $0x1, s17, s7, $0xb8;
	[tilespmem:$0x12888] =	vst v63  }
0x54: {  	v3 =	vld [tilespmem:s18+$0x800];
	_ =	sdelay $0x4  }
0x55: {  	(v2sf) =	vpush v3, $0xB;
	_ =	sdelay $0x1  }
0x56: {  	(v2sf) =	vpush v3, $0xC  }
0x57: {  	(v2sf) =	vpush v3, $0x1;
	_ =	sdelay $0x1  }
0x58: {  	(v2sf) =	vpush v3, $0x2;
	_ =	sdelay $0x1  }
0x59: {  	(v2sf) =	vpush v3, $0x0;
	_ =	sdelay $0x1  }
0x5a: {  	(v2sf) =	vpush v3, $0xD  }
0x5b: {  	(v2sf) =	vpush v3, $0x3  }
0x5c: {  	(v2sf) =	vpush v3, $0x8;
	_ =	sdelay $0x1  }
0x5d: {  	(v2sf) =	vpush v3, $0xE;
	_ =	sdelay $0x1  }
0x5e: {  	(v2sf) =	vpush v3, $0x9;
	s20 =	spop (v2sf)  }
0x5f: {  	(v2sf) =	vpush v3, $0xF;
	s5 =	smulhi.u32 $0x2AAAAAAB, s20;
	s0 =	sshra.s32 s20, $0x1F  }
0x60: {  	s21 =	spop (v2sf);
	s0 =	smul.u32 $0x2AAAAAAB, s0  }
0x61: {  	s22 =	spop (v2sf);
	s2 =	smulhi.u32 $0x2AAAAAAB, s21  }
0x62: {  	s24 =	sshra.s32 s21, $0x1F;
	s3 =	smulhi.u32 $0x2AAAAAAB, s22  }
0x63: {  	s28 =	simm.s32 $0x80;
	(v2sf) =	vpush v3, $0x4;
	s4 =	spop (v2sf);
	s9 =	smul.u32 $0x2AAAAAAB, s24  }
0x64: {  	(v2sf) =	vpush v3, $0x6;
	s25 =	sshra.s32 s22, $0x1F;
	s26 =	sshra.s32 s4, $0x1F;
	s4 =	smulhi.u32 $0x2AAAAAAB, s4  }
0x65: {  	s19 =	simm.s32 $0x0;
	(v2sf) =	vpush v3, $0xA;
	s23 =	spop (v2sf);
	s11 =	smul.u32 $0x2AAAAAAB, s25  }
0x66: {  	[dreg:$0x5] =	wrdreg s19;
	s19 =	sadd.s32 s0, s5;
	s8 =	smulhi.u32 $0x2AAAAAAB, s23  }
0x67: {  	s6 =	sshra.s32 s23, $0x1F;
	s31 =	spop (v2sf);
	s16 =	smul.u32 $0x2AAAAAAB, s26  }
0x68: {  	s1 =	sshra.s32 s31, $0x1F;
	s18 =	spop (v2sf);
	s12 =	smulhi.u32 $0x2AAAAAAB, s31  }
0x69: {  	s6 =	smul.u32 $0x2AAAAAAB, s6;
	s3 =	sadd.s32 s11, s3;
	s7 =	spop (v2sf)  }
0x6a: {  	s10 =	sshra.s32 s18, $0x1F;
	s14 =	smul.u32 $0x2AAAAAAB, s1;
	s23 =	sadd.s32 s16, s4  }
0x6b: {  	s16 =	sshrl.u32 s19, $0x8;
	s13 =	spop (v2sf);
	s29 =	sshra.s32 s7, $0x1F  }
0x6c: {  	s6 =	sadd.s32 s6, s8;
	s30 =	smulhi.u32 $0x2AAAAAAB, s7;
	s26 =	sshra.s32 s13, $0x1F  }
0x6d: {  	s17 =	spop (v2sf);
	s14 =	sadd.s32 s14, s12;
	s24 =	smulhi.u32 $0x2AAAAAAB, s13  }
0x6e: {  	s21 =	sshrl.u32 s6, $0x1F;
	s20 =	spop (v2sf);
	s1 =	smulhi.u32 $0x2AAAAAAB, s17  }
0x6f: {  	s13 =	sadd.s32 s9, s2;
	s7 =	sshra.s32 s17, $0x1F;
	s5 =	smulhi.u32 $0x2AAAAAAB, s20  }
0x70: {  	s2 =	sshrl.u32 s6, $0x8;
	s4 =	sshra.s32 s20, $0x1F;
	s31 =	smul.u32 $0x2AAAAAAB, s7  }
0x71: {  	s17 =	simm.s32 $0x10;
	s9 =	sshrl.u32 s13, $0x1F;
	s12 =	smul.u32 $0x2AAAAAAB, s4  }
0x72: {  	s4 =	smulhi.u32 $0x2AAAAAAB, s18;
	s25 =	sadd.s32 s31, s1;
	s8 =	spop (v2sf)  }
0x73: {  	v5 =	vmov s21;
	s18 =	sshrl.u32 s13, $0x8;
	s21 =	sshrl.u32 s25, $0x8;
	s6 =	spop (v2sf);
	(v2sf) =	vpush v3, $0x7  }
0x74: {  	v4 =	vld [tilespmem:s17+$0x800];
	v6 =	vnsel vm3, $0x0, v5;
	s15 =	sshra.s32 s8, $0x1F;
	s22 =	sshra.s32 s6, $0x1F;
	(v2sf) =	vpush v3, $0x5;
	s11 =	spop (v2sf)  }
.LBB2_7:
0x75: {  	_ =	sdelay $0x5  }
0x76: {  	s31 =	sshra.s32 s11, $0x1F;
	s10 =	smul.u32 $0x2AAAAAAB, s10  }
0x77: {  	s1 =	sshrl.u32 s23, $0x8;
	s20 =	smov.u32 s28;
	s15 =	smul.u32 $0x2AAAAAAB, s15  }
0x78: {  	s7 =	rddreg [dreg:$0x5];
	s13 =	smov.u32 s17;
	s6 =	smulhi.u32 $0x2AAAAAAB, s6;
	(v2sf) =	vpush v4, $0xB  }
0x79: {  	s17 =	sshrl.u32 s3, $0x1F;
	s3 =	sshrl.u32 s3, $0x8;
	s22 =	smul.u32 $0x2AAAAAAB, s22;
	v5 =	vmov v4  }
0x7a: {  	p0 =	sne.s32 s28, $0x1FC0;
	[dreg:$0x5] =	wrdreg s13;
	s13 =	sshrl.u32 s14, $0x8;
	(v2sf) =	vpush v5, $0xC  }
0x7b: {  	v8 =	vmov s9;
	s14 =	sshrl.u32 s14, $0x1F;
	s5 =	sadd.s32 s12, s5;
	s12 =	smul.u32 $0x2AAAAAAB, s26;
	(v2sf) =	vpush v5, $0x1  }
0x7c: {  	s0 =	smov.u32 s7;
	v8 =	vsel vm0, s14, v8;
	s4 =	sadd.s32 s10, s4;
	s14 =	smul.u32 $0x2AAAAAAB, s31;
	(v2sf) =	vpush v5, $0x2  }
0x7d: {  	s6 =	sadd.s32 s22, s6;
	v4 =	vmov s2;
	s2 =	smulhi.u32 $0x2AAAAAAB, s8;
	s8 =	spop (v2sf);
	(v2sf) =	vpush v5, $0x0  }
0x7e: {  	v7 =	vmov s18;
	s12 =	sadd.s32 s12, s24;
	s24 =	smul.u32 $0x2AAAAAAB, s29;
	s18 =	spop (v2sf);
	(v2sf) =	vpush v5, $0xD  }
0x7f: {  	v6 =	vsel vm0, s17, v6;
	s22 =	sshrl.u32 s4, $0x1F;
	s4 =	sshrl.u32 s4, $0x8;
	s17 =	sshrl.u32 s12, $0x8;
	v4 =	vnsel vm3, $0x0, v4;
	(v2sf) =	vpush v5, $0x3  }
0x80: {  	s10 =	sadd.s32 s24, s30;
	s24 =	smulhi.u32 $0x2AAAAAAB, s11;
	v4 =	vsel vm0, s3, v4;
	s3 =	sshrl.u32 s19, $0x1F;
	(v2sf) =	vpush v5, $0x8  }
0x81: {  	s19 =	sshrl.u32 s23, $0x1F;
	s23 =	sshrl.u32 s12, $0x1F;
	s15 =	sadd.s32 s15, s2  }
0x82: {  	v7 =	vsel vm0, s13, v7;
	s2 =	sshrl.u32 s6, $0x8;
	v4 =	vsel vm1, s1, v4;
	s13 =	sshrl.u32 s15, $0x1F;
	s1 =	sshrl.u32 s15, $0x8  }
0x83: {  	v6 =	vsel vm1, s19, v6;
	v8 =	vsel vm1, s23, v8;
	s19 =	sshrl.u32 s10, $0x1F;
	s23 =	sshrl.u32 s25, $0x1F;
	s25 =	sshrl.u32 s5, $0x1F  }
0x84: {  	s12 =	sadd.s32 s14, s24;
	s7 =	sshra.s32 s8, $0x1F;
	s8 =	smulhi.u32 $0x2AAAAAAB, s8  }
0x85: {  	v4 =	vsel vm2, s4, v4;
	s11 =	sshrl.u32 s12, $0x1F;
	s4 =	sshrl.u32 s12, $0x8;
	s26 =	smul.u32 $0x2AAAAAAB, s7  }
0x86: {  	s9 =	sshra.s32 s18, $0x1F;
	s7 =	sshrl.u32 s5, $0x8;
	s15 =	smulhi.u32 $0x2AAAAAAB, s18;
	(v2sf) =	vpush v5, $0xE  }
0x87: {  	v9 =	vmov s19;
	s18 =	sshrl.u32 s10, $0x8;
	s31 =	smul.u32 $0x2AAAAAAB, s9;
	(v2sf) =	vpush v5, $0x9;
	s19 =	spop (v2sf)  }
0x88: {  	v7 =	vsel vm1, s17, v7;
	v6 =	vsel vm2, s22, v6;
	s8 =	sadd.s32 s26, s8;
	s22 =	sshra.s32 s19, $0x1F;
	s10 =	smulhi.u32 $0x2AAAAAAB, s19  }
0x89: {  	v4 =	vsel vm4, s1, v4;
	v7 =	vsel vm2, s7, v7;
	s7 =	sadd.s32 s31, s15;
	(v2sf) =	vpush v5, $0xF;
	s9 =	spop (v2sf);
	s1 =	smul.u32 $0x2AAAAAAB, s22  }
0x8a: {  	v9 =	vsel vm0, s23, v9;
	s5 =	sshra.s32 s9, $0x1F;
	s23 =	spop (v2sf);
	s9 =	smulhi.u32 $0x2AAAAAAB, s9  }
0x8b: {  	v8 =	vsel vm2, s25, v8;
	v9 =	vsel vm1, s11, v9;
	s25 =	sshrl.u32 s7, $0x1F;
	s24 =	spop (v2sf);
	s11 =	smulhi.u32 $0x2AAAAAAB, s23  }
0x8c: {  	v9 =	vsel vm2, s3, v9;
	v10 =	vmov s18;
	(v2sf) =	vpush v5, $0x4;
	s3 =	sshra.s32 s23, $0x1F;
	s23 =	smulhi.u32 $0x2AAAAAAB, s24;
	s26 =	spop (v2sf)  }
0x8d: {  	v6 =	vsel vm4, s13, v6;
	v10 =	vsel vm0, s21, v10;
	s14 =	sshra.s32 s24, $0x1F;
	s3 =	smul.u32 $0x2AAAAAAB, s3;
	s21 =	spop (v2sf)  }
0x8e: {  	s6 =	sshrl.u32 s6, $0x1F;
	v63 =	vsel vm1, s4, v10;
	v6 =	vsel vm5, s25, v6;
	s13 =	smul.u32 $0x2AAAAAAB, s14;
	(v2sf) =	vpush v5, $0x6;
	s4 =	spop (v2sf)  }
0x8f: {  	s31 =	sshrl.u32 s8, $0x1F;
	v6 =	vsel vm6, s6, v6;
	s18 =	smulhi.u32 $0x2AAAAAAB, s26;
	s6 =	spop (v2sf);
	(v2sf) =	vpush v5, $0xA  }
0x90: {  	s8 =	sshrl.u32 s8, $0x8;
	s15 =	sshra.s32 s26, $0x1F;
	s24 =	smulhi.u32 $0x2AAAAAAB, s21  }
0x91: {  	v8 =	vcombine.low v9, v8;
	s7 =	sshrl.u32 s7, $0x8;
	v9 =	vsel vm2, s16, v63;
	v6 =	vsel vm7, s31, v6;
	s31 =	sadd.s32 $0x40, s28;
	s16 =	smul.u32 $0x2AAAAAAB, s15  }
0x92: {  	v4 =	vsel vm5, s7, v4;
	v7 =	vcombine.low v9, v7;
	s19 =	sadd.s32 s1, s10;
	s22 =	sshra.s32 s21, $0x1F;
	s21 =	smul.u32 $0x2AAAAAAB, s5  }
0x93: {  	v4 =	vsel vm6, s2, v4;
	s28 =	smov.u32 s31;
	s3 =	sadd.s32 s3, s11;
	s14 =	smul.u32 $0x2AAAAAAB, s22  }
0x94: {  	v8 =	vperm.xlane v8, v1;
	v4 =	vsel vm7, s8, v4;
	v7 =	vperm.xlane v7, v1;
	s23 =	sadd.s32 s13, s23;
	s10 =	sshra.s32 s4, $0x1F;
	s4 =	smulhi.u32 $0x2AAAAAAB, s4  }
0x95: {  	v6 =	vperm.xlane v6, v2;
	v4 =	vperm.xlane v4, v2;
	s25 =	spop (v2sf);
	s29 =	sshra.s32 s6, $0x1F;
	s30 =	smulhi.u32 $0x2AAAAAAB, s6  }
0x96: {  	s21 =	sadd.s32 s21, s9;
	s26 =	sshra.s32 s25, $0x1F;
	s17 =	spop (v2sf)  }
0x97: {  	v6 =	vsel vm8, v6, v8;
	v4 =	vsel vm8, v4, v7;
	s14 =	sadd.s32 s14, s24;
	s24 =	smulhi.u32 $0x2AAAAAAB, s25;
	s25 =	sadd.s32 s16, s18  }
0x98: {  	v4 =	vadd.s32 v6, v4;
	s9 =	sshrl.u32 s21, $0x1F;
	s22 =	spop (v2sf);
	s13 =	smulhi.u32 $0x2AAAAAAB, s17  }
0x99: {  	v4 =	vmul.u32 $0x600, v4;
	s16 =	sshrl.u32 s19, $0x8;
	s12 =	sshrl.u32 s25, $0x1F;
	s5 =	smulhi.u32 $0x2AAAAAAB, s22  }
.Ltmp2:
0x9a: {  	s18 =	sshra.s32 s17, $0x1F;
	s17 =	sshra.s32 s20, $0x2;
	(pc) =	sbr.rel @p0 .LBB2_7-.Ltmp2, $4  }
0x9b: {  	v4 =	vsub.s32 v3, v4;
	s2 =	sshrl.u32 s25, $0x8;
	s8 =	spop (v2sf);
	s7 =	smul.u32 $0x2AAAAAAB, s18  }
0x9c: {  	vm9 =	vlt.u32 v3, $0xF4240;
	v7 =	vadd.s32 $0xF4240, v4;
	s1 =	sshra.s32 s22, $0x1F;
	s18 =	sshrl.u32 s21, $0x8;
	s15 =	sshra.s32 s8, $0x1F  }
0x9d: {  	v7 =	vsel vm9, v3, v7;
	(v2sf) =	vpush v5, $0x7;
	v6 =	vmov s12;
	s12 =	smul.u32 $0x2AAAAAAB, s1;
	s25 =	sadd.s32 s7, s13;
	s6 =	spop (v2sf)  }
0x9e: {  	v3 =	vmov v5;
	(v2sf) =	vpush v5, $0x5;
	v4 =	vld [tilespmem:s17+$0x800];
	[tilespmem:s0+$0x1000] =	vst v7;
	v6 =	vnsel vm3, $0x0, v6;
	s21 =	sshrl.u32 s25, $0x8;
	s22 =	sshra.s32 s6, $0x1F;
	s11 =	spop (v2sf)  }
0x9f: {  	_ =	sdelay $0x4  }
0xa0: {  	(v2sf) =	vpush v4, $0xB;
	_ =	sdelay $0x1  }
0xa1: {  	s20 =	smul.u32 $0x2AAAAAAB, s10;
	(v2sf) =	vpush v4, $0xC  }
0xa2: {  	s7 =	smul.u32 $0x2AAAAAAB, s15;
	(v2sf) =	vpush v4, $0x1  }
0xa3: {  	s10 =	smulhi.u32 $0x2AAAAAAB, s6;
	(v2sf) =	vpush v4, $0x2  }
0xa4: {  	s15 =	smulhi.u32 $0x2AAAAAAB, s8;
	(v2sf) =	vpush v4, $0x0  }
0xa5: {  	s0 =	smul.u32 $0x2AAAAAAB, s26;
	(v2sf) =	vpush v4, $0xD  }
0xa6: {  	s1 =	smul.u32 $0x2AAAAAAB, s29;
	s6 =	sshra.s32 s11, $0x1F  }
0xa7: {  	s8 =	smul.u32 $0x2AAAAAAB, s6;
	s28 =	spop (v2sf)  }
0xa8: {  	[smem:$0x7E9] =	sst s0;
	s13 =	sshra.s32 s28, $0x1F;
	s31 =	smulhi.u32 $0x2AAAAAAB, s28  }
0xa9: {  	[smem:$0x7EA] =	sst s1;
	s26 =	smul.u32 $0x2AAAAAAB, s13  }
0xaa: {  	(v2sf) =	vpush v4, $0x3;
	s13 =	smul.u32 $0x2AAAAAAB, s22;
	s22 =	spop (v2sf)  }
0xab: {  	[smem:$0x7ED] =	sst s31;
	s31 =	smulhi.u32 $0x2AAAAAAB, s11  }
0xac: {  	[smem:$0x7EB] =	sst s8;
	(v2sf) =	vpush v4, $0x8;
	s28 =	sshra.s32 s22, $0x1F;
	s11 =	smulhi.u32 $0x2AAAAAAB, s22  }
0xad: {  	s6 =	smul.u32 $0x2AAAAAAB, s28;
	[smem:$0x7EC] =	sst s31  }
0xae: {  	(v2sf) =	vpush v4, $0xE;
	[smem:$0x7EF] =	sst s11;
	s1 =	spop (v2sf)  }
0xaf: {  	(v2sf) =	vpush v4, $0x9;
	[smem:$0x7EE] =	sst s6;
	s22 =	sshra.s32 s1, $0x1F;
	s1 =	smulhi.u32 $0x2AAAAAAB, s1  }
0xb0: {  	s31 =	spop (v2sf);
	s0 =	smul.u32 $0x2AAAAAAB, s22  }
0xb1: {  	(v2sf) =	vpush v4, $0xF;
	s8 =	spop (v2sf);
	[smem:$0x7F0] =	sst s1  }
0xb2: {  	s28 =	spop (v2sf);
	[smem:$0x7F1] =	sst s0  }
0xb3: {  	s1 =	spop (v2sf);
	s22 =	smulhi.u32 $0x2AAAAAAB, s28  }
0xb4: {  	s29 =	sshra.s32 s28, $0x1F;
	s11 =	spop (v2sf);
	s6 =	smulhi.u32 $0x2AAAAAAB, s1  }
0xb5: {  	[smem:$0x7F2] =	sst s22;
	s28 =	smulhi.u32 $0x2AAAAAAB, s11;
	s0 =	sshra.s32 s11, $0x1F  }
0xb6: {  	s0 =	smul.u32 $0x2AAAAAAB, s0;
	[smem:$0x7F5] =	sst s6  }
0xb7: {  	[smem:$0x7F3] =	sst s28  }
0xb8: {  	s11 =	sshra.s32 s1, $0x1F;
	s28 =	smulhi.u32 $0x2AAAAAAB, s31;
	[smem:$0x7F4] =	sst s0  }
0xb9: {  	s31 =	sshra.s32 s31, $0x1F;
	s6 =	spop (v2sf);
	s0 =	smul.u32 $0x2AAAAAAB, s11  }
0xba: {  	s11 =	smul.u32 $0x2AAAAAAB, s31;
	s31 =	sld [smem:$0x7E9]  }
0xbb: {  	s22 =	spop (v2sf);
	[smem:$0x7F7] =	sst s28  }
0xbc: {  	[dreg:$0x17] =	wrdreg s22  }
0xbd: {  	[smem:$0x7F6] =	sst s0;
	s1 =	spop (v2sf)  }
0xbe: {  	[smem:$0x7F8] =	sst s11;
	s22 =	spop (v2sf);
	s24 =	sadd.s32 s31, s24  }
0xbf: {  	s31 =	sld [smem:$0x7EC];
	s28 =	smulhi.u32 $0x2AAAAAAB, s22;
	s0 =	sshra.s32 s22, $0x1F  }
0xc0: {  	s11 =	spop (v2sf);
	s0 =	smul.u32 $0x2AAAAAAB, s0  }
0xc1: {  	s7 =	sadd.s32 s7, s15;
	(v2sf) =	vpush v4, $0x4;
	s22 =	smulhi.u32 $0x2AAAAAAB, s11;
	[smem:$0x7F9] =	sst s28  }
0xc2: {  	s28 =	sadd.s32 s12, s5;
	s12 =	sadd.s32 s20, s4;
	s20 =	sld [smem:$0x7EA]  }
0xc3: {  	s5 =	smulhi.u32 $0x2AAAAAAB, s8;
	s8 =	sshra.s32 s8, $0x1F;
	s4 =	sld [smem:$0x7ED]  }
0xc4: {  	[smem:$0x7FA] =	sst s0;
	s0 =	sshra.s32 s11, $0x1F;
	s11 =	smul.u32 $0x2AAAAAAB, s8  }
0xc5: {  	s13 =	sadd.s32 s13, s10;
	s8 =	smulhi.u32 $0x2AAAAAAB, s6;
	[smem:$0x7FB] =	sst s5  }
0xc6: {  	s10 =	smul.u32 $0x2AAAAAAB, s0;
	s15 =	sadd.s32 s20, s30;
	s30 =	sld [smem:$0x7EB]  }
0xc7: {  	s5 =	sshra.s32 s6, $0x1F;
	s0 =	sadd.s32 s26, s4;
	s26 =	sld [smem:$0x7EE]  }
0xc8: {  	s6 =	smul.u32 $0x2AAAAAAB, s5;
	s5 =	sld [smem:$0x7F0]  }
0xc9: {  	s20 =	sadd.s32 s30, s31;
	s31 =	sld [smem:$0x7EF]  }
0xca: {  	s30 =	sld [smem:$0x7F1];
	_ =	sdelay $0x1  }
0xcb: {  	(v2sf) =	vpush v4, $0x6;
	s26 =	sadd.s32 s26, s31;
	s31 =	sld [smem:$0x7F2]  }
0xcc: {  	s29 =	smul.u32 $0x2AAAAAAB, s29;
	[smem:$0x7FC] =	sst s0;
	s4 =	sadd.s32 s30, s5  }
0xcd: {  	v5 =	vmov s2;
	s25 =	sshrl.u32 s25, $0x1F;
	s2 =	sshrl.u32 s28, $0x8;
	[dreg:$0x10] =	wrdreg s4  }
0xce: {  	s28 =	sshrl.u32 s28, $0x1F;
	s4 =	sadd.s32 s29, s31;
	s29 =	sld [smem:$0x7F3]  }
0xcf: {  	s0 =	spop (v2sf);
	s10 =	sadd.s32 s10, s22;
	s31 =	sld [smem:$0x7F4]  }
0xd0: {  	[dreg:$0x14] =	wrdreg s10;
	s10 =	sadd.s32 s6, s8;
	s6 =	sshrl.u32 s14, $0x8  }
0xd1: {  	s8 =	sshrl.u32 s13, $0x8;
	s13 =	sshrl.u32 s13, $0x1F;
	[dreg:$0x13] =	wrdreg s10  }
0xd2: {  	(v2sf) =	vpush v4, $0xA;
	s10 =	sshrl.u32 s19, $0x1F;
	s29 =	sadd.s32 s31, s29;
	s31 =	sld [smem:$0x7F6]  }
0xd3: {  	s5 =	smulhi.u32 $0x2AAAAAAB, s1;
	s1 =	sshra.s32 s1, $0x1F;
	[dreg:$0x1b] =	wrdreg s29  }
0xd4: {  	(v2sf) =	vpush v4, $0x7;
	s19 =	sshrl.u32 s23, $0x1F;
	s1 =	smul.u32 $0x2AAAAAAB, s1;
	s29 =	sld [smem:$0x7F5]  }
0xd5: {  	v7 =	vmov s18;
	s18 =	sshrl.u32 s20, $0x8;
	s30 =	sshra.s32 s0, $0x1F;
	[dreg:$0x15] =	wrdreg s4  }
0xd6: {  	(v2sf) =	vpush v4, $0x5;
	s22 =	sadd.s32 s1, s5;
	s4 =	smul.u32 $0x2AAAAAAB, s30;
	s30 =	sld [smem:$0x7F7]  }
0xd7: {  	s5 =	sshrl.u32 s3, $0x1F;
	s29 =	sadd.s32 s31, s29;
	s31 =	sld [smem:$0x7F8]  }
0xd8: {  	v8 =	vmov s9;
	s0 =	smulhi.u32 $0x2AAAAAAB, s0;
	s9 =	sshrl.u32 s26, $0x8;
	s1 =	sshrl.u32 s12, $0x1F;
	v6 =	vsel vm0, s5, v6  }
0xd9: {  	s12 =	sshrl.u32 s12, $0x8;
	s5 =	sshrl.u32 s26, $0x1F;
	v6 =	vsel vm1, s19, v6;
	s19 =	rddreg [dreg:$0x17]  }
0xda: {  	s26 =	spop (v2sf);
	s30 =	sadd.s32 s31, s30;
	s31 =	sld [smem:$0x7F9]  }
0xdb: {  	s0 =	sadd.s32 s4, s0;
	s4 =	sshrl.u32 s14, $0x1F;
	[smem:$0x7FD] =	sst s30  }
0xdc: {  	v7 =	vsel vm0, s6, v7;
	s6 =	sshra.s32 s19, $0x1F;
	v6 =	vsel vm2, s1, v6;
	s1 =	smulhi.u32 $0x2AAAAAAB, s19;
	s30 =	sld [smem:$0x7FA]  }
0xdd: {  	s14 =	sshrl.u32 s3, $0x8;
	s3 =	sshrl.u32 s15, $0x8;
	s6 =	smul.u32 $0x2AAAAAAB, s6  }
0xde: {  	[dreg:$0x12] =	wrdreg s0;
	s0 =	sshrl.u32 s15, $0x1F;
	s15 =	sshrl.u32 s20, $0x1F  }
0xdf: {  	v10 =	vmov s3;
	s1 =	sadd.s32 s6, s1;
	s31 =	sadd.s32 s30, s31;
	s30 =	sld [smem:$0x7FB]  }
0xe0: {  	v10 =	vsel vm0, s21, v10;
	[dreg:$0x18] =	wrdreg s31;
	s31 =	sshrl.u32 s24, $0x1F;
	s24 =	sshrl.u32 s24, $0x8  }
0xe1: {  	v8 =	vsel vm0, s4, v8;
	v10 =	vsel vm1, s18, v10;
	s20 =	sshrl.u32 s29, $0x1F;
	v7 =	vsel vm1, s24, v7;
	s24 =	spop (v2sf);
	s18 =	rddreg [dreg:$0x18]  }
0xe2: {  	v5 =	vnsel vm3, $0x0, v5;
	v8 =	vsel vm1, s31, v8;
	s11 =	sadd.s32 s11, s30;
	s30 =	sshrl.u32 s23, $0x8;
	s23 =	sshrl.u32 s7, $0x1F  }
0xe3: {  	v5 =	vsel vm0, s14, v5;
	v9 =	vmov s0;
	s7 =	sshrl.u32 s7, $0x8;
	s0 =	spop (v2sf);
	v8 =	vsel vm2, s28, v8;
	s28 =	rddreg [dreg:$0x1b]  }
0xe4: {  	v9 =	vsel vm0, s25, v9;
	v7 =	vsel vm2, s2, v7;
	s2 =	smulhi.u32 $0x2AAAAAAB, s26;
	v5 =	vsel vm1, s30, v5;
	s30 =	sld [smem:$0x7FC];
	s31 =	sshra.s32 s0, $0x1F  }
0xe5: {  	v9 =	vsel vm1, s15, v9;
	v10 =	vsel vm2, s16, v10;
	s15 =	sshrl.u32 s28, $0x8;
	s21 =	sshrl.u32 s11, $0x1F;
	s16 =	spop (v2sf)  }
0xe6: {  	v6 =	vsel vm4, s23, v6;
	s0 =	smulhi.u32 $0x2AAAAAAB, s0;
	v5 =	vsel vm2, s12, v5;
	s12 =	sshrl.u32 s29, $0x8;
	s29 =	sshra.s32 s26, $0x1F  }
0xe7: {  	v11 =	vmov s20;
	s3 =	smul.u32 $0x2AAAAAAB, s31;
	v6 =	vsel vm5, s5, v6;
	s5 =	sshrl.u32 s28, $0x1F;
	s31 =	rddreg [dreg:$0x15]  }
0xe8: {  	v11 =	vnsel vm3, $0x0, v11;
	s25 =	sshra.s32 s16, $0x1F;
	s28 =	rddreg [dreg:$0x14];
	s16 =	smulhi.u32 $0x2AAAAAAB, s16  }
0xe9: {  	v9 =	vsel vm2, s10, v9;
	v11 =	vsel vm0, s21, v11;
	s21 =	sshrl.u32 s22, $0x8;
	s29 =	smul.u32 $0x2AAAAAAB, s29;
	v12 =	vmov s12;
	s12 =	rddreg [dreg:$0x13]  }
0xea: {  	v8 =	vcombine.low v9, v8;
	v5 =	vsel vm4, s7, v5;
	s23 =	sshrl.u32 s28, $0x1F;
	s14 =	sshrl.u32 s30, $0x1F;
	s4 =	sshrl.u32 s30, $0x8  }
0xeb: {  	v7 =	vcombine.low v10, v7;
	v6 =	vsel vm6, s13, v6;
	s30 =	sld [smem:$0x7FD];
	v5 =	vsel vm5, s9, v5;
	s9 =	sshrl.u32 s11, $0x8;
	s11 =	sshrl.u32 s18, $0x8  }
0xec: {  	v8 =	vperm.xlane v8, v1;
	v12 =	vnsel vm3, $0x0, v12;
	s10 =	sshrl.u32 s12, $0x8;
	s0 =	sadd.s32 s3, s0;
	v6 =	vsel vm7, s14, v6;
	s14 =	sshrl.u32 s31, $0x8  }
0xed: {  	v7 =	vperm.xlane v7, v1;
	v5 =	vsel vm6, s8, v5;
	s8 =	sadd.s32 s29, s2;
	v12 =	vsel vm0, s9, v12;
	s9 =	sshrl.u32 s22, $0x1F;
	s22 =	sshrl.u32 s1, $0x1F  }
0xee: {  	s2 =	smul.u32 $0x2AAAAAAB, s25;
	s25 =	sshrl.u32 s18, $0x1F;
	s1 =	sshrl.u32 s1, $0x8;
	v5 =	vsel vm7, s4, v5;
	v12 =	vsel vm1, s14, v12;
	v15 =	vmov s22  }
0xef: {  	v16 =	vmov s1;
	v6 =	vperm.xlane v6, v2;
	s19 =	sshrl.u32 s30, $0x1F;
	s7 =	sshrl.u32 s30, $0x8;
	s30 =	sshra.s32 s24, $0x1F;
	v12 =	vsel vm2, s10, v12  }
0xf0: {  	s29 =	sshrl.u32 s28, $0x8;
	s14 =	sshrl.u32 s12, $0x1F;
	v15 =	vsel vm0, s25, v15;
	v16 =	vsel vm0, s11, v16;
	s26 =	smul.u32 $0x2AAAAAAB, s30;
	v14 =	vmov s19  }
0xf1: {  	v5 =	vperm.xlane v5, v2;
	v13 =	vmov s7;
	s30 =	sshrl.u32 s31, $0x1F;
	s31 =	smulhi.u32 $0x2AAAAAAB, s24;
	s19 =	rddreg [dreg:$0x12];
	v14 =	vsel vm0, s5, v14  }
0xf2: {  	s2 =	sadd.s32 s2, s16;
	s10 =	sshrl.u32 s8, $0x8;
	v11 =	vsel vm1, s30, v11;
	v13 =	vsel vm0, s15, v13;
	s24 =	sshrl.u32 s19, $0x8;
	v14 =	vsel vm1, s9, v14  }
0xf3: {  	s28 =	sshrl.u32 s2, $0x1F;
	s20 =	sshrl.u32 s19, $0x1F;
	s4 =	sadd.s32 s26, s31;
	v11 =	vsel vm2, s14, v11;
	v13 =	vsel vm1, s21, v13;
	v12 =	vsel vm4, s24, v12  }
0xf4: {  	s9 =	sshrl.u32 s2, $0x8;
	v11 =	vsel vm4, s20, v11;
	v13 =	vsel vm2, s29, v13;
	v14 =	vsel vm2, s23, v14;
	s26 =	sshrl.u32 s4, $0x1F;
	s29 =	rddreg [dreg:$0x10]  }
0xf5: {  	s7 =	sshrl.u32 s0, $0x1F;
	s4 =	sshrl.u32 s4, $0x8;
	v12 =	vsel vm5, s9, v12;
	v15 =	vsel vm1, s26, v15;
	s30 =	sshrl.u32 s29, $0x1F;
	v11 =	vsel vm5, s28, v11  }
0xf6: {  	s0 =	sshrl.u32 s0, $0x8;
	s31 =	sshrl.u32 s8, $0x1F;
	v16 =	vsel vm1, s4, v16;
	s6 =	sshrl.u32 s29, $0x8;
	v12 =	vsel vm6, s10, v12;
	v15 =	vsel vm2, s30, v15  }
0xf7: {  	v11 =	vsel vm6, s31, v11;
	v58 =	vsel vm2, s6, v16;
	v12 =	vsel vm7, s0, v12  }
0xf8: {  	v59 =	vsel vm7, s7, v11;
	v60 =	vcombine.low v15, v14;
	v9 =	vcombine.low v58, v13  }
0xf9: {  	v12 =	vperm.xlane v12, v2;
	v10 =	vperm.xlane v59, v2  }
0xfa: {  	v11 =	vperm.xlane v60, v1;
	v9 =	vperm.xlane v9, v1  }
0xfb: {  	v6 =	vsel vm8, v6, v8;
	v5 =	vsel vm8, v5, v7  }
0xfc: {  	v5 =	vadd.s32 v6, v5;
	v61 =	vsel vm8, v10, v11;
	v62 =	vsel vm8, v12, v9  }
0xfd: {  	v5 =	vmul.u32 $0x600, v5;
	v6 =	vadd.s32 v61, v62  }
0xfe: {  	v6 =	vmul.u32 $0x600, v6  }
0xff: {  	v5 =	vsub.s32 v3, v5  }
0x100: {  	vm9 =	vlt.u32 v3, $0xF4240;
	v5 =	vadd.s32 $0xF4240, v5;
	v6 =	vsub.s32 v4, v6  }
0x101: {  	s11 =	rddreg [dreg:$0x5];
	v3 =	vsel vm9, v3, v5;
	vm9 =	vlt.u32 v4, $0xF4240;
	v63 =	vadd.s32 $0xF4240, v6  }
0x102: {  	[tilespmem:s11+$0x1000] =	vst v3;
	v3 =	vsel vm9, v4, v63  }
0x103: {  	s12 =	simm.s32 $0x1;
	[tilespmem:s17+$0x1000] =	vst v3  }
0x104: {  	_ =	swait.ge [sflag:s12], $0x80  }
0x105: {  	[sflag:s12] =	ssyncset.done $0x0  }
0x106: {  	[sflag:s12] =	ssyncadd.s32 $0xFFFFFF80  }
0x107: {  	_ =	swait.ge [sflag:s12], $0x80  }
0x108: {  	[sflag:s12] =	ssyncset.done $0x0  }
0x109: {  	[sflag:s12] =	ssyncadd.s32 $0xFFFFFF80  }
0x10a: {  	_ =	swait.ge [sflag:s12], $0x80  }
0x10b: {  	[sflag:s12] =	ssyncset.done $0x0  }
0x10c: {  	[sflag:s12] =	ssyncadd.s32 $0xFFFFFF80  }
0x10d: {  	_ =	swait.ge [sflag:s12], $0x80  }
0x10e: {  	[sflag:s12] =	ssyncset.done $0x0  }
0x10f: {  	[sflag:s12] =	ssyncadd.s32 $0xFFFFFF80  }
0x110: {  	_ =	swait.ge [sflag:s12], $0x80  }
0x111: {  	[sflag:s12] =	ssyncset.done $0x0  }
0x112: {  	[sflag:s12] =	ssyncadd.s32 $0xFFFFFF80  }
0x113: {  	_ =	swait.ge [sflag:s12], $0x80  }
0x114: {  	[sflag:s12] =	ssyncset.done $0x0  }
0x115: {  	[sflag:s12] =	ssyncadd.s32 $0xFFFFFF80  }
0x116: {  	_ =	swait.ge [sflag:s12], $0x80  }
0x117: {  	[sflag:s12] =	ssyncset.done $0x0  }
0x118: {  	[sflag:s12] =	ssyncadd.s32 $0xFFFFFF80  }
0x119: {  	_ =	swait.ge [sflag:s12], $0x80  }
0x11a: {  	[sflag:s12] =	ssyncset.done $0x0  }
0x11b: {  	[sflag:s12] =	ssyncadd.s32 $0xFFFFFF80  }
0x11c: {  	_ =	swait.ge [sflag:s12], $0x80  }
0x11d: {  	[sflag:s12] =	ssyncset.done $0x0  }
0x11e: {  	[sflag:s12] =	ssyncadd.s32 $0xFFFFFF80  }
0x11f: {  	_ =	swait.ge [sflag:s12], $0x80  }
0x120: {  	[sflag:s12] =	ssyncset.done $0x0  }
0x121: {  	[sflag:s12] =	ssyncadd.s32 $0xFFFFFF80  }
0x122: {  	_ =	swait.ge [sflag:s12], $0x80  }
0x123: {  	[sflag:s12] =	ssyncset.done $0x0  }
0x124: {  	[sflag:s12] =	ssyncadd.s32 $0xFFFFFF80  }
0x125: {  	_ =	swait.ge [sflag:s12], $0x80  }
0x126: {  	[sflag:s12] =	ssyncset.done $0x0  }
0x127: {  	[sflag:s12] =	ssyncadd.s32 $0xFFFFFF80  }
0x128: {  	_ =	swait.ge [sflag:s12], $0x80  }
0x129: {  	[sflag:s12] =	ssyncset.done $0x0  }
0x12a: {  	[sflag:s12] =	ssyncadd.s32 $0xFFFFFF80  }
0x12b: {  	_ =	swait.ge [sflag:s12], $0x80  }
0x12c: {  	[sflag:s12] =	ssyncset.done $0x0  }
0x12d: {  	[sflag:s12] =	ssyncadd.s32 $0xFFFFFF80  }
0x12e: {  	_ =	swait.ge [sflag:s12], $0x80  }
0x12f: {  	[sflag:s12] =	ssyncset.done $0x0  }
0x130: {  	[sflag:s12] =	ssyncadd.s32 $0xFFFFFF80  }
0x131: {  	_ =	swait.ge [sflag:s12], $0x80  }
0x132: {  	[sflag:s12] =	ssyncset.done $0x0  }
0x133: {  	s13 =	simm.s32 $0x1000;
	[sflag:s12] =	ssyncadd.s32 $0xFFFFFF80  }
0x134: {  	s9 =	simm.s32 $0x1800;
	s7 =	simm.s32 $0x80;
	s0 =	rddreg [dreg:$0x3]  }
0x135: {  	[spmem:s0] =	stream.indirect.scatter.add.f32 [tilespmem:s9], [sflag:$0x2], $0x1, s13, s7, $0xb8;
	[tilespmem:$0x12888] =	vst v63  }
0x136: {  	s14 =	simm.s32 $0x1080;
	s10 =	simm.s32 $0x1880  }
0x137: {  	[spmem:s0] =	stream.indirect.scatter.add.f32 [tilespmem:s10], [sflag:$0x2], $0x1, s14, s7, $0xb8;
	[tilespmem:$0x12888] =	vst v63  }
0x138: {  	s15 =	simm.s32 $0x1100;
	s11 =	simm.s32 $0x1900  }
0x139: {  	[spmem:s0] =	stream.indirect.scatter.add.f32 [tilespmem:s11], [sflag:$0x2], $0x1, s15, s7, $0xb8;
	[tilespmem:$0x12888] =	vst v63  }
0x13a: {  	s16 =	simm.s32 $0x1180;
	s12 =	simm.s32 $0x1980  }
0x13b: {  	[spmem:s0] =	stream.indirect.scatter.add.f32 [tilespmem:s12], [sflag:$0x2], $0x1, s16, s7, $0xb8;
	[tilespmem:$0x12888] =	vst v63  }
0x13c: {  	s17 =	simm.s32 $0x1200;
	s13 =	simm.s32 $0x1A00  }
0x13d: {  	[spmem:s0] =	stream.indirect.scatter.add.f32 [tilespmem:s13], [sflag:$0x2], $0x1, s17, s7, $0xb8;
	[tilespmem:$0x12888] =	vst v63  }
0x13e: {  	s18 =	simm.s32 $0x1280;
	s14 =	simm.s32 $0x1A80  }
0x13f: {  	[spmem:s0] =	stream.indirect.scatter.add.f32 [tilespmem:s14], [sflag:$0x2], $0x1, s18, s7, $0xb8;
	[tilespmem:$0x12888] =	vst v63  }
0x140: {  	s19 =	simm.s32 $0x1300;
	s15 =	simm.s32 $0x1B00  }
0x141: {  	[spmem:s0] =	stream.indirect.scatter.add.f32 [tilespmem:s15], [sflag:$0x2], $0x1, s19, s7, $0xb8;
	[tilespmem:$0x12888] =	vst v63  }
0x142: {  	s20 =	simm.s32 $0x1380;
	s16 =	simm.s32 $0x1B80  }
0x143: {  	[spmem:s0] =	stream.indirect.scatter.add.f32 [tilespmem:s16], [sflag:$0x2], $0x1, s20, s7, $0xb8;
	[tilespmem:$0x12888] =	vst v63  }
0x144: {  	s21 =	simm.s32 $0x1400;
	s17 =	simm.s32 $0x1C00  }
0x145: {  	[spmem:s0] =	stream.indirect.scatter.add.f32 [tilespmem:s17], [sflag:$0x2], $0x1, s21, s7, $0xb8;
	[tilespmem:$0x12888] =	vst v63  }
0x146: {  	s22 =	simm.s32 $0x1480;
	s18 =	simm.s32 $0x1C80  }
0x147: {  	[spmem:s0] =	stream.indirect.scatter.add.f32 [tilespmem:s18], [sflag:$0x2], $0x1, s22, s7, $0xb8;
	[tilespmem:$0x12888] =	vst v63  }
0x148: {  	s23 =	simm.s32 $0x1500;
	s19 =	simm.s32 $0x1D00  }
0x149: {  	[spmem:s0] =	stream.indirect.scatter.add.f32 [tilespmem:s19], [sflag:$0x2], $0x1, s23, s7, $0xb8;
	[tilespmem:$0x12888] =	vst v63  }
0x14a: {  	s24 =	simm.s32 $0x1580;
	s20 =	simm.s32 $0x1D80  }
0x14b: {  	[spmem:s0] =	stream.indirect.scatter.add.f32 [tilespmem:s20], [sflag:$0x2], $0x1, s24, s7, $0xb8;
	[tilespmem:$0x12888] =	vst v63  }
0x14c: {  	s25 =	simm.s32 $0x1600;
	s21 =	simm.s32 $0x1E00  }
0x14d: {  	[spmem:s0] =	stream.indirect.scatter.add.f32 [tilespmem:s21], [sflag:$0x2], $0x1, s25, s7, $0xb8;
	[tilespmem:$0x12888] =	vst v63  }
0x14e: {  	s26 =	simm.s32 $0x1680;
	s22 =	simm.s32 $0x1E80  }
0x14f: {  	[spmem:s0] =	stream.indirect.scatter.add.f32 [tilespmem:s22], [sflag:$0x2], $0x1, s26, s7, $0xb8;
	[tilespmem:$0x12888] =	vst v63  }
0x150: {  	s28 =	simm.s32 $0x1700;
	s23 =	simm.s32 $0x1F00  }
0x151: {  	[spmem:s0] =	stream.indirect.scatter.add.f32 [tilespmem:s23], [sflag:$0x2], $0x1, s28, s7, $0xb8;
	[tilespmem:$0x12888] =	vst v63  }
0x152: {  	s29 =	simm.s32 $0x1780;
	s30 =	simm.s32 $0x2;
	s24 =	simm.s32 $0x1F80  }
0x153: {  	[spmem:s0] =	stream.indirect.scatter.add.f32 [tilespmem:s24], [sflag:$0x2], $0x1, s29, s7, $0xb8;
	[tilespmem:$0x12888] =	vst v63  }
0x154: {  	_ =	swait.ge [sflag:s30], $0x80  }
0x155: {  	[sflag:s30] =	ssyncset.done $0x0  }
0x156: {  	[sflag:s30] =	ssyncadd.s32 $0xFFFFFF80  }
0x157: {  	_ =	swait.ge [sflag:s30], $0x80  }
0x158: {  	[sflag:s30] =	ssyncset.done $0x0  }
0x159: {  	[sflag:s30] =	ssyncadd.s32 $0xFFFFFF80  }
0x15a: {  	_ =	swait.ge [sflag:s30], $0x80  }
0x15b: {  	[sflag:s30] =	ssyncset.done $0x0  }
0x15c: {  	[sflag:s30] =	ssyncadd.s32 $0xFFFFFF80  }
0x15d: {  	_ =	swait.ge [sflag:s30], $0x80  }
0x15e: {  	[sflag:s30] =	ssyncset.done $0x0  }
0x15f: {  	[sflag:s30] =	ssyncadd.s32 $0xFFFFFF80  }
0x160: {  	_ =	swait.ge [sflag:s30], $0x80  }
0x161: {  	[sflag:s30] =	ssyncset.done $0x0  }
0x162: {  	[sflag:s30] =	ssyncadd.s32 $0xFFFFFF80  }
0x163: {  	_ =	swait.ge [sflag:s30], $0x80  }
0x164: {  	[sflag:s30] =	ssyncset.done $0x0  }
0x165: {  	[sflag:s30] =	ssyncadd.s32 $0xFFFFFF80  }
0x166: {  	_ =	swait.ge [sflag:s30], $0x80  }
0x167: {  	[sflag:s30] =	ssyncset.done $0x0  }
0x168: {  	[sflag:s30] =	ssyncadd.s32 $0xFFFFFF80  }
0x169: {  	_ =	swait.ge [sflag:s30], $0x80  }
0x16a: {  	[sflag:s30] =	ssyncset.done $0x0  }
0x16b: {  	[sflag:s30] =	ssyncadd.s32 $0xFFFFFF80  }
0x16c: {  	_ =	swait.ge [sflag:s30], $0x80  }
0x16d: {  	[sflag:s30] =	ssyncset.done $0x0  }
0x16e: {  	[sflag:s30] =	ssyncadd.s32 $0xFFFFFF80  }
0x16f: {  	_ =	swait.ge [sflag:s30], $0x80  }
0x170: {  	[sflag:s30] =	ssyncset.done $0x0  }
0x171: {  	[sflag:s30] =	ssyncadd.s32 $0xFFFFFF80  }
0x172: {  	_ =	swait.ge [sflag:s30], $0x80  }
0x173: {  	[sflag:s30] =	ssyncset.done $0x0  }
0x174: {  	[sflag:s30] =	ssyncadd.s32 $0xFFFFFF80  }
0x175: {  	_ =	swait.ge [sflag:s30], $0x80  }
0x176: {  	[sflag:s30] =	ssyncset.done $0x0  }
0x177: {  	[sflag:s30] =	ssyncadd.s32 $0xFFFFFF80  }
0x178: {  	_ =	swait.ge [sflag:s30], $0x80  }
0x179: {  	[sflag:s30] =	ssyncset.done $0x0  }
0x17a: {  	[sflag:s30] =	ssyncadd.s32 $0xFFFFFF80  }
0x17b: {  	_ =	swait.ge [sflag:s30], $0x80  }
0x17c: {  	[sflag:s30] =	ssyncset.done $0x0  }
0x17d: {  	[sflag:s30] =	ssyncadd.s32 $0xFFFFFF80  }
0x17e: {  	_ =	swait.ge [sflag:s30], $0x80  }
0x17f: {  	[sflag:s30] =	ssyncset.done $0x0  }
0x180: {  	[sflag:s30] =	ssyncadd.s32 $0xFFFFFF80  }
0x181: {  	_ =	swait.ge [sflag:s30], $0x80  }
0x182: {  	s31 =	rddreg [dreg:$0xf]  }
0x183: {  	s1 =	sadd.s32 $0x1, s31  }
0x184: {  	p0 =	sne.s32 s1, $0x5  }
.Ltmp3:
0x185: {  	_ = 	snop;
	(pc) =	sbr.rel @p0 .LBB2_6-.Ltmp3, $3  }
0x186: {  	_ =	sdelay $0x1  }
0x187: {  	[sflag:s30] =	ssyncset.done $0x0  }
0x188: {  	s6 =	simm.s32 $0x3;
	[sflag:s30] =	ssyncadd.s32 $0xFFFFFF80  }
0x189: {  	[bflag:$0x0] =	sbarrier.arrive $0xFFFF  }
0x18a: {  	s8 =	simm.s32 $0x2A00;
	s4 =	rddreg [dreg:$0x7]  }
0x18b: {  	[tilespmem:s8], [sflag:$0x3] =	stream.linear.gather [spmem:s4], $0x9C8, $0x38;
	[tilespmem:$0x12888] =	vst v63  }
0x18c: {  	_ =	swait.ge [sflag:s6], $0x9C8  }
0x18d: {  	[sflag:s6] =	ssyncset.done $0x0;
	s5 =	rddreg [dreg:$0xb]  }
0x18e: {  	s3 =	simm.s32 $0x0;
	[sflag:s6] =	ssyncadd.s32 $0xFFFFF638;
	s0 =	sadd.s32 $0x0, s5  }
0x18f: {  	[hbm4b:s0+s3] =	stream.linear.scatter [tilespmem:s8], [sflag:$0x3], $0x9C8, $0x38;
	[tilespmem:$0x12888] =	vst v63  }
0x190: {  	_ =	swait.ge [sflag:s6], $0x9C8  }
0x191: {  	s2 =	smov.u32 s4;
	s0 =	simm.s32 $0x139;
	[sflag:s6] =	ssyncset.done $0x0  }
.LBB2_10:
0x192: {  	p0 =	sne.s32 s0, $0x1D58;
	[sflag:s6] =	ssyncadd.s32 $0xFFFFF638;
	s2 =	sadd.s32 $0x9C8, s2  }
0x193: {  	[tilespmem:s8], [sflag:$0x3] =	stream.linear.gather [spmem:s2], $0x9C8, $0x38;
	[tilespmem:$0x12888] =	vst v63  }
0x194: {  	s1 =	smov.u32 s0;
	s0 =	sadd.s32 $0x139, s0;
	_ =	swait.ge [sflag:s6], $0x9C8  }
.Ltmp4:
0x195: {  	[sflag:s6] =	ssyncset.done $0x0;
	(pc) =	sbr.rel @p0 .LBB2_10-.Ltmp4, $4  }
0x196: {  	s1 =	sadd.s32 s1, s5;
	[sflag:s6] =	ssyncadd.s32 $0xFFFFF638  }
0x197: {  	[hbm4b:s1+s3] =	stream.linear.scatter [tilespmem:s8], [sflag:$0x3], $0x9C8, $0x38;
	[tilespmem:$0x12888] =	vst v63  }
0x198: {  	_ =	swait.ge [sflag:s6], $0x9C8  }
0x199: {  	[sflag:s6] =	ssyncset.done $0x0  }
0x19a: {  	[sflag:s6] =	ssyncadd.s32 $0xFFFFF638  }
0x19b: {  	s0 =	sadd.s32 $0x0, s4;
	s2 =	simm.s32 $0x2000;
	[bflag:$0x0] =	sbarrier.arrive $0xFFFF  }
0x19c: {  	[spmem:s0] =	stream.linear.scatter [tilespmem:s2], [sflag:$0x3], $0x9C8, $0x38;
	[tilespmem:$0x12888] =	vst v63  }
0x19d: {  	s0 =	simm.s32 $0x2720;
	_ =	swait.ge [sflag:s6], $0x9C8  }
.LBB2_12:
0x19e: {  	s1 =	sshra.s32 s0, $0x2;
	[sflag:s6] =	ssyncset.done $0x0;
	p0 =	sne.s32 s0, $0x3AB00  }
.Ltmp5:
0x19f: {  	s1 =	sadd.s32 s1, s4;
	[sflag:s6] =	ssyncadd.s32 $0xFFFFF638;
	(pc) =	sbr.rel @p0 .LBB2_12-.Ltmp5, $3  }
0x1a0: {  	[spmem:s1] =	stream.linear.scatter [tilespmem:s2], [sflag:$0x3], $0x9C8, $0x38;
	[tilespmem:$0x12888] =	vst v63  }
0x1a1: {  	s0 =	sadd.s32 $0x2720, s0;
	_ =	sdelay $0x1  }
0x1a2: {  	_ =	swait.ge [sflag:s6], $0x9C8  }
0x1a3: {  	[sflag:s6] =	ssyncset.done $0x0  }
0x1a4: {  	[sflag:s6] =	ssyncadd.s32 $0xFFFFF638  }
0x1a5: {  	s1 =	simm.s32 $0x0;
	[bflag:$0x0] =	sbarrier.arrive $0xFFFF  }
.LBB2_14:
0x1a6: {  	s0 =	sshll.u32 s1, $0xB;
	s2 =	rddreg [dreg:$0x8]  }
0x1a7: {  	s0 =	sadd.s32 s0, s2  }
0x1a8: {  	s3 =	rddreg [dreg:$0x6];
	s0 =	sshrl.u32 s0, $0x3  }
0x1a9: {  	[dreg:$0xe] =	wrdreg s1;
	s2 =	simm.s32 $0x0;
	s1 =	sadd.s32 s3, s0  }
0x1aa: {  	[tilespmem:s2], [sflag:$0x3] =	stream.linear.gather [hbm4b:s1+s2], $0x800, $0x38;
	[tilespmem:$0x12888] =	vst v63  }
0x1ab: {  	_ =	swait.ge [sflag:s6], $0x800  }
0x1ac: {  	[sflag:s6] =	ssyncset.done $0x0  }
0x1ad: {  	[sflag:s6] =	ssyncadd.s32 $0xFFFFF800  }
0x1ae: {  	s4 =	rddreg [dreg:$0x0]  }
0x1af: {  	s5 =	simm.s32 $0x800;
	s0 =	sadd.s32 s4, s0  }
0x1b0: {  	[tilespmem:s5], [sflag:$0x3] =	stream.linear.gather [hbm4b:s0+s2], $0x800, $0x38;
	[tilespmem:$0x12888] =	vst v63  }
0x1b1: {  	_ =	swait.ge [sflag:s6], $0x800  }
0x1b2: {  	[sflag:s6] =	ssyncset.done $0x0  }
0x1b3: {  	s8 =	rddreg [dreg:$0x9];
	[sflag:s6] =	ssyncadd.s32 $0xFFFFF800  }
0x1b4: {  	[tilespmem:s9], [sflag:$0x1] =	stream.indirect.gather [hbm4b:s8+s7], $0x1, s2, s7, $0xb8;
	[tilespmem:$0x12888] =	vst v63  }
0x1b5: {  	_ = 	snop  }
0x1b6: {  	[tilespmem:s10], [sflag:$0x1] =	stream.indirect.gather [hbm4b:s8+s7], $0x1, s7, s7, $0xb8;
	[tilespmem:$0x12888] =	vst v63  }
0x1b7: {  	s10 =	simm.s32 $0x100  }
0x1b8: {  	[tilespmem:s11], [sflag:$0x1] =	stream.indirect.gather [hbm4b:s8+s7], $0x1, s10, s7, $0xb8;
	[tilespmem:$0x12888] =	vst v63  }
0x1b9: {  	s11 =	simm.s32 $0x180  }
0x1ba: {  	[tilespmem:s12], [sflag:$0x1] =	stream.indirect.gather [hbm4b:s8+s7], $0x1, s11, s7, $0xb8;
	[tilespmem:$0x12888] =	vst v63  }
0x1bb: {  	s12 =	simm.s32 $0x200  }
0x1bc: {  	[tilespmem:s13], [sflag:$0x1] =	stream.indirect.gather [hbm4b:s8+s7], $0x1, s12, s7, $0xb8;
	[tilespmem:$0x12888] =	vst v63  }
0x1bd: {  	s13 =	simm.s32 $0x280  }
0x1be: {  	[tilespmem:s14], [sflag:$0x1] =	stream.indirect.gather [hbm4b:s8+s7], $0x1, s13, s7, $0xb8;
	[tilespmem:$0x12888] =	vst v63  }
0x1bf: {  	s14 =	simm.s32 $0x300  }
0x1c0: {  	[tilespmem:s15], [sflag:$0x1] =	stream.indirect.gather [hbm4b:s8+s7], $0x1, s14, s7, $0xb8;
	[tilespmem:$0x12888] =	vst v63  }
0x1c1: {  	s15 =	simm.s32 $0x380  }
0x1c2: {  	[tilespmem:s16], [sflag:$0x1] =	stream.indirect.gather [hbm4b:s8+s7], $0x1, s15, s7, $0xb8;
	[tilespmem:$0x12888] =	vst v63  }
0x1c3: {  	s16 =	simm.s32 $0x400  }
0x1c4: {  	[tilespmem:s17], [sflag:$0x1] =	stream.indirect.gather [hbm4b:s8+s7], $0x1, s16, s7, $0xb8;
	[tilespmem:$0x12888] =	vst v63  }
0x1c5: {  	s17 =	simm.s32 $0x480  }
0x1c6: {  	[tilespmem:s18], [sflag:$0x1] =	stream.indirect.gather [hbm4b:s8+s7], $0x1, s17, s7, $0xb8;
	[tilespmem:$0x12888] =	vst v63  }
0x1c7: {  	s18 =	simm.s32 $0x500  }
0x1c8: {  	[tilespmem:s19], [sflag:$0x1] =	stream.indirect.gather [hbm4b:s8+s7], $0x1, s18, s7, $0xb8;
	[tilespmem:$0x12888] =	vst v63  }
0x1c9: {  	s19 =	simm.s32 $0x580  }
0x1ca: {  	[tilespmem:s20], [sflag:$0x1] =	stream.indirect.gather [hbm4b:s8+s7], $0x1, s19, s7, $0xb8;
	[tilespmem:$0x12888] =	vst v63  }
0x1cb: {  	s20 =	simm.s32 $0x600  }
0x1cc: {  	[tilespmem:s21], [sflag:$0x1] =	stream.indirect.gather [hbm4b:s8+s7], $0x1, s20, s7, $0xb8;
	[tilespmem:$0x12888] =	vst v63  }
0x1cd: {  	s21 =	simm.s32 $0x680  }
0x1ce: {  	[tilespmem:s22], [sflag:$0x1] =	stream.indirect.gather [hbm4b:s8+s7], $0x1, s21, s7, $0xb8;
	[tilespmem:$0x12888] =	vst v63  }
0x1cf: {  	s22 =	simm.s32 $0x700  }
0x1d0: {  	[tilespmem:s23], [sflag:$0x1] =	stream.indirect.gather [hbm4b:s8+s7], $0x1, s22, s7, $0xb8;
	[tilespmem:$0x12888] =	vst v63  }
0x1d1: {  	s23 =	simm.s32 $0x780  }
0x1d2: {  	[tilespmem:s24], [sflag:$0x1] =	stream.indirect.gather [hbm4b:s8+s7], $0x1, s23, s7, $0xb8;
	[tilespmem:$0x12888] =	vst v63  }
0x1d3: {  	s7 =	simm.s32 $0x0  }
0x1d4: {  	v3 =	vld [tilespmem:s7+$0x800];
	_ =	sdelay $0x4  }
0x1d5: {  	(v2sf) =	vpush v3, $0x2;
	_ =	sdelay $0x5  }
0x1d6: {  	(v2sf) =	vpush v3, $0x0  }
0x1d7: {  	(v2sf) =	vpush v3, $0x1  }
0x1d8: {  	(v2sf) =	vpush v3, $0xC  }
0x1d9: {  	(v2sf) =	vpush v3, $0x3  }
0x1da: {  	(v2sf) =	vpush v3, $0x8  }
0x1db: {  	(v2sf) =	vpush v3, $0xD  }
0x1dc: {  	(v2sf) =	vpush v3, $0x5  }
0x1dd: {  	(v2sf) =	vpush v3, $0x4  }
0x1de: {  	(v2sf) =	vpush v3, $0xE  }
0x1df: {  	s25 =	spop (v2sf);
	(v2sf) =	vpush v3, $0xF;
	_ =	sdelay $0x5  }
0x1e0: {  	s26 =	spop (v2sf)  }
0x1e1: {  	s31 =	spop (v2sf)  }
0x1e2: {  	s5 =	spop (v2sf)  }
0x1e3: {  	s0 =	smulhi.u32 $0x2AAAAAAB, s25;
	s10 =	spop (v2sf)  }
0x1e4: {  	s4 =	sshra.s32 s26, $0x1F;
	s1 =	smulhi.u32 $0x2AAAAAAB, s26;
	s12 =	spop (v2sf)  }
0x1e5: {  	(v2sf) =	vpush v3, $0xA;
	s4 =	smul.u32 $0x2AAAAAAB, s4;
	s2 =	spop (v2sf)  }
0x1e6: {  	s14 =	smulhi.u32 $0x2AAAAAAB, s10;
	s20 =	sshra.s32 s10, $0x1F;
	s24 =	spop (v2sf)  }
0x1e7: {  	s3 =	sshra.s32 s25, $0x1F;
	(v2sf) =	vpush v3, $0x7;
	s26 =	smul.u32 $0x2AAAAAAB, s20;
	s25 =	spop (v2sf)  }
0x1e8: {  	(v2sf) =	vpush v3, $0x9;
	s1 =	sadd.s32 s4, s1;
	s4 =	spop (v2sf)  }
0x1e9: {  	s19 =	sadd.s32 s26, s14;
	s26 =	spop (v2sf);
	(v2sf) =	vpush v3, $0x6  }
0x1ea: {  	s3 =	smul.u32 $0x2AAAAAAB, s3  }
0x1eb: {  	s8 =	sshra.s32 s31, $0x1F;
	s13 =	smulhi.u32 $0x2AAAAAAB, s31  }
0x1ec: {  	s16 =	simm.s32 $0x10;
	s8 =	smul.u32 $0x2AAAAAAB, s8  }
0x1ed: {  	s11 =	sshra.s32 s5, $0x1F;
	s21 =	sadd.s32 s3, s0;
	s6 =	smulhi.u32 $0x2AAAAAAB, s5  }
0x1ee: {  	s17 =	simm.s32 $0x80;
	s23 =	smul.u32 $0x2AAAAAAB, s11;
	s5 =	sshrl.u32 s21, $0x1F  }
0x1ef: {  	s18 =	sshra.s32 s12, $0x1F;
	s22 =	sshrl.u32 s1, $0x1F;
	s0 =	smulhi.u32 $0x2AAAAAAB, s12  }
0x1f0: {  	s1 =	sshrl.u32 s1, $0x8;
	s15 =	sshra.s32 s2, $0x1F;
	s28 =	smulhi.u32 $0x2AAAAAAB, s24  }
0x1f1: {  	s8 =	sadd.s32 s8, s13;
	v4 =	vmov s22;
	s3 =	sshra.s32 s24, $0x1F;
	s30 =	smul.u32 $0x2AAAAAAB, s15  }
0x1f2: {  	s20 =	sshrl.u32 s8, $0x8;
	s8 =	sshrl.u32 s8, $0x1F;
	v5 =	vmov s1;
	v4 =	vnsel vm3, $0x0, v4;
	s29 =	smul.u32 $0x2AAAAAAB, s3  }
0x1f3: {  	s9 =	sadd.s32 s23, s6;
	v5 =	vnsel vm3, $0x0, v5;
	s31 =	sshra.s32 s25, $0x1F;
	s25 =	smulhi.u32 $0x2AAAAAAB, s25;
	v4 =	vsel vm0, s8, v4  }
0x1f4: {  	v6 =	vsel vm0, s20, v5;
	s24 =	sshra.s32 s4, $0x1F;
	s31 =	smul.u32 $0x2AAAAAAB, s31;
	v5 =	vsel vm1, s5, v4;
	v4 =	vld [tilespmem:s16+$0x800];
	s22 =	spop (v2sf);
	(v2sf) =	vpush v3, $0xB  }
0x1f5: {  	s23 =	sshrl.u32 s9, $0x8;
	s14 =	sshrl.u32 s19, $0x8;
	s3 =	smul.u32 $0x2AAAAAAB, s24  }
0x1f6: {  	s24 =	sadd.s32 s31, s25;
	s6 =	sshra.s32 s26, $0x1F;
	s10 =	spop (v2sf)  }
0x1f7: {  	s26 =	smulhi.u32 $0x2AAAAAAB, s26;
	s11 =	sshra.s32 s22, $0x1F;
	s8 =	spop (v2sf)  }
.LBB2_15:
0x1f8: {  	s1 =	smul.u32 $0x2AAAAAAB, s18;
	s12 =	sshra.s32 s10, $0x1F;
	s13 =	spop (v2sf)  }
0x1f9: {  	(v2sf) =	vpush v4, $0x2;
	s20 =	smov.u32 s17;
	s25 =	smov.u32 s7;
	s7 =	smov.u32 s16  }
0x1fa: {  	s6 =	smul.u32 $0x2AAAAAAB, s6;
	s16 =	sshrl.u32 s21, $0x8;
	(v2sf) =	vpush v4, $0x0;
	s15 =	sshra.s32 s13, $0x1F  }
0x1fb: {  	s18 =	smulhi.u32 $0x2AAAAAAB, s2;
	s21 =	sshra.s32 s8, $0x1F;
	s28 =	sadd.s32 s29, s28;
	v6 =	vsel vm1, s16, v6;
	(v2sf) =	vpush v4, $0x1  }
0x1fc: {  	s2 =	sshrl.u32 s9, $0x1F;
	s9 =	smulhi.u32 $0x2AAAAAAB, s22;
	v6 =	vsel vm2, s14, v6;
	s14 =	sshrl.u32 s24, $0x8;
	(v2sf) =	vpush v4, $0xC  }
0x1fd: {  	s16 =	sadd.s32 s30, s18;
	s18 =	smulhi.u32 $0x2AAAAAAB, s4;
	v6 =	vsel vm4, s14, v6;
	s14 =	sshrl.u32 s28, $0x8  }
0x1fe: {  	s0 =	sadd.s32 s1, s0;
	s1 =	sshrl.u32 s28, $0x1F;
	s4 =	sshrl.u32 s16, $0x1F;
	v6 =	vsel vm5, s14, v6;
	(v2sf) =	vpush v4, $0x3  }
0x1ff: {  	s3 =	sadd.s32 s3, s18;
	s14 =	smul.u32 $0x2AAAAAAB, s11;
	s11 =	sshrl.u32 s0, $0x8;
	(v2sf) =	vpush v4, $0x8  }
0x200: {  	s10 =	smulhi.u32 $0x2AAAAAAB, s10;
	s16 =	sshrl.u32 s16, $0x8;
	s18 =	sshrl.u32 s19, $0x1F;
	(v2sf) =	vpush v4, $0xD  }
0x201: {  	v7 =	vmov s23;
	s6 =	sadd.s32 s6, s26;
	v5 =	vsel vm2, s18, v5;
	s18 =	sshrl.u32 s24, $0x1F;
	s14 =	sadd.s32 s14, s9  }
0x202: {  	s12 =	smul.u32 $0x2AAAAAAB, s12;
	v7 =	vsel vm0, s16, v7;
	s9 =	sshrl.u32 s3, $0x1F;
	v5 =	vsel vm4, s18, v5;
	s3 =	sshrl.u32 s3, $0x8  }
0x203: {  	v5 =	vsel vm5, s1, v5;
	s1 =	smulhi.u32 $0x2AAAAAAB, s13;
	v7 =	vsel vm1, s3, v7;
	s3 =	sshrl.u32 s6, $0x8;
	s13 =	spop (v2sf)  }
0x204: {  	s8 =	smulhi.u32 $0x2AAAAAAB, s8;
	s10 =	sadd.s32 s12, s10;
	s16 =	sshrl.u32 s0, $0x1F;
	v7 =	vsel vm2, s3, v7  }
0x205: {  	s0 =	sshrl.u32 s10, $0x8;
	s3 =	smul.u32 $0x2AAAAAAB, s15;
	s12 =	sshra.s32 s13, $0x1F;
	(v2sf) =	vpush v4, $0x5  }
0x206: {  	s6 =	sshrl.u32 s6, $0x1F;
	s18 =	sshrl.u32 s14, $0x1F;
	s15 =	smul.u32 $0x2AAAAAAB, s21;
	(v2sf) =	vpush v4, $0x4  }
0x207: {  	s1 =	sadd.s32 s3, s1;
	s3 =	sshrl.u32 s10, $0x1F;
	s10 =	sshrl.u32 s14, $0x8;
	(v2sf) =	vpush v4, $0xE  }
0x208: {  	s8 =	sadd.s32 s15, s8;
	s15 =	sshrl.u32 s1, $0x1F;
	s14 =	spop (v2sf)  }
0x209: {  	v8 =	vmov s16;
	s21 =	sshrl.u32 s8, $0x1F;
	s8 =	sshrl.u32 s8, $0x8;
	v5 =	vsel vm6, s15, v5;
	s19 =	spop (v2sf)  }
0x20a: {  	s13 =	smulhi.u32 $0x2AAAAAAB, s13;
	v8 =	vsel vm0, s21, v8;
	v5 =	vsel vm7, s3, v5;
	s15 =	sshra.s32 s14, $0x1F;
	s16 =	spop (v2sf)  }
0x20b: {  	v9 =	vmov s11;
	s12 =	smul.u32 $0x2AAAAAAB, s12;
	s21 =	sshra.s32 s16, $0x1F;
	s3 =	spop (v2sf)  }
0x20c: {  	v10 =	vmov s2;
	v9 =	vsel vm0, s8, v9;
	s14 =	smulhi.u32 $0x2AAAAAAB, s14;
	s22 =	sshra.s32 s19, $0x1F;
	s11 =	sshra.s32 s3, $0x1F  }
0x20d: {  	v10 =	vsel vm0, s4, v10;
	v9 =	vsel vm1, s10, v9;
	s4 =	sadd.s32 s12, s13;
	s19 =	smulhi.u32 $0x2AAAAAAB, s19;
	(v2sf) =	vpush v4, $0xF;
	s23 =	spop (v2sf)  }
0x20e: {  	v10 =	vsel vm1, s9, v10;
	v8 =	vsel vm1, s18, v8;
	s8 =	sshrl.u32 s4, $0x1F;
	s10 =	smul.u32 $0x2AAAAAAB, s22;
	s12 =	spop (v2sf);
	(v2sf) =	vpush v4, $0xA  }
0x20f: {  	v10 =	vsel vm2, s6, v10;
	v8 =	vsel vm2, s8, v8;
	s9 =	smulhi.u32 $0x2AAAAAAB, s16;
	s18 =	sshra.s32 s12, $0x1F;
	s2 =	spop (v2sf);
	(v2sf) =	vpush v4, $0x7  }
0x210: {  	s4 =	sshrl.u32 s4, $0x8;
	v8 =	vcombine.low v8, v10;
	s6 =	sshra.s32 s23, $0x1F;
	s8 =	sshra.s32 s2, $0x1F;
	(v2sf) =	vpush v4, $0x9  }
0x211: {  	s1 =	sshrl.u32 s1, $0x8;
	v9 =	vsel vm2, s4, v9;
	s10 =	sadd.s32 s10, s19;
	s13 =	smulhi.u32 $0x2AAAAAAB, s23;
	(v2sf) =	vpush v4, $0x6  }
0x212: {  	v6 =	vsel vm6, s1, v6;
	s4 =	smul.u32 $0x2AAAAAAB, s15;
	v7 =	vcombine.low v9, v7;
	v8 =	vperm.xlane v8, v1;
	s16 =	sshrl.u32 s10, $0x1F;
	s10 =	sshrl.u32 s10, $0x8  }
0x213: {  	p0 =	sne.s32 s17, $0x1FC0;
	s17 =	sadd.s32 $0x40, s17;
	v6 =	vsel vm7, s0, v6;
	v5 =	vperm.xlane v5, v2;
	s1 =	smul.u32 $0x2AAAAAAB, s21;
	v9 =	vmov s10  }
0x214: {  	v6 =	vperm.xlane v6, v2;
	s21 =	sadd.s32 s4, s14;
	v7 =	vperm.xlane v7, v1;
	s10 =	smul.u32 $0x2AAAAAAB, s11;
	v9 =	vnsel vm3, $0x0, v9;
	s11 =	spop (v2sf)  }
0x215: {  	s1 =	sadd.s32 s1, s9;
	s0 =	smulhi.u32 $0x2AAAAAAB, s12;
	s12 =	spop (v2sf)  }
0x216: {  	v5 =	vsel vm8, v5, v8;
	v6 =	vsel vm8, v6, v7;
	s6 =	smul.u32 $0x2AAAAAAB, s6;
	s15 =	sshra.s32 s12, $0x1F;
	s4 =	spop (v2sf)  }
0x217: {  	s9 =	sshrl.u32 s1, $0x8;
	v5 =	vadd.s32 v5, v6;
	s28 =	smulhi.u32 $0x2AAAAAAB, s11  }
0x218: {  	s3 =	smulhi.u32 $0x2AAAAAAB, s3;
	v7 =	vmov s16;
	v5 =	vmul.u32 $0x600, v5;
	s19 =	sadd.s32 s6, s13;
	v6 =	vsel vm0, s9, v9;
	s6 =	sshra.s32 s11, $0x1F  }
0x219: {  	s1 =	sshrl.u32 s1, $0x1F;
	s16 =	sshra.s32 s20, $0x2;
	v7 =	vnsel vm3, $0x0, v7;
	s29 =	smul.u32 $0x2AAAAAAB, s6  }
0x21a: {  	v8 =	vadd.s32 $0xFFF0BDC0, v3;
	s9 =	sadd.s32 s10, s3;
	v7 =	vsel vm0, s1, v7;
	s1 =	sshrl.u32 s21, $0x1F;
	s30 =	smul.u32 $0x2AAAAAAB, s8;
	v9 =	vsub.s32 v3, v5;
	v3 =	vmovc v4  }
.Ltmp6:
0x21b: {  	v5 =	vsel vm1, s1, v7;
	s23 =	sshrl.u32 s9, $0x8;
	v7 =	vadd.s32 $0xF4240, v9;
	s3 =	sshra.s32 s4, $0x1F;
	v4 =	vld [tilespmem:s16+$0x800];
	(v2sf) =	vpush v3, $0xB;
	(pc) =	sbr.rel @p0 .LBB2_15-.Ltmp6, $4  }
0x21c: {  	vm9 =	vlt.u32 v8, $0xF4240;
	s14 =	sshrl.u32 s19, $0x8;
	s1 =	smulhi.u32 $0x2AAAAAAB, s12;
	s8 =	spop (v2sf)  }
0x21d: {  	v7 =	vsel vm9, v8, v7;
	s12 =	smul.u32 $0x2AAAAAAB, s15;
	s6 =	sshra.s32 s8, $0x1F;
	s22 =	spop (v2sf)  }
0x21e: {  	s3 =	smul.u32 $0x2AAAAAAB, s3;
	s11 =	sshra.s32 s22, $0x1F;
	s10 =	spop (v2sf);
	[tilespmem:s25+$0x1000] =	vst v7  }
0x21f: {  	s24 =	sadd.s32 s12, s1;
	s26 =	smulhi.u32 $0x2AAAAAAB, s8;
	s8 =	spop (v2sf)  }
0x220: {  	(v2sf) =	vpush v4, $0x2  }
0x221: {  	(v2sf) =	vpush v4, $0x0  }
0x222: {  	s15 =	smul.u32 $0x2AAAAAAB, s18  }
0x223: {  	s18 =	smulhi.u32 $0x2AAAAAAB, s2;
	(v2sf) =	vpush v4, $0x1  }
0x224: {  	s12 =	smulhi.u32 $0x2AAAAAAB, s22  }
0x225: {  	s1 =	smulhi.u32 $0x2AAAAAAB, s4;
	(v2sf) =	vpush v4, $0xC  }
0x226: {  	s20 =	smul.u32 $0x2AAAAAAB, s11  }
0x227: {  	s22 =	sshra.s32 s10, $0x1F;
	s31 =	smulhi.u32 $0x2AAAAAAB, s8  }
0x228: {  	s13 =	spop (v2sf);
	s11 =	smul.u32 $0x2AAAAAAB, s22;
	(v2sf) =	vpush v4, $0x3  }
0x229: {  	s25 =	smulhi.u32 $0x2AAAAAAB, s13;
	s13 =	sshra.s32 s13, $0x1F;
	[dreg:$0x1d] =	wrdreg s1  }
0x22a: {  	s2 =	sshra.s32 s8, $0x1F;
	[dreg:$0x1c] =	wrdreg s20;
	s4 =	smul.u32 $0x2AAAAAAB, s13;
	(v2sf) =	vpush v4, $0x8  }
0x22b: {  	[dreg:$0x1f] =	wrdreg s31;
	s13 =	smul.u32 $0x2AAAAAAB, s2;
	(v2sf) =	vpush v4, $0xD  }
0x22c: {  	s18 =	sadd.s32 s30, s18;
	[dreg:$0x1e] =	wrdreg s25;
	(v2sf) =	vpush v4, $0x5;
	s20 =	spop (v2sf)  }
0x22d: {  	s30 =	rddreg [dreg:$0x1d];
	s5 =	sshra.s32 s20, $0x1F;
	s8 =	smulhi.u32 $0x2AAAAAAB, s20  }
0x22e: {  	[smem:$0x7D7] =	sst s4;
	s17 =	smul.u32 $0x2AAAAAAB, s5  }
0x22f: {  	[smem:$0x7D8] =	sst s8;
	s25 =	spop (v2sf)  }
0x230: {  	s31 =	spop (v2sf);
	s4 =	smulhi.u32 $0x2AAAAAAB, s25;
	s25 =	sshra.s32 s25, $0x1F  }
0x231: {  	(v2sf) =	vpush v4, $0x4;
	[smem:$0x7D9] =	sst s17;
	s5 =	sshra.s32 s31, $0x1F;
	s8 =	smul.u32 $0x2AAAAAAB, s25  }
0x232: {  	s22 =	spop (v2sf);
	s20 =	smul.u32 $0x2AAAAAAB, s5  }
0x233: {  	[smem:$0x7DB] =	sst s4;
	s5 =	smulhi.u32 $0x2AAAAAAB, s22  }
0x234: {  	s1 =	sshra.s32 s22, $0x1F;
	s17 =	spop (v2sf);
	[smem:$0x7DC] =	sst s8  }
0x235: {  	s1 =	smul.u32 $0x2AAAAAAB, s1;
	[smem:$0x7DA] =	sst s20  }
0x236: {  	s22 =	sshra.s32 s17, $0x1F;
	s2 =	smulhi.u32 $0x2AAAAAAB, s17;
	[smem:$0x7DD] =	sst s5  }
0x237: {  	s20 =	spop (v2sf);
	s4 =	smul.u32 $0x2AAAAAAB, s22  }
0x238: {  	[smem:$0x7DE] =	sst s1;
	s25 =	smulhi.u32 $0x2AAAAAAB, s20  }
0x239: {  	s1 =	sshra.s32 s20, $0x1F;
	[smem:$0x7E1] =	sst s4;
	s4 =	spop (v2sf)  }
0x23a: {  	s1 =	smul.u32 $0x2AAAAAAB, s1;
	s5 =	spop (v2sf)  }
0x23b: {  	[smem:$0x7E2] =	sst s2;
	s8 =	spop (v2sf)  }
0x23c: {  	[smem:$0x7E0] =	sst s1;
	s1 =	sshra.s32 s8, $0x1F  }
0x23d: {  	(v2sf) =	vpush v4, $0xE;
	[smem:$0x7DF] =	sst s25;
	s20 =	sshra.s32 s5, $0x1F;
	s1 =	smul.u32 $0x2AAAAAAB, s1  }
0x23e: {  	(v2sf) =	vpush v4, $0xF;
	s17 =	smulhi.u32 $0x2AAAAAAB, s8;
	s8 =	sadd.s32 s3, s30;
	s3 =	rddreg [dreg:$0x1c]  }
0x23f: {  	[smem:$0x7E5] =	sst s1;
	s1 =	smul.u32 $0x2AAAAAAB, s20  }
0x240: {  	s22 =	spop (v2sf);
	s30 =	sld [smem:$0x7D7]  }
0x241: {  	s25 =	sshra.s32 s22, $0x1F;
	[smem:$0x7E6] =	sst s1;
	s1 =	smulhi.u32 $0x2AAAAAAB, s22  }
0x242: {  	s22 =	smul.u32 $0x2AAAAAAB, s25;
	s25 =	rddreg [dreg:$0x1e]  }
0x243: {  	s2 =	sadd.s32 s30, s25;
	s25 =	sld [smem:$0x7DA]  }
0x244: {  	s31 =	smulhi.u32 $0x2AAAAAAB, s31;
	[smem:$0x7E4] =	sst s17  }
0x245: {  	s30 =	sld [smem:$0x7DB]  }
0x246: {  	s25 =	sadd.s32 s25, s31;
	s31 =	sld [smem:$0x7DC]  }
0x247: {  	s6 =	smul.u32 $0x2AAAAAAB, s6;
	s20 =	sadd.s32 s3, s12;
	s3 =	rddreg [dreg:$0x1f]  }
0x248: {  	s10 =	smulhi.u32 $0x2AAAAAAB, s10;
	(v2sf) =	vpush v4, $0xA;
	[smem:$0x7E7] =	sst s2  }
0x249: {  	s28 =	sadd.s32 s29, s28;
	s2 =	sadd.s32 s31, s30;
	s30 =	sld [smem:$0x7DD]  }
0x24a: {  	s17 =	sadd.s32 s15, s0;
	s15 =	smulhi.u32 $0x2AAAAAAB, s4;
	s31 =	sld [smem:$0x7DE]  }
0x24b: {  	s12 =	sadd.s32 s11, s10;
	s10 =	sadd.s32 s13, s3;
	s3 =	smulhi.u32 $0x2AAAAAAB, s5  }
0x24c: {  	s26 =	sadd.s32 s6, s26;
	[smem:$0x7E3] =	sst s1;
	s1 =	spop (v2sf)  }
0x24d: {  	s6 =	spop (v2sf);
	s5 =	sadd.s32 s31, s30;
	s31 =	sld [smem:$0x7DF]  }
0x24e: {  	s29 =	sshra.s32 s1, $0x1F;
	s1 =	smulhi.u32 $0x2AAAAAAB, s1;
	s30 =	sld [smem:$0x7E0]  }
0x24f: {  	s4 =	sshra.s32 s4, $0x1F;
	s13 =	sld [smem:$0x7D9];
	s11 =	smulhi.u32 $0x2AAAAAAB, s6  }
0x250: {  	s0 =	sshra.s32 s6, $0x1F;
	s6 =	smul.u32 $0x2AAAAAAB, s4;
	s4 =	sld [smem:$0x7D8]  }
0x251: {  	s29 =	smul.u32 $0x2AAAAAAB, s29;
	s31 =	sadd.s32 s30, s31;
	s30 =	sld [smem:$0x7E2]  }
0x252: {  	[dreg:$0x1a] =	wrdreg s31  }
0x253: {  	s15 =	sadd.s32 s6, s15;
	s1 =	sadd.s32 s29, s1;
	s31 =	sld [smem:$0x7E1]  }
0x254: {  	s6 =	sshrl.u32 s21, $0x8;
	s21 =	sshrl.u32 s24, $0x8;
	s24 =	sshrl.u32 s24, $0x1F  }
0x255: {  	s29 =	sshrl.u32 s17, $0x8;
	s17 =	sshrl.u32 s17, $0x1F;
	s13 =	sadd.s32 s13, s4  }
0x256: {  	s4 =	smul.u32 $0x2AAAAAAB, s0;
	s31 =	sadd.s32 s31, s30;
	s30 =	sld [smem:$0x7E3]  }
0x257: {  	s0 =	spop (v2sf);
	[dreg:$0x16] =	wrdreg s1;
	s1 =	sshrl.u32 s26, $0x8  }
0x258: {  	(v2sf) =	vpush v4, $0x7;
	s26 =	sshrl.u32 s26, $0x1F;
	v6 =	vsel vm1, s6, v6;
	s6 =	sshrl.u32 s12, $0x8;
	[smem:$0x7E8] =	sst s2  }
0x259: {  	s12 =	sshrl.u32 s12, $0x1F;
	s22 =	sadd.s32 s22, s30;
	s30 =	sld [smem:$0x7E5]  }
0x25a: {  	(v2sf) =	vpush v4, $0x9;
	s2 =	smulhi.u32 $0x2AAAAAAB, s0;
	s0 =	sshra.s32 s0, $0x1F;
	[dreg:$0x19] =	wrdreg s22  }
0x25b: {  	(v2sf) =	vpush v4, $0x6;
	v6 =	vsel vm2, s14, v6;
	s14 =	sshrl.u32 s20, $0x8;
	s0 =	smul.u32 $0x2AAAAAAB, s0;
	s22 =	sld [smem:$0x7E4]  }
0x25c: {  	s11 =	sadd.s32 s4, s11;
	s4 =	sshrl.u32 s28, $0x1F;
	v6 =	vsel vm4, s21, v6;
	s21 =	sshrl.u32 s25, $0x8  }
0x25d: {  	s0 =	sadd.s32 s0, s2;
	s2 =	sshrl.u32 s28, $0x8;
	s28 =	sshrl.u32 s8, $0x1F  }
0x25e: {  	s8 =	sshrl.u32 s8, $0x8;
	s22 =	sadd.s32 s30, s22;
	s30 =	sld [smem:$0x7E6]  }
0x25f: {  	v8 =	vmov s17;
	(v2sf) =	vpush v4, $0xB;
	[dreg:$0x11] =	wrdreg s0;
	s0 =	sshrl.u32 s20, $0x1F;
	s20 =	sshrl.u32 s10, $0x1F  }
0x260: {  	s10 =	sshrl.u32 s10, $0x8;
	v8 =	vsel vm0, s20, v8;
	s17 =	sshrl.u32 s31, $0x8;
	s20 =	sshrl.u32 s22, $0x8  }
0x261: {  	v8 =	vsel vm1, s0, v8;
	s0 =	sshrl.u32 s22, $0x1F;
	s30 =	sadd.s32 s30, s3;
	s3 =	sshrl.u32 s9, $0x1F  }
0x262: {  	v7 =	vmov s23;
	s9 =	sshrl.u32 s19, $0x1F;
	s19 =	sshrl.u32 s18, $0x1F;
	s18 =	sshrl.u32 s18, $0x8  }
0x263: {  	v11 =	vmov s21;
	s22 =	sshrl.u32 s15, $0x8;
	v5 =	vsel vm2, s9, v5;
	v7 =	vsel vm0, s18, v7;
	s9 =	sshrl.u32 s13, $0x1F;
	s18 =	sld [smem:$0x7E7]  }
0x264: {  	s13 =	sshrl.u32 s13, $0x8;
	v9 =	vmov s3;
	s21 =	sshrl.u32 s30, $0x1F;
	v5 =	vsel vm4, s24, v5;
	v7 =	vsel vm1, s8, v7;
	s8 =	sshrl.u32 s25, $0x1F  }
0x265: {  	s24 =	sld [smem:$0x7E8];
	v9 =	vsel vm0, s19, v9;
	v5 =	vsel vm5, s4, v5;
	v7 =	vsel vm2, s1, v7;
	s1 =	sshrl.u32 s5, $0x8;
	s4 =	sshrl.u32 s5, $0x1F  }
0x266: {  	v10 =	vmov s29;
	v6 =	vsel vm5, s2, v6;
	v9 =	vsel vm1, s28, v9;
	s28 =	rddreg [dreg:$0x1a];
	s23 =	sshrl.u32 s18, $0x1F;
	s2 =	sshrl.u32 s18, $0x8  }
0x267: {  	v10 =	vsel vm0, s10, v10;
	v12 =	vmov s8;
	s18 =	spop (v2sf);
	s10 =	sshrl.u32 s28, $0x8;
	s8 =	sshrl.u32 s28, $0x1F  }
0x268: {  	v11 =	vnsel vm3, $0x0, v11;
	v10 =	vsel vm1, s14, v10;
	v9 =	vsel vm2, s26, v9;
	s26 =	rddreg [dreg:$0x16];
	s5 =	sshrl.u32 s24, $0x1F;
	s3 =	sshrl.u32 s24, $0x8  }
0x269: {  	v8 =	vsel vm2, s9, v8;
	v10 =	vsel vm2, s13, v10;
	v5 =	vsel vm6, s23, v5;
	s25 =	spop (v2sf);
	s9 =	sshra.s32 s18, $0x1F;
	s13 =	smulhi.u32 $0x2AAAAAAB, s18  }
0x26a: {  	v13 =	vmov s17;
	v16 =	vmov s22;
	s28 =	sshrl.u32 s26, $0x8;
	v5 =	vsel vm7, s12, v5;
	s12 =	sshrl.u32 s31, $0x1F;
	s29 =	spop (v2sf)  }
0x26b: {  	v12 =	vnsel vm3, $0x0, v12;
	v11 =	vsel vm0, s1, v11;
	v7 =	vcombine.low v10, v7;
	s23 =	sshra.s32 s25, $0x1F;
	s31 =	rddreg [dreg:$0x19];
	s25 =	smulhi.u32 $0x2AAAAAAB, s25  }
0x26c: {  	v6 =	vsel vm6, s2, v6;
	v12 =	vsel vm0, s4, v12;
	v8 =	vcombine.low v8, v9;
	s14 =	sshra.s32 s29, $0x1F;
	s18 =	sshrl.u32 s31, $0x8;
	s2 =	smulhi.u32 $0x2AAAAAAB, s29  }
0x26d: {  	v6 =	vsel vm7, s6, v6;
	v12 =	vsel vm1, s5, v12;
	v11 =	vsel vm1, s3, v11;
	s24 =	sshrl.u32 s31, $0x1F;
	s31 =	sshrl.u32 s15, $0x1F;
	s15 =	smul.u32 $0x2AAAAAAB, s23  }
0x26e: {  	s6 =	sshrl.u32 s30, $0x8;
	v7 =	vperm.xlane v7, v1;
	v11 =	vsel vm2, s10, v11;
	v12 =	vsel vm2, s8, v12;
	s30 =	spop (v2sf);
	s14 =	smul.u32 $0x2AAAAAAB, s14  }
0x26f: {  	s29 =	sshrl.u32 s11, $0x8;
	v13 =	vsel vm0, s6, v13;
	v15 =	vmov s12;
	v8 =	vperm.xlane v8, v1;
	s19 =	sshra.s32 s30, $0x1F;
	s1 =	smulhi.u32 $0x2AAAAAAB, s30  }
0x270: {  	v5 =	vperm.xlane v5, v2;
	v6 =	vperm.xlane v6, v2;
	v13 =	vsel vm1, s28, v13;
	s28 =	rddreg [dreg:$0x11];
	s30 =	sshrl.u32 s11, $0x1F;
	s3 =	smul.u32 $0x2AAAAAAB, s19  }
0x271: {  	v11 =	vsel vm4, s18, v11;
	v12 =	vsel vm4, s24, v12;
	v14 =	vmov s31;
	s23 =	sadd.s32 s15, s25;
	s25 =	sshrl.u32 s26, $0x1F;
	s26 =	smul.u32 $0x2AAAAAAB, s9  }
0x272: {  	v15 =	vsel vm0, s21, v15;
	v11 =	vsel vm5, s20, v11;
	v13 =	vsel vm2, s29, v13;
	s29 =	sshrl.u32 s28, $0x1F;
	s2 =	sadd.s32 s14, s2;
	s6 =	sshrl.u32 s23, $0x1F  }
0x273: {  	v12 =	vsel vm5, s0, v12;
	s31 =	sshrl.u32 s28, $0x8;
	s0 =	sshrl.u32 s23, $0x8;
	v15 =	vsel vm1, s25, v15;
	s24 =	sshrl.u32 s2, $0x1F;
	v14 =	vsel vm0, s6, v14  }
0x274: {  	s1 =	sadd.s32 s3, s1;
	v16 =	vsel vm0, s0, v16;
	s5 =	sadd.s32 s26, s13;
	v15 =	vsel vm2, s30, v15;
	s10 =	sshrl.u32 s2, $0x8;
	v12 =	vsel vm6, s24, v12  }
0x275: {  	v14 =	vsel vm1, s29, v14;
	s6 =	sshrl.u32 s1, $0x1F;
	v16 =	vsel vm1, s31, v16;
	s8 =	sshrl.u32 s1, $0x8;
	s9 =	sshrl.u32 s5, $0x1F;
	v11 =	vsel vm6, s10, v11  }
0x276: {  	s11 =	sshrl.u32 s5, $0x8;
	v14 =	vsel vm2, s6, v14;
	v55 =	vsel vm2, s8, v16;
	v56 =	vsel vm7, s9, v12  }
0x277: {  	v11 =	vsel vm7, s11, v11;
	v57 =	vcombine.low v14, v15;
	v9 =	vcombine.low v55, v13  }
0x278: {  	v10 =	vperm.xlane v56, v2;
	v60 =	vperm.xlane v11, v2  }
0x279: {  	v58 =	vperm.xlane v57, v1;
	v59 =	vperm.xlane v9, v1  }
0x27a: {  	v5 =	vsel vm8, v5, v8;
	v6 =	vsel vm8, v6, v7  }
0x27b: {  	v5 =	vadd.s32 v5, v6;
	v61 =	vsel vm8, v10, v58;
	v7 =	vsel vm8, v60, v59  }
0x27c: {  	v5 =	vmul.u32 $0x600, v5;
	v6 =	vadd.s32 v61, v7  }
0x27d: {  	v6 =	vmul.u32 $0x600, v6  }
0x27e: {  	v62 =	vadd.s32 $0xFFF0BDC0, v4;
	v5 =	vsub.s32 v3, v5;
	v3 =	vadd.s32 $0xFFF0BDC0, v3  }
0x27f: {  	v5 =	vadd.s32 $0xF4240, v5;
	vm9 =	vlt.u32 v3, $0xF4240;
	v63 =	vsub.s32 v4, v6  }
0x280: {  	v3 =	vsel vm9, v3, v5;
	vm9 =	vlt.u32 v62, $0xF4240;
	v4 =	vadd.s32 $0xF4240, v63  }
0x281: {  	[tilespmem:s7+$0x1000] =	vst v3;
	v3 =	vsel vm9, v62, v4  }
0x282: {  	s12 =	simm.s32 $0x1;
	[tilespmem:s16+$0x1000] =	vst v3  }
0x283: {  	_ =	swait.ge [sflag:s12], $0x80  }
0x284: {  	[sflag:s12] =	ssyncset.done $0x0  }
0x285: {  	[sflag:s12] =	ssyncadd.s32 $0xFFFFFF80  }
0x286: {  	_ =	swait.ge [sflag:s12], $0x80  }
0x287: {  	[sflag:s12] =	ssyncset.done $0x0  }
0x288: {  	[sflag:s12] =	ssyncadd.s32 $0xFFFFFF80  }
0x289: {  	_ =	swait.ge [sflag:s12], $0x80  }
0x28a: {  	[sflag:s12] =	ssyncset.done $0x0  }
0x28b: {  	[sflag:s12] =	ssyncadd.s32 $0xFFFFFF80  }
0x28c: {  	_ =	swait.ge [sflag:s12], $0x80  }
0x28d: {  	[sflag:s12] =	ssyncset.done $0x0  }
0x28e: {  	[sflag:s12] =	ssyncadd.s32 $0xFFFFFF80  }
0x28f: {  	_ =	swait.ge [sflag:s12], $0x80  }
0x290: {  	[sflag:s12] =	ssyncset.done $0x0  }
0x291: {  	[sflag:s12] =	ssyncadd.s32 $0xFFFFFF80  }
0x292: {  	_ =	swait.ge [sflag:s12], $0x80  }
0x293: {  	[sflag:s12] =	ssyncset.done $0x0  }
0x294: {  	[sflag:s12] =	ssyncadd.s32 $0xFFFFFF80  }
0x295: {  	_ =	swait.ge [sflag:s12], $0x80  }
0x296: {  	[sflag:s12] =	ssyncset.done $0x0  }
0x297: {  	[sflag:s12] =	ssyncadd.s32 $0xFFFFFF80  }
0x298: {  	_ =	swait.ge [sflag:s12], $0x80  }
0x299: {  	[sflag:s12] =	ssyncset.done $0x0  }
0x29a: {  	[sflag:s12] =	ssyncadd.s32 $0xFFFFFF80  }
0x29b: {  	_ =	swait.ge [sflag:s12], $0x80  }
0x29c: {  	[sflag:s12] =	ssyncset.done $0x0  }
0x29d: {  	[sflag:s12] =	ssyncadd.s32 $0xFFFFFF80  }
0x29e: {  	_ =	swait.ge [sflag:s12], $0x80  }
0x29f: {  	[sflag:s12] =	ssyncset.done $0x0  }
0x2a0: {  	[sflag:s12] =	ssyncadd.s32 $0xFFFFFF80  }
0x2a1: {  	_ =	swait.ge [sflag:s12], $0x80  }
0x2a2: {  	[sflag:s12] =	ssyncset.done $0x0  }
0x2a3: {  	[sflag:s12] =	ssyncadd.s32 $0xFFFFFF80  }
0x2a4: {  	_ =	swait.ge [sflag:s12], $0x80  }
0x2a5: {  	[sflag:s12] =	ssyncset.done $0x0  }
0x2a6: {  	[sflag:s12] =	ssyncadd.s32 $0xFFFFFF80  }
0x2a7: {  	_ =	swait.ge [sflag:s12], $0x80  }
0x2a8: {  	[sflag:s12] =	ssyncset.done $0x0  }
0x2a9: {  	[sflag:s12] =	ssyncadd.s32 $0xFFFFFF80  }
0x2aa: {  	_ =	swait.ge [sflag:s12], $0x80  }
0x2ab: {  	[sflag:s12] =	ssyncset.done $0x0  }
0x2ac: {  	[sflag:s12] =	ssyncadd.s32 $0xFFFFFF80  }
0x2ad: {  	_ =	swait.ge [sflag:s12], $0x80  }
0x2ae: {  	[sflag:s12] =	ssyncset.done $0x0  }
0x2af: {  	[sflag:s12] =	ssyncadd.s32 $0xFFFFFF80  }
0x2b0: {  	_ =	swait.ge [sflag:s12], $0x80  }
0x2b1: {  	[sflag:s12] =	ssyncset.done $0x0  }
0x2b2: {  	s13 =	simm.s32 $0x1000;
	[sflag:s12] =	ssyncadd.s32 $0xFFFFFF80  }
0x2b3: {  	s9 =	simm.s32 $0x1800;
	s7 =	simm.s32 $0x80;
	s0 =	rddreg [dreg:$0x3]  }
0x2b4: {  	[spmem:s0] =	stream.indirect.scatter.add.f32 [tilespmem:s9], [sflag:$0x2], $0x1, s13, s7, $0xb8;
	[tilespmem:$0x12888] =	vst v63  }
0x2b5: {  	s14 =	simm.s32 $0x1080;
	s10 =	simm.s32 $0x1880  }
0x2b6: {  	[spmem:s0] =	stream.indirect.scatter.add.f32 [tilespmem:s10], [sflag:$0x2], $0x1, s14, s7, $0xb8;
	[tilespmem:$0x12888] =	vst v63  }
0x2b7: {  	s15 =	simm.s32 $0x1100;
	s11 =	simm.s32 $0x1900  }
0x2b8: {  	[spmem:s0] =	stream.indirect.scatter.add.f32 [tilespmem:s11], [sflag:$0x2], $0x1, s15, s7, $0xb8;
	[tilespmem:$0x12888] =	vst v63  }
0x2b9: {  	s16 =	simm.s32 $0x1180;
	s12 =	simm.s32 $0x1980  }
0x2ba: {  	[spmem:s0] =	stream.indirect.scatter.add.f32 [tilespmem:s12], [sflag:$0x2], $0x1, s16, s7, $0xb8;
	[tilespmem:$0x12888] =	vst v63  }
0x2bb: {  	s17 =	simm.s32 $0x1200;
	s13 =	simm.s32 $0x1A00  }
0x2bc: {  	[spmem:s0] =	stream.indirect.scatter.add.f32 [tilespmem:s13], [sflag:$0x2], $0x1, s17, s7, $0xb8;
	[tilespmem:$0x12888] =	vst v63  }
0x2bd: {  	s18 =	simm.s32 $0x1280;
	s14 =	simm.s32 $0x1A80  }
0x2be: {  	[spmem:s0] =	stream.indirect.scatter.add.f32 [tilespmem:s14], [sflag:$0x2], $0x1, s18, s7, $0xb8;
	[tilespmem:$0x12888] =	vst v63  }
0x2bf: {  	s19 =	simm.s32 $0x1300;
	s15 =	simm.s32 $0x1B00  }
0x2c0: {  	[spmem:s0] =	stream.indirect.scatter.add.f32 [tilespmem:s15], [sflag:$0x2], $0x1, s19, s7, $0xb8;
	[tilespmem:$0x12888] =	vst v63  }
0x2c1: {  	s20 =	simm.s32 $0x1380;
	s16 =	simm.s32 $0x1B80  }
0x2c2: {  	[spmem:s0] =	stream.indirect.scatter.add.f32 [tilespmem:s16], [sflag:$0x2], $0x1, s20, s7, $0xb8;
	[tilespmem:$0x12888] =	vst v63  }
0x2c3: {  	s21 =	simm.s32 $0x1400;
	s17 =	simm.s32 $0x1C00  }
0x2c4: {  	[spmem:s0] =	stream.indirect.scatter.add.f32 [tilespmem:s17], [sflag:$0x2], $0x1, s21, s7, $0xb8;
	[tilespmem:$0x12888] =	vst v63  }
0x2c5: {  	s22 =	simm.s32 $0x1480;
	s18 =	simm.s32 $0x1C80  }
0x2c6: {  	[spmem:s0] =	stream.indirect.scatter.add.f32 [tilespmem:s18], [sflag:$0x2], $0x1, s22, s7, $0xb8;
	[tilespmem:$0x12888] =	vst v63  }
0x2c7: {  	s23 =	simm.s32 $0x1500;
	s19 =	simm.s32 $0x1D00  }
0x2c8: {  	[spmem:s0] =	stream.indirect.scatter.add.f32 [tilespmem:s19], [sflag:$0x2], $0x1, s23, s7, $0xb8;
	[tilespmem:$0x12888] =	vst v63  }
0x2c9: {  	s24 =	simm.s32 $0x1580;
	s20 =	simm.s32 $0x1D80  }
0x2ca: {  	[spmem:s0] =	stream.indirect.scatter.add.f32 [tilespmem:s20], [sflag:$0x2], $0x1, s24, s7, $0xb8;
	[tilespmem:$0x12888] =	vst v63  }
0x2cb: {  	s25 =	simm.s32 $0x1600;
	s21 =	simm.s32 $0x1E00  }
0x2cc: {  	[spmem:s0] =	stream.indirect.scatter.add.f32 [tilespmem:s21], [sflag:$0x2], $0x1, s25, s7, $0xb8;
	[tilespmem:$0x12888] =	vst v63  }
0x2cd: {  	s26 =	simm.s32 $0x1680;
	s22 =	simm.s32 $0x1E80  }
0x2ce: {  	[spmem:s0] =	stream.indirect.scatter.add.f32 [tilespmem:s22], [sflag:$0x2], $0x1, s26, s7, $0xb8;
	[tilespmem:$0x12888] =	vst v63  }
0x2cf: {  	s28 =	simm.s32 $0x1700;
	s23 =	simm.s32 $0x1F00  }
0x2d0: {  	[spmem:s0] =	stream.indirect.scatter.add.f32 [tilespmem:s23], [sflag:$0x2], $0x1, s28, s7, $0xb8;
	[tilespmem:$0x12888] =	vst v63  }
0x2d1: {  	s30 =	simm.s32 $0x2;
	s29 =	simm.s32 $0x1780;
	s24 =	simm.s32 $0x1F80  }
0x2d2: {  	[spmem:s0] =	stream.indirect.scatter.add.f32 [tilespmem:s24], [sflag:$0x2], $0x1, s29, s7, $0xb8;
	[tilespmem:$0x12888] =	vst v63  }
0x2d3: {  	_ =	swait.ge [sflag:s30], $0x80  }
0x2d4: {  	[sflag:s30] =	ssyncset.done $0x0  }
0x2d5: {  	[sflag:s30] =	ssyncadd.s32 $0xFFFFFF80  }
0x2d6: {  	_ =	swait.ge [sflag:s30], $0x80  }
0x2d7: {  	[sflag:s30] =	ssyncset.done $0x0  }
0x2d8: {  	[sflag:s30] =	ssyncadd.s32 $0xFFFFFF80  }
0x2d9: {  	_ =	swait.ge [sflag:s30], $0x80  }
0x2da: {  	[sflag:s30] =	ssyncset.done $0x0  }
0x2db: {  	[sflag:s30] =	ssyncadd.s32 $0xFFFFFF80  }
0x2dc: {  	_ =	swait.ge [sflag:s30], $0x80  }
0x2dd: {  	[sflag:s30] =	ssyncset.done $0x0  }
0x2de: {  	[sflag:s30] =	ssyncadd.s32 $0xFFFFFF80  }
0x2df: {  	_ =	swait.ge [sflag:s30], $0x80  }
0x2e0: {  	[sflag:s30] =	ssyncset.done $0x0  }
0x2e1: {  	[sflag:s30] =	ssyncadd.s32 $0xFFFFFF80  }
0x2e2: {  	_ =	swait.ge [sflag:s30], $0x80  }
0x2e3: {  	[sflag:s30] =	ssyncset.done $0x0  }
0x2e4: {  	[sflag:s30] =	ssyncadd.s32 $0xFFFFFF80  }
0x2e5: {  	_ =	swait.ge [sflag:s30], $0x80  }
0x2e6: {  	[sflag:s30] =	ssyncset.done $0x0  }
0x2e7: {  	[sflag:s30] =	ssyncadd.s32 $0xFFFFFF80  }
0x2e8: {  	_ =	swait.ge [sflag:s30], $0x80  }
0x2e9: {  	[sflag:s30] =	ssyncset.done $0x0  }
0x2ea: {  	[sflag:s30] =	ssyncadd.s32 $0xFFFFFF80  }
0x2eb: {  	_ =	swait.ge [sflag:s30], $0x80  }
0x2ec: {  	[sflag:s30] =	ssyncset.done $0x0  }
0x2ed: {  	[sflag:s30] =	ssyncadd.s32 $0xFFFFFF80  }
0x2ee: {  	_ =	swait.ge [sflag:s30], $0x80  }
0x2ef: {  	[sflag:s30] =	ssyncset.done $0x0  }
0x2f0: {  	[sflag:s30] =	ssyncadd.s32 $0xFFFFFF80  }
0x2f1: {  	_ =	swait.ge [sflag:s30], $0x80  }
0x2f2: {  	[sflag:s30] =	ssyncset.done $0x0  }
0x2f3: {  	[sflag:s30] =	ssyncadd.s32 $0xFFFFFF80  }
0x2f4: {  	_ =	swait.ge [sflag:s30], $0x80  }
0x2f5: {  	[sflag:s30] =	ssyncset.done $0x0  }
0x2f6: {  	[sflag:s30] =	ssyncadd.s32 $0xFFFFFF80  }
0x2f7: {  	_ =	swait.ge [sflag:s30], $0x80  }
0x2f8: {  	[sflag:s30] =	ssyncset.done $0x0  }
0x2f9: {  	[sflag:s30] =	ssyncadd.s32 $0xFFFFFF80  }
0x2fa: {  	_ =	swait.ge [sflag:s30], $0x80  }
0x2fb: {  	[sflag:s30] =	ssyncset.done $0x0  }
0x2fc: {  	[sflag:s30] =	ssyncadd.s32 $0xFFFFFF80  }
0x2fd: {  	_ =	swait.ge [sflag:s30], $0x80  }
0x2fe: {  	[sflag:s30] =	ssyncset.done $0x0  }
0x2ff: {  	[sflag:s30] =	ssyncadd.s32 $0xFFFFFF80  }
0x300: {  	_ =	swait.ge [sflag:s30], $0x80  }
0x301: {  	s31 =	rddreg [dreg:$0xe]  }
0x302: {  	s1 =	sadd.s32 $0x1, s31  }
0x303: {  	p0 =	sne.s32 s1, $0x5  }
.Ltmp7:
0x304: {  	_ = 	snop;
	(pc) =	sbr.rel @p0 .LBB2_14-.Ltmp7, $3  }
0x305: {  	_ =	sdelay $0x1  }
0x306: {  	[sflag:s30] =	ssyncset.done $0x0  }
0x307: {  	s6 =	simm.s32 $0x3;
	[sflag:s30] =	ssyncadd.s32 $0xFFFFFF80  }
0x308: {  	[bflag:$0x0] =	sbarrier.arrive $0xFFFF  }
0x309: {  	s5 =	simm.s32 $0x2A00;
	s8 =	rddreg [dreg:$0x7]  }
0x30a: {  	[tilespmem:s5], [sflag:$0x3] =	stream.linear.gather [spmem:s8], $0x9C8, $0x38;
	[tilespmem:$0x12888] =	vst v63  }
0x30b: {  	_ =	swait.ge [sflag:s6], $0x9C8  }
0x30c: {  	[sflag:s6] =	ssyncset.done $0x0;
	s4 =	rddreg [dreg:$0xc]  }
0x30d: {  	s3 =	simm.s32 $0x0;
	[sflag:s6] =	ssyncadd.s32 $0xFFFFF638;
	s0 =	sadd.s32 $0x0, s4  }
0x30e: {  	[hbm4b:s0+s3] =	stream.linear.scatter [tilespmem:s5], [sflag:$0x3], $0x9C8, $0x38;
	[tilespmem:$0x12888] =	vst v63  }
0x30f: {  	_ =	swait.ge [sflag:s6], $0x9C8  }
0x310: {  	s2 =	smov.u32 s8;
	s0 =	simm.s32 $0x139;
	[sflag:s6] =	ssyncset.done $0x0  }
.LBB2_18:
0x311: {  	p0 =	sne.s32 s0, $0x1D58;
	[sflag:s6] =	ssyncadd.s32 $0xFFFFF638;
	s2 =	sadd.s32 $0x9C8, s2  }
0x312: {  	[tilespmem:s5], [sflag:$0x3] =	stream.linear.gather [spmem:s2], $0x9C8, $0x38;
	[tilespmem:$0x12888] =	vst v63  }
0x313: {  	s1 =	smov.u32 s0;
	s0 =	sadd.s32 $0x139, s0;
	_ =	swait.ge [sflag:s6], $0x9C8  }
.Ltmp8:
0x314: {  	[sflag:s6] =	ssyncset.done $0x0;
	(pc) =	sbr.rel @p0 .LBB2_18-.Ltmp8, $4  }
0x315: {  	s1 =	sadd.s32 s1, s4;
	[sflag:s6] =	ssyncadd.s32 $0xFFFFF638  }
0x316: {  	[hbm4b:s1+s3] =	stream.linear.scatter [tilespmem:s5], [sflag:$0x3], $0x9C8, $0x38;
	[tilespmem:$0x12888] =	vst v63  }
0x317: {  	_ =	swait.ge [sflag:s6], $0x9C8  }
0x318: {  	[sflag:s6] =	ssyncset.done $0x0  }
0x319: {  	s2 =	rddreg [dreg:$0xd]  }
0x31a: {  	s0 =	rddreg [dreg:$0xa];
	s2 =	sadd.s32 $0x1, s2  }
0x31b: {  	p0 =	sne.s32 s2, s0  }
.Ltmp9:
0x31c: {  	_ = 	snop;
	(pc) =	sbr.rel @p0 .LBB2_1-.Ltmp9, $4  }
0x31d: {  	_ = 	snop  }
0x31e: {  	[sflag:s6] =	ssyncadd.s32 $0xFFFFF638  }
0x31f: {  	[bflag:$0x0] =	sbarrier.arrive $0xFFFF  }
0x320: {  	s1 =	simm.s32 $0x2000  }
0x321: {  	_ =	sfence.sel $0x180000  }
0x322: {  	[bflag:$0x0] =	sbarrier.arrive $0xFFFF  }
0x323: {  	_ =	strace $0x9000004A  }
0x324: {  	s0 =	stileid.u32;
	[bflag:$0x2] =	sbarrier.arrive $0xFFFF  }
0x325: {  	p0 =	sne.s32 s0, $0x0;
	s0 =	rddreg [dreg:$0x4]  }
0x326: {  	s0 =	sadd.s32 @!p0 $0x100000, s0  }
0x327: {  	[sflag:s0] =	ssyncadd.tile.s32 @!p0 $0x1;
	_ =	shalt  }
.Lfunc_end2:
_tile_overlayer_lowered:
.L_overlay_start_2:
0x328: {  	(tag) =	ssettag $0x2  }
0x329: {  	s0 =	rddreg [dreg:$0x0];
	s2 =	stileid.u32  }
0x32a: {  	s1 =	rddreg [dreg:$0x1];
	p0 =	sne.s32 s2, $0x0  }
0x32b: {  	s3 =	rddreg [dreg:$0x2];
	[bflag:$0x3] =	sbarrier.arrive $0xFFFF;
	s2 =	simm.s32 @!p0 $0x1C03  }
0x32c: {  	[timem:s3], [sflag:s2] =	dma.local @!p0 [hbm:s0], s1  }
0x32d: {  	s0 =	simm.s32 @!p0 $0x3  }
0x32e: {  	_ =	swait.ge @!p0 [sflag:s0], s1  }
0x32f: {  	s1 =	ssub.s32 @!p0 $0x0, s1;
	[sflag:s0] =	ssyncset.done @!p0 $0x0  }
0x330: {  	[sflag:s0] =	ssyncadd.s32 @!p0 s1  }
0x331: {  	[bflag:$0x3] =	sbarrier.arrive $0xFFFF  }
0x332: {  	_ =	shalt  }

// kernel: kernel.19.cloned.1.call-start
scs
__scs_entry_jumppad:
0x0: {  	(pc) =	sbr.rel $0x88, $3  }
0x1: {  	(tag) =	ssettag $0x0;
	lr =	simm.s32 $0x1  }
0x2: {  	[smem:$0x3F8B] =	sst lr;
	_ =	strace $0xD0000000  }
0x3: {  	_ = 	snop  }
0x4: {  	_ = 	snop  }
0x5: {  	_ = 	snop  }
0x6: {  	_ = 	snop  }
0x7: {  	_ = 	snop  }
__scs_overlays_trampoline_lowered:
0x8: {  	[smem:$0x3F9A] =	sst s0  }
0x9: {  	[smem:$0x3F9B] =	sst s1  }
0xa: {  	[smem:$0x3F9C] =	sst s2  }
0xb: {  	[smem:$0x3F9D] =	sst s3  }
0xc: {  	[smem:$0x3F9E] =	sst s4  }
0xd: {  	[smem:$0x3F9F] =	sst s5  }
0xe: {  	[smem:$0x3FA0] =	sst s6  }
0xf: {  	[smem:$0x3FA1] =	sst s7  }
0x10: {  	[smem:$0x3FA2] =	sst s8  }
0x11: {  	[smem:$0x3FA3] =	sst s9;
	s0 =	simm.s32 @!p0 $0x0  }
0x12: {  	s1 =	sld [smem:$0x3F89];
	s0 =	simm.s32 @p0 $0x1  }
0x13: {  	[smem:$0x3FA4] =	sst s0;
	s0 =	simm.s32 @!p1 $0x0  }
0x14: {  	s2 =	sld [smem:$0x3F88];
	s0 =	simm.s32 @p1 $0x1  }
0x15: {  	[smem:$0x3FA5] =	sst s0;
	s0 =	simm.s32 @!p2 $0x0  }
0x16: {  	s3 =	sld [smem:$0x3FDB];
	s0 =	simm.s32 @p2 $0x1  }
0x17: {  	s4 =	simm.s32 $0x1BF5;
	[smem:$0x3FA7] =	sst s0  }
0x18: {  	s0 =	sld [smem:$0x3F8A];
	_ =	swait.ge [sflag:s4], $0x0  }
0x19: {  	s7 =	sld [smem:$0x3F8B]  }
0x1a: {  	s8 =	sadd.s32 $0xFFFFE003, lr  }
0x1b: {  	s9 =	sadd.s32 $0xFFFFFEF7, lr;
	s5 =	simm.s32 $0xFFFFFFFF;
	p2 =	slt.u32 s8, $0xFFFFF086  }
0x1c: {  	p1 =	slt.u32 s9, $0xF7A;
	s5 =	simm.s32 @!p2 $0x0  }
0x1d: {  	s5 =	simm.s32 @p1 $0x1;
	p0 =	seq.s32 s7, s2  }
0x1e: {  	s7 =	smul.u32 @!p0 $0xF7A, s2;
	p2 =	seq.s32 @!p0 s5, $0x0  }
0x1f: {  	s9 =	smul.u32 $0xF7A, s1;
	s8 =	simm.s32 @!p0 $0x1BF5;
	p2 =	por !p2, p0  }
0x20: {  	[sflag:s8] =	ssyncset.s32 @!p0 $0xFFFFF086;
	s6 =	sadd.s32 @!p0 s3, s7;
	s7 =	simm.s32 @!p0 $0x108  }
0x21: {  	s3 =	sadd.s32 s3, s9;
	s6 =	sadd.s32 @!p0 $0x88, s6;
	s7 =	simm.s32 @p2 $0x1082  }
0x22: {  	[simem:s7], [sflag:s8] =	dma.local @!p0 [hbm:s6], $0xF7A  }
0x23: {  	s9 =	sor.u32 $0xD0000000, s2;
	s6 =	simm.s32 $0x108;
	_ =	swait.ge @!p0 [sflag:s8], $0x0  }
0x24: {  	s3 =	sadd.s32 $0x88, s3;
	s6 =	simm.s32 @!p1 $0x1082;
	[sflag:s4] =	ssyncset.s32 $0xFFFFF086  }
0x25: {  	[simem:s6], [sflag:s4] =	dma.local [hbm:s3], $0xF7A  }
0x26: {  	[smem:$0x3F8B] =	sst s1;
	(tag) =	ssettag s2;
	_ =	strace s9  }
0x27: {  	s1 =	sld [smem:$0x3F9B]  }
0x28: {  	s2 =	sld [smem:$0x3F9C]  }
0x29: {  	s4 =	sld [smem:$0x3F9E]  }
0x2a: {  	p0 =	seq.s32 s5, $0x0;
	s5 =	sld [smem:$0x3F9F]  }
0x2b: {  	s6 =	sld [smem:$0x3FA0]  }
0x2c: {  	s7 =	sld [smem:$0x3FA1]  }
0x2d: {  	s3 =	simm.s32 $0x108;
	s8 =	sld [smem:$0x3FA2]  }
0x2e: {  	s3 =	simm.s32 @!p0 $0x1082;
	s9 =	sld [smem:$0x3FA3]  }
0x2f: {  	lr =	sadd.s32 s0, s3;
	s0 =	sld [smem:$0x3F9A]  }
0x30: {  	s3 =	sld [smem:$0x3F9D]  }
0x31: {  	[smem:$0x3FA6] =	sst s10  }
0x32: {  	s10 =	sld [smem:$0x3FA4];
	_ =	sdelay $0x3  }
0x33: {  	p0 =	seq.s32 s10, $0x1;
	s10 =	sld [smem:$0x3FA6];
	_ =	sdelay $0x3  }
0x34: {  	[smem:$0x3FA6] =	sst s10  }
0x35: {  	s10 =	sld [smem:$0x3FA5];
	_ =	sdelay $0x3  }
0x36: {  	p1 =	seq.s32 s10, $0x1;
	s10 =	sld [smem:$0x3FA6];
	_ =	sdelay $0x3  }
0x37: {  	[smem:$0x3FA6] =	sst s10  }
0x38: {  	s10 =	sld [smem:$0x3FA7]  }
0x39: {  	_ = 	snop;
	(pc) =	sbr.ind lr, $3  }
0x3a: {  	_ = 	snop  }
0x3b: {  	_ = 	snop  }
0x3c: {  	p2 =	seq.s32 s10, $0x1;
	s10 =	sld [smem:$0x3FA6]  }
0x3d: {  	_ =	shalt  }
0x3e: {  	_ =	shalt  }
0x3f: {  	_ =	shalt  }
0x40: {  	_ =	shalt  }
0x41: {  	_ =	shalt  }
0x42: {  	_ =	shalt  }
0x43: {  	_ =	shalt  }
0x44: {  	_ =	shalt  }
0x45: {  	_ =	shalt  }
0x46: {  	_ =	shalt  }
0x47: {  	_ =	shalt  }
0x48: {  	_ =	shalt  }
0x49: {  	_ =	shalt  }
0x4a: {  	_ =	shalt  }
0x4b: {  	_ =	shalt  }
0x4c: {  	_ =	shalt  }
0x4d: {  	_ =	shalt  }
0x4e: {  	_ =	shalt  }
0x4f: {  	_ =	shalt  }
0x50: {  	_ =	shalt  }
0x51: {  	_ =	shalt  }
0x52: {  	_ =	shalt  }
0x53: {  	_ =	shalt  }
0x54: {  	_ =	shalt  }
0x55: {  	_ =	shalt  }
0x56: {  	_ =	shalt  }
0x57: {  	_ =	shalt  }
0x58: {  	_ =	shalt  }
0x59: {  	_ =	shalt  }
0x5a: {  	_ =	shalt  }
0x5b: {  	_ =	shalt  }
0x5c: {  	_ =	shalt  }
0x5d: {  	_ =	shalt  }
0x5e: {  	_ =	shalt  }
0x5f: {  	_ =	shalt  }
0x60: {  	_ =	shalt  }
0x61: {  	_ =	shalt  }
0x62: {  	_ =	shalt  }
0x63: {  	_ =	shalt  }
0x64: {  	_ =	shalt  }
0x65: {  	_ =	shalt  }
0x66: {  	_ =	shalt  }
0x67: {  	_ =	shalt  }
0x68: {  	_ =	shalt  }
0x69: {  	_ =	shalt  }
0x6a: {  	_ =	shalt  }
0x6b: {  	_ =	shalt  }
0x6c: {  	_ =	shalt  }
0x6d: {  	_ =	shalt  }
0x6e: {  	_ =	shalt  }
0x6f: {  	_ =	shalt  }
0x70: {  	_ =	shalt  }
0x71: {  	_ =	shalt  }
0x72: {  	_ =	shalt  }
0x73: {  	_ =	shalt  }
0x74: {  	_ =	shalt  }
0x75: {  	_ =	shalt  }
0x76: {  	_ =	shalt  }
0x77: {  	_ =	shalt  }
0x78: {  	_ =	shalt  }
0x79: {  	_ =	shalt  }
0x7a: {  	_ =	shalt  }
0x7b: {  	_ =	shalt  }
0x7c: {  	_ =	shalt  }
0x7d: {  	_ =	shalt  }
0x7e: {  	_ =	shalt  }
0x7f: {  	_ =	shalt  }
0x80: {  	_ =	shalt  }
0x81: {  	_ =	shalt  }
0x82: {  	_ =	shalt  }
0x83: {  	_ =	shalt  }
0x84: {  	_ =	shalt  }
0x85: {  	_ =	shalt  }
0x86: {  	_ =	shalt  }
0x87: {  	_ =	shalt  }
.Lfunc_end0:
.L_simem_size_0:
called_computation.2_lowered:
.L_overlay_start_0:
0x88: {  	s2 =	sld [smem:$0x3FD9]  }
0x89: {  	s3 =	sld [smem:$0x3FFE];
	_ =	sdelay $0x1  }
0x8a: {  	s1 =	srdreg.scid  }
0x8b: {  	s0 =	sand.u32 $0x1, s1  }
0x8c: {  	s17 =	sshll.u32 s0, $0xA;
	s2 =	sadd.s32 s3, s2  }
0x8d: {  	s2 =	sadd.s32 s2, s17  }
0x8e: {  	[smem:$0x3FB2] =	sst s2  }
0x8f: {  	_ = 	snop  }
0x90: {  	(tm) =	ssettm $0x1  }
0x91: {  	s18 =	sld [smem:$0x3FFB];
	_ =	sdelay $0x3  }
0x92: {  	_ =	strace s18  }
0x93: {  	s2 =	sld [smem:$0x3FFC];
	_ =	sdelay $0x3  }
0x94: {  	_ =	strace s2  }
0x95: {  	s2 =	sld [smem:$0x3FFD];
	_ =	sdelay $0x3  }
0x96: {  	_ =	strace s2  }
0x97: {  	_ =	strace $0x8FFFFFFF  }
0x98: {  	s19 =	sld [smem:$0x3FDB];
	_ =	sdelay $0x1  }
0x99: {  	s20 =	simm.s32 $_scs_section_size  }
0x9a: {  	s4 =	simm.s32 $_size__tile_overlayer_lowered;
	s5 =	simm.s32 $_tile_overlayer_lowered  }
0x9b: {  	s6 =	simm.s32 $0x1BFF;
	s21 =	sshll.u32 s5, $0x1;
	s3 =	sadd.s32 s20, s19  }
0x9c: {  	s22 =	simm.s32 $0x0;
	s4 =	sshll.u32 s4, $0x1;
	s5 =	sadd.s32 s21, s3  }
0x9d: {  	[timem:s22], [sflag:s6] =	dma.local [hbm:s5], s4  }
0x9e: {  	_ =	swait.ge [sflag:s6], s4  }
0x9f: {  	s4 =	ssub.s32 $0x0, s4;
	[sflag:s6] =	ssyncset.done $0x0  }
0xa0: {  	[sflag:s6] =	ssyncadd.s32 s4;
	_ =	sdelay $0x1  }
0xa1: {  	s23 =	simm.s32 $0x1B8B  }
0xa2: {  	_ =	swait.ge [sflag:s23], $0x1  }
0xa3: {  	[sflag:s23] =	ssyncset.done $0x0  }
0xa4: {  	[sflag:s23] =	ssyncadd.s32 $0xFFFFFFFF  }
0xa5: {  	s4 =	sld [smem:$0x0]  }
0xa6: {  	s5 =	sand.u32 $0xFFFFFFFE, s1  }
0xa7: {  	p0 =	sne.s32 s1, s5  }
0xa8: {  	s5 =	sshll.u32 @p0 s5, $0xE  }
0xa9: {  	s5 =	sadd.s32 @p0 $0x11B8D, s5;
	s6 =	sshll.u32 @p0 s4, $0x11  }
0xaa: {  	s5 =	sor.u32 @p0 s6, s5  }
0xab: {  	[sflag:s5] =	ssyncadd.remote.s32 @p0 $0x1;
	_ =	sdelay $0x1  }
0xac: {  	s5 =	simm.s32 @p0 $0x1B8D  }
0xad: {  	_ =	swait.eq @p0 [sflag:s5], $0x1  }
0xae: {  	[sflag:s5] =	ssyncadd.s32 @p0 $0xFFFFFFFF  }
0xaf: {  	s6 =	sshll.u32 @!p0 s1, $0xE  }
0xb0: {  	s6 =	sor.u32 @!p0 $0x4000, s6;
	s5 =	simm.s32 @!p0 $0x1B8D  }
0xb1: {  	s4 =	sshll.u32 @!p0 s4, $0x11;
	s6 =	sadd.s32 @!p0 $0x11B8D, s6;
	_ =	swait.eq @!p0 [sflag:s5], $0x1  }
0xb2: {  	s4 =	sor.u32 @!p0 s4, s6;
	[sflag:s5] =	ssyncadd.s32 @!p0 $0xFFFFFFFF  }
0xb3: {  	s25 =	simm.s32 $0x1B8E;
	s24 =	sld [smem:$0x3FFE];
	[sflag:s4] =	ssyncadd.remote.s32 @!p0 $0x1  }
0xb4: {  	s26 =	simm.s32 $execute0_lowered;
	[smem:$0x3FD2] =	sst s25  }
0xb5: {  	s5 =	sshll.u32 s26, $0x1;
	_ =	strace $0x8000004C;
	[dreg:$0x1] =	wrdreg $0xFFFFFFFF  }
0xb6: {  	s28 =	simm.s32 $_size_execute0_lowered;
	s3 =	sadd.s32 s3, s5;
	[dreg:$0x0] =	wrdreg $0x0  }
0xb7: {  	s5 =	sshll.u32 s28, $0x1;
	[dreg:$0x2] =	wrdreg s3  }
0xb8: {  	[dreg:$0x3] =	wrdreg s5  }
0xb9: {  	[dreg:$0x4] =	wrdreg $0xC0  }
0xba: {  	_ =	task [dreg:s22], $0x5FFFF  }
0xbb: {  	[dreg:$0x1] =	wrdreg $0xFFFFFFFF  }
0xbc: {  	[dreg:$0x0] =	wrdreg $0x60  }
0xbd: {  	[dreg:$0x2] =	wrdreg s24  }
0xbe: {  	[dreg:$0x3] =	wrdreg $0x90000  }
0xbf: {  	[dreg:$0x4] =	wrdreg $0xA  }
0xc0: {  	_ =	task.clear_ibuf [dreg:s22], $0x5FFFF;
	_ =	strace $0x9000004C  }
0xc1: {  	s29 =	simm.s32 $0xA;
	_ =	strace $0x8000004E  }
0xc2: {  	_ =	swait.ge [sflag:s29], $0x1  }
0xc3: {  	[sflag:s29] =	ssyncadd.s32 $0xFFFFFFFF  }
0xc4: {  	_ =	strace $0x9000004E  }
0xc5: {  	_ =	sfence  }
0xc6: {  	s30 =	sld [smem:$0x0];
	_ =	sdelay $0x2  }
0xc7: {  	s31 =	sshll.u32 s1, $0xD;
	s1 =	sshrl.u32 s1, $0x2  }
0xc8: {  	s4 =	sand.u32 $0x4000, s31;
	s1 =	sadd.s32 s1, s30  }
0xc9: {  	s0 =	sor.u32 s4, s0;
	s1 =	sshll.u32 s1, $0x11  }
0xca: {  	s0 =	sor.u32 s1, s0  }
0xcb: {  	s0 =	sadd.s32 $0x8F2B, s0  }
0xcc: {  	[sflag:s0] =	ssyncadd.remote.s32 $0x1  }
0xcd: {  	_ =	sfence.sel $0xFFFF  }
0xce: {  	[dreg:$0x0] =	wrdreg $0xFFFFFFFF;
	(pc) =	sbr.abs _section_cstart, $3  }
0xcf: {  	[dreg:$0x1] =	wrdreg $0xFFFFFFFF  }
0xd0: {  	_ =	task.clear_ibuf [dreg:s22], $0x2FFFF;
	_ =	strace $0x9FFFFFFF  }
0xd1: {  	(tm) =	ssettm $0x7FFFFFFF  }
tec
execute0_lowered:
.L_overlay_start_1:
0x0: {  	(tag) =	ssettag $0x1  }
0x1: {  	s0 =	srdreg.scid  }
0x2: {  	s4 =	rddreg [dreg:$0x0];
	s5 =	sand.u32 $0x1, s0  }
0x3: {  	s0 =	stileid.u32;
	s6 =	smul.u32 $0x28000, s5  }
0x4: {  	s2 =	rddreg [dreg:$0x1];
	s7 =	smul.u32 $0x2800, s0  }
0x5: {  	s3 =	simm.s32 $0x0;
	s24 =	simm.s32 $0x5000;
	s8 =	smul.u32 $0x27100, s5  }
0x6: {  	s28 =	simm.s32 $0x0;
	[smem:$0x7FF] =	sst s3;
	s9 =	smul.u32 $0x50000, s0  }
0x7: {  	s21 =	sadd.s32 $0xE0A00, s4;
	s26 =	ssub.s32 $0x2, s5;
	s18 =	smul.u32 $0x140000, s5  }
0x8: {  	_ =	strace $0x8000004D;
	s17 =	smul.u32 $0x14000, s0;
	s29 =	sshrl.u32 s26, $0x1  }
0x9: {  	s6 =	sadd.s32 s7, s6;
	s25 =	sadd.s32 s8, s4;
	s8 =	ssub.s32 s26, s29  }
0xa: {  	s30 =	sshrl.u32 s9, $0x2;
	s12 =	sadd.s32 s18, s17;
	s14 =	sadd.s32 $0x4000, s17  }
0xb: {  	s19 =	sadd.s32 $0x8000, s17;
	s20 =	sadd.s32 $0xC000, s17;
	s22 =	sadd.s32 $0x10000, s17  }
0xc: {  	s26 =	simm.s32 $0x1;
	s6 =	sshrl.u32 s6, $0x3;
	s7 =	sadd.s32 $0x18200, s25  }
0xd: {  	s8 =	smax.u32 s8, $0x1;
	s13 =	sshrl.u32 s12, $0x3;
	s15 =	sadd.s32 s18, s14  }
0xe: {  	s14 =	sadd.s32 s14, s2;
	s16 =	sadd.s32 s19, s2;
	s19 =	sadd.s32 s18, s19  }
0xf: {  	s31 =	sadd.s32 s18, s20;
	s23 =	sadd.s32 s18, s22;
	s18 =	sadd.s32 s20, s2  }
0x10: {  	s20 =	sadd.s32 s22, s2;
	s22 =	simm.s32 $0x2;
	s25 =	simm.s32 $0x80  }
0x11: {  	s6 =	sadd.s32 s6, s4;
	s13 =	sadd.s32 s21, s13;
	s15 =	sshrl.u32 s15, $0x3  }
0x12: {  	s19 =	sshrl.u32 s19, $0x3;
	s23 =	sshrl.u32 s23, $0x3;
	s4 =	sadd.s32 $0xE200, s6  }
0x13: {  	s5 =	sadd.s32 $0x4200, s6;
	s6 =	sadd.s32 s30, s2;
	s15 =	sadd.s32 s21, s15  }
0x14: {  	s17 =	sadd.s32 s21, s19;
	s19 =	sshrl.u32 s31, $0x3;
	s9 =	sadd.s32 $0x4000, s6  }
0x15: {  	s10 =	sadd.s32 $0x8000, s6;
	s11 =	sadd.s32 $0xC000, s6;
	s12 =	sadd.s32 $0x10000, s6  }
0x16: {  	v0 =	vimm.f32 $0.0e+00;
	s19 =	sadd.s32 s21, s19;
	s21 =	sadd.s32 s21, s23;
	s23 =	simm.s32 $0x2800  }
.LBB2_1:
0x17: {  	[tilespmem:s3], [sflag:$0x2] =	stream.linear.gather [hbm4b:s4+s3], $0x2800, $0x38;
	[tilespmem:$0x1D000] =	vst v63  }
0x18: {  	_ =	swait.ge [sflag:s22], $0x2800  }
0x19: {  	[sflag:s22] =	ssyncset.done $0x0  }
0x1a: {  	[sflag:s22] =	ssyncadd.s32 $0xFFFFD800  }
0x1b: {  	[tilespmem:s23], [sflag:$0x2] =	stream.linear.gather [hbm4b:s5+s3], $0x2800, $0x38;
	[tilespmem:$0x1D000] =	vst v63  }
0x1c: {  	s29 =	sand.u32 $0xFE00, s3;
	s30 =	sand.u32 $0x70, s3;
	_ =	swait.ge [sflag:s22], $0x2800  }
0x1d: {  	s31 =	sshrl.u32 s29, $0x2;
	s29 =	simm.s32 $0x40;
	[sflag:s22] =	ssyncset.done $0x0  }
0x1e: {  	s31 =	sor.u32 s30, s31;
	s30 =	simm.s32 $0x0;
	[sflag:s22] =	ssyncadd.s32 $0xFFFFD800  }
.LBB2_2:
0x1f: {  	p0 =	sne.s32 s29, $0xFFC0  }
0x20: {  	[tilespmem:s31+$0x5000] =	vst v0;
	s30 =	sadd.s32 $0x10, s30;
	s31 =	smov.u32 s29;
	s29 =	sadd.s32 $0x40, s29  }
.Ltmp0:
0x21: {  	(pc) =	sbr.rel @p0 .LBB2_2-.Ltmp0, $4  }
0x22: {  	_ = 	snop  }
0x23: {  	s31 =	sand.u32 $0xFE00, s31  }
0x24: {  	s1 =	sand.u32 $0x70, s30;
	s31 =	sshrl.u32 s31, $0x2  }
0x25: {  	s31 =	sor.u32 s1, s31  }
0x26: {  	[tilespmem:s31+$0x5000] =	vst v0  }
0x27: {  	[spmem:s6] =	stream.linear.scatter [tilespmem:s24], [sflag:$0x2], $0x4000, $0x38;
	[tilespmem:$0x1D000] =	vst v63  }
0x28: {  	_ =	swait.ge [sflag:s22], $0x4000  }
0x29: {  	[sflag:s22] =	ssyncset.done $0x0  }
0x2a: {  	[sflag:s22] =	ssyncadd.s32 $0xFFFFC000  }
0x2b: {  	[spmem:s9] =	stream.linear.scatter [tilespmem:s24], [sflag:$0x2], $0x4000, $0x38;
	[tilespmem:$0x1D000] =	vst v63  }
0x2c: {  	_ =	swait.ge [sflag:s22], $0x4000  }
0x2d: {  	[sflag:s22] =	ssyncset.done $0x0  }
0x2e: {  	[sflag:s22] =	ssyncadd.s32 $0xFFFFC000  }
0x2f: {  	[spmem:s10] =	stream.linear.scatter [tilespmem:s24], [sflag:$0x2], $0x4000, $0x38;
	[tilespmem:$0x1D000] =	vst v63  }
0x30: {  	_ =	swait.ge [sflag:s22], $0x4000  }
0x31: {  	[sflag:s22] =	ssyncset.done $0x0  }
0x32: {  	[sflag:s22] =	ssyncadd.s32 $0xFFFFC000  }
0x33: {  	[spmem:s11] =	stream.linear.scatter [tilespmem:s24], [sflag:$0x2], $0x4000, $0x38;
	[tilespmem:$0x1D000] =	vst v63  }
0x34: {  	_ =	swait.ge [sflag:s22], $0x4000  }
0x35: {  	[sflag:s22] =	ssyncset.done $0x0  }
0x36: {  	[sflag:s22] =	ssyncadd.s32 $0xFFFFC000  }
0x37: {  	[spmem:s12] =	stream.linear.scatter [tilespmem:s24], [sflag:$0x2], $0x4000, $0x38;
	[tilespmem:$0x1D000] =	vst v63  }
0x38: {  	_ =	swait.ge [sflag:s22], $0x4000  }
0x39: {  	[sflag:s22] =	ssyncset.done $0x0  }
0x3a: {  	[sflag:s22] =	ssyncadd.s32 $0xFFFFC000  }
0x3b: {  	s1 =	simm.s32 $0x0;
	[bflag:$0x0] =	sbarrier.arrive $0xFFFF  }
0x3c: {  	[tilespmem:s24], [sflag:$0x1] =	stream.indirect.gather [hbm4b:s7+s25], $0x80, s1, s25, $0xb8;
	[tilespmem:$0x1D000] =	vst v63  }
0x3d: {  	_ =	swait.ge [sflag:s26], $0x4000  }
0x3e: {  	[sflag:s26] =	ssyncset.done $0x0  }
0x3f: {  	s31 =	simm.s32 $0x2800;
	[sflag:s26] =	ssyncadd.s32 $0xFFFFC000  }
0x40: {  	[spmem:s2] =	stream.indirect.scatter.add.f32 [tilespmem:s24], [sflag:$0x2], $0x80, s31, s25, $0xb8;
	[tilespmem:$0x1D000] =	vst v63  }
0x41: {  	_ =	swait.ge [sflag:s22], $0x4000  }
0x42: {  	s29 =	simm.s32 $0x200;
	s30 =	simm.s32 $0x400;
	[sflag:s22] =	ssyncset.done $0x0  }
.LBB2_4:
0x43: {  	s1 =	sshra.s32 s29, $0x2  }
0x44: {  	[sflag:s22] =	ssyncadd.s32 $0xFFFFC000;
	s29 =	smov.u32 s30;
	s31 =	sadd.s32 $0x200, s30  }
0x45: {  	[tilespmem:s24], [sflag:$0x1] =	stream.indirect.gather [hbm4b:s7+s25], $0x80, s1, s25, $0xb8;
	[tilespmem:$0x1D000] =	vst v63  }
0x46: {  	p0 =	sne.s32 s30, $0x9E00;
	_ =	swait.ge [sflag:s26], $0x4000  }
.Ltmp1:
0x47: {  	[sflag:s26] =	ssyncset.done $0x0;
	(pc) =	sbr.rel @p0 .LBB2_4-.Ltmp1, $4  }
0x48: {  	s1 =	sadd.s32 $0x2800, s1;
	[sflag:s26] =	ssyncadd.s32 $0xFFFFC000  }
0x49: {  	[spmem:s2] =	stream.indirect.scatter.add.f32 [tilespmem:s24], [sflag:$0x2], $0x80, s1, s25, $0xb8;
	[tilespmem:$0x1D000] =	vst v63  }
0x4a: {  	_ =	swait.ge [sflag:s22], $0x4000  }
0x4b: {  	s30 =	smov.u32 s31;
	[sflag:s22] =	ssyncset.done $0x0  }
0x4c: {  	s1 =	sshra.s32 s29, $0x2;
	[sflag:s22] =	ssyncadd.s32 $0xFFFFC000  }
0x4d: {  	[tilespmem:s24], [sflag:$0x1] =	stream.indirect.gather [hbm4b:s7+s25], $0x80, s1, s25, $0xb8;
	[tilespmem:$0x1D000] =	vst v63  }
0x4e: {  	_ =	swait.ge [sflag:s26], $0x4000  }
0x4f: {  	[sflag:s26] =	ssyncset.done $0x0  }
0x50: {  	s1 =	sadd.s32 $0x2800, s1;
	[sflag:s26] =	ssyncadd.s32 $0xFFFFC000  }
0x51: {  	[spmem:s2] =	stream.indirect.scatter.add.f32 [tilespmem:s24], [sflag:$0x2], $0x80, s1, s25, $0xb8;
	[tilespmem:$0x1D000] =	vst v63  }
0x52: {  	_ =	swait.ge [sflag:s22], $0x4000  }
0x53: {  	[sflag:s22] =	ssyncset.done $0x0  }
0x54: {  	[sflag:s22] =	ssyncadd.s32 $0xFFFFC000  }
0x55: {  	[bflag:$0x0] =	sbarrier.arrive $0xFFFF  }
0x56: {  	[tilespmem:s24], [sflag:$0x2] =	stream.linear.gather [spmem:s6], $0x4000, $0x38;
	[tilespmem:$0x1D000] =	vst v63  }
0x57: {  	_ =	swait.ge [sflag:s22], $0x4000  }
0x58: {  	[sflag:s22] =	ssyncset.done $0x0  }
0x59: {  	[sflag:s22] =	ssyncadd.s32 $0xFFFFC000  }
0x5a: {  	[hbm4b:s13+s3] =	stream.linear.scatter [tilespmem:s24], [sflag:$0x2], $0x4000, $0x38;
	[tilespmem:$0x1D000] =	vst v63  }
0x5b: {  	_ =	swait.ge [sflag:s22], $0x4000  }
0x5c: {  	[sflag:s22] =	ssyncset.done $0x0  }
0x5d: {  	[sflag:s22] =	ssyncadd.s32 $0xFFFFC000  }
0x5e: {  	[tilespmem:s24], [sflag:$0x2] =	stream.linear.gather [spmem:s14], $0x4000, $0x38;
	[tilespmem:$0x1D000] =	vst v63  }
0x5f: {  	_ =	swait.ge [sflag:s22], $0x4000  }
0x60: {  	[sflag:s22] =	ssyncset.done $0x0  }
0x61: {  	[sflag:s22] =	ssyncadd.s32 $0xFFFFC000  }
0x62: {  	[hbm4b:s15+s3] =	stream.linear.scatter [tilespmem:s24], [sflag:$0x2], $0x4000, $0x38;
	[tilespmem:$0x1D000] =	vst v63  }
0x63: {  	_ =	swait.ge [sflag:s22], $0x4000  }
0x64: {  	[sflag:s22] =	ssyncset.done $0x0  }
0x65: {  	[sflag:s22] =	ssyncadd.s32 $0xFFFFC000  }
0x66: {  	[tilespmem:s24], [sflag:$0x2] =	stream.linear.gather [spmem:s16], $0x4000, $0x38;
	[tilespmem:$0x1D000] =	vst v63  }
0x67: {  	_ =	swait.ge [sflag:s22], $0x4000  }
0x68: {  	[sflag:s22] =	ssyncset.done $0x0  }
0x69: {  	[sflag:s22] =	ssyncadd.s32 $0xFFFFC000  }
0x6a: {  	[hbm4b:s17+s3] =	stream.linear.scatter [tilespmem:s24], [sflag:$0x2], $0x4000, $0x38;
	[tilespmem:$0x1D000] =	vst v63  }
0x6b: {  	_ =	swait.ge [sflag:s22], $0x4000  }
0x6c: {  	[sflag:s22] =	ssyncset.done $0x0  }
0x6d: {  	[sflag:s22] =	ssyncadd.s32 $0xFFFFC000  }
0x6e: {  	[tilespmem:s24], [sflag:$0x2] =	stream.linear.gather [spmem:s18], $0x4000, $0x38;
	[tilespmem:$0x1D000] =	vst v63  }
0x6f: {  	_ =	swait.ge [sflag:s22], $0x4000  }
0x70: {  	[sflag:s22] =	ssyncset.done $0x0  }
0x71: {  	[sflag:s22] =	ssyncadd.s32 $0xFFFFC000  }
0x72: {  	[hbm4b:s19+s3] =	stream.linear.scatter [tilespmem:s24], [sflag:$0x2], $0x4000, $0x38;
	[tilespmem:$0x1D000] =	vst v63  }
0x73: {  	_ =	swait.ge [sflag:s22], $0x4000  }
0x74: {  	[sflag:s22] =	ssyncset.done $0x0  }
0x75: {  	[sflag:s22] =	ssyncadd.s32 $0xFFFFC000  }
0x76: {  	[tilespmem:s24], [sflag:$0x2] =	stream.linear.gather [spmem:s20], $0x4000, $0x38;
	[tilespmem:$0x1D000] =	vst v63  }
0x77: {  	s28 =	sadd.s32 $0x1, s28;
	_ =	swait.ge [sflag:s22], $0x4000  }
0x78: {  	p0 =	sne.s32 s28, s8;
	[sflag:s22] =	ssyncset.done $0x0  }
.Ltmp2:
0x79: {  	[sflag:s22] =	ssyncadd.s32 $0xFFFFC000;
	(pc) =	sbr.rel @p0 .LBB2_1-.Ltmp2, $4  }
0x7a: {  	[hbm4b:s21+s3] =	stream.linear.scatter [tilespmem:s24], [sflag:$0x2], $0x4000, $0x38;
	[tilespmem:$0x1D000] =	vst v63  }
0x7b: {  	_ =	swait.ge [sflag:s22], $0x4000  }
0x7c: {  	[sflag:s22] =	ssyncset.done $0x0  }
0x7d: {  	[sflag:s22] =	ssyncadd.s32 $0xFFFFC000  }
0x7e: {  	_ =	sfence.sel $0x180000  }
0x7f: {  	[bflag:$0x0] =	sbarrier.arrive $0xFFFF  }
0x80: {  	_ =	strace $0x9000004D  }
0x81: {  	[bflag:$0x2] =	sbarrier.arrive $0xFFFF  }
0x82: {  	p0 =	sne.s32 s0, $0x0;
	s0 =	rddreg [dreg:$0x2]  }
0x83: {  	s0 =	sadd.s32 @!p0 $0x100000, s0  }
0x84: {  	[sflag:s0] =	ssyncadd.tile.s32 @!p0 $0x1;
	_ =	shalt  }
.Lfunc_end2:
_tile_overlayer_lowered:
.L_overlay_start_2:
0x85: {  	(tag) =	ssettag $0x2  }
0x86: {  	s0 =	rddreg [dreg:$0x0];
	s2 =	stileid.u32  }
0x87: {  	s1 =	rddreg [dreg:$0x1];
	p0 =	sne.s32 s2, $0x0  }
0x88: {  	s3 =	rddreg [dreg:$0x2];
	[bflag:$0x3] =	sbarrier.arrive $0xFFFF;
	s2 =	simm.s32 @!p0 $0x1C02  }
0x89: {  	[timem:s3], [sflag:s2] =	dma.local @!p0 [hbm:s0], s1  }
0x8a: {  	s0 =	simm.s32 @!p0 $0x2  }
0x8b: {  	_ =	swait.ge @!p0 [sflag:s0], s1  }
0x8c: {  	s1 =	ssub.s32 @!p0 $0x0, s1;
	[sflag:s0] =	ssyncset.done @!p0 $0x0  }
0x8d: {  	[sflag:s0] =	ssyncadd.s32 @!p0 s1  }
0x8e: {  	[bflag:$0x3] =	sbarrier.arrive $0xFFFF  }
0x8f: {  	_ =	shalt  }

// kernel: kernel.22.cloned.1.call-start
scs
__scs_entry_jumppad:
0x0: {  	(pc) =	sbr.rel $0x88, $3  }
0x1: {  	(tag) =	ssettag $0x0;
	lr =	simm.s32 $0x1  }
0x2: {  	[smem:$0x3F8B] =	sst lr;
	_ =	strace $0xD0000000  }
0x3: {  	_ = 	snop  }
0x4: {  	_ = 	snop  }
0x5: {  	_ = 	snop  }
0x6: {  	_ = 	snop  }
0x7: {  	_ = 	snop  }
__scs_overlays_trampoline_lowered:
0x8: {  	[smem:$0x3F9A] =	sst s0  }
0x9: {  	[smem:$0x3F9B] =	sst s1  }
0xa: {  	[smem:$0x3F9C] =	sst s2  }
0xb: {  	[smem:$0x3F9D] =	sst s3  }
0xc: {  	[smem:$0x3F9E] =	sst s4  }
0xd: {  	[smem:$0x3F9F] =	sst s5  }
0xe: {  	[smem:$0x3FA0] =	sst s6  }
0xf: {  	[smem:$0x3FA1] =	sst s7  }
0x10: {  	[smem:$0x3FA2] =	sst s8  }
0x11: {  	[smem:$0x3FA3] =	sst s9;
	s0 =	simm.s32 @!p0 $0x0  }
0x12: {  	s1 =	sld [smem:$0x3F89];
	s0 =	simm.s32 @p0 $0x1  }
0x13: {  	[smem:$0x3FA4] =	sst s0;
	s0 =	simm.s32 @!p1 $0x0  }
0x14: {  	s2 =	sld [smem:$0x3F88];
	s0 =	simm.s32 @p1 $0x1  }
0x15: {  	[smem:$0x3FA5] =	sst s0;
	s0 =	simm.s32 @!p2 $0x0  }
0x16: {  	s3 =	sld [smem:$0x3FDB];
	s0 =	simm.s32 @p2 $0x1  }
0x17: {  	s4 =	simm.s32 $0x1BF5;
	[smem:$0x3FA7] =	sst s0  }
0x18: {  	s0 =	sld [smem:$0x3F8A];
	_ =	swait.ge [sflag:s4], $0x0  }
0x19: {  	s7 =	sld [smem:$0x3F8B]  }
0x1a: {  	s8 =	sadd.s32 $0xFFFFE003, lr  }
0x1b: {  	s9 =	sadd.s32 $0xFFFFFEF7, lr;
	s5 =	simm.s32 $0xFFFFFFFF;
	p2 =	slt.u32 s8, $0xFFFFF086  }
0x1c: {  	p1 =	slt.u32 s9, $0xF7A;
	s5 =	simm.s32 @!p2 $0x0  }
0x1d: {  	s5 =	simm.s32 @p1 $0x1;
	p0 =	seq.s32 s7, s2  }
0x1e: {  	s7 =	smul.u32 @!p0 $0xF7A, s2;
	p2 =	seq.s32 @!p0 s5, $0x0  }
0x1f: {  	s9 =	smul.u32 $0xF7A, s1;
	s8 =	simm.s32 @!p0 $0x1BF5;
	p2 =	por !p2, p0  }
0x20: {  	[sflag:s8] =	ssyncset.s32 @!p0 $0xFFFFF086;
	s6 =	sadd.s32 @!p0 s3, s7;
	s7 =	simm.s32 @!p0 $0x108  }
0x21: {  	s3 =	sadd.s32 s3, s9;
	s6 =	sadd.s32 @!p0 $0x88, s6;
	s7 =	simm.s32 @p2 $0x1082  }
0x22: {  	[simem:s7], [sflag:s8] =	dma.local @!p0 [hbm:s6], $0xF7A  }
0x23: {  	s9 =	sor.u32 $0xD0000000, s2;
	s6 =	simm.s32 $0x108;
	_ =	swait.ge @!p0 [sflag:s8], $0x0  }
0x24: {  	s3 =	sadd.s32 $0x88, s3;
	s6 =	simm.s32 @!p1 $0x1082;
	[sflag:s4] =	ssyncset.s32 $0xFFFFF086  }
0x25: {  	[simem:s6], [sflag:s4] =	dma.local [hbm:s3], $0xF7A  }
0x26: {  	[smem:$0x3F8B] =	sst s1;
	(tag) =	ssettag s2;
	_ =	strace s9  }
0x27: {  	s1 =	sld [smem:$0x3F9B]  }
0x28: {  	s2 =	sld [smem:$0x3F9C]  }
0x29: {  	s4 =	sld [smem:$0x3F9E]  }
0x2a: {  	p0 =	seq.s32 s5, $0x0;
	s5 =	sld [smem:$0x3F9F]  }
0x2b: {  	s6 =	sld [smem:$0x3FA0]  }
0x2c: {  	s7 =	sld [smem:$0x3FA1]  }
0x2d: {  	s3 =	simm.s32 $0x108;
	s8 =	sld [smem:$0x3FA2]  }
0x2e: {  	s3 =	simm.s32 @!p0 $0x1082;
	s9 =	sld [smem:$0x3FA3]  }
0x2f: {  	lr =	sadd.s32 s0, s3;
	s0 =	sld [smem:$0x3F9A]  }
0x30: {  	s3 =	sld [smem:$0x3F9D]  }
0x31: {  	[smem:$0x3FA6] =	sst s10  }
0x32: {  	s10 =	sld [smem:$0x3FA4];
	_ =	sdelay $0x3  }
0x33: {  	p0 =	seq.s32 s10, $0x1;
	s10 =	sld [smem:$0x3FA6];
	_ =	sdelay $0x3  }
0x34: {  	[smem:$0x3FA6] =	sst s10  }
0x35: {  	s10 =	sld [smem:$0x3FA5];
	_ =	sdelay $0x3  }
0x36: {  	p1 =	seq.s32 s10, $0x1;
	s10 =	sld [smem:$0x3FA6];
	_ =	sdelay $0x3  }
0x37: {  	[smem:$0x3FA6] =	sst s10  }
0x38: {  	s10 =	sld [smem:$0x3FA7]  }
0x39: {  	_ = 	snop;
	(pc) =	sbr.ind lr, $3  }
0x3a: {  	_ = 	snop  }
0x3b: {  	_ = 	snop  }
0x3c: {  	p2 =	seq.s32 s10, $0x1;
	s10 =	sld [smem:$0x3FA6]  }
0x3d: {  	_ =	shalt  }
0x3e: {  	_ =	shalt  }
0x3f: {  	_ =	shalt  }
0x40: {  	_ =	shalt  }
0x41: {  	_ =	shalt  }
0x42: {  	_ =	shalt  }
0x43: {  	_ =	shalt  }
0x44: {  	_ =	shalt  }
0x45: {  	_ =	shalt  }
0x46: {  	_ =	shalt  }
0x47: {  	_ =	shalt  }
0x48: {  	_ =	shalt  }
0x49: {  	_ =	shalt  }
0x4a: {  	_ =	shalt  }
0x4b: {  	_ =	shalt  }
0x4c: {  	_ =	shalt  }
0x4d: {  	_ =	shalt  }
0x4e: {  	_ =	shalt  }
0x4f: {  	_ =	shalt  }
0x50: {  	_ =	shalt  }
0x51: {  	_ =	shalt  }
0x52: {  	_ =	shalt  }
0x53: {  	_ =	shalt  }
0x54: {  	_ =	shalt  }
0x55: {  	_ =	shalt  }
0x56: {  	_ =	shalt  }
0x57: {  	_ =	shalt  }
0x58: {  	_ =	shalt  }
0x59: {  	_ =	shalt  }
0x5a: {  	_ =	shalt  }
0x5b: {  	_ =	shalt  }
0x5c: {  	_ =	shalt  }
0x5d: {  	_ =	shalt  }
0x5e: {  	_ =	shalt  }
0x5f: {  	_ =	shalt  }
0x60: {  	_ =	shalt  }
0x61: {  	_ =	shalt  }
0x62: {  	_ =	shalt  }
0x63: {  	_ =	shalt  }
0x64: {  	_ =	shalt  }
0x65: {  	_ =	shalt  }
0x66: {  	_ =	shalt  }
0x67: {  	_ =	shalt  }
0x68: {  	_ =	shalt  }
0x69: {  	_ =	shalt  }
0x6a: {  	_ =	shalt  }
0x6b: {  	_ =	shalt  }
0x6c: {  	_ =	shalt  }
0x6d: {  	_ =	shalt  }
0x6e: {  	_ =	shalt  }
0x6f: {  	_ =	shalt  }
0x70: {  	_ =	shalt  }
0x71: {  	_ =	shalt  }
0x72: {  	_ =	shalt  }
0x73: {  	_ =	shalt  }
0x74: {  	_ =	shalt  }
0x75: {  	_ =	shalt  }
0x76: {  	_ =	shalt  }
0x77: {  	_ =	shalt  }
0x78: {  	_ =	shalt  }
0x79: {  	_ =	shalt  }
0x7a: {  	_ =	shalt  }
0x7b: {  	_ =	shalt  }
0x7c: {  	_ =	shalt  }
0x7d: {  	_ =	shalt  }
0x7e: {  	_ =	shalt  }
0x7f: {  	_ =	shalt  }
0x80: {  	_ =	shalt  }
0x81: {  	_ =	shalt  }
0x82: {  	_ =	shalt  }
0x83: {  	_ =	shalt  }
0x84: {  	_ =	shalt  }
0x85: {  	_ =	shalt  }
0x86: {  	_ =	shalt  }
0x87: {  	_ =	shalt  }
.Lfunc_end0:
.L_simem_size_0:
called_computation.3_lowered:
.L_overlay_start_0:
0x88: {  	s2 =	sld [smem:$0x3FD9]  }
0x89: {  	s3 =	sld [smem:$0x3FFE];
	_ =	sdelay $0x1  }
0x8a: {  	s1 =	srdreg.scid  }
0x8b: {  	s0 =	sand.u32 $0x1, s1  }
0x8c: {  	s16 =	sshll.u32 s0, $0xA;
	s2 =	sadd.s32 s3, s2  }
0x8d: {  	s2 =	sadd.s32 s2, s16  }
0x8e: {  	[smem:$0x3FB2] =	sst s2  }
0x8f: {  	_ = 	snop  }
0x90: {  	(tm) =	ssettm $0x1  }
0x91: {  	s17 =	sld [smem:$0x3FFB];
	_ =	sdelay $0x3  }
0x92: {  	_ =	strace s17  }
0x93: {  	s2 =	sld [smem:$0x3FFC];
	_ =	sdelay $0x3  }
0x94: {  	_ =	strace s2  }
0x95: {  	s2 =	sld [smem:$0x3FFD];
	_ =	sdelay $0x3  }
0x96: {  	_ =	strace s2  }
0x97: {  	_ =	strace $0x8FFFFFFF  }
0x98: {  	s18 =	sld [smem:$0x3FDB];
	_ =	sdelay $0x1  }
0x99: {  	s19 =	simm.s32 $_scs_section_size  }
0x9a: {  	s4 =	simm.s32 $_size__tile_overlayer_lowered;
	s5 =	simm.s32 $_tile_overlayer_lowered  }
0x9b: {  	s22 =	simm.s32 $0x1BFF;
	s21 =	sshll.u32 s5, $0x1;
	s2 =	sadd.s32 s19, s18  }
0x9c: {  	s6 =	simm.s32 $0x0;
	s20 =	sshll.u32 s4, $0x1;
	s4 =	sadd.s32 s21, s2  }
0x9d: {  	[timem:s6], [sflag:s22] =	dma.local [hbm:s4], s20  }
0x9e: {  	_ =	swait.ge [sflag:s22], s20  }
0x9f: {  	s3 =	ssub.s32 $0x0, s20;
	[sflag:s22] =	ssyncset.done $0x0  }
0xa0: {  	[sflag:s22] =	ssyncadd.s32 s3;
	_ =	sdelay $0x1  }
0xa1: {  	s23 =	simm.s32 $0x1B8B  }
0xa2: {  	_ =	swait.ge [sflag:s23], $0x1  }
0xa3: {  	[sflag:s23] =	ssyncset.done $0x0  }
0xa4: {  	s25 =	simm.s32 $0x1B8E;
	s24 =	sld [smem:$0x3FFE];
	[sflag:s23] =	ssyncadd.s32 $0xFFFFFFFF  }
0xa5: {  	s26 =	simm.s32 $execute0_lowered;
	[smem:$0x3FD2] =	sst s25  }
0xa6: {  	s4 =	sshll.u32 s26, $0x1;
	_ =	strace $0x8000004F;
	[dreg:$0x1] =	wrdreg $0xFFFFFFFF  }
0xa7: {  	s28 =	simm.s32 $_size_execute0_lowered;
	s2 =	sadd.s32 s2, s4;
	[dreg:$0x0] =	wrdreg $0x0  }
0xa8: {  	s4 =	sshll.u32 s28, $0x1;
	[dreg:$0x2] =	wrdreg s2  }
0xa9: {  	[dreg:$0x3] =	wrdreg s4  }
0xaa: {  	[dreg:$0x4] =	wrdreg $0xC0  }
0xab: {  	_ =	task [dreg:s6], $0x5FFFF  }
0xac: {  	[dreg:$0x1] =	wrdreg $0xFFFFFFFF  }
0xad: {  	[dreg:$0x0] =	wrdreg $0x60  }
0xae: {  	[dreg:$0x2] =	wrdreg s24  }
0xaf: {  	[dreg:$0x3] =	wrdreg $0x90000  }
0xb0: {  	[dreg:$0x4] =	wrdreg $0x9  }
0xb1: {  	_ =	task.clear_ibuf [dreg:s6], $0x5FFFF;
	_ =	strace $0x9000004F  }
0xb2: {  	s29 =	simm.s32 $0x9;
	_ =	strace $0x80000051  }
0xb3: {  	_ =	swait.ge [sflag:s29], $0x1  }
0xb4: {  	[sflag:s29] =	ssyncadd.s32 $0xFFFFFFFF  }
0xb5: {  	_ =	strace $0x90000051  }
0xb6: {  	_ =	sfence  }
0xb7: {  	s30 =	sld [smem:$0x0];
	_ =	sdelay $0x2  }
0xb8: {  	s31 =	sshll.u32 s1, $0xD;
	s1 =	sshrl.u32 s1, $0x2  }
0xb9: {  	s3 =	sand.u32 $0x4000, s31;
	s1 =	sadd.s32 s1, s30  }
0xba: {  	s0 =	sor.u32 s3, s0;
	s1 =	sshll.u32 s1, $0x11  }
0xbb: {  	s0 =	sor.u32 s1, s0  }
0xbc: {  	s0 =	sadd.s32 $0x8F2B, s0  }
0xbd: {  	[sflag:s0] =	ssyncadd.remote.s32 $0x1  }
0xbe: {  	_ =	sfence.sel $0xFFFF  }
0xbf: {  	[dreg:$0x0] =	wrdreg $0xFFFFFFFF;
	(pc) =	sbr.abs _section_cstart, $3  }
0xc0: {  	[dreg:$0x1] =	wrdreg $0xFFFFFFFF  }
0xc1: {  	_ =	task.clear_ibuf [dreg:s6], $0x2FFFF;
	_ =	strace $0x9FFFFFFF  }
0xc2: {  	(tm) =	ssettm $0x7FFFFFFF  }
0xc3: {  	_ =	shalt  }
tec
execute0_lowered:
.L_overlay_start_1:
0x0: {  	(tag) =	ssettag $0x1  }
0x1: {  	s0 =	srdreg.scid  }
0x2: {  	s4 =	rddreg [dreg:$0x0];
	s5 =	sand.u32 $0x1, s0  }
0x3: {  	s0 =	stileid.u32;
	s6 =	smul.u32 $0x28000, s5  }
0x4: {  	s2 =	rddreg [dreg:$0x1];
	s7 =	smul.u32 $0x2800, s0  }
0x5: {  	s3 =	simm.s32 $0x0;
	s24 =	simm.s32 $0x5000;
	s8 =	smul.u32 $0x27100, s5  }
0x6: {  	s28 =	simm.s32 $0x0;
	[smem:$0x7FF] =	sst s3;
	s9 =	smul.u32 $0x50000, s0  }
0x7: {  	s21 =	sadd.s32 $0x66400, s4;
	s26 =	ssub.s32 $0x2, s5;
	s18 =	smul.u32 $0x140000, s5  }
0x8: {  	_ =	strace $0x80000050;
	s17 =	smul.u32 $0x14000, s0;
	s29 =	sshrl.u32 s26, $0x1  }
0x9: {  	s6 =	sadd.s32 s7, s6;
	s25 =	sadd.s32 s8, s4;
	s8 =	ssub.s32 s26, s29  }
0xa: {  	s30 =	sshrl.u32 s9, $0x2;
	s12 =	sadd.s32 s18, s17;
	s14 =	sadd.s32 $0x4000, s17  }
0xb: {  	s19 =	sadd.s32 $0x8000, s17;
	s20 =	sadd.s32 $0xC000, s17;
	s22 =	sadd.s32 $0x10000, s17  }
0xc: {  	s26 =	simm.s32 $0x1;
	s6 =	sshrl.u32 s6, $0x3;
	s7 =	sadd.s32 $0x18200, s25  }
0xd: {  	s8 =	smax.u32 s8, $0x1;
	s13 =	sshrl.u32 s12, $0x3;
	s15 =	sadd.s32 s18, s14  }
0xe: {  	s14 =	sadd.s32 s14, s2;
	s16 =	sadd.s32 s19, s2;
	s19 =	sadd.s32 s18, s19  }
0xf: {  	s31 =	sadd.s32 s18, s20;
	s23 =	sadd.s32 s18, s22;
	s18 =	sadd.s32 s20, s2  }
0x10: {  	s20 =	sadd.s32 s22, s2;
	s22 =	simm.s32 $0x2;
	s25 =	simm.s32 $0x80  }
0x11: {  	s6 =	sadd.s32 s6, s4;
	s13 =	sadd.s32 s21, s13;
	s15 =	sshrl.u32 s15, $0x3  }
0x12: {  	s19 =	sshrl.u32 s19, $0x3;
	s23 =	sshrl.u32 s23, $0x3;
	s4 =	sadd.s32 $0xE200, s6  }
0x13: {  	s5 =	sadd.s32 $0x4200, s6;
	s6 =	sadd.s32 s30, s2;
	s15 =	sadd.s32 s21, s15  }
0x14: {  	s17 =	sadd.s32 s21, s19;
	s19 =	sshrl.u32 s31, $0x3;
	s9 =	sadd.s32 $0x4000, s6  }
0x15: {  	s10 =	sadd.s32 $0x8000, s6;
	s11 =	sadd.s32 $0xC000, s6;
	s12 =	sadd.s32 $0x10000, s6  }
0x16: {  	v0 =	vimm.f32 $0.0e+00;
	s19 =	sadd.s32 s21, s19;
	s21 =	sadd.s32 s21, s23;
	s23 =	simm.s32 $0x2800  }
.LBB2_1:
0x17: {  	[tilespmem:s3], [sflag:$0x2] =	stream.linear.gather [hbm4b:s4+s3], $0x2800, $0x38;
	[tilespmem:$0x1D000] =	vst v63  }
0x18: {  	_ =	swait.ge [sflag:s22], $0x2800  }
0x19: {  	[sflag:s22] =	ssyncset.done $0x0  }
0x1a: {  	[sflag:s22] =	ssyncadd.s32 $0xFFFFD800  }
0x1b: {  	[tilespmem:s23], [sflag:$0x2] =	stream.linear.gather [hbm4b:s5+s3], $0x2800, $0x38;
	[tilespmem:$0x1D000] =	vst v63  }
0x1c: {  	s29 =	sand.u32 $0xFE00, s3;
	s30 =	sand.u32 $0x70, s3;
	_ =	swait.ge [sflag:s22], $0x2800  }
0x1d: {  	s31 =	sshrl.u32 s29, $0x2;
	s29 =	simm.s32 $0x40;
	[sflag:s22] =	ssyncset.done $0x0  }
0x1e: {  	s31 =	sor.u32 s30, s31;
	s30 =	simm.s32 $0x0;
	[sflag:s22] =	ssyncadd.s32 $0xFFFFD800  }
.LBB2_2:
0x1f: {  	p0 =	sne.s32 s29, $0xFFC0  }
0x20: {  	[tilespmem:s31+$0x5000] =	vst v0;
	s30 =	sadd.s32 $0x10, s30;
	s31 =	smov.u32 s29;
	s29 =	sadd.s32 $0x40, s29  }
.Ltmp0:
0x21: {  	(pc) =	sbr.rel @p0 .LBB2_2-.Ltmp0, $4  }
0x22: {  	_ = 	snop  }
0x23: {  	s31 =	sand.u32 $0xFE00, s31  }
0x24: {  	s1 =	sand.u32 $0x70, s30;
	s31 =	sshrl.u32 s31, $0x2  }
0x25: {  	s31 =	sor.u32 s1, s31  }
0x26: {  	[tilespmem:s31+$0x5000] =	vst v0  }
0x27: {  	[spmem:s6] =	stream.linear.scatter [tilespmem:s24], [sflag:$0x2], $0x4000, $0x38;
	[tilespmem:$0x1D000] =	vst v63  }
0x28: {  	_ =	swait.ge [sflag:s22], $0x4000  }
0x29: {  	[sflag:s22] =	ssyncset.done $0x0  }
0x2a: {  	[sflag:s22] =	ssyncadd.s32 $0xFFFFC000  }
0x2b: {  	[spmem:s9] =	stream.linear.scatter [tilespmem:s24], [sflag:$0x2], $0x4000, $0x38;
	[tilespmem:$0x1D000] =	vst v63  }
0x2c: {  	_ =	swait.ge [sflag:s22], $0x4000  }
0x2d: {  	[sflag:s22] =	ssyncset.done $0x0  }
0x2e: {  	[sflag:s22] =	ssyncadd.s32 $0xFFFFC000  }
0x2f: {  	[spmem:s10] =	stream.linear.scatter [tilespmem:s24], [sflag:$0x2], $0x4000, $0x38;
	[tilespmem:$0x1D000] =	vst v63  }
0x30: {  	_ =	swait.ge [sflag:s22], $0x4000  }
0x31: {  	[sflag:s22] =	ssyncset.done $0x0  }
0x32: {  	[sflag:s22] =	ssyncadd.s32 $0xFFFFC000  }
0x33: {  	[spmem:s11] =	stream.linear.scatter [tilespmem:s24], [sflag:$0x2], $0x4000, $0x38;
	[tilespmem:$0x1D000] =	vst v63  }
0x34: {  	_ =	swait.ge [sflag:s22], $0x4000  }
0x35: {  	[sflag:s22] =	ssyncset.done $0x0  }
0x36: {  	[sflag:s22] =	ssyncadd.s32 $0xFFFFC000  }
0x37: {  	[spmem:s12] =	stream.linear.scatter [tilespmem:s24], [sflag:$0x2], $0x4000, $0x38;
	[tilespmem:$0x1D000] =	vst v63  }
0x38: {  	_ =	swait.ge [sflag:s22], $0x4000  }
0x39: {  	[sflag:s22] =	ssyncset.done $0x0  }
0x3a: {  	[sflag:s22] =	ssyncadd.s32 $0xFFFFC000  }
0x3b: {  	s1 =	simm.s32 $0x0;
	[bflag:$0x0] =	sbarrier.arrive $0xFFFF  }
0x3c: {  	[tilespmem:s24], [sflag:$0x1] =	stream.indirect.gather [hbm4b:s7+s25], $0x80, s1, s25, $0xb8;
	[tilespmem:$0x1D000] =	vst v63  }
0x3d: {  	_ =	swait.ge [sflag:s26], $0x4000  }
0x3e: {  	[sflag:s26] =	ssyncset.done $0x0  }
0x3f: {  	s31 =	simm.s32 $0x2800;
	[sflag:s26] =	ssyncadd.s32 $0xFFFFC000  }
0x40: {  	[spmem:s2] =	stream.indirect.scatter.add.f32 [tilespmem:s24], [sflag:$0x2], $0x80, s31, s25, $0xb8;
	[tilespmem:$0x1D000] =	vst v63  }
0x41: {  	_ =	swait.ge [sflag:s22], $0x4000  }
0x42: {  	s29 =	simm.s32 $0x200;
	s30 =	simm.s32 $0x400;
	[sflag:s22] =	ssyncset.done $0x0  }
.LBB2_4:
0x43: {  	s1 =	sshra.s32 s29, $0x2  }
0x44: {  	[sflag:s22] =	ssyncadd.s32 $0xFFFFC000;
	s29 =	smov.u32 s30;
	s31 =	sadd.s32 $0x200, s30  }
0x45: {  	[tilespmem:s24], [sflag:$0x1] =	stream.indirect.gather [hbm4b:s7+s25], $0x80, s1, s25, $0xb8;
	[tilespmem:$0x1D000] =	vst v63  }
0x46: {  	p0 =	sne.s32 s30, $0x9E00;
	_ =	swait.ge [sflag:s26], $0x4000  }
.Ltmp1:
0x47: {  	[sflag:s26] =	ssyncset.done $0x0;
	(pc) =	sbr.rel @p0 .LBB2_4-.Ltmp1, $4  }
0x48: {  	s1 =	sadd.s32 $0x2800, s1;
	[sflag:s26] =	ssyncadd.s32 $0xFFFFC000  }
0x49: {  	[spmem:s2] =	stream.indirect.scatter.add.f32 [tilespmem:s24], [sflag:$0x2], $0x80, s1, s25, $0xb8;
	[tilespmem:$0x1D000] =	vst v63  }
0x4a: {  	_ =	swait.ge [sflag:s22], $0x4000  }
0x4b: {  	s30 =	smov.u32 s31;
	[sflag:s22] =	ssyncset.done $0x0  }
0x4c: {  	s1 =	sshra.s32 s29, $0x2;
	[sflag:s22] =	ssyncadd.s32 $0xFFFFC000  }
0x4d: {  	[tilespmem:s24], [sflag:$0x1] =	stream.indirect.gather [hbm4b:s7+s25], $0x80, s1, s25, $0xb8;
	[tilespmem:$0x1D000] =	vst v63  }
0x4e: {  	_ =	swait.ge [sflag:s26], $0x4000  }
0x4f: {  	[sflag:s26] =	ssyncset.done $0x0  }
0x50: {  	s1 =	sadd.s32 $0x2800, s1;
	[sflag:s26] =	ssyncadd.s32 $0xFFFFC000  }
0x51: {  	[spmem:s2] =	stream.indirect.scatter.add.f32 [tilespmem:s24], [sflag:$0x2], $0x80, s1, s25, $0xb8;
	[tilespmem:$0x1D000] =	vst v63  }
0x52: {  	_ =	swait.ge [sflag:s22], $0x4000  }
0x53: {  	[sflag:s22] =	ssyncset.done $0x0  }
0x54: {  	[sflag:s22] =	ssyncadd.s32 $0xFFFFC000  }
0x55: {  	[bflag:$0x0] =	sbarrier.arrive $0xFFFF  }
0x56: {  	[tilespmem:s24], [sflag:$0x2] =	stream.linear.gather [spmem:s6], $0x4000, $0x38;
	[tilespmem:$0x1D000] =	vst v63  }
0x57: {  	_ =	swait.ge [sflag:s22], $0x4000  }
0x58: {  	[sflag:s22] =	ssyncset.done $0x0  }
0x59: {  	[sflag:s22] =	ssyncadd.s32 $0xFFFFC000  }
0x5a: {  	[hbm4b:s13+s3] =	stream.linear.scatter [tilespmem:s24], [sflag:$0x2], $0x4000, $0x38;
	[tilespmem:$0x1D000] =	vst v63  }
0x5b: {  	_ =	swait.ge [sflag:s22], $0x4000  }
0x5c: {  	[sflag:s22] =	ssyncset.done $0x0  }
0x5d: {  	[sflag:s22] =	ssyncadd.s32 $0xFFFFC000  }
0x5e: {  	[tilespmem:s24], [sflag:$0x2] =	stream.linear.gather [spmem:s14], $0x4000, $0x38;
	[tilespmem:$0x1D000] =	vst v63  }
0x5f: {  	_ =	swait.ge [sflag:s22], $0x4000  }
0x60: {  	[sflag:s22] =	ssyncset.done $0x0  }
0x61: {  	[sflag:s22] =	ssyncadd.s32 $0xFFFFC000  }
0x62: {  	[hbm4b:s15+s3] =	stream.linear.scatter [tilespmem:s24], [sflag:$0x2], $0x4000, $0x38;
	[tilespmem:$0x1D000] =	vst v63  }
0x63: {  	_ =	swait.ge [sflag:s22], $0x4000  }
0x64: {  	[sflag:s22] =	ssyncset.done $0x0  }
0x65: {  	[sflag:s22] =	ssyncadd.s32 $0xFFFFC000  }
0x66: {  	[tilespmem:s24], [sflag:$0x2] =	stream.linear.gather [spmem:s16], $0x4000, $0x38;
	[tilespmem:$0x1D000] =	vst v63  }
0x67: {  	_ =	swait.ge [sflag:s22], $0x4000  }
0x68: {  	[sflag:s22] =	ssyncset.done $0x0  }
0x69: {  	[sflag:s22] =	ssyncadd.s32 $0xFFFFC000  }
0x6a: {  	[hbm4b:s17+s3] =	stream.linear.scatter [tilespmem:s24], [sflag:$0x2], $0x4000, $0x38;
	[tilespmem:$0x1D000] =	vst v63  }
0x6b: {  	_ =	swait.ge [sflag:s22], $0x4000  }
0x6c: {  	[sflag:s22] =	ssyncset.done $0x0  }
0x6d: {  	[sflag:s22] =	ssyncadd.s32 $0xFFFFC000  }
0x6e: {  	[tilespmem:s24], [sflag:$0x2] =	stream.linear.gather [spmem:s18], $0x4000, $0x38;
	[tilespmem:$0x1D000] =	vst v63  }
0x6f: {  	_ =	swait.ge [sflag:s22], $0x4000  }
0x70: {  	[sflag:s22] =	ssyncset.done $0x0  }
0x71: {  	[sflag:s22] =	ssyncadd.s32 $0xFFFFC000  }
0x72: {  	[hbm4b:s19+s3] =	stream.linear.scatter [tilespmem:s24], [sflag:$0x2], $0x4000, $0x38;
	[tilespmem:$0x1D000] =	vst v63  }
0x73: {  	_ =	swait.ge [sflag:s22], $0x4000  }
0x74: {  	[sflag:s22] =	ssyncset.done $0x0  }
0x75: {  	[sflag:s22] =	ssyncadd.s32 $0xFFFFC000  }
0x76: {  	[tilespmem:s24], [sflag:$0x2] =	stream.linear.gather [spmem:s20], $0x4000, $0x38;
	[tilespmem:$0x1D000] =	vst v63  }
0x77: {  	s28 =	sadd.s32 $0x1, s28;
	_ =	swait.ge [sflag:s22], $0x4000  }
0x78: {  	p0 =	sne.s32 s28, s8;
	[sflag:s22] =	ssyncset.done $0x0  }
.Ltmp2:
0x79: {  	[sflag:s22] =	ssyncadd.s32 $0xFFFFC000;
	(pc) =	sbr.rel @p0 .LBB2_1-.Ltmp2, $4  }
0x7a: {  	[hbm4b:s21+s3] =	stream.linear.scatter [tilespmem:s24], [sflag:$0x2], $0x4000, $0x38;
	[tilespmem:$0x1D000] =	vst v63  }
0x7b: {  	_ =	swait.ge [sflag:s22], $0x4000  }
0x7c: {  	[sflag:s22] =	ssyncset.done $0x0  }
0x7d: {  	[sflag:s22] =	ssyncadd.s32 $0xFFFFC000  }
0x7e: {  	_ =	sfence.sel $0x180000  }
0x7f: {  	[bflag:$0x0] =	sbarrier.arrive $0xFFFF  }
0x80: {  	_ =	strace $0x90000050  }
0x81: {  	[bflag:$0x2] =	sbarrier.arrive $0xFFFF  }
0x82: {  	p0 =	sne.s32 s0, $0x0;
	s0 =	rddreg [dreg:$0x2]  }
0x83: {  	s0 =	sadd.s32 @!p0 $0x100000, s0  }
0x84: {  	[sflag:s0] =	ssyncadd.tile.s32 @!p0 $0x1;
	_ =	shalt  }
.Lfunc_end2:
_tile_overlayer_lowered:
.L_overlay_start_2:
0x85: {  	(tag) =	ssettag $0x2  }
0x86: {  	s0 =	rddreg [dreg:$0x0];
	s2 =	stileid.u32  }
0x87: {  	s1 =	rddreg [dreg:$0x1];
	p0 =	sne.s32 s2, $0x0  }
0x88: {  	s3 =	rddreg [dreg:$0x2];
	[bflag:$0x3] =	sbarrier.arrive $0xFFFF;
	s2 =	simm.s32 @!p0 $0x1C02  }
0x89: {  	[timem:s3], [sflag:s2] =	dma.local @!p0 [hbm:s0], s1  }
0x8a: {  	s0 =	simm.s32 @!p0 $0x2  }
0x8b: {  	_ =	swait.ge @!p0 [sflag:s0], s1  }
0x8c: {  	s1 =	ssub.s32 @!p0 $0x0, s1;
	[sflag:s0] =	ssyncset.done @!p0 $0x0  }
0x8d: {  	[sflag:s0] =	ssyncadd.s32 @!p0 s1  }
0x8e: {  	[bflag:$0x3] =	sbarrier.arrive $0xFFFF  }
0x8f: {  	_ =	shalt  }

// kernel: kernel.25.cloned.1.call-start
scs
__scs_entry_jumppad:
0x0: {  	(pc) =	sbr.rel $0x88, $3  }
0x1: {  	(tag) =	ssettag $0x0;
	lr =	simm.s32 $0x1  }
0x2: {  	[smem:$0x3F8B] =	sst lr;
	_ =	strace $0xD0000000  }
0x3: {  	_ = 	snop  }
0x4: {  	_ = 	snop  }
0x5: {  	_ = 	snop  }
0x6: {  	_ = 	snop  }
0x7: {  	_ = 	snop  }
__scs_overlays_trampoline_lowered:
0x8: {  	[smem:$0x3F9A] =	sst s0  }
0x9: {  	[smem:$0x3F9B] =	sst s1  }
0xa: {  	[smem:$0x3F9C] =	sst s2  }
0xb: {  	[smem:$0x3F9D] =	sst s3  }
0xc: {  	[smem:$0x3F9E] =	sst s4  }
0xd: {  	[smem:$0x3F9F] =	sst s5  }
0xe: {  	[smem:$0x3FA0] =	sst s6  }
0xf: {  	[smem:$0x3FA1] =	sst s7  }
0x10: {  	[smem:$0x3FA2] =	sst s8  }
0x11: {  	[smem:$0x3FA3] =	sst s9;
	s0 =	simm.s32 @!p0 $0x0  }
0x12: {  	s1 =	sld [smem:$0x3F89];
	s0 =	simm.s32 @p0 $0x1  }
0x13: {  	[smem:$0x3FA4] =	sst s0;
	s0 =	simm.s32 @!p1 $0x0  }
0x14: {  	s2 =	sld [smem:$0x3F88];
	s0 =	simm.s32 @p1 $0x1  }
0x15: {  	[smem:$0x3FA5] =	sst s0;
	s0 =	simm.s32 @!p2 $0x0  }
0x16: {  	s3 =	sld [smem:$0x3FDB];
	s0 =	simm.s32 @p2 $0x1  }
0x17: {  	s4 =	simm.s32 $0x1BF5;
	[smem:$0x3FA7] =	sst s0  }
0x18: {  	s0 =	sld [smem:$0x3F8A];
	_ =	swait.ge [sflag:s4], $0x0  }
0x19: {  	s7 =	sld [smem:$0x3F8B]  }
0x1a: {  	s8 =	sadd.s32 $0xFFFFE003, lr  }
0x1b: {  	s9 =	sadd.s32 $0xFFFFFEF7, lr;
	s5 =	simm.s32 $0xFFFFFFFF;
	p2 =	slt.u32 s8, $0xFFFFF086  }
0x1c: {  	p1 =	slt.u32 s9, $0xF7A;
	s5 =	simm.s32 @!p2 $0x0  }
0x1d: {  	s5 =	simm.s32 @p1 $0x1;
	p0 =	seq.s32 s7, s2  }
0x1e: {  	s7 =	smul.u32 @!p0 $0xF7A, s2;
	p2 =	seq.s32 @!p0 s5, $0x0  }
0x1f: {  	s9 =	smul.u32 $0xF7A, s1;
	s8 =	simm.s32 @!p0 $0x1BF5;
	p2 =	por !p2, p0  }
0x20: {  	[sflag:s8] =	ssyncset.s32 @!p0 $0xFFFFF086;
	s6 =	sadd.s32 @!p0 s3, s7;
	s7 =	simm.s32 @!p0 $0x108  }
0x21: {  	s3 =	sadd.s32 s3, s9;
	s6 =	sadd.s32 @!p0 $0x88, s6;
	s7 =	simm.s32 @p2 $0x1082  }
0x22: {  	[simem:s7], [sflag:s8] =	dma.local @!p0 [hbm:s6], $0xF7A  }
0x23: {  	s9 =	sor.u32 $0xD0000000, s2;
	s6 =	simm.s32 $0x108;
	_ =	swait.ge @!p0 [sflag:s8], $0x0  }
0x24: {  	s3 =	sadd.s32 $0x88, s3;
	s6 =	simm.s32 @!p1 $0x1082;
	[sflag:s4] =	ssyncset.s32 $0xFFFFF086  }
0x25: {  	[simem:s6], [sflag:s4] =	dma.local [hbm:s3], $0xF7A  }
0x26: {  	[smem:$0x3F8B] =	sst s1;
	(tag) =	ssettag s2;
	_ =	strace s9  }
0x27: {  	s1 =	sld [smem:$0x3F9B]  }
0x28: {  	s2 =	sld [smem:$0x3F9C]  }
0x29: {  	s4 =	sld [smem:$0x3F9E]  }
0x2a: {  	p0 =	seq.s32 s5, $0x0;
	s5 =	sld [smem:$0x3F9F]  }
0x2b: {  	s6 =	sld [smem:$0x3FA0]  }
0x2c: {  	s7 =	sld [smem:$0x3FA1]  }
0x2d: {  	s3 =	simm.s32 $0x108;
	s8 =	sld [smem:$0x3FA2]  }
0x2e: {  	s3 =	simm.s32 @!p0 $0x1082;
	s9 =	sld [smem:$0x3FA3]  }
0x2f: {  	lr =	sadd.s32 s0, s3;
	s0 =	sld [smem:$0x3F9A]  }
0x30: {  	s3 =	sld [smem:$0x3F9D]  }
0x31: {  	[smem:$0x3FA6] =	sst s10  }
0x32: {  	s10 =	sld [smem:$0x3FA4];
	_ =	sdelay $0x3  }
0x33: {  	p0 =	seq.s32 s10, $0x1;
	s10 =	sld [smem:$0x3FA6];
	_ =	sdelay $0x3  }
0x34: {  	[smem:$0x3FA6] =	sst s10  }
0x35: {  	s10 =	sld [smem:$0x3FA5];
	_ =	sdelay $0x3  }
0x36: {  	p1 =	seq.s32 s10, $0x1;
	s10 =	sld [smem:$0x3FA6];
	_ =	sdelay $0x3  }
0x37: {  	[smem:$0x3FA6] =	sst s10  }
0x38: {  	s10 =	sld [smem:$0x3FA7]  }
0x39: {  	_ = 	snop;
	(pc) =	sbr.ind lr, $3  }
0x3a: {  	_ = 	snop  }
0x3b: {  	_ = 	snop  }
0x3c: {  	p2 =	seq.s32 s10, $0x1;
	s10 =	sld [smem:$0x3FA6]  }
0x3d: {  	_ =	shalt  }
0x3e: {  	_ =	shalt  }
0x3f: {  	_ =	shalt  }
0x40: {  	_ =	shalt  }
0x41: {  	_ =	shalt  }
0x42: {  	_ =	shalt  }
0x43: {  	_ =	shalt  }
0x44: {  	_ =	shalt  }
0x45: {  	_ =	shalt  }
0x46: {  	_ =	shalt  }
0x47: {  	_ =	shalt  }
0x48: {  	_ =	shalt  }
0x49: {  	_ =	shalt  }
0x4a: {  	_ =	shalt  }
0x4b: {  	_ =	shalt  }
0x4c: {  	_ =	shalt  }
0x4d: {  	_ =	shalt  }
0x4e: {  	_ =	shalt  }
0x4f: {  	_ =	shalt  }
0x50: {  	_ =	shalt  }
0x51: {  	_ =	shalt  }
0x52: {  	_ =	shalt  }
0x53: {  	_ =	shalt  }
0x54: {  	_ =	shalt  }
0x55: {  	_ =	shalt  }
0x56: {  	_ =	shalt  }
0x57: {  	_ =	shalt  }
0x58: {  	_ =	shalt  }
0x59: {  	_ =	shalt  }
0x5a: {  	_ =	shalt  }
0x5b: {  	_ =	shalt  }
0x5c: {  	_ =	shalt  }
0x5d: {  	_ =	shalt  }
0x5e: {  	_ =	shalt  }
0x5f: {  	_ =	shalt  }
0x60: {  	_ =	shalt  }
0x61: {  	_ =	shalt  }
0x62: {  	_ =	shalt  }
0x63: {  	_ =	shalt  }
0x64: {  	_ =	shalt  }
0x65: {  	_ =	shalt  }
0x66: {  	_ =	shalt  }
0x67: {  	_ =	shalt  }
0x68: {  	_ =	shalt  }
0x69: {  	_ =	shalt  }
0x6a: {  	_ =	shalt  }
0x6b: {  	_ =	shalt  }
0x6c: {  	_ =	shalt  }
0x6d: {  	_ =	shalt  }
0x6e: {  	_ =	shalt  }
0x6f: {  	_ =	shalt  }
0x70: {  	_ =	shalt  }
0x71: {  	_ =	shalt  }
0x72: {  	_ =	shalt  }
0x73: {  	_ =	shalt  }
0x74: {  	_ =	shalt  }
0x75: {  	_ =	shalt  }
0x76: {  	_ =	shalt  }
0x77: {  	_ =	shalt  }
0x78: {  	_ =	shalt  }
0x79: {  	_ =	shalt  }
0x7a: {  	_ =	shalt  }
0x7b: {  	_ =	shalt  }
0x7c: {  	_ =	shalt  }
0x7d: {  	_ =	shalt  }
0x7e: {  	_ =	shalt  }
0x7f: {  	_ =	shalt  }
0x80: {  	_ =	shalt  }
0x81: {  	_ =	shalt  }
0x82: {  	_ =	shalt  }
0x83: {  	_ =	shalt  }
0x84: {  	_ =	shalt  }
0x85: {  	_ =	shalt  }
0x86: {  	_ =	shalt  }
0x87: {  	_ =	shalt  }
.Lfunc_end0:
.L_simem_size_0:
called_computation.4_lowered:
.L_overlay_start_0:
0x88: {  	s2 =	sld [smem:$0x3FD9]  }
0x89: {  	s3 =	sld [smem:$0x3FFE];
	_ =	sdelay $0x1  }
0x8a: {  	s1 =	srdreg.scid  }
0x8b: {  	s0 =	sand.u32 $0x1, s1  }
0x8c: {  	s14 =	sshll.u32 s0, $0xA;
	s2 =	sadd.s32 s3, s2  }
0x8d: {  	s2 =	sadd.s32 s2, s14  }
0x8e: {  	[smem:$0x3FB2] =	sst s2  }
0x8f: {  	_ = 	snop  }
0x90: {  	s2 =	sld [smem:$0x3FD0];
	_ =	sdelay $0x1  }
0x91: {  	s15 =	sld [smem:$0x3FC9]  }
0x92: {  	s5 =	simm.s32 $0xB;
	s6 =	simm.s32 $0x10;
	s4 =	sld [smem:$0x3FC8]  }
0x93: {  	[smem:s6], [sflag:s5] =	dma.local [hbm:s2], $0x1  }
0x94: {  	_ =	swait.eq [sflag:s5], $0x1  }
0x95: {  	s16 =	sld [smem:$0x10];
	[sflag:s5] =	ssyncset.done $0x0  }
0x96: {  	s17 =	sld [smem:$0x11];
	[sflag:s5] =	ssyncadd.s32 $0xFFFFFFFF  }
0x97: {  	s18 =	sld [smem:$0x12];
	(tm) =	ssettm $0x1  }
0x98: {  	s7 =	sld [smem:$0x3FFB];
	_ =	sdelay $0x3  }
0x99: {  	_ =	strace s7  }
0x9a: {  	s7 =	sld [smem:$0x3FFC];
	_ =	sdelay $0x3  }
0x9b: {  	_ =	strace s7  }
0x9c: {  	s7 =	sld [smem:$0x3FFD];
	_ =	sdelay $0x3  }
0x9d: {  	_ =	strace s7  }
0x9e: {  	_ =	strace $0x8FFFFFFF  }
0x9f: {  	s19 =	sld [smem:$0x3FDB];
	_ =	sdelay $0x1  }
0xa0: {  	s8 =	simm.s32 $_scs_section_size  }
0xa1: {  	s9 =	simm.s32 $_size__tile_overlayer_lowered;
	s10 =	simm.s32 $_tile_overlayer_lowered  }
0xa2: {  	s22 =	simm.s32 $0x1BFF;
	s21 =	sshll.u32 s10, $0x1;
	s7 =	sadd.s32 s8, s19  }
0xa3: {  	s11 =	simm.s32 $0x0;
	s20 =	sshll.u32 s9, $0x1;
	s9 =	sadd.s32 s21, s7  }
0xa4: {  	[timem:s11], [sflag:s22] =	dma.local [hbm:s9], s20  }
0xa5: {  	_ =	swait.ge [sflag:s22], s20  }
0xa6: {  	s8 =	ssub.s32 $0x0, s20;
	[sflag:s22] =	ssyncset.done $0x0  }
0xa7: {  	[sflag:s22] =	ssyncadd.s32 s8;
	_ =	sdelay $0x1  }
0xa8: {  	s23 =	simm.s32 $0x1B8B  }
0xa9: {  	_ =	swait.ge [sflag:s23], $0x1  }
0xaa: {  	[sflag:s23] =	ssyncset.done $0x0  }
0xab: {  	s25 =	simm.s32 $0x1B8E;
	s24 =	sld [smem:$0x3FFE];
	[sflag:s23] =	ssyncadd.s32 $0xFFFFFFFF  }
0xac: {  	s26 =	simm.s32 $execute0_lowered;
	[smem:$0x3FD2] =	sst s25  }
0xad: {  	s9 =	sshll.u32 s26, $0x1;
	_ =	strace $0x80000052;
	[dreg:$0x1] =	wrdreg $0xFFFFFFFF  }
0xae: {  	s28 =	simm.s32 $_size_execute0_lowered;
	s7 =	sadd.s32 s7, s9;
	[dreg:$0x0] =	wrdreg $0x0  }
0xaf: {  	s9 =	sshll.u32 s28, $0x1;
	[dreg:$0x2] =	wrdreg s7  }
0xb0: {  	[dreg:$0x3] =	wrdreg s9  }
0xb1: {  	[dreg:$0x4] =	wrdreg $0xC0  }
0xb2: {  	_ =	task [dreg:s11], $0x5FFFF  }
0xb3: {  	[dreg:$0x1] =	wrdreg $0xFFFFFFFF  }
0xb4: {  	[dreg:$0x0] =	wrdreg $0x60  }
0xb5: {  	[dreg:$0x2] =	wrdreg s18  }
0xb6: {  	[dreg:$0x3] =	wrdreg s24  }
0xb7: {  	[dreg:$0x4] =	wrdreg s15  }
0xb8: {  	[dreg:$0x5] =	wrdreg s4  }
0xb9: {  	[dreg:$0x6] =	wrdreg s16  }
0xba: {  	[dreg:$0x7] =	wrdreg s17  }
0xbb: {  	[dreg:$0x8] =	wrdreg $0x9  }
0xbc: {  	_ =	task.clear_ibuf [dreg:s11], $0x9FFFF;
	_ =	strace $0x90000052  }
0xbd: {  	s29 =	simm.s32 $0x9;
	_ =	strace $0x80000054  }
0xbe: {  	_ =	swait.ge [sflag:s29], $0x1  }
0xbf: {  	[sflag:s29] =	ssyncadd.s32 $0xFFFFFFFF  }
0xc0: {  	_ =	strace $0x90000054  }
0xc1: {  	_ =	sfence  }
0xc2: {  	s30 =	sld [smem:$0x0];
	_ =	sdelay $0x2  }
0xc3: {  	s31 =	sshll.u32 s1, $0xD;
	s1 =	sshrl.u32 s1, $0x2  }
0xc4: {  	s3 =	sand.u32 $0x4000, s31;
	s1 =	sadd.s32 s1, s30  }
0xc5: {  	s0 =	sor.u32 s3, s0;
	s1 =	sshll.u32 s1, $0x11  }
0xc6: {  	s0 =	sor.u32 s1, s0  }
0xc7: {  	s0 =	sadd.s32 $0x8F2B, s0  }
0xc8: {  	[sflag:s0] =	ssyncadd.remote.s32 $0x1  }
0xc9: {  	_ =	sfence.sel $0xFFFF  }
0xca: {  	[dreg:$0x0] =	wrdreg $0xFFFFFFFF;
	(pc) =	sbr.abs _section_cstart, $3  }
0xcb: {  	[dreg:$0x1] =	wrdreg $0xFFFFFFFF  }
0xcc: {  	_ =	task.clear_ibuf [dreg:s11], $0x2FFFF;
	_ =	strace $0x9FFFFFFF  }
0xcd: {  	(tm) =	ssettm $0x7FFFFFFF  }
tec
execute0_lowered:
.L_overlay_start_1:
0x0: {  	(tag) =	ssettag $0x1  }
0x1: {  	s0 =	rddreg [dreg:$0x0]  }
0x2: {  	s11 =	rddreg [dreg:$0x1]  }
0x3: {  	s4 =	rddreg [dreg:$0x2]  }
0x4: {  	s10 =	rddreg [dreg:$0x3];
	s2 =	srdreg.scid  }
0x5: {  	s9 =	rddreg [dreg:$0x4];
	s1 =	stileid.u32;
	s12 =	sand.u32 $0x1, s2  }
0x6: {  	s13 =	rddreg [dreg:$0x5];
	s5 =	sshll.u32 s1, $0x6;
	s6 =	sshll.u32 s12, $0x5  }
0x7: {  	s3 =	simm.s32 $0x0;
	s2 =	rddreg [dreg:$0x6];
	s14 =	sor.u32 s6, s5  }
0x8: {  	[smem:$0x7FF] =	sst s3;
	s15 =	sshrl.u32 s14, $0x3  }
0x9: {  	_ =	strace $0x80000053;
	s5 =	sadd.s32 s4, s15;
	s4 =	simm.s32 $0x2  }
0xa: {  	[tilespmem:s3], [sflag:$0x2] =	stream.linear.gather [hbm4b:s5+s3], $0x20, $0x38;
	[tilespmem:$0x1080] =	vst v63  }
0xb: {  	_ =	swait.ge [sflag:s4], $0x20  }
0xc: {  	s7 =	simm.s32 $0x80;
	[sflag:s4] =	ssyncset.done $0x0  }
0xd: {  	s8 =	simm.s32 $0x1;
	s6 =	simm.s32 $0x20;
	[sflag:s4] =	ssyncadd.s32 $0xFFFFFFE0  }
0xe: {  	[tilespmem:s7], [sflag:$0x1] =	stream.indirect.gather [hbm4b:s0+s6], $0x80, s3, s6, $0xb8;
	[tilespmem:$0x1080] =	vst v63  }
0xf: {  	_ =	swait.ge [sflag:s8], $0x1000  }
0x10: {  	s14 =	sshll.u32 s14, $0x4;
	[sflag:s8] =	ssyncset.done $0x0  }
0x11: {  	s9 =	sadd.s32 s9, s14;
	[sflag:s8] =	ssyncadd.s32 $0xFFFFF000  }
0x12: {  	[hbm4b:s9+s3] =	stream.linear.scatter [tilespmem:s7], [sflag:$0x2], $0x1000, $0x38;
	[tilespmem:$0x1080] =	vst v63  }
0x13: {  	_ =	swait.ge [sflag:s4], $0x1000  }
0x14: {  	[sflag:s4] =	ssyncset.done $0x0  }
0x15: {  	s12 =	ssub.s32 $0x2, s12;
	s10 =	sadd.s32 s10, s15;
	[sflag:s4] =	ssyncadd.s32 $0xFFFFF000  }
0x16: {  	[tilespmem:s3], [sflag:$0x2] =	stream.linear.gather [hbm4b:s10+s3], $0x20, $0x38;
	[tilespmem:$0x1080] =	vst v63  }
0x17: {  	s30 =	sshrl.u32 s12, $0x1;
	_ =	swait.ge [sflag:s4], $0x20  }
0x18: {  	s15 =	ssub.s32 s12, s30;
	[sflag:s4] =	ssyncset.done $0x0  }
0x19: {  	s11 =	sadd.s32 $0x4200, s11;
	s31 =	smax.u32 s15, $0x1;
	[sflag:s4] =	ssyncadd.s32 $0xFFFFFFE0  }
0x1a: {  	[tilespmem:s7], [sflag:$0x1] =	stream.indirect.gather [hbm4b:s11+s6], $0x80, s3, s6, $0xb8;
	[tilespmem:$0x1080] =	vst v63  }
0x1b: {  	p0 =	sne.s32 s31, $0x1;
	_ =	swait.ge [sflag:s8], $0x1000  }
.Ltmp0:
0x1c: {  	[sflag:s8] =	ssyncset.done $0x0;
	(pc) =	sbr.rel @!p0 .LBB2_2-.Ltmp0, $4  }
0x1d: {  	s12 =	sadd.s32 s13, s14;
	[sflag:s8] =	ssyncadd.s32 $0xFFFFF000  }
0x1e: {  	[hbm4b:s12+s3] =	stream.linear.scatter [tilespmem:s7], [sflag:$0x2], $0x1000, $0x38;
	[tilespmem:$0x1080] =	vst v63  }
0x1f: {  	_ =	swait.ge [sflag:s4], $0x1000  }
0x20: {  	s13 =	sadd.s32 $0xFFFFFFFF, s31;
	[sflag:s4] =	ssyncset.done $0x0  }
.LBB2_1:
0x21: {  	p0 =	sne.s32 s13, $0x1;
	s13 =	sadd.s32 $0xFFFFFFFF, s13;
	[sflag:s4] =	ssyncadd.s32 $0xFFFFF000  }
0x22: {  	[tilespmem:s3], [sflag:$0x2] =	stream.linear.gather [hbm4b:s5+s3], $0x20, $0x38;
	[tilespmem:$0x1080] =	vst v63  }
0x23: {  	_ =	swait.ge [sflag:s4], $0x20  }
0x24: {  	[sflag:s4] =	ssyncset.done $0x0  }
0x25: {  	[sflag:s4] =	ssyncadd.s32 $0xFFFFFFE0  }
0x26: {  	[tilespmem:s7], [sflag:$0x1] =	stream.indirect.gather [hbm4b:s0+s6], $0x80, s3, s6, $0xb8;
	[tilespmem:$0x1080] =	vst v63  }
0x27: {  	_ =	swait.ge [sflag:s8], $0x1000  }
0x28: {  	[sflag:s8] =	ssyncset.done $0x0  }
0x29: {  	[sflag:s8] =	ssyncadd.s32 $0xFFFFF000  }
0x2a: {  	[hbm4b:s9+s3] =	stream.linear.scatter [tilespmem:s7], [sflag:$0x2], $0x1000, $0x38;
	[tilespmem:$0x1080] =	vst v63  }
0x2b: {  	_ =	swait.ge [sflag:s4], $0x1000  }
0x2c: {  	[sflag:s4] =	ssyncset.done $0x0  }
0x2d: {  	[sflag:s4] =	ssyncadd.s32 $0xFFFFF000  }
0x2e: {  	[tilespmem:s3], [sflag:$0x2] =	stream.linear.gather [hbm4b:s10+s3], $0x20, $0x38;
	[tilespmem:$0x1080] =	vst v63  }
0x2f: {  	_ =	swait.ge [sflag:s4], $0x20  }
0x30: {  	[sflag:s4] =	ssyncset.done $0x0  }
0x31: {  	[sflag:s4] =	ssyncadd.s32 $0xFFFFFFE0  }
0x32: {  	[tilespmem:s7], [sflag:$0x1] =	stream.indirect.gather [hbm4b:s11+s6], $0x80, s3, s6, $0xb8;
	[tilespmem:$0x1080] =	vst v63  }
0x33: {  	_ =	swait.ge [sflag:s8], $0x1000  }
.Ltmp1:
0x34: {  	[sflag:s8] =	ssyncset.done $0x0;
	(pc) =	sbr.rel @p0 .LBB2_1-.Ltmp1, $4  }
0x35: {  	[sflag:s8] =	ssyncadd.s32 $0xFFFFF000  }
0x36: {  	[hbm4b:s12+s3] =	stream.linear.scatter [tilespmem:s7], [sflag:$0x2], $0x1000, $0x38;
	[tilespmem:$0x1080] =	vst v63  }
0x37: {  	_ =	swait.ge [sflag:s4], $0x1000  }
0x38: {  	[sflag:s4] =	ssyncset.done $0x0  }
.LBB2_2:
0x39: {  	[sflag:s4] =	ssyncadd.s32 $0xFFFFF000  }
0x3a: {  	_ =	sfence.sel $0x180000  }
0x3b: {  	[bflag:$0x0] =	sbarrier.arrive $0xFFFF  }
0x3c: {  	p0 =	sne.s32 s1, $0x0;
	_ =	strace $0x90000053  }
0x3d: {  	s0 =	sadd.s32 @!p0 $0x100000, s2;
	[bflag:$0x2] =	sbarrier.arrive $0xFFFF  }
0x3e: {  	[sflag:s0] =	ssyncadd.tile.s32 @!p0 $0x1;
	_ =	shalt  }
.Lfunc_end2:
_tile_overlayer_lowered:
.L_overlay_start_2:
0x3f: {  	(tag) =	ssettag $0x2  }
0x40: {  	s0 =	rddreg [dreg:$0x0];
	s2 =	stileid.u32  }
0x41: {  	s1 =	rddreg [dreg:$0x1];
	p0 =	sne.s32 s2, $0x0  }
0x42: {  	s3 =	rddreg [dreg:$0x2];
	[bflag:$0x3] =	sbarrier.arrive $0xFFFF;
	s2 =	simm.s32 @!p0 $0x1C02  }
0x43: {  	[timem:s3], [sflag:s2] =	dma.local @!p0 [hbm:s0], s1  }
0x44: {  	s0 =	simm.s32 @!p0 $0x2  }
0x45: {  	_ =	swait.ge @!p0 [sflag:s0], s1  }
0x46: {  	s1 =	ssub.s32 @!p0 $0x0, s1;
	[sflag:s0] =	ssyncset.done @!p0 $0x0  }
0x47: {  	[sflag:s0] =	ssyncadd.s32 @!p0 s1  }
0x48: {  	[bflag:$0x3] =	sbarrier.arrive $0xFFFF  }
0x49: {  	_ =	shalt  }

</sc_bundles>
